<compile_context>
chip_gen: v7x
topology: tpu7x:2x2x1
jax: 0.10.2.dev20260603
libtpu: 0.0.44.dev20260713+nightly
codegen_flags: <defaults>
</compile_context>

<pallas_src>
import functools

import jax
import jax.numpy as jnp
from jax import lax
from jax.experimental import pallas as pl
from jax.experimental.pallas import tpu as pltpu
from jax.experimental.pallas import tpu_sc as plsc

N = 20000
E = 50000
E2 = 100000
D_NODE = 110
D_EATTR = 8
K = 8
H = 32
D_HID = 4096
STEPS = 2
POOL_ITERS = 3

CUTOFF = 5.0
GAMMA = 10.0
CENTERS = [CUTOFF * i / (K - 1) for i in range(K)]

NW = 32
CH = 128
C_E = 13
C_E2 = 25
C_G = C_E + C_E2
EP = NW * C_E * CH
E2P = NW * C_E2 * CH
BG = NW * C_G * CH
NP = 20480
BLK = 2048



def _rbf_col(d, k):
    return jnp.exp(-GAMMA * (d - CENTERS[k]) ** 2)



def _k0_body(na_ref, wp_ref, bp_ref, o_ref):
    i = pl.program_id(0)
    x = jnp.maximum(jnp.dot(na_ref[...], wp_ref[...],
                            preferred_element_type=jnp.float32) + bp_ref[...], 0.0)
    rows = i * BLK + lax.broadcasted_iota(jnp.int32, (BLK, 1), 0)
    o_ref[...] = jnp.where(rows < N, x, 0.0)


def _node_proj(na_pad, wp_pad, bp):
    return pl.pallas_call(
        _k0_body,
        grid=(NP // BLK,),
        in_specs=[
            pl.BlockSpec((BLK, 112), lambda i: (i, 0)),
            pl.BlockSpec((112, H), lambda i: (0, 0)),
            pl.BlockSpec((1, H), lambda i: (0, 0)),
        ],
        out_specs=pl.BlockSpec((BLK, H), lambda i: (i, 0)),
        out_shape=jax.ShapeDtypeStruct((NP, H), jnp.float32),

    )(na_pad, wp_pad, bp)


def _dotT(a, b):
    return lax.dot_general(a, b, (((0,), (1,)), ((), ())),
                           preferred_element_type=jnp.float32)


def _dot00(a, b):
    return lax.dot_general(a, b, (((0,), (0,)), ((), ())),
                           preferred_element_type=jnp.float32)


def _kb_body(angT_ref, elT_ref, bm2_ref, wau_ref, bauT_ref, w2f_ref, bl_ref, o_ref):
    i = pl.program_id(0)
    hlT = jnp.maximum(_dotT(wau_ref[...], bm2_ref[...]) + bauT_ref[...], 0.0)
    yT = _dot00(w2f_ref[...], hlT)
    accT = _dot00(bl_ref[...], hlT)
    angT = angT_ref[...]
    elT = elT_ref[...]
    for k in range(K):
        accT += yT[k * H:(k + 1) * H] * _rbf_col(angT, k)
    for k in range(K):
        accT += yT[(K + k) * H:(K + k + 1) * H] * _rbf_col(elT, k)
    rows = i * BLK + lax.broadcasted_iota(jnp.int32, (BLK, 1), 0)
    o_ref[...] = jnp.where(rows < E2, accT.T, 0.0)


def _line_msg(angT, el2T, bm2, wau, bauT, w2f, bline):
    return pl.pallas_call(
        _kb_body,
        grid=(E2P // BLK,),
        in_specs=[
            pl.BlockSpec((1, BLK), lambda i: (0, i)),
            pl.BlockSpec((1, BLK), lambda i: (0, i)),
            pl.BlockSpec((BLK, H), lambda i: (EP // BLK + i, 0)),
            pl.BlockSpec((H, H), lambda i: (0, 0)),
            pl.BlockSpec((H, 1), lambda i: (0, 0)),
            pl.BlockSpec((H, 16 * H), lambda i: (0, 0)),
            pl.BlockSpec((H, H), lambda i: (0, 0)),
        ],
        out_specs=pl.BlockSpec((BLK, H), lambda i: (i, 0)),
        out_shape=jax.ShapeDtypeStruct((E2P, H), jnp.float32),

    )(angT, el2T, bm2, wau, bauT, w2f, bline)


def _kc_body(eaT_ref, elT_ref, bm_ref, ap_ref, wbu_ref, bbuT_ref, wbf_ref, bb_ref, o_ref):
    i = pl.program_id(0)
    hbT = jnp.maximum(_dotT(wbu_ref[...], bm_ref[...]) + bbuT_ref[...], 0.0)
    hbT = hbT + (ap_ref[0] + ap_ref[1]).T
    yT = _dot00(wbf_ref[...], hbT)
    accT = _dot00(bb_ref[...], hbT)
    eaT = eaT_ref[...]
    elT = elT_ref[...]
    for k in range(D_EATTR):
        accT += yT[k * H:(k + 1) * H] * eaT[k:k + 1]
    for k in range(K):
        accT += yT[(D_EATTR + k) * H:(D_EATTR + k + 1) * H] * _rbf_col(elT, k)
    rows = i * BLK + lax.broadcasted_iota(jnp.int32, (BLK, 1), 0)
    o_ref[...] = jnp.where(rows < E, accT.T, 0.0)


def _bond_msg(eaT, elT, bm, ap, wbu, bbuT, wbf, bbond):
    return pl.pallas_call(
        _kc_body,
        grid=(EP // BLK,),
        in_specs=[
            pl.BlockSpec((D_EATTR, BLK), lambda i: (0, i)),
            pl.BlockSpec((1, BLK), lambda i: (0, i)),
            pl.BlockSpec((BLK, H), lambda i: (i, 0)),
            pl.BlockSpec((2, BLK, H), lambda i: (0, i, 0)),
            pl.BlockSpec((H, H), lambda i: (0, 0)),
            pl.BlockSpec((H, 1), lambda i: (0, 0)),
            pl.BlockSpec((H, 16 * H), lambda i: (0, 0)),
            pl.BlockSpec((H, H), lambda i: (0, 0)),
        ],
        out_specs=pl.BlockSpec((BLK, H), lambda i: (i, 0)),
        out_shape=jax.ShapeDtypeStruct((EP, H), jnp.float32),

    )(eaT, elT, bm, ap, wbu, bbuT, wbf, bbond)


def _kd_body(np_ref, h_ref, gb_ref, wih_ref, whh_ref, bih_ref, bhh_ref, o_ref):
    x = jnp.maximum(np_ref[0] + np_ref[1] + gb_ref[...], 0.0)
    h = h_ref[...]
    gi = jnp.dot(x, wih_ref[...].T, preferred_element_type=jnp.float32) + bih_ref[...]
    gh = jnp.dot(h, whh_ref[...].T, preferred_element_type=jnp.float32) + bhh_ref[...]
    r = jax.nn.sigmoid(gi[:, :H] + gh[:, :H])
    z = jax.nn.sigmoid(gi[:, H:2 * H] + gh[:, H:2 * H])
    n = jnp.tanh(gi[:, 2 * H:] + r * gh[:, 2 * H:])
    o_ref[...] = (1.0 - z) * n + z * h


def _gru_step(npart, h_gru, gnn_bias, wih, whh, bih, bhh):
    return pl.pallas_call(
        _kd_body,
        grid=(NP // BLK,),
        in_specs=[
            pl.BlockSpec((2, BLK, H), lambda i: (0, i, 0)),
            pl.BlockSpec((BLK, H), lambda i: (i, 0)),
            pl.BlockSpec((1, H), lambda i: (0, 0)),
            pl.BlockSpec((3 * H, H), lambda i: (0, 0)),
            pl.BlockSpec((3 * H, H), lambda i: (0, 0)),
            pl.BlockSpec((1, 3 * H), lambda i: (0, 0)),
            pl.BlockSpec((1, 3 * H), lambda i: (0, 0)),
        ],
        out_specs=pl.BlockSpec((BLK, H), lambda i: (i, 0)),
        out_shape=jax.ShapeDtypeStruct((NP, H), jnp.float32),

    )(npart, h_gru, gnn_bias, wih, whh, bih, bhh)


def _lstm(x, h, c, wih, whh, bih, bhh):
    d = h.shape[-1]
    g = (jnp.dot(x, wih.T, preferred_element_type=jnp.float32) + bih
         + jnp.dot(h, whh.T, preferred_element_type=jnp.float32) + bhh)
    i = jax.nn.sigmoid(g[:, :d])
    f = jax.nn.sigmoid(g[:, d:2 * d])
    gg = jnp.tanh(g[:, 2 * d:3 * d])
    o = jax.nn.sigmoid(g[:, 3 * d:])
    c2 = f * c + i * gg
    return o * jnp.tanh(c2), c2


def _kz_body(x_ref, nf_ref, wih0_ref, whh0_ref, bih0_ref, bhh0_ref,
             wih1_ref, whh1_ref, bih1_ref, bhh1_ref, wsp_ref, bsp_ref, pa_ref,
             o_ref):
    naT = jnp.concatenate([x_ref[...].T, nf_ref[...].T], axis=0)
    cols = lax.broadcasted_iota(jnp.int32, (1, NP), 1)
    valid = cols < N
    d = 2 * H
    q_star = jnp.zeros((1, 2 * d), jnp.float32)
    h0 = jnp.zeros((1, d), jnp.float32)
    c0 = jnp.zeros((1, d), jnp.float32)
    h1 = jnp.zeros((1, d), jnp.float32)
    c1 = jnp.zeros((1, d), jnp.float32)
    for _ in range(POOL_ITERS):
        h0, c0 = _lstm(q_star, h0, c0, wih0_ref[...], whh0_ref[...],
                       bih0_ref[...], bhh0_ref[...])
        h1, c1 = _lstm(h0, h1, c1, wih1_ref[...], whh1_ref[...],
                       bih1_ref[...], bhh1_ref[...])
        q = h1
        e = jnp.dot(q, naT, preferred_element_type=jnp.float32)
        e = jnp.where(valid, e, -1e30)
        m = jnp.max(e, axis=1, keepdims=True)
        p = jnp.where(valid, jnp.exp(e - m), 0.0)
        alpha = p / jnp.sum(p, axis=1, keepdims=True)
        readout = lax.dot_general(alpha, naT, (((1,), (1,)), ((), ())),
                                  preferred_element_type=jnp.float32)
        q_star = jnp.concatenate([q, readout], axis=-1)
    y = jnp.dot(q_star, wsp_ref[...], preferred_element_type=jnp.float32) + bsp_ref[...]
    o_ref[...] = jnp.where(y >= 0.0, y, pa_ref[...] * y)


def _set2set(x, nf, wih0, whh0, bih0, bhh0, wih1, whh1, bih1, bhh1, wsp, bsp, pa):
    full = lambda s: pl.BlockSpec(s, lambda: tuple(0 for _ in s))
    return pl.pallas_call(
        _kz_body,
        in_specs=[
            full((NP, H)), full((NP, H)),
            full((4 * 2 * H, 4 * H)), full((4 * 2 * H, 2 * H)),
            full((1, 4 * 2 * H)), full((1, 4 * 2 * H)),
            full((4 * 2 * H, 2 * H)), full((4 * 2 * H, 2 * H)),
            full((1, 4 * 2 * H)), full((1, 4 * 2 * H)),
            full((4 * H, D_HID)), full((1, D_HID)), full((1, 1)),
        ],
        out_specs=full((1, D_HID)),
        out_shape=jax.ShapeDtypeStruct((1, D_HID), jnp.float32),

    )(x, nf, wih0, whh0, bih0, bhh0, wih1, whh1, bih1, bhh1, wsp, bsp, pa)



_GRP = 13


def _sc_gather(table, idx2):
    _, R = idx2.shape
    D = table.shape[1]
    GR = _GRP * CH
    groups = [(g, min(GR, R - g)) for g in range(0, R, GR)]
    mesh = plsc.VectorSubcoreMesh(core_axis_name="c", subcore_axis_name="s")

    @functools.partial(
        pl.kernel,
        out_type=jax.ShapeDtypeStruct((NW, R, D), jnp.float32),
        mesh=mesh,
        compiler_params=pltpu.CompilerParams(use_tc_tiling_on_sc=False),
        scratch_types=[
            pltpu.VMEM((R,), jnp.int32),
            pltpu.VMEM((2, GR, D), jnp.float32),
            pltpu.SemaphoreType.DMA,
            pltpu.SemaphoreType.DMA,
            pltpu.SemaphoreType.DMA,
        ],
    )
    def k(table_hbm, idx_hbm, out_hbm, idx_v, buf_v, sem_g, sem_w0, sem_w1):
        cid = lax.axis_index("c")
        sid = lax.axis_index("s")
        wid = sid * 2 + cid
        pltpu.sync_copy(idx_hbm.at[wid], idx_v)
        sem_w = [sem_w0, sem_w1]
        wr = [None, None]
        for gi, (g0, gsz) in enumerate(groups):
            b = gi % 2
            if wr[b] is not None:
                wr[b].wait()
            pltpu.async_copy(table_hbm.at[idx_v.at[pl.ds(g0, gsz)]],
                             buf_v.at[b, pl.ds(0, gsz)], sem_g).wait()
            wr[b] = pltpu.async_copy(buf_v.at[b, pl.ds(0, gsz)],
                                     out_hbm.at[wid, pl.ds(g0, gsz)], sem_w[b])
        for w in wr:
            if w is not None:
                w.wait()

    return k(table, idx2)


def _gather_rows(table, idx_pad):
    B = idx_pad.shape[0]
    out = _sc_gather(table, idx_pad.reshape(NW, B // NW))
    return out.reshape(B, table.shape[1])


def _sc_scatter_add(payload3, idx2, zeros, S, pd):
    _, R, D = payload3.shape
    rpt = S // 16
    GR = _GRP * CH
    groups = [(g, min(GR, R - g)) for g in range(0, R, GR)]
    phases = [(c0, pd) for c0 in range(0, D, pd)]
    mesh = plsc.VectorSubcoreMesh(core_axis_name="c", subcore_axis_name="s")

    @functools.partial(
        pl.kernel,
        out_type=jax.ShapeDtypeStruct((2, S, D), jnp.float32),
        mesh=mesh,
        compiler_params=pltpu.CompilerParams(use_tc_tiling_on_sc=False),
        scratch_types=[
            pltpu.VMEM((R,), jnp.int32),
            pltpu.VMEM((2, GR, pd), jnp.float32),
            pltpu.VMEM_SHARED((S, pd), jnp.float32),
            pltpu.SemaphoreType.DMA,
            pltpu.SemaphoreType.DMA,
            pltpu.SemaphoreType.DMA,
        ],
    )
    def k(pay_hbm, idx_hbm, z_hbm, out_hbm, idx_v, buf_v, acc_sh,
          sem_a, sem_l0, sem_l1):
        cid = lax.axis_index("c")
        sid = lax.axis_index("s")
        wid = sid * 2 + cid
        pltpu.sync_copy(idx_hbm.at[wid], idx_v)
        sem_l = [sem_l0, sem_l1]
        for c0, _ in phases:
            pltpu.sync_copy(z_hbm.at[pl.ds(sid * rpt, rpt)],
                            acc_sh.at[pl.ds(sid * rpt, rpt)])
            plsc.subcore_barrier()
            g0, gsz = groups[0]
            ld = [None, None]
            ld[0] = pltpu.async_copy(
                pay_hbm.at[wid, pl.ds(g0, gsz), pl.ds(c0, pd)],
                buf_v.at[0, pl.ds(0, gsz)], sem_l[0])
            for gi, (g0, gsz) in enumerate(groups):
                b = gi % 2
                ld[b].wait()
                if gi + 1 < len(groups):
                    n0, nsz = groups[gi + 1]
                    nb = (gi + 1) % 2
                    ld[nb] = pltpu.async_copy(
                        pay_hbm.at[wid, pl.ds(n0, nsz), pl.ds(c0, pd)],
                        buf_v.at[nb, pl.ds(0, nsz)], sem_l[nb])
                pltpu.async_copy(buf_v.at[b, pl.ds(0, gsz)],
                                 acc_sh.at[idx_v.at[pl.ds(g0, gsz)]],
                                 sem_a, add=True).wait()
            plsc.subcore_barrier()
            pltpu.sync_copy(acc_sh.at[pl.ds(sid * rpt, rpt)],
                            out_hbm.at[cid, pl.ds(sid * rpt, rpt), pl.ds(c0, pd)])
            plsc.subcore_barrier()

    return k(payload3, idx2, zeros)


def _scatter_add(payload, idx_pad, nseg):
    B, D = payload.shape
    pay3 = payload.reshape(NW, B // NW, D)
    pd = D if nseg * D <= 600 * 1024 else D // 2
    zeros = jnp.zeros((nseg, pd), jnp.float32)
    return _sc_scatter_add(pay3, idx_pad.reshape(NW, B // NW), zeros, nseg, pd)



def kernel(node_attr, edge_index, edge_attr, edge_length, ee_index, ee_angle,
           W_proj, b_proj, W_bond, b_bond, W_edgefn, b_edgefn, W_bu, b_bu,
           W_au, b_au, gnn_bias, gru_Wih, gru_Whh, gru_bih, gru_bhh,
           s2s_Wih0, s2s_Whh0, s2s_bih0, s2s_bhh0,
           s2s_Wih1, s2s_Whh1, s2s_bih1, s2s_bhh1, W_sp, b_sp, prelu_a):
    f32 = jnp.float32
    src = edge_index[0].astype(jnp.int32)
    dst = edge_index[1].astype(jnp.int32)
    ee_src = ee_index[0].astype(jnp.int32)
    ee_dst = ee_index[1].astype(jnp.int32)

    na_pad = jnp.pad(node_attr, ((0, NP - N), (0, 112 - D_NODE)))
    wp_pad = jnp.pad(W_proj, ((0, 112 - D_NODE), (0, 0)))
    w2f = W_edgefn.reshape(16, H, H).transpose(1, 0, 2).reshape(H, 16 * H)
    bline = b_edgefn.reshape(H, H)
    wbf = W_bond.reshape(16, H, H).transpose(1, 0, 2).reshape(H, 16 * H)
    bbond = b_bond.reshape(H, H)

    ee_src_p = jnp.pad(ee_src, (0, E2P - E2))
    ee_dst_p = jnp.pad(ee_dst, (0, E2P - E2))
    dst_p = jnp.pad(dst, (0, EP - E))
    src_p = jnp.pad(src, (0, EP - E))
    angT = jnp.pad(ee_angle, (0, E2P - E2))[None, :]
    eaT = jnp.pad(edge_attr, ((0, EP - E), (0, 0))).T
    elT = jnp.pad(edge_length, (0, EP - E))[None, :]

    src_bits = lax.bitcast_convert_type(src, f32)
    table16 = jnp.zeros((E, 16), f32)
    table16 = table16.at[:, 0].set(edge_length)
    table16 = table16.at[:, 1].set(src_bits)

    g2 = _gather_rows(table16, ee_src_p)
    src2_p = lax.bitcast_convert_type(g2[:, 1], jnp.int32)
    el2T = g2[:, 0][None, :]
    idxg = jnp.concatenate([src_p, src2_p])

    nf = _node_proj(na_pad, wp_pad, b_proj[None])

    x = nf
    h_gru = nf
    for _ in range(STEPS):
        g = _gather_rows(x, idxg)
        out_line = _line_msg(angT, el2T, g, W_au, b_au[:, None], w2f, bline)
        ap = _scatter_add(out_line, ee_dst_p, EP)
        m = _bond_msg(eaT, elT, g, ap, W_bu, b_bu[:, None], wbf, bbond)
        npart = _scatter_add(m, dst_p, NP)
        x = _gru_step(npart, h_gru, gnn_bias[None], gru_Wih, gru_Whh,
                      gru_bih[None], gru_bhh[None])
        h_gru = x

    return _set2set(x, nf, s2s_Wih0, s2s_Whh0, s2s_bih0[None], s2s_bhh0[None],
                    s2s_Wih1, s2s_Whh1, s2s_bih1[None], s2s_bhh1[None],
                    W_sp, b_sp[None], prelu_a.reshape(1, 1))

# --- scband reference (transcript-rebuilt; emitter-appended) ---
"""Pipeline reference for scband-dime-reaction-nn-1503238553654 (READ-ONLY COPY).

The authoritative reference and input builder live on the scoring server;
editing this copy changes nothing except your own understanding.
"""

import jax, jax.numpy as jnp
import numpy as np

N = 20000
E = 50000
E2 = 100000
D_NODE = 110
D_EATTR = 8
K = 8
H = 32
D_HID = 4096
STEPS = 2
POOL_ITERS = 3

def _rbf(d, k, cutoff=5.0, gamma=10.0):
    centers = jnp.linspace(0.0, cutoff, k)
    return jnp.exp(-gamma * (d[:, None] - centers[None, :]) ** 2)

def _gru(x, h, Wih, Whh, bih, bhh):
    gi = x @ Wih.T + bih
    gh = h @ Whh.T + bhh
    ir, iz, inn = jnp.split(gi, 3, axis=-1)
    hr, hz, hn = jnp.split(gh, 3, axis=-1)
    r = jax.nn.sigmoid(ir + hr)
    z = jax.nn.sigmoid(iz + hz)
    n = jnp.tanh(inn + r * hn)
    return (1.0 - z) * n + z * h

def _lstm(x, h, c, Wih, Whh, bih, bhh):
    g = x @ Wih.T + bih + h @ Whh.T + bhh
    i, f, gg, o = jnp.split(g, 4, axis=-1)
    c2 = jax.nn.sigmoid(f) * c + jax.nn.sigmoid(i) * jnp.tanh(gg)
    h2 = jax.nn.sigmoid(o) * jnp.tanh(c2)
    return h2, c2

def _forward(node_attr, edge_attr, edge_length, ee_angle, W_proj, b_proj, W_bond, b_bond, W_edgefn, b_edgefn, W_bu, b_bu, W_au, b_au, gnn_bias, gru_Wih, gru_Whh, gru_bih, gru_bhh, s2s_Wih0, s2s_Whh0, s2s_bih0, s2s_bhh0, s2s_Wih1, s2s_Whh1, s2s_bih1, s2s_bhh1, W_sp, b_sp, prelu_a, src, dst, ee_src, ee_dst):
    node_features = jax.nn.relu(node_attr @ W_proj + b_proj)
    edge_len_rbf = _rbf(edge_length, K)
    ee_len = _rbf(edge_length, K)[ee_src]
    ee_feat = jnp.concatenate([_rbf(ee_angle, K), ee_len], axis=-1)
    edge_feat = jnp.concatenate([edge_attr, edge_len_rbf], axis=-1)
    w_line = (ee_feat @ W_edgefn + b_edgefn).reshape(-1, H, H)
    w_bond = (edge_feat @ W_bond + b_bond).reshape(-1, H, H)
    node_agg0 = node_features
    x = node_features
    h_gru = node_features
    for _ in range(STEPS):
        bond_message = x[src]
        h_line = jax.nn.relu(bond_message @ W_au + b_au)
        m_line = h_line[ee_src][:, :, None] * w_line
        angle_message = jax.ops.segment_sum(m_line, ee_dst, num_segments=E).sum(axis=1)
        h_bond = jax.nn.relu(bond_message @ W_bu + b_bu) + angle_message
        m = (h_bond[:, :, None] * w_bond).sum(axis=1)
        neigh = jax.ops.segment_sum(m, dst, num_segments=N)
        x = jax.nn.relu(neigh + gnn_bias)
        x = _gru(x, h_gru, gru_Wih, gru_Whh, gru_bih, gru_bhh)
        h_gru = x
    node_agg = jnp.concatenate([x, node_agg0], axis=-1)
    in_dim = 2 * H
    q_star = jnp.zeros((1, 2 * in_dim), dtype=node_agg.dtype)
    h0 = jnp.zeros((1, in_dim), dtype=node_agg.dtype)
    c0 = jnp.zeros((1, in_dim), dtype=node_agg.dtype)
    h1 = jnp.zeros((1, in_dim), dtype=node_agg.dtype)
    c1 = jnp.zeros((1, in_dim), dtype=node_agg.dtype)
    for _ in range(POOL_ITERS):
        h0, c0 = _lstm(q_star, h0, c0, s2s_Wih0, s2s_Whh0, s2s_bih0, s2s_bhh0)
        h1, c1 = _lstm(h0, h1, c1, s2s_Wih1, s2s_Whh1, s2s_bih1, s2s_bhh1)
        q = h1
        e = (node_agg * q).sum(axis=-1)
        alpha = jax.nn.softmax(e)
        readout = (node_agg * alpha[:, None]).sum(axis=0, keepdims=True)
        q_star = jnp.concatenate([q, readout], axis=-1)
    y = q_star @ W_sp + b_sp
    return jnp.where(y >= 0, y, prelu_a * y)

def setup_inputs(seed: int = 0):
    key = jax.random.key(seed)
    ks = jax.random.split(key, 32)
    def lin(k, fi, fo):
        return (jax.random.uniform(k, (fi, fo), minval=-1.0, maxval=1.0) / np.sqrt(fi)).astype(jnp.float32)
    def rec(k, fo, fi):
        return (jax.random.uniform(k, (fo, fi), minval=-1.0, maxval=1.0) / np.sqrt(fi)).astype(jnp.float32)
    inp = {}
    inp["node_attr"] = jax.random.normal(ks[0], (N, D_NODE), dtype=jnp.float32)
    inp["edge_index"] = jax.random.randint(ks[1], (2, E), 0, N)
    inp["edge_attr"] = jax.random.normal(ks[2], (E, D_EATTR), dtype=jnp.float32)
    inp["edge_length"] = jax.random.uniform(ks[3], (E,), dtype=jnp.float32)
    inp["ee_index"] = jax.random.randint(ks[4], (2, E2), 0, E)
    inp["ee_angle"] = jax.random.uniform(ks[5], (E2,), dtype=jnp.float32)
    inp["W_proj"] = lin(ks[6], D_NODE, H)
    inp["b_proj"] = jnp.zeros((H,), jnp.float32)
    inp["W_bond"] = lin(ks[7], K + D_EATTR, H * H)
    inp["b_bond"] = jnp.zeros((H * H,), jnp.float32)
    inp["W_edgefn"] = lin(ks[8], 2 * K, H * H)
    inp["b_edgefn"] = jnp.zeros((H * H,), jnp.float32)
    inp["W_bu"] = lin(ks[9], H, H)
    inp["b_bu"] = jnp.zeros((H,), jnp.float32)
    inp["W_au"] = lin(ks[10], H, H)
    inp["b_au"] = jnp.zeros((H,), jnp.float32)
    inp["gnn_bias"] = jnp.zeros((H,), jnp.float32)
    inp["gru_Wih"] = rec(ks[11], 3 * H, H)
    inp["gru_Whh"] = rec(ks[12], 3 * H, H)
    inp["gru_bih"] = jnp.zeros((3 * H,), jnp.float32)
    inp["gru_bhh"] = jnp.zeros((3 * H,), jnp.float32)
    d = 2 * H
    inp["s2s_Wih0"] = rec(ks[13], 4 * d, 2 * d)
    inp["s2s_Whh0"] = rec(ks[14], 4 * d, d)
    inp["s2s_bih0"] = jnp.zeros((4 * d,), jnp.float32)
    inp["s2s_bhh0"] = jnp.zeros((4 * d,), jnp.float32)
    inp["s2s_Wih1"] = rec(ks[15], 4 * d, d)
    inp["s2s_Whh1"] = rec(ks[16], 4 * d, d)
    inp["s2s_bih1"] = jnp.zeros((4 * d,), jnp.float32)
    inp["s2s_bhh1"] = jnp.zeros((4 * d,), jnp.float32)
    inp["W_sp"] = lin(ks[17], 4 * H, D_HID)
    inp["b_sp"] = jnp.zeros((D_HID,), jnp.float32)
    inp["prelu_a"] = jnp.float32(0.25)
    return inp

def reference(node_attr, edge_index, edge_attr, edge_length, ee_index, ee_angle, W_proj, b_proj, W_bond, b_bond, W_edgefn, b_edgefn, W_bu, b_bu, W_au, b_au, gnn_bias, gru_Wih, gru_Whh, gru_bih, gru_bhh, s2s_Wih0, s2s_Whh0, s2s_bih0, s2s_bhh0, s2s_Wih1, s2s_Whh1, s2s_bih1, s2s_bhh1, W_sp, b_sp, prelu_a):
    return _forward(node_attr, edge_attr, edge_length, ee_angle, W_proj, b_proj, W_bond, b_bond, W_edgefn, b_edgefn, W_bu, b_bu, W_au, b_au, gnn_bias, gru_Wih, gru_Whh, gru_bih, gru_bhh, s2s_Wih0, s2s_Whh0, s2s_bih0, s2s_bhh0, s2s_Wih1, s2s_Whh1, s2s_bih1, s2s_bhh1, W_sp, b_sp, prelu_a, edge_index[0], edge_index[1], ee_index[0], ee_index[1])

if __name__ == "__main__":
    import jax
    _d = setup_inputs()
    print(jax.jit(kernel)(*tuple(_d.values())))

</pallas_src>

<mosaic_0001>
#map = affine_map<(d0, d1) -> (0, 0, 0)>
#map1 = affine_map<(d0, d1) -> (0, 0)>
module attributes {stable_mosaic.version = 14 : i64} {
  func.func @k(%arg0: i32, %arg1: i32, %arg2: memref<32x1664x32xf32, #tpu.memory_space<hbm>>, %arg3: memref<32x1664xi32, #tpu.memory_space<hbm>>, %arg4: memref<20480x16xf32, #tpu.memory_space<hbm>>, %arg5: memref<2x20480x32xf32, #tpu.memory_space<hbm>>, %arg6: memref<1664xi32, #tpu.memory_space<vmem>>, %arg7: memref<2x1664x16xf32, #tpu.memory_space<vmem>>, %arg8: memref<20480x16xf32, #tpu.memory_space<vmem_shared>>, %arg9: memref<!tpu.dma_semaphore, #tpu.memory_space<semaphore_mem>>, %arg10: memref<!tpu.dma_semaphore, #tpu.memory_space<semaphore_mem>>, %arg11: memref<!tpu.dma_semaphore, #tpu.memory_space<semaphore_mem>>) attributes {dimension_semantics = [#tpu.dimension_semantics<core_parallel>, #tpu.dimension_semantics<subcore_parallel>], iteration_bounds = array<i64: 2, 16>, scalar_prefetch = 0 : i64, scratch_operands = 6 : i64, tpu.core_type = #tpu.core_type<sc_vector_subcore>, window_params = [{transform_indices = #map}, {transform_indices = #map1}, {transform_indices = #map1}, {transform_indices = #map}]} {
    %mul3A = arith.constant 2 : i32
    %mul3A_0 = arith.muli %arg1, %mul3A : i32
    %add3A = arith.addi %mul3A_0, %arg0 : i32
    "tpu.region"() ({
      %run_scoped3A = tpu.sem_alloc : memref<!tpu.dma_semaphore, #tpu.memory_space<semaphore_mem>>
      %dma_start3A_128 = arith.constant 0 : i32
      %dma_start3A_129 = tpu.memref_slice %arg3[%add3A, %dma_start3A_128] : memref<32x1664xi32, #tpu.memory_space<hbm>> -> memref<1x1664xi32, #tpu.memory_space<hbm>>
      %dma_start3A_130 = tpu.memref_squeeze %dma_start3A_129 : memref<1x1664xi32, #tpu.memory_space<hbm>> -> memref<1664xi32, #tpu.memory_space<hbm>>
      %dma_start3A_131 = arith.constant 0 : i32
      %dma_start3A_132 = tpu.memref_slice %arg3[%add3A, %dma_start3A_131] : memref<32x1664xi32, #tpu.memory_space<hbm>> -> memref<1x1664xi32, #tpu.memory_space<hbm>>
      %dma_start3A_133 = tpu.memref_squeeze %dma_start3A_132 : memref<1x1664xi32, #tpu.memory_space<hbm>> -> memref<1664xi32, #tpu.memory_space<hbm>>
      tpu.enqueue_dma source(%dma_start3A_133 : memref<1664xi32, #tpu.memory_space<hbm>>) target(%arg6 : memref<1664xi32, #tpu.memory_space<vmem>>) target_semaphore(%run_scoped3A : memref<!tpu.dma_semaphore, #tpu.memory_space<semaphore_mem>>)
      %dma_wait3A_134 = arith.constant 0 : i32
      %dma_wait3A_135 = tpu.memref_slice %arg3[%add3A, %dma_wait3A_134] : memref<32x1664xi32, #tpu.memory_space<hbm>> -> memref<1x1664xi32, #tpu.memory_space<hbm>>
      %dma_wait3A_136 = tpu.memref_squeeze %dma_wait3A_135 : memref<1x1664xi32, #tpu.memory_space<hbm>> -> memref<1664xi32, #tpu.memory_space<hbm>>
      %dma_wait3A_137 = arith.constant 0 : i32
      %dma_wait3A_138 = tpu.memref_slice %arg3[%add3A, %dma_wait3A_137] : memref<32x1664xi32, #tpu.memory_space<hbm>> -> memref<1x1664xi32, #tpu.memory_space<hbm>>
      %dma_wait3A_139 = tpu.memref_squeeze %dma_wait3A_138 : memref<1x1664xi32, #tpu.memory_space<hbm>> -> memref<1664xi32, #tpu.memory_space<hbm>>
      tpu.wait_dma2 semaphore(%run_scoped3A : memref<!tpu.dma_semaphore, #tpu.memory_space<semaphore_mem>>) src(%dma_wait3A_139 : memref<1664xi32, #tpu.memory_space<hbm>>) dst(%arg6 : memref<1664xi32, #tpu.memory_space<vmem>>)
      tpu.yield
    }) : () -> ()
    %mul3A_1 = arith.constant 1280 : i32
    %mul3A_2 = arith.muli %arg1, %mul3A_1 : i32
    %mul3A_3 = arith.constant 1280 : i32
    %mul3A_4 = arith.muli %arg1, %mul3A_3 : i32
    "tpu.region"() ({
      %run_scoped3A = tpu.sem_alloc : memref<!tpu.dma_semaphore, #tpu.memory_space<semaphore_mem>>
      %dma_start3A_128 = arith.constant 0 : i32
      %dma_start3A_129 = tpu.memref_slice %arg8[%mul3A_4, %dma_start3A_128] : memref<20480x16xf32, #tpu.memory_space<vmem_shared>> -> memref<1280x16xf32, #tpu.memory_space<vmem_shared>>
      %dma_start3A_130 = arith.constant 0 : i32
      %dma_start3A_131 = tpu.memref_slice %arg4[%mul3A_2, %dma_start3A_130] : memref<20480x16xf32, #tpu.memory_space<hbm>> -> memref<1280x16xf32, #tpu.memory_space<hbm>>
      tpu.enqueue_dma source(%dma_start3A_131 : memref<1280x16xf32, #tpu.memory_space<hbm>>) target(%dma_start3A_129 : memref<1280x16xf32, #tpu.memory_space<vmem_shared>>) target_semaphore(%run_scoped3A : memref<!tpu.dma_semaphore, #tpu.memory_space<semaphore_mem>>)
      %dma_wait3A_132 = arith.constant 0 : i32
      %dma_wait3A_133 = tpu.memref_slice %arg8[%mul3A_4, %dma_wait3A_132] : memref<20480x16xf32, #tpu.memory_space<vmem_shared>> -> memref<1280x16xf32, #tpu.memory_space<vmem_shared>>
      %dma_wait3A_134 = arith.constant 0 : i32
      %dma_wait3A_135 = tpu.memref_slice %arg4[%mul3A_2, %dma_wait3A_134] : memref<20480x16xf32, #tpu.memory_space<hbm>> -> memref<1280x16xf32, #tpu.memory_space<hbm>>
      tpu.wait_dma2 semaphore(%run_scoped3A : memref<!tpu.dma_semaphore, #tpu.memory_space<semaphore_mem>>) src(%dma_wait3A_135 : memref<1280x16xf32, #tpu.memory_space<hbm>>) dst(%dma_wait3A_133 : memref<1280x16xf32, #tpu.memory_space<vmem_shared>>)
      tpu.yield
    }) : () -> ()
    %barrier3A = arith.constant 0 : index
    tpu.barrier barrier_id(%barrier3A)
    %dma_start3A = arith.constant 0 : i32
    %dma_start3A_5 = arith.constant 0 : i32
    %dma_start3A_6 = arith.constant 0 : i32
    %dma_start3A_7 = tpu.memref_slice %arg7[%dma_start3A, %dma_start3A_5, %dma_start3A_6] : memref<2x1664x16xf32, #tpu.memory_space<vmem>> -> memref<1x1664x16xf32, #tpu.memory_space<vmem>>
    %dma_start3A_8 = tpu.memref_squeeze %dma_start3A_7 : memref<1x1664x16xf32, #tpu.memory_space<vmem>> -> memref<1664x16xf32, #tpu.memory_space<vmem>>
    %dma_start3A_9 = arith.constant 0 : i32
    %dma_start3A_10 = arith.constant 0 : i32
    %dma_start3A_11 = tpu.memref_slice %arg2[%add3A, %dma_start3A_9, %dma_start3A_10] : memref<32x1664x32xf32, #tpu.memory_space<hbm>> -> memref<1x1664x16xf32, #tpu.memory_space<hbm>>
    %dma_start3A_12 = tpu.memref_squeeze %dma_start3A_11 : memref<1x1664x16xf32, #tpu.memory_space<hbm>> -> memref<1664x16xf32, #tpu.memory_space<hbm>>
    %dma_start3A_13 = arith.constant 0 : i32
    %dma_start3A_14 = arith.constant 0 : i32
    %dma_start3A_15 = tpu.memref_slice %arg7[%dma_start3A, %dma_start3A_13, %dma_start3A_14] : memref<2x1664x16xf32, #tpu.memory_space<vmem>> -> memref<1x1664x16xf32, #tpu.memory_space<vmem>>
    %dma_start3A_16 = tpu.memref_squeeze %dma_start3A_15 : memref<1x1664x16xf32, #tpu.memory_space<vmem>> -> memref<1664x16xf32, #tpu.memory_space<vmem>>
    %dma_start3A_17 = arith.constant 0 : i32
    %dma_start3A_18 = arith.constant 0 : i32
    %dma_start3A_19 = tpu.memref_slice %arg2[%add3A, %dma_start3A_17, %dma_start3A_18] : memref<32x1664x32xf32, #tpu.memory_space<hbm>> -> memref<1x1664x16xf32, #tpu.memory_space<hbm>>
    %dma_start3A_20 = tpu.memref_squeeze %dma_start3A_19 : memref<1x1664x16xf32, #tpu.memory_space<hbm>> -> memref<1664x16xf32, #tpu.memory_space<hbm>>
    tpu.enqueue_dma source(%dma_start3A_20 : memref<1664x16xf32, #tpu.memory_space<hbm>>) target(%dma_start3A_16 : memref<1664x16xf32, #tpu.memory_space<vmem>>) target_semaphore(%arg10 : memref<!tpu.dma_semaphore, #tpu.memory_space<semaphore_mem>>)
    %dma_wait3A = arith.constant 0 : i32
    %dma_wait3A_21 = arith.constant 0 : i32
    %dma_wait3A_22 = arith.constant 0 : i32
    %dma_wait3A_23 = tpu.memref_slice %arg7[%dma_wait3A, %dma_wait3A_21, %dma_wait3A_22] : memref<2x1664x16xf32, #tpu.memory_space<vmem>> -> memref<1x1664x16xf32, #tpu.memory_space<vmem>>
    %dma_wait3A_24 = tpu.memref_squeeze %dma_wait3A_23 : memref<1x1664x16xf32, #tpu.memory_space<vmem>> -> memref<1664x16xf32, #tpu.memory_space<vmem>>
    %dma_wait3A_25 = arith.constant 0 : i32
    %dma_wait3A_26 = arith.constant 0 : i32
    %dma_wait3A_27 = tpu.memref_slice %arg2[%add3A, %dma_wait3A_25, %dma_wait3A_26] : memref<32x1664x32xf32, #tpu.memory_space<hbm>> -> memref<1x1664x16xf32, #tpu.memory_space<hbm>>
    %dma_wait3A_28 = tpu.memref_squeeze %dma_wait3A_27 : memref<1x1664x16xf32, #tpu.memory_space<hbm>> -> memref<1664x16xf32, #tpu.memory_space<hbm>>
    %dma_wait3A_29 = arith.constant 0 : i32
    %dma_wait3A_30 = arith.constant 0 : i32
    %dma_wait3A_31 = tpu.memref_slice %arg7[%dma_wait3A, %dma_wait3A_29, %dma_wait3A_30] : memref<2x1664x16xf32, #tpu.memory_space<vmem>> -> memref<1x1664x16xf32, #tpu.memory_space<vmem>>
    %dma_wait3A_32 = tpu.memref_squeeze %dma_wait3A_31 : memref<1x1664x16xf32, #tpu.memory_space<vmem>> -> memref<1664x16xf32, #tpu.memory_space<vmem>>
    %dma_wait3A_33 = arith.constant 0 : i32
    %dma_wait3A_34 = arith.constant 0 : i32
    %dma_wait3A_35 = tpu.memref_slice %arg2[%add3A, %dma_wait3A_33, %dma_wait3A_34] : memref<32x1664x32xf32, #tpu.memory_space<hbm>> -> memref<1x1664x16xf32, #tpu.memory_space<hbm>>
    %dma_wait3A_36 = tpu.memref_squeeze %dma_wait3A_35 : memref<1x1664x16xf32, #tpu.memory_space<hbm>> -> memref<1664x16xf32, #tpu.memory_space<hbm>>
    tpu.wait_dma2 semaphore(%arg10 : memref<!tpu.dma_semaphore, #tpu.memory_space<semaphore_mem>>) src(%dma_wait3A_36 : memref<1664x16xf32, #tpu.memory_space<hbm>>) dst(%dma_wait3A_32 : memref<1664x16xf32, #tpu.memory_space<vmem>>)
    %dma_start3A_37 = arith.constant 0 : i32
    %dma_start3A_38 = arith.constant 0 : i32
    %dma_start3A_39 = arith.constant 0 : i32
    %dma_start3A_40 = tpu.memref_slice %arg7[%dma_start3A_37, %dma_start3A_38, %dma_start3A_39] : memref<2x1664x16xf32, #tpu.memory_space<vmem>> -> memref<1x1664x16xf32, #tpu.memory_space<vmem>>
    %dma_start3A_41 = tpu.memref_squeeze %dma_start3A_40 : memref<1x1664x16xf32, #tpu.memory_space<vmem>> -> memref<1664x16xf32, #tpu.memory_space<vmem>>
    %dma_start3A_42 = arith.constant 0 : i32
    %dma_start3A_43 = tpu.memref_slice %arg6[%dma_start3A_42] : memref<1664xi32, #tpu.memory_space<vmem>> -> memref<1664xi32, #tpu.memory_space<vmem>>
    %dma_start3A_44 = arith.constant 0 : i32
    %dma_start3A_45 = arith.constant 0 : i32
    %dma_start3A_46 = tpu.memref_slice %arg8[%dma_start3A_44, %dma_start3A_45] : memref<20480x16xf32, #tpu.memory_space<vmem_shared>> -> memref<20480x16xf32, #tpu.memory_space<vmem_shared>>
    tpu.enqueue_indirect_dma source(%dma_start3A_41 : memref<1664x16xf32, #tpu.memory_space<vmem>>) target(%dma_start3A_46 : memref<20480x16xf32, #tpu.memory_space<vmem_shared>>) offsets(%dma_start3A_43 : memref<1664xi32, #tpu.memory_space<vmem>>) semaphore(%arg9 : memref<!tpu.dma_semaphore, #tpu.memory_space<semaphore_mem>>) {add = true}
    %dma_wait3A_47 = arith.constant 0 : i32
    %dma_wait3A_48 = arith.constant 0 : i32
    %dma_wait3A_49 = arith.constant 0 : i32
    %dma_wait3A_50 = tpu.memref_slice %arg7[%dma_wait3A_47, %dma_wait3A_48, %dma_wait3A_49] : memref<2x1664x16xf32, #tpu.memory_space<vmem>> -> memref<1x1664x16xf32, #tpu.memory_space<vmem>>
    %dma_wait3A_51 = tpu.memref_squeeze %dma_wait3A_50 : memref<1x1664x16xf32, #tpu.memory_space<vmem>> -> memref<1664x16xf32, #tpu.memory_space<vmem>>
    %dma_wait3A_52 = arith.constant 0 : i32
    %dma_wait3A_53 = tpu.memref_slice %arg6[%dma_wait3A_52] : memref<1664xi32, #tpu.memory_space<vmem>> -> memref<1664xi32, #tpu.memory_space<vmem>>
    %dma_wait3A_54 = arith.constant 0 : i32
    %dma_wait3A_55 = arith.constant 0 : i32
    %dma_wait3A_56 = tpu.memref_slice %arg8[%dma_wait3A_54, %dma_wait3A_55] : memref<20480x16xf32, #tpu.memory_space<vmem_shared>> -> memref<20480x16xf32, #tpu.memory_space<vmem_shared>>
    tpu.wait_indirect_dma semaphore(%arg9 : memref<!tpu.dma_semaphore, #tpu.memory_space<semaphore_mem>>) src(%dma_wait3A_51 : memref<1664x16xf32, #tpu.memory_space<vmem>>) dst(%dma_wait3A_56 : memref<20480x16xf32, #tpu.memory_space<vmem_shared>>)
    %barrier3A_57 = arith.constant 0 : index
    tpu.barrier barrier_id(%barrier3A_57)
    %mul3A_58 = arith.constant 1280 : i32
    %mul3A_59 = arith.muli %arg1, %mul3A_58 : i32
    %mul3A_60 = arith.constant 1280 : i32
    %mul3A_61 = arith.muli %arg1, %mul3A_60 : i32
    "tpu.region"() ({
      %run_scoped3A = tpu.sem_alloc : memref<!tpu.dma_semaphore, #tpu.memory_space<semaphore_mem>>
      %dma_start3A_128 = arith.constant 0 : i32
      %dma_start3A_129 = tpu.memref_slice %arg5[%arg0, %mul3A_61, %dma_start3A_128] : memref<2x20480x32xf32, #tpu.memory_space<hbm>> -> memref<1x1280x16xf32, #tpu.memory_space<hbm>>
      %dma_start3A_130 = tpu.memref_squeeze %dma_start3A_129 : memref<1x1280x16xf32, #tpu.memory_space<hbm>> -> memref<1280x16xf32, #tpu.memory_space<hbm>>
      %dma_start3A_131 = arith.constant 0 : i32
      %dma_start3A_132 = tpu.memref_slice %arg8[%mul3A_59, %dma_start3A_131] : memref<20480x16xf32, #tpu.memory_space<vmem_shared>> -> memref<1280x16xf32, #tpu.memory_space<vmem_shared>>
      tpu.enqueue_dma source(%dma_start3A_132 : memref<1280x16xf32, #tpu.memory_space<vmem_shared>>) target(%dma_start3A_130 : memref<1280x16xf32, #tpu.memory_space<hbm>>) target_semaphore(%run_scoped3A : memref<!tpu.dma_semaphore, #tpu.memory_space<semaphore_mem>>)
      %dma_wait3A_133 = arith.constant 0 : i32
      %dma_wait3A_134 = tpu.memref_slice %arg5[%arg0, %mul3A_61, %dma_wait3A_133] : memref<2x20480x32xf32, #tpu.memory_space<hbm>> -> memref<1x1280x16xf32, #tpu.memory_space<hbm>>
      %dma_wait3A_135 = tpu.memref_squeeze %dma_wait3A_134 : memref<1x1280x16xf32, #tpu.memory_space<hbm>> -> memref<1280x16xf32, #tpu.memory_space<hbm>>
      %dma_wait3A_136 = arith.constant 0 : i32
      %dma_wait3A_137 = tpu.memref_slice %arg8[%mul3A_59, %dma_wait3A_136] : memref<20480x16xf32, #tpu.memory_space<vmem_shared>> -> memref<1280x16xf32, #tpu.memory_space<vmem_shared>>
      tpu.wait_dma2 semaphore(%run_scoped3A : memref<!tpu.dma_semaphore, #tpu.memory_space<semaphore_mem>>) src(%dma_wait3A_137 : memref<1280x16xf32, #tpu.memory_space<vmem_shared>>) dst(%dma_wait3A_135 : memref<1280x16xf32, #tpu.memory_space<hbm>>)
      tpu.yield
    }) : () -> ()
    %barrier3A_62 = arith.constant 0 : index
    tpu.barrier barrier_id(%barrier3A_62)
    %mul3A_63 = arith.constant 1280 : i32
    %mul3A_64 = arith.muli %arg1, %mul3A_63 : i32
    %mul3A_65 = arith.constant 1280 : i32
    %mul3A_66 = arith.muli %arg1, %mul3A_65 : i32
    "tpu.region"() ({
      %run_scoped3A = tpu.sem_alloc : memref<!tpu.dma_semaphore, #tpu.memory_space<semaphore_mem>>
      %dma_start3A_128 = arith.constant 0 : i32
      %dma_start3A_129 = tpu.memref_slice %arg8[%mul3A_66, %dma_start3A_128] : memref<20480x16xf32, #tpu.memory_space<vmem_shared>> -> memref<1280x16xf32, #tpu.memory_space<vmem_shared>>
      %dma_start3A_130 = arith.constant 0 : i32
      %dma_start3A_131 = tpu.memref_slice %arg4[%mul3A_64, %dma_start3A_130] : memref<20480x16xf32, #tpu.memory_space<hbm>> -> memref<1280x16xf32, #tpu.memory_space<hbm>>
      tpu.enqueue_dma source(%dma_start3A_131 : memref<1280x16xf32, #tpu.memory_space<hbm>>) target(%dma_start3A_129 : memref<1280x16xf32, #tpu.memory_space<vmem_shared>>) target_semaphore(%run_scoped3A : memref<!tpu.dma_semaphore, #tpu.memory_space<semaphore_mem>>)
      %dma_wait3A_132 = arith.constant 0 : i32
      %dma_wait3A_133 = tpu.memref_slice %arg8[%mul3A_66, %dma_wait3A_132] : memref<20480x16xf32, #tpu.memory_space<vmem_shared>> -> memref<1280x16xf32, #tpu.memory_space<vmem_shared>>
      %dma_wait3A_134 = arith.constant 0 : i32
      %dma_wait3A_135 = tpu.memref_slice %arg4[%mul3A_64, %dma_wait3A_134] : memref<20480x16xf32, #tpu.memory_space<hbm>> -> memref<1280x16xf32, #tpu.memory_space<hbm>>
      tpu.wait_dma2 semaphore(%run_scoped3A : memref<!tpu.dma_semaphore, #tpu.memory_space<semaphore_mem>>) src(%dma_wait3A_135 : memref<1280x16xf32, #tpu.memory_space<hbm>>) dst(%dma_wait3A_133 : memref<1280x16xf32, #tpu.memory_space<vmem_shared>>)
      tpu.yield
    }) : () -> ()
    %barrier3A_67 = arith.constant 0 : index
    tpu.barrier barrier_id(%barrier3A_67)
    %dma_start3A_68 = arith.constant 0 : i32
    %dma_start3A_69 = arith.constant 0 : i32
    %dma_start3A_70 = arith.constant 0 : i32
    %dma_start3A_71 = tpu.memref_slice %arg7[%dma_start3A_68, %dma_start3A_69, %dma_start3A_70] : memref<2x1664x16xf32, #tpu.memory_space<vmem>> -> memref<1x1664x16xf32, #tpu.memory_space<vmem>>
    %dma_start3A_72 = tpu.memref_squeeze %dma_start3A_71 : memref<1x1664x16xf32, #tpu.memory_space<vmem>> -> memref<1664x16xf32, #tpu.memory_space<vmem>>
    %dma_start3A_73 = arith.constant 0 : i32
    %dma_start3A_74 = arith.constant 16 : i32
    %dma_start3A_75 = tpu.memref_slice %arg2[%add3A, %dma_start3A_73, %dma_start3A_74] : memref<32x1664x32xf32, #tpu.memory_space<hbm>> -> memref<1x1664x16xf32, #tpu.memory_space<hbm>>
    %dma_start3A_76 = tpu.memref_squeeze %dma_start3A_75 : memref<1x1664x16xf32, #tpu.memory_space<hbm>> -> memref<1664x16xf32, #tpu.memory_space<hbm>>
    %dma_start3A_77 = arith.constant 0 : i32
    %dma_start3A_78 = arith.constant 0 : i32
    %dma_start3A_79 = tpu.memref_slice %arg7[%dma_start3A_68, %dma_start3A_77, %dma_start3A_78] : memref<2x1664x16xf32, #tpu.memory_space<vmem>> -> memref<1x1664x16xf32, #tpu.memory_space<vmem>>
    %dma_start3A_80 = tpu.memref_squeeze %dma_start3A_79 : memref<1x1664x16xf32, #tpu.memory_space<vmem>> -> memref<1664x16xf32, #tpu.memory_space<vmem>>
    %dma_start3A_81 = arith.constant 0 : i32
    %dma_start3A_82 = arith.constant 16 : i32
    %dma_start3A_83 = tpu.memref_slice %arg2[%add3A, %dma_start3A_81, %dma_start3A_82] : memref<32x1664x32xf32, #tpu.memory_space<hbm>> -> memref<1x1664x16xf32, #tpu.memory_space<hbm>>
    %dma_start3A_84 = tpu.memref_squeeze %dma_start3A_83 : memref<1x1664x16xf32, #tpu.memory_space<hbm>> -> memref<1664x16xf32, #tpu.memory_space<hbm>>
    tpu.enqueue_dma source(%dma_start3A_84 : memref<1664x16xf32, #tpu.memory_space<hbm>>) target(%dma_start3A_80 : memref<1664x16xf32, #tpu.memory_space<vmem>>) target_semaphore(%arg10 : memref<!tpu.dma_semaphore, #tpu.memory_space<semaphore_mem>>)
    %dma_wait3A_85 = arith.constant 0 : i32
    %dma_wait3A_86 = arith.constant 0 : i32
    %dma_wait3A_87 = arith.constant 0 : i32
    %dma_wait3A_88 = tpu.memref_slice %arg7[%dma_wait3A_85, %dma_wait3A_86, %dma_wait3A_87] : memref<2x1664x16xf32, #tpu.memory_space<vmem>> -> memref<1x1664x16xf32, #tpu.memory_space<vmem>>
    %dma_wait3A_89 = tpu.memref_squeeze %dma_wait3A_88 : memref<1x1664x16xf32, #tpu.memory_space<vmem>> -> memref<1664x16xf32, #tpu.memory_space<vmem>>
    %dma_wait3A_90 = arith.constant 0 : i32
    %dma_wait3A_91 = arith.constant 16 : i32
    %dma_wait3A_92 = tpu.memref_slice %arg2[%add3A, %dma_wait3A_90, %dma_wait3A_91] : memref<32x1664x32xf32, #tpu.memory_space<hbm>> -> memref<1x1664x16xf32, #tpu.memory_space<hbm>>
    %dma_wait3A_93 = tpu.memref_squeeze %dma_wait3A_92 : memref<1x1664x16xf32, #tpu.memory_space<hbm>> -> memref<1664x16xf32, #tpu.memory_space<hbm>>
    %dma_wait3A_94 = arith.constant 0 : i32
    %dma_wait3A_95 = arith.constant 0 : i32
    %dma_wait3A_96 = tpu.memref_slice %arg7[%dma_wait3A_85, %dma_wait3A_94, %dma_wait3A_95] : memref<2x1664x16xf32, #tpu.memory_space<vmem>> -> memref<1x1664x16xf32, #tpu.memory_space<vmem>>
    %dma_wait3A_97 = tpu.memref_squeeze %dma_wait3A_96 : memref<1x1664x16xf32, #tpu.memory_space<vmem>> -> memref<1664x16xf32, #tpu.memory_space<vmem>>
    %dma_wait3A_98 = arith.constant 0 : i32
    %dma_wait3A_99 = arith.constant 16 : i32
    %dma_wait3A_100 = tpu.memref_slice %arg2[%add3A, %dma_wait3A_98, %dma_wait3A_99] : memref<32x1664x32xf32, #tpu.memory_space<hbm>> -> memref<1x1664x16xf32, #tpu.memory_space<hbm>>
    %dma_wait3A_101 = tpu.memref_squeeze %dma_wait3A_100 : memref<1x1664x16xf32, #tpu.memory_space<hbm>> -> memref<1664x16xf32, #tpu.memory_space<hbm>>
    tpu.wait_dma2 semaphore(%arg10 : memref<!tpu.dma_semaphore, #tpu.memory_space<semaphore_mem>>) src(%dma_wait3A_101 : memref<1664x16xf32, #tpu.memory_space<hbm>>) dst(%dma_wait3A_97 : memref<1664x16xf32, #tpu.memory_space<vmem>>)
    %dma_start3A_102 = arith.constant 0 : i32
    %dma_start3A_103 = arith.constant 0 : i32
    %dma_start3A_104 = arith.constant 0 : i32
    %dma_start3A_105 = tpu.memref_slice %arg7[%dma_start3A_102, %dma_start3A_103, %dma_start3A_104] : memref<2x1664x16xf32, #tpu.memory_space<vmem>> -> memref<1x1664x16xf32, #tpu.memory_space<vmem>>
    %dma_start3A_106 = tpu.memref_squeeze %dma_start3A_105 : memref<1x1664x16xf32, #tpu.memory_space<vmem>> -> memref<1664x16xf32, #tpu.memory_space<vmem>>
    %dma_start3A_107 = arith.constant 0 : i32
    %dma_start3A_108 = tpu.memref_slice %arg6[%dma_start3A_107] : memref<1664xi32, #tpu.memory_space<vmem>> -> memref<1664xi32, #tpu.memory_space<vmem>>
    %dma_start3A_109 = arith.constant 0 : i32
    %dma_start3A_110 = arith.constant 0 : i32
    %dma_start3A_111 = tpu.memref_slice %arg8[%dma_start3A_109, %dma_start3A_110] : memref<20480x16xf32, #tpu.memory_space<vmem_shared>> -> memref<20480x16xf32, #tpu.memory_space<vmem_shared>>
    tpu.enqueue_indirect_dma source(%dma_start3A_106 : memref<1664x16xf32, #tpu.memory_space<vmem>>) target(%dma_start3A_111 : memref<20480x16xf32, #tpu.memory_space<vmem_shared>>) offsets(%dma_start3A_108 : memref<1664xi32, #tpu.memory_space<vmem>>) semaphore(%arg9 : memref<!tpu.dma_semaphore, #tpu.memory_space<semaphore_mem>>) {add = true}
    %dma_wait3A_112 = arith.constant 0 : i32
    %dma_wait3A_113 = arith.constant 0 : i32
    %dma_wait3A_114 = arith.constant 0 : i32
    %dma_wait3A_115 = tpu.memref_slice %arg7[%dma_wait3A_112, %dma_wait3A_113, %dma_wait3A_114] : memref<2x1664x16xf32, #tpu.memory_space<vmem>> -> memref<1x1664x16xf32, #tpu.memory_space<vmem>>
    %dma_wait3A_116 = tpu.memref_squeeze %dma_wait3A_115 : memref<1x1664x16xf32, #tpu.memory_space<vmem>> -> memref<1664x16xf32, #tpu.memory_space<vmem>>
    %dma_wait3A_117 = arith.constant 0 : i32
    %dma_wait3A_118 = tpu.memref_slice %arg6[%dma_wait3A_117] : memref<1664xi32, #tpu.memory_space<vmem>> -> memref<1664xi32, #tpu.memory_space<vmem>>
    %dma_wait3A_119 = arith.constant 0 : i32
    %dma_wait3A_120 = arith.constant 0 : i32
    %dma_wait3A_121 = tpu.memref_slice %arg8[%dma_wait3A_119, %dma_wait3A_120] : memref<20480x16xf32, #tpu.memory_space<vmem_shared>> -> memref<20480x16xf32, #tpu.memory_space<vmem_shared>>
    tpu.wait_indirect_dma semaphore(%arg9 : memref<!tpu.dma_semaphore, #tpu.memory_space<semaphore_mem>>) src(%dma_wait3A_116 : memref<1664x16xf32, #tpu.memory_space<vmem>>) dst(%dma_wait3A_121 : memref<20480x16xf32, #tpu.memory_space<vmem_shared>>)
    %barrier3A_122 = arith.constant 0 : index
    tpu.barrier barrier_id(%barrier3A_122)
    %mul3A_123 = arith.constant 1280 : i32
    %mul3A_124 = arith.muli %arg1, %mul3A_123 : i32
    %mul3A_125 = arith.constant 1280 : i32
    %mul3A_126 = arith.muli %arg1, %mul3A_125 : i32
    "tpu.region"() ({
      %run_scoped3A = tpu.sem_alloc : memref<!tpu.dma_semaphore, #tpu.memory_space<semaphore_mem>>
      %dma_start3A_128 = arith.constant 16 : i32
      %dma_start3A_129 = tpu.memref_slice %arg5[%arg0, %mul3A_126, %dma_start3A_128] : memref<2x20480x32xf32, #tpu.memory_space<hbm>> -> memref<1x1280x16xf32, #tpu.memory_space<hbm>>
      %dma_start3A_130 = tpu.memref_squeeze %dma_start3A_129 : memref<1x1280x16xf32, #tpu.memory_space<hbm>> -> memref<1280x16xf32, #tpu.memory_space<hbm>>
      %dma_start3A_131 = arith.constant 0 : i32
      %dma_start3A_132 = tpu.memref_slice %arg8[%mul3A_124, %dma_start3A_131] : memref<20480x16xf32, #tpu.memory_space<vmem_shared>> -> memref<1280x16xf32, #tpu.memory_space<vmem_shared>>
      tpu.enqueue_dma source(%dma_start3A_132 : memref<1280x16xf32, #tpu.memory_space<vmem_shared>>) target(%dma_start3A_130 : memref<1280x16xf32, #tpu.memory_space<hbm>>) target_semaphore(%run_scoped3A : memref<!tpu.dma_semaphore, #tpu.memory_space<semaphore_mem>>)
      %dma_wait3A_133 = arith.constant 16 : i32
      %dma_wait3A_134 = tpu.memref_slice %arg5[%arg0, %mul3A_126, %dma_wait3A_133] : memref<2x20480x32xf32, #tpu.memory_space<hbm>> -> memref<1x1280x16xf32, #tpu.memory_space<hbm>>
      %dma_wait3A_135 = tpu.memref_squeeze %dma_wait3A_134 : memref<1x1280x16xf32, #tpu.memory_space<hbm>> -> memref<1280x16xf32, #tpu.memory_space<hbm>>
      %dma_wait3A_136 = arith.constant 0 : i32
      %dma_wait3A_137 = tpu.memref_slice %arg8[%mul3A_124, %dma_wait3A_136] : memref<20480x16xf32, #tpu.memory_space<vmem_shared>> -> memref<1280x16xf32, #tpu.memory_space<vmem_shared>>
      tpu.wait_dma2 semaphore(%run_scoped3A : memref<!tpu.dma_semaphore, #tpu.memory_space<semaphore_mem>>) src(%dma_wait3A_137 : memref<1280x16xf32, #tpu.memory_space<vmem_shared>>) dst(%dma_wait3A_135 : memref<1280x16xf32, #tpu.memory_space<hbm>>)
      tpu.yield
    }) : () -> ()
    %barrier3A_127 = arith.constant 0 : index
    tpu.barrier barrier_id(%barrier3A_127)
    return
  }
}

#map = affine_map<(d0, d1) -> (0, 0)>
#map1 = affine_map<(d0, d1) -> (0, 0, 0)>
module attributes {stable_mosaic.version = 14 : i64} {
  func.func @k(%arg0: i32, %arg1: i32, %arg2: memref<50000x16xf32, #tpu.memory_space<hbm>>, %arg3: memref<32x3200xi32, #tpu.memory_space<hbm>>, %arg4: memref<32x3200x16xf32, #tpu.memory_space<hbm>>, %arg5: memref<3200xi32, #tpu.memory_space<vmem>>, %arg6: memref<2x1664x16xf32, #tpu.memory_space<vmem>>, %arg7: memref<!tpu.dma_semaphore, #tpu.memory_space<semaphore_mem>>, %arg8: memref<!tpu.dma_semaphore, #tpu.memory_space<semaphore_mem>>, %arg9: memref<!tpu.dma_semaphore, #tpu.memory_space<semaphore_mem>>) attributes {dimension_semantics = [#tpu.dimension_semantics<core_parallel>, #tpu.dimension_semantics<subcore_parallel>], iteration_bounds = array<i64: 2, 16>, scalar_prefetch = 0 : i64, scratch_operands = 5 : i64, tpu.core_type = #tpu.core_type<sc_vector_subcore>, window_params = [{transform_indices = #map}, {transform_indices = #map}, {transform_indices = #map1}]} {
    %mul3A = arith.constant 2 : i32
    %mul3A_0 = arith.muli %arg1, %mul3A : i32
    %add3A = arith.addi %mul3A_0, %arg0 : i32
    "tpu.region"() ({
      %run_scoped3A = tpu.sem_alloc : memref<!tpu.dma_semaphore, #tpu.memory_space<semaphore_mem>>
      %dma_start3A_107 = arith.constant 0 : i32
      %dma_start3A_108 = tpu.memref_slice %arg3[%add3A, %dma_start3A_107] : memref<32x3200xi32, #tpu.memory_space<hbm>> -> memref<1x3200xi32, #tpu.memory_space<hbm>>
      %dma_start3A_109 = tpu.memref_squeeze %dma_start3A_108 : memref<1x3200xi32, #tpu.memory_space<hbm>> -> memref<3200xi32, #tpu.memory_space<hbm>>
      %dma_start3A_110 = arith.constant 0 : i32
      %dma_start3A_111 = tpu.memref_slice %arg3[%add3A, %dma_start3A_110] : memref<32x3200xi32, #tpu.memory_space<hbm>> -> memref<1x3200xi32, #tpu.memory_space<hbm>>
      %dma_start3A_112 = tpu.memref_squeeze %dma_start3A_111 : memref<1x3200xi32, #tpu.memory_space<hbm>> -> memref<3200xi32, #tpu.memory_space<hbm>>
      tpu.enqueue_dma source(%dma_start3A_112 : memref<3200xi32, #tpu.memory_space<hbm>>) target(%arg5 : memref<3200xi32, #tpu.memory_space<vmem>>) target_semaphore(%run_scoped3A : memref<!tpu.dma_semaphore, #tpu.memory_space<semaphore_mem>>)
      %dma_wait3A_113 = arith.constant 0 : i32
      %dma_wait3A_114 = tpu.memref_slice %arg3[%add3A, %dma_wait3A_113] : memref<32x3200xi32, #tpu.memory_space<hbm>> -> memref<1x3200xi32, #tpu.memory_space<hbm>>
      %dma_wait3A_115 = tpu.memref_squeeze %dma_wait3A_114 : memref<1x3200xi32, #tpu.memory_space<hbm>> -> memref<3200xi32, #tpu.memory_space<hbm>>
      %dma_wait3A_116 = arith.constant 0 : i32
      %dma_wait3A_117 = tpu.memref_slice %arg3[%add3A, %dma_wait3A_116] : memref<32x3200xi32, #tpu.memory_space<hbm>> -> memref<1x3200xi32, #tpu.memory_space<hbm>>
      %dma_wait3A_118 = tpu.memref_squeeze %dma_wait3A_117 : memref<1x3200xi32, #tpu.memory_space<hbm>> -> memref<3200xi32, #tpu.memory_space<hbm>>
      tpu.wait_dma2 semaphore(%run_scoped3A : memref<!tpu.dma_semaphore, #tpu.memory_space<semaphore_mem>>) src(%dma_wait3A_118 : memref<3200xi32, #tpu.memory_space<hbm>>) dst(%arg5 : memref<3200xi32, #tpu.memory_space<vmem>>)
      tpu.yield
    }) : () -> ()
    %dma_start3A = arith.constant 0 : i32
    %dma_start3A_1 = arith.constant 0 : i32
    %dma_start3A_2 = arith.constant 0 : i32
    %dma_start3A_3 = tpu.memref_slice %arg6[%dma_start3A, %dma_start3A_1, %dma_start3A_2] : memref<2x1664x16xf32, #tpu.memory_space<vmem>> -> memref<1x1664x16xf32, #tpu.memory_space<vmem>>
    %dma_start3A_4 = tpu.memref_squeeze %dma_start3A_3 : memref<1x1664x16xf32, #tpu.memory_space<vmem>> -> memref<1664x16xf32, #tpu.memory_space<vmem>>
    %dma_start3A_5 = arith.constant 0 : i32
    %dma_start3A_6 = tpu.memref_slice %arg5[%dma_start3A_5] : memref<3200xi32, #tpu.memory_space<vmem>> -> memref<1664xi32, #tpu.memory_space<vmem>>
    %dma_start3A_7 = arith.constant 0 : i32
    %dma_start3A_8 = arith.constant 0 : i32
    %dma_start3A_9 = tpu.memref_slice %arg2[%dma_start3A_7, %dma_start3A_8] : memref<50000x16xf32, #tpu.memory_space<hbm>> -> memref<50000x16xf32, #tpu.memory_space<hbm>>
    tpu.enqueue_indirect_dma source(%dma_start3A_9 : memref<50000x16xf32, #tpu.memory_space<hbm>>) target(%dma_start3A_4 : memref<1664x16xf32, #tpu.memory_space<vmem>>) offsets(%dma_start3A_6 : memref<1664xi32, #tpu.memory_space<vmem>>) semaphore(%arg7 : memref<!tpu.dma_semaphore, #tpu.memory_space<semaphore_mem>>)
    %dma_wait3A = arith.constant 0 : i32
    %dma_wait3A_10 = arith.constant 0 : i32
    %dma_wait3A_11 = arith.constant 0 : i32
    %dma_wait3A_12 = tpu.memref_slice %arg6[%dma_wait3A, %dma_wait3A_10, %dma_wait3A_11] : memref<2x1664x16xf32, #tpu.memory_space<vmem>> -> memref<1x1664x16xf32, #tpu.memory_space<vmem>>
    %dma_wait3A_13 = tpu.memref_squeeze %dma_wait3A_12 : memref<1x1664x16xf32, #tpu.memory_space<vmem>> -> memref<1664x16xf32, #tpu.memory_space<vmem>>
    %dma_wait3A_14 = arith.constant 0 : i32
    %dma_wait3A_15 = tpu.memref_slice %arg5[%dma_wait3A_14] : memref<3200xi32, #tpu.memory_space<vmem>> -> memref<1664xi32, #tpu.memory_space<vmem>>
    %dma_wait3A_16 = arith.constant 0 : i32
    %dma_wait3A_17 = arith.constant 0 : i32
    %dma_wait3A_18 = tpu.memref_slice %arg2[%dma_wait3A_16, %dma_wait3A_17] : memref<50000x16xf32, #tpu.memory_space<hbm>> -> memref<50000x16xf32, #tpu.memory_space<hbm>>
    tpu.wait_indirect_dma semaphore(%arg7 : memref<!tpu.dma_semaphore, #tpu.memory_space<semaphore_mem>>) src(%dma_wait3A_18 : memref<50000x16xf32, #tpu.memory_space<hbm>>) dst(%dma_wait3A_13 : memref<1664x16xf32, #tpu.memory_space<vmem>>)
    %dma_start3A_19 = arith.constant 0 : i32
    %dma_start3A_20 = arith.constant 0 : i32
    %dma_start3A_21 = arith.constant 0 : i32
    %dma_start3A_22 = tpu.memref_slice %arg6[%dma_start3A_19, %dma_start3A_20, %dma_start3A_21] : memref<2x1664x16xf32, #tpu.memory_space<vmem>> -> memref<1x1664x16xf32, #tpu.memory_space<vmem>>
    %dma_start3A_23 = tpu.memref_squeeze %dma_start3A_22 : memref<1x1664x16xf32, #tpu.memory_space<vmem>> -> memref<1664x16xf32, #tpu.memory_space<vmem>>
    %dma_start3A_24 = arith.constant 0 : i32
    %dma_start3A_25 = arith.constant 0 : i32
    %dma_start3A_26 = tpu.memref_slice %arg4[%add3A, %dma_start3A_24, %dma_start3A_25] : memref<32x3200x16xf32, #tpu.memory_space<hbm>> -> memref<1x1664x16xf32, #tpu.memory_space<hbm>>
    %dma_start3A_27 = tpu.memref_squeeze %dma_start3A_26 : memref<1x1664x16xf32, #tpu.memory_space<hbm>> -> memref<1664x16xf32, #tpu.memory_space<hbm>>
    %dma_start3A_28 = arith.constant 0 : i32
    %dma_start3A_29 = arith.constant 0 : i32
    %dma_start3A_30 = tpu.memref_slice %arg4[%add3A, %dma_start3A_28, %dma_start3A_29] : memref<32x3200x16xf32, #tpu.memory_space<hbm>> -> memref<1x1664x16xf32, #tpu.memory_space<hbm>>
    %dma_start3A_31 = tpu.memref_squeeze %dma_start3A_30 : memref<1x1664x16xf32, #tpu.memory_space<hbm>> -> memref<1664x16xf32, #tpu.memory_space<hbm>>
    %dma_start3A_32 = arith.constant 0 : i32
    %dma_start3A_33 = arith.constant 0 : i32
    %dma_start3A_34 = tpu.memref_slice %arg6[%dma_start3A_19, %dma_start3A_32, %dma_start3A_33] : memref<2x1664x16xf32, #tpu.memory_space<vmem>> -> memref<1x1664x16xf32, #tpu.memory_space<vmem>>
    %dma_start3A_35 = tpu.memref_squeeze %dma_start3A_34 : memref<1x1664x16xf32, #tpu.memory_space<vmem>> -> memref<1664x16xf32, #tpu.memory_space<vmem>>
    tpu.enqueue_dma source(%dma_start3A_35 : memref<1664x16xf32, #tpu.memory_space<vmem>>) target(%dma_start3A_31 : memref<1664x16xf32, #tpu.memory_space<hbm>>) target_semaphore(%arg8 : memref<!tpu.dma_semaphore, #tpu.memory_space<semaphore_mem>>)
    %dma_start3A_36 = arith.constant 1 : i32
    %dma_start3A_37 = arith.constant 0 : i32
    %dma_start3A_38 = arith.constant 0 : i32
    %dma_start3A_39 = tpu.memref_slice %arg6[%dma_start3A_36, %dma_start3A_37, %dma_start3A_38] : memref<2x1664x16xf32, #tpu.memory_space<vmem>> -> memref<1x1536x16xf32, #tpu.memory_space<vmem>>
    %dma_start3A_40 = tpu.memref_squeeze %dma_start3A_39 : memref<1x1536x16xf32, #tpu.memory_space<vmem>> -> memref<1536x16xf32, #tpu.memory_space<vmem>>
    %dma_start3A_41 = arith.constant 1664 : i32
    %dma_start3A_42 = tpu.memref_slice %arg5[%dma_start3A_41] : memref<3200xi32, #tpu.memory_space<vmem>> -> memref<1536xi32, #tpu.memory_space<vmem>>
    %dma_start3A_43 = arith.constant 0 : i32
    %dma_start3A_44 = arith.constant 0 : i32
    %dma_start3A_45 = tpu.memref_slice %arg2[%dma_start3A_43, %dma_start3A_44] : memref<50000x16xf32, #tpu.memory_space<hbm>> -> memref<50000x16xf32, #tpu.memory_space<hbm>>
    tpu.enqueue_indirect_dma source(%dma_start3A_45 : memref<50000x16xf32, #tpu.memory_space<hbm>>) target(%dma_start3A_40 : memref<1536x16xf32, #tpu.memory_space<vmem>>) offsets(%dma_start3A_42 : memref<1536xi32, #tpu.memory_space<vmem>>) semaphore(%arg7 : memref<!tpu.dma_semaphore, #tpu.memory_space<semaphore_mem>>)
    %dma_wait3A_46 = arith.constant 1 : i32
    %dma_wait3A_47 = arith.constant 0 : i32
    %dma_wait3A_48 = arith.constant 0 : i32
    %dma_wait3A_49 = tpu.memref_slice %arg6[%dma_wait3A_46, %dma_wait3A_47, %dma_wait3A_48] : memref<2x1664x16xf32, #tpu.memory_space<vmem>> -> memref<1x1536x16xf32, #tpu.memory_space<vmem>>
    %dma_wait3A_50 = tpu.memref_squeeze %dma_wait3A_49 : memref<1x1536x16xf32, #tpu.memory_space<vmem>> -> memref<1536x16xf32, #tpu.memory_space<vmem>>
    %dma_wait3A_51 = arith.constant 1664 : i32
    %dma_wait3A_52 = tpu.memref_slice %arg5[%dma_wait3A_51] : memref<3200xi32, #tpu.memory_space<vmem>> -> memref<1536xi32, #tpu.memory_space<vmem>>
    %dma_wait3A_53 = arith.constant 0 : i32
    %dma_wait3A_54 = arith.constant 0 : i32
    %dma_wait3A_55 = tpu.memref_slice %arg2[%dma_wait3A_53, %dma_wait3A_54] : memref<50000x16xf32, #tpu.memory_space<hbm>> -> memref<50000x16xf32, #tpu.memory_space<hbm>>
    tpu.wait_indirect_dma semaphore(%arg7 : memref<!tpu.dma_semaphore, #tpu.memory_space<semaphore_mem>>) src(%dma_wait3A_55 : memref<50000x16xf32, #tpu.memory_space<hbm>>) dst(%dma_wait3A_50 : memref<1536x16xf32, #tpu.memory_space<vmem>>)
    %dma_start3A_56 = arith.constant 1 : i32
    %dma_start3A_57 = arith.constant 0 : i32
    %dma_start3A_58 = arith.constant 0 : i32
    %dma_start3A_59 = tpu.memref_slice %arg6[%dma_start3A_56, %dma_start3A_57, %dma_start3A_58] : memref<2x1664x16xf32, #tpu.memory_space<vmem>> -> memref<1x1536x16xf32, #tpu.memory_space<vmem>>
    %dma_start3A_60 = tpu.memref_squeeze %dma_start3A_59 : memref<1x1536x16xf32, #tpu.memory_space<vmem>> -> memref<1536x16xf32, #tpu.memory_space<vmem>>
    %dma_start3A_61 = arith.constant 1664 : i32
    %dma_start3A_62 = arith.constant 0 : i32
    %dma_start3A_63 = tpu.memref_slice %arg4[%add3A, %dma_start3A_61, %dma_start3A_62] : memref<32x3200x16xf32, #tpu.memory_space<hbm>> -> memref<1x1536x16xf32, #tpu.memory_space<hbm>>
    %dma_start3A_64 = tpu.memref_squeeze %dma_start3A_63 : memref<1x1536x16xf32, #tpu.memory_space<hbm>> -> memref<1536x16xf32, #tpu.memory_space<hbm>>
    %dma_start3A_65 = arith.constant 1664 : i32
    %dma_start3A_66 = arith.constant 0 : i32
    %dma_start3A_67 = tpu.memref_slice %arg4[%add3A, %dma_start3A_65, %dma_start3A_66] : memref<32x3200x16xf32, #tpu.memory_space<hbm>> -> memref<1x1536x16xf32, #tpu.memory_space<hbm>>
    %dma_start3A_68 = tpu.memref_squeeze %dma_start3A_67 : memref<1x1536x16xf32, #tpu.memory_space<hbm>> -> memref<1536x16xf32, #tpu.memory_space<hbm>>
    %dma_start3A_69 = arith.constant 0 : i32
    %dma_start3A_70 = arith.constant 0 : i32
    %dma_start3A_71 = tpu.memref_slice %arg6[%dma_start3A_56, %dma_start3A_69, %dma_start3A_70] : memref<2x1664x16xf32, #tpu.memory_space<vmem>> -> memref<1x1536x16xf32, #tpu.memory_space<vmem>>
    %dma_start3A_72 = tpu.memref_squeeze %dma_start3A_71 : memref<1x1536x16xf32, #tpu.memory_space<vmem>> -> memref<1536x16xf32, #tpu.memory_space<vmem>>
    tpu.enqueue_dma source(%dma_start3A_72 : memref<1536x16xf32, #tpu.memory_space<vmem>>) target(%dma_start3A_68 : memref<1536x16xf32, #tpu.memory_space<hbm>>) target_semaphore(%arg9 : memref<!tpu.dma_semaphore, #tpu.memory_space<semaphore_mem>>)
    %dma_wait3A_73 = arith.constant 0 : i32
    %dma_wait3A_74 = arith.constant 0 : i32
    %dma_wait3A_75 = arith.constant 0 : i32
    %dma_wait3A_76 = tpu.memref_slice %arg6[%dma_wait3A_73, %dma_wait3A_74, %dma_wait3A_75] : memref<2x1664x16xf32, #tpu.memory_space<vmem>> -> memref<1x1664x16xf32, #tpu.memory_space<vmem>>
    %dma_wait3A_77 = tpu.memref_squeeze %dma_wait3A_76 : memref<1x1664x16xf32, #tpu.memory_space<vmem>> -> memref<1664x16xf32, #tpu.memory_space<vmem>>
    %dma_wait3A_78 = arith.constant 0 : i32
    %dma_wait3A_79 = arith.constant 0 : i32
    %dma_wait3A_80 = tpu.memref_slice %arg4[%add3A, %dma_wait3A_78, %dma_wait3A_79] : memref<32x3200x16xf32, #tpu.memory_space<hbm>> -> memref<1x1664x16xf32, #tpu.memory_space<hbm>>
    %dma_wait3A_81 = tpu.memref_squeeze %dma_wait3A_80 : memref<1x1664x16xf32, #tpu.memory_space<hbm>> -> memref<1664x16xf32, #tpu.memory_space<hbm>>
    %dma_wait3A_82 = arith.constant 0 : i32
    %dma_wait3A_83 = arith.constant 0 : i32
    %dma_wait3A_84 = tpu.memref_slice %arg4[%add3A, %dma_wait3A_82, %dma_wait3A_83] : memref<32x3200x16xf32, #tpu.memory_space<hbm>> -> memref<1x1664x16xf32, #tpu.memory_space<hbm>>
    %dma_wait3A_85 = tpu.memref_squeeze %dma_wait3A_84 : memref<1x1664x16xf32, #tpu.memory_space<hbm>> -> memref<1664x16xf32, #tpu.memory_space<hbm>>
    %dma_wait3A_86 = arith.constant 0 : i32
    %dma_wait3A_87 = arith.constant 0 : i32
    %dma_wait3A_88 = tpu.memref_slice %arg6[%dma_wait3A_73, %dma_wait3A_86, %dma_wait3A_87] : memref<2x1664x16xf32, #tpu.memory_space<vmem>> -> memref<1x1664x16xf32, #tpu.memory_space<vmem>>
    %dma_wait3A_89 = tpu.memref_squeeze %dma_wait3A_88 : memref<1x1664x16xf32, #tpu.memory_space<vmem>> -> memref<1664x16xf32, #tpu.memory_space<vmem>>
    tpu.wait_dma2 semaphore(%arg8 : memref<!tpu.dma_semaphore, #tpu.memory_space<semaphore_mem>>) src(%dma_wait3A_89 : memref<1664x16xf32, #tpu.memory_space<vmem>>) dst(%dma_wait3A_85 : memref<1664x16xf32, #tpu.memory_space<hbm>>)
    %dma_wait3A_90 = arith.constant 1 : i32
    %dma_wait3A_91 = arith.constant 0 : i32
    %dma_wait3A_92 = arith.constant 0 : i32
    %dma_wait3A_93 = tpu.memref_slice %arg6[%dma_wait3A_90, %dma_wait3A_91, %dma_wait3A_92] : memref<2x1664x16xf32, #tpu.memory_space<vmem>> -> memref<1x1536x16xf32, #tpu.memory_space<vmem>>
    %dma_wait3A_94 = tpu.memref_squeeze %dma_wait3A_93 : memref<1x1536x16xf32, #tpu.memory_space<vmem>> -> memref<1536x16xf32, #tpu.memory_space<vmem>>
    %dma_wait3A_95 = arith.constant 1664 : i32
    %dma_wait3A_96 = arith.constant 0 : i32
    %dma_wait3A_97 = tpu.memref_slice %arg4[%add3A, %dma_wait3A_95, %dma_wait3A_96] : memref<32x3200x16xf32, #tpu.memory_space<hbm>> -> memref<1x1536x16xf32, #tpu.memory_space<hbm>>
    %dma_wait3A_98 = tpu.memref_squeeze %dma_wait3A_97 : memref<1x1536x16xf32, #tpu.memory_space<hbm>> -> memref<1536x16xf32, #tpu.memory_space<hbm>>
    %dma_wait3A_99 = arith.constant 1664 : i32
    %dma_wait3A_100 = arith.constant 0 : i32
    %dma_wait3A_101 = tpu.memref_slice %arg4[%add3A, %dma_wait3A_99, %dma_wait3A_100] : memref<32x3200x16xf32, #tpu.memory_space<hbm>> -> memref<1x1536x16xf32, #tpu.memory_space<hbm>>
    %dma_wait3A_102 = tpu.memref_squeeze %dma_wait3A_101 : memref<1x1536x16xf32, #tpu.memory_space<hbm>> -> memref<1536x16xf32, #tpu.memory_space<hbm>>
    %dma_wait3A_103 = arith.constant 0 : i32
    %dma_wait3A_104 = arith.constant 0 : i32
    %dma_wait3A_105 = tpu.memref_slice %arg6[%dma_wait3A_90, %dma_wait3A_103, %dma_wait3A_104] : memref<2x1664x16xf32, #tpu.memory_space<vmem>> -> memref<1x1536x16xf32, #tpu.memory_space<vmem>>
    %dma_wait3A_106 = tpu.memref_squeeze %dma_wait3A_105 : memref<1x1536x16xf32, #tpu.memory_space<vmem>> -> memref<1536x16xf32, #tpu.memory_space<vmem>>
    tpu.wait_dma2 semaphore(%arg9 : memref<!tpu.dma_semaphore, #tpu.memory_space<semaphore_mem>>) src(%dma_wait3A_106 : memref<1536x16xf32, #tpu.memory_space<vmem>>) dst(%dma_wait3A_102 : memref<1536x16xf32, #tpu.memory_space<hbm>>)
    return
  }
}

#map = affine_map<(d0, d1) -> (0, 0, 0)>
#map1 = affine_map<(d0, d1) -> (0, 0)>
module attributes {stable_mosaic.version = 14 : i64} {
  func.func @k(%arg0: i32, %arg1: i32, %arg2: memref<32x3200x32xf32, #tpu.memory_space<hbm>>, %arg3: memref<32x3200xi32, #tpu.memory_space<hbm>>, %arg4: memref<53248x16xf32, #tpu.memory_space<hbm>>, %arg5: memref<2x53248x32xf32, #tpu.memory_space<hbm>>, %arg6: memref<3200xi32, #tpu.memory_space<vmem>>, %arg7: memref<2x1664x16xf32, #tpu.memory_space<vmem>>, %arg8: memref<53248x16xf32, #tpu.memory_space<vmem_shared>>, %arg9: memref<!tpu.dma_semaphore, #tpu.memory_space<semaphore_mem>>, %arg10: memref<!tpu.dma_semaphore, #tpu.memory_space<semaphore_mem>>, %arg11: memref<!tpu.dma_semaphore, #tpu.memory_space<semaphore_mem>>) attributes {dimension_semantics = [#tpu.dimension_semantics<core_parallel>, #tpu.dimension_semantics<subcore_parallel>], iteration_bounds = array<i64: 2, 16>, scalar_prefetch = 0 : i64, scratch_operands = 6 : i64, tpu.core_type = #tpu.core_type<sc_vector_subcore>, window_params = [{transform_indices = #map}, {transform_indices = #map1}, {transform_indices = #map1}, {transform_indices = #map}]} {
    %mul3A = arith.constant 2 : i32
    %mul3A_0 = arith.muli %arg1, %mul3A : i32
    %add3A = arith.addi %mul3A_0, %arg0 : i32
    "tpu.region"() ({
      %run_scoped3A = tpu.sem_alloc : memref<!tpu.dma_semaphore, #tpu.memory_space<semaphore_mem>>
      %dma_start3A_236 = arith.constant 0 : i32
      %dma_start3A_237 = tpu.memref_slice %arg3[%add3A, %dma_start3A_236] : memref<32x3200xi32, #tpu.memory_space<hbm>> -> memref<1x3200xi32, #tpu.memory_space<hbm>>
      %dma_start3A_238 = tpu.memref_squeeze %dma_start3A_237 : memref<1x3200xi32, #tpu.memory_space<hbm>> -> memref<3200xi32, #tpu.memory_space<hbm>>
      %dma_start3A_239 = arith.constant 0 : i32
      %dma_start3A_240 = tpu.memref_slice %arg3[%add3A, %dma_start3A_239] : memref<32x3200xi32, #tpu.memory_space<hbm>> -> memref<1x3200xi32, #tpu.memory_space<hbm>>
      %dma_start3A_241 = tpu.memref_squeeze %dma_start3A_240 : memref<1x3200xi32, #tpu.memory_space<hbm>> -> memref<3200xi32, #tpu.memory_space<hbm>>
      tpu.enqueue_dma source(%dma_start3A_241 : memref<3200xi32, #tpu.memory_space<hbm>>) target(%arg6 : memref<3200xi32, #tpu.memory_space<vmem>>) target_semaphore(%run_scoped3A : memref<!tpu.dma_semaphore, #tpu.memory_space<semaphore_mem>>)
      %dma_wait3A_242 = arith.constant 0 : i32
      %dma_wait3A_243 = tpu.memref_slice %arg3[%add3A, %dma_wait3A_242] : memref<32x3200xi32, #tpu.memory_space<hbm>> -> memref<1x3200xi32, #tpu.memory_space<hbm>>
      %dma_wait3A_244 = tpu.memref_squeeze %dma_wait3A_243 : memref<1x3200xi32, #tpu.memory_space<hbm>> -> memref<3200xi32, #tpu.memory_space<hbm>>
      %dma_wait3A_245 = arith.constant 0 : i32
      %dma_wait3A_246 = tpu.memref_slice %arg3[%add3A, %dma_wait3A_245] : memref<32x3200xi32, #tpu.memory_space<hbm>> -> memref<1x3200xi32, #tpu.memory_space<hbm>>
      %dma_wait3A_247 = tpu.memref_squeeze %dma_wait3A_246 : memref<1x3200xi32, #tpu.memory_space<hbm>> -> memref<3200xi32, #tpu.memory_space<hbm>>
      tpu.wait_dma2 semaphore(%run_scoped3A : memref<!tpu.dma_semaphore, #tpu.memory_space<semaphore_mem>>) src(%dma_wait3A_247 : memref<3200xi32, #tpu.memory_space<hbm>>) dst(%arg6 : memref<3200xi32, #tpu.memory_space<vmem>>)
      tpu.yield
    }) : () -> ()
    %mul3A_1 = arith.constant 3328 : i32
    %mul3A_2 = arith.muli %arg1, %mul3A_1 : i32
    %mul3A_3 = arith.constant 3328 : i32
    %mul3A_4 = arith.muli %arg1, %mul3A_3 : i32
    "tpu.region"() ({
      %run_scoped3A = tpu.sem_alloc : memref<!tpu.dma_semaphore, #tpu.memory_space<semaphore_mem>>
      %dma_start3A_236 = arith.constant 0 : i32
      %dma_start3A_237 = tpu.memref_slice %arg8[%mul3A_4, %dma_start3A_236] : memref<53248x16xf32, #tpu.memory_space<vmem_shared>> -> memref<3328x16xf32, #tpu.memory_space<vmem_shared>>
      %dma_start3A_238 = arith.constant 0 : i32
      %dma_start3A_239 = tpu.memref_slice %arg4[%mul3A_2, %dma_start3A_238] : memref<53248x16xf32, #tpu.memory_space<hbm>> -> memref<3328x16xf32, #tpu.memory_space<hbm>>
      tpu.enqueue_dma source(%dma_start3A_239 : memref<3328x16xf32, #tpu.memory_space<hbm>>) target(%dma_start3A_237 : memref<3328x16xf32, #tpu.memory_space<vmem_shared>>) target_semaphore(%run_scoped3A : memref<!tpu.dma_semaphore, #tpu.memory_space<semaphore_mem>>)
      %dma_wait3A_240 = arith.constant 0 : i32
      %dma_wait3A_241 = tpu.memref_slice %arg8[%mul3A_4, %dma_wait3A_240] : memref<53248x16xf32, #tpu.memory_space<vmem_shared>> -> memref<3328x16xf32, #tpu.memory_space<vmem_shared>>
      %dma_wait3A_242 = arith.constant 0 : i32
      %dma_wait3A_243 = tpu.memref_slice %arg4[%mul3A_2, %dma_wait3A_242] : memref<53248x16xf32, #tpu.memory_space<hbm>> -> memref<3328x16xf32, #tpu.memory_space<hbm>>
      tpu.wait_dma2 semaphore(%run_scoped3A : memref<!tpu.dma_semaphore, #tpu.memory_space<semaphore_mem>>) src(%dma_wait3A_243 : memref<3328x16xf32, #tpu.memory_space<hbm>>) dst(%dma_wait3A_241 : memref<3328x16xf32, #tpu.memory_space<vmem_shared>>)
      tpu.yield
    }) : () -> ()
    %barrier3A = arith.constant 0 : index
    tpu.barrier barrier_id(%barrier3A)
    %dma_start3A = arith.constant 0 : i32
    %dma_start3A_5 = arith.constant 0 : i32
    %dma_start3A_6 = arith.constant 0 : i32
    %dma_start3A_7 = tpu.memref_slice %arg7[%dma_start3A, %dma_start3A_5, %dma_start3A_6] : memref<2x1664x16xf32, #tpu.memory_space<vmem>> -> memref<1x1664x16xf32, #tpu.memory_space<vmem>>
    %dma_start3A_8 = tpu.memref_squeeze %dma_start3A_7 : memref<1x1664x16xf32, #tpu.memory_space<vmem>> -> memref<1664x16xf32, #tpu.memory_space<vmem>>
    %dma_start3A_9 = arith.constant 0 : i32
    %dma_start3A_10 = arith.constant 0 : i32
    %dma_start3A_11 = tpu.memref_slice %arg2[%add3A, %dma_start3A_9, %dma_start3A_10] : memref<32x3200x32xf32, #tpu.memory_space<hbm>> -> memref<1x1664x16xf32, #tpu.memory_space<hbm>>
    %dma_start3A_12 = tpu.memref_squeeze %dma_start3A_11 : memref<1x1664x16xf32, #tpu.memory_space<hbm>> -> memref<1664x16xf32, #tpu.memory_space<hbm>>
    %dma_start3A_13 = arith.constant 0 : i32
    %dma_start3A_14 = arith.constant 0 : i32
    %dma_start3A_15 = tpu.memref_slice %arg7[%dma_start3A, %dma_start3A_13, %dma_start3A_14] : memref<2x1664x16xf32, #tpu.memory_space<vmem>> -> memref<1x1664x16xf32, #tpu.memory_space<vmem>>
    %dma_start3A_16 = tpu.memref_squeeze %dma_start3A_15 : memref<1x1664x16xf32, #tpu.memory_space<vmem>> -> memref<1664x16xf32, #tpu.memory_space<vmem>>
    %dma_start3A_17 = arith.constant 0 : i32
    %dma_start3A_18 = arith.constant 0 : i32
    %dma_start3A_19 = tpu.memref_slice %arg2[%add3A, %dma_start3A_17, %dma_start3A_18] : memref<32x3200x32xf32, #tpu.memory_space<hbm>> -> memref<1x1664x16xf32, #tpu.memory_space<hbm>>
    %dma_start3A_20 = tpu.memref_squeeze %dma_start3A_19 : memref<1x1664x16xf32, #tpu.memory_space<hbm>> -> memref<1664x16xf32, #tpu.memory_space<hbm>>
    tpu.enqueue_dma source(%dma_start3A_20 : memref<1664x16xf32, #tpu.memory_space<hbm>>) target(%dma_start3A_16 : memref<1664x16xf32, #tpu.memory_space<vmem>>) target_semaphore(%arg10 : memref<!tpu.dma_semaphore, #tpu.memory_space<semaphore_mem>>)
    %dma_wait3A = arith.constant 0 : i32
    %dma_wait3A_21 = arith.constant 0 : i32
    %dma_wait3A_22 = arith.constant 0 : i32
    %dma_wait3A_23 = tpu.memref_slice %arg7[%dma_wait3A, %dma_wait3A_21, %dma_wait3A_22] : memref<2x1664x16xf32, #tpu.memory_space<vmem>> -> memref<1x1664x16xf32, #tpu.memory_space<vmem>>
    %dma_wait3A_24 = tpu.memref_squeeze %dma_wait3A_23 : memref<1x1664x16xf32, #tpu.memory_space<vmem>> -> memref<1664x16xf32, #tpu.memory_space<vmem>>
    %dma_wait3A_25 = arith.constant 0 : i32
    %dma_wait3A_26 = arith.constant 0 : i32
    %dma_wait3A_27 = tpu.memref_slice %arg2[%add3A, %dma_wait3A_25, %dma_wait3A_26] : memref<32x3200x32xf32, #tpu.memory_space<hbm>> -> memref<1x1664x16xf32, #tpu.memory_space<hbm>>
    %dma_wait3A_28 = tpu.memref_squeeze %dma_wait3A_27 : memref<1x1664x16xf32, #tpu.memory_space<hbm>> -> memref<1664x16xf32, #tpu.memory_space<hbm>>
    %dma_wait3A_29 = arith.constant 0 : i32
    %dma_wait3A_30 = arith.constant 0 : i32
    %dma_wait3A_31 = tpu.memref_slice %arg7[%dma_wait3A, %dma_wait3A_29, %dma_wait3A_30] : memref<2x1664x16xf32, #tpu.memory_space<vmem>> -> memref<1x1664x16xf32, #tpu.memory_space<vmem>>
    %dma_wait3A_32 = tpu.memref_squeeze %dma_wait3A_31 : memref<1x1664x16xf32, #tpu.memory_space<vmem>> -> memref<1664x16xf32, #tpu.memory_space<vmem>>
    %dma_wait3A_33 = arith.constant 0 : i32
    %dma_wait3A_34 = arith.constant 0 : i32
    %dma_wait3A_35 = tpu.memref_slice %arg2[%add3A, %dma_wait3A_33, %dma_wait3A_34] : memref<32x3200x32xf32, #tpu.memory_space<hbm>> -> memref<1x1664x16xf32, #tpu.memory_space<hbm>>
    %dma_wait3A_36 = tpu.memref_squeeze %dma_wait3A_35 : memref<1x1664x16xf32, #tpu.memory_space<hbm>> -> memref<1664x16xf32, #tpu.memory_space<hbm>>
    tpu.wait_dma2 semaphore(%arg10 : memref<!tpu.dma_semaphore, #tpu.memory_space<semaphore_mem>>) src(%dma_wait3A_36 : memref<1664x16xf32, #tpu.memory_space<hbm>>) dst(%dma_wait3A_32 : memref<1664x16xf32, #tpu.memory_space<vmem>>)
    %dma_start3A_37 = arith.constant 1 : i32
    %dma_start3A_38 = arith.constant 0 : i32
    %dma_start3A_39 = arith.constant 0 : i32
    %dma_start3A_40 = tpu.memref_slice %arg7[%dma_start3A_37, %dma_start3A_38, %dma_start3A_39] : memref<2x1664x16xf32, #tpu.memory_space<vmem>> -> memref<1x1536x16xf32, #tpu.memory_space<vmem>>
    %dma_start3A_41 = tpu.memref_squeeze %dma_start3A_40 : memref<1x1536x16xf32, #tpu.memory_space<vmem>> -> memref<1536x16xf32, #tpu.memory_space<vmem>>
    %dma_start3A_42 = arith.constant 1664 : i32
    %dma_start3A_43 = arith.constant 0 : i32
    %dma_start3A_44 = tpu.memref_slice %arg2[%add3A, %dma_start3A_42, %dma_start3A_43] : memref<32x3200x32xf32, #tpu.memory_space<hbm>> -> memref<1x1536x16xf32, #tpu.memory_space<hbm>>
    %dma_start3A_45 = tpu.memref_squeeze %dma_start3A_44 : memref<1x1536x16xf32, #tpu.memory_space<hbm>> -> memref<1536x16xf32, #tpu.memory_space<hbm>>
    %dma_start3A_46 = arith.constant 0 : i32
    %dma_start3A_47 = arith.constant 0 : i32
    %dma_start3A_48 = tpu.memref_slice %arg7[%dma_start3A_37, %dma_start3A_46, %dma_start3A_47] : memref<2x1664x16xf32, #tpu.memory_space<vmem>> -> memref<1x1536x16xf32, #tpu.memory_space<vmem>>
    %dma_start3A_49 = tpu.memref_squeeze %dma_start3A_48 : memref<1x1536x16xf32, #tpu.memory_space<vmem>> -> memref<1536x16xf32, #tpu.memory_space<vmem>>
    %dma_start3A_50 = arith.constant 1664 : i32
    %dma_start3A_51 = arith.constant 0 : i32
    %dma_start3A_52 = tpu.memref_slice %arg2[%add3A, %dma_start3A_50, %dma_start3A_51] : memref<32x3200x32xf32, #tpu.memory_space<hbm>> -> memref<1x1536x16xf32, #tpu.memory_space<hbm>>
    %dma_start3A_53 = tpu.memref_squeeze %dma_start3A_52 : memref<1x1536x16xf32, #tpu.memory_space<hbm>> -> memref<1536x16xf32, #tpu.memory_space<hbm>>
    tpu.enqueue_dma source(%dma_start3A_53 : memref<1536x16xf32, #tpu.memory_space<hbm>>) target(%dma_start3A_49 : memref<1536x16xf32, #tpu.memory_space<vmem>>) target_semaphore(%arg11 : memref<!tpu.dma_semaphore, #tpu.memory_space<semaphore_mem>>)
    %dma_start3A_54 = arith.constant 0 : i32
    %dma_start3A_55 = arith.constant 0 : i32
    %dma_start3A_56 = arith.constant 0 : i32
    %dma_start3A_57 = tpu.memref_slice %arg7[%dma_start3A_54, %dma_start3A_55, %dma_start3A_56] : memref<2x1664x16xf32, #tpu.memory_space<vmem>> -> memref<1x1664x16xf32, #tpu.memory_space<vmem>>
    %dma_start3A_58 = tpu.memref_squeeze %dma_start3A_57 : memref<1x1664x16xf32, #tpu.memory_space<vmem>> -> memref<1664x16xf32, #tpu.memory_space<vmem>>
    %dma_start3A_59 = arith.constant 0 : i32
    %dma_start3A_60 = tpu.memref_slice %arg6[%dma_start3A_59] : memref<3200xi32, #tpu.memory_space<vmem>> -> memref<1664xi32, #tpu.memory_space<vmem>>
    %dma_start3A_61 = arith.constant 0 : i32
    %dma_start3A_62 = arith.constant 0 : i32
    %dma_start3A_63 = tpu.memref_slice %arg8[%dma_start3A_61, %dma_start3A_62] : memref<53248x16xf32, #tpu.memory_space<vmem_shared>> -> memref<53248x16xf32, #tpu.memory_space<vmem_shared>>
    tpu.enqueue_indirect_dma source(%dma_start3A_58 : memref<1664x16xf32, #tpu.memory_space<vmem>>) target(%dma_start3A_63 : memref<53248x16xf32, #tpu.memory_space<vmem_shared>>) offsets(%dma_start3A_60 : memref<1664xi32, #tpu.memory_space<vmem>>) semaphore(%arg9 : memref<!tpu.dma_semaphore, #tpu.memory_space<semaphore_mem>>) {add = true}
    %dma_wait3A_64 = arith.constant 0 : i32
    %dma_wait3A_65 = arith.constant 0 : i32
    %dma_wait3A_66 = arith.constant 0 : i32
    %dma_wait3A_67 = tpu.memref_slice %arg7[%dma_wait3A_64, %dma_wait3A_65, %dma_wait3A_66] : memref<2x1664x16xf32, #tpu.memory_space<vmem>> -> memref<1x1664x16xf32, #tpu.memory_space<vmem>>
    %dma_wait3A_68 = tpu.memref_squeeze %dma_wait3A_67 : memref<1x1664x16xf32, #tpu.memory_space<vmem>> -> memref<1664x16xf32, #tpu.memory_space<vmem>>
    %dma_wait3A_69 = arith.constant 0 : i32
    %dma_wait3A_70 = tpu.memref_slice %arg6[%dma_wait3A_69] : memref<3200xi32, #tpu.memory_space<vmem>> -> memref<1664xi32, #tpu.memory_space<vmem>>
    %dma_wait3A_71 = arith.constant 0 : i32
    %dma_wait3A_72 = arith.constant 0 : i32
    %dma_wait3A_73 = tpu.memref_slice %arg8[%dma_wait3A_71, %dma_wait3A_72] : memref<53248x16xf32, #tpu.memory_space<vmem_shared>> -> memref<53248x16xf32, #tpu.memory_space<vmem_shared>>
    tpu.wait_indirect_dma semaphore(%arg9 : memref<!tpu.dma_semaphore, #tpu.memory_space<semaphore_mem>>) src(%dma_wait3A_68 : memref<1664x16xf32, #tpu.memory_space<vmem>>) dst(%dma_wait3A_73 : memref<53248x16xf32, #tpu.memory_space<vmem_shared>>)
    %dma_wait3A_74 = arith.constant 1 : i32
    %dma_wait3A_75 = arith.constant 0 : i32
    %dma_wait3A_76 = arith.constant 0 : i32
    %dma_wait3A_77 = tpu.memref_slice %arg7[%dma_wait3A_74, %dma_wait3A_75, %dma_wait3A_76] : memref<2x1664x16xf32, #tpu.memory_space<vmem>> -> memref<1x1536x16xf32, #tpu.memory_space<vmem>>
    %dma_wait3A_78 = tpu.memref_squeeze %dma_wait3A_77 : memref<1x1536x16xf32, #tpu.memory_space<vmem>> -> memref<1536x16xf32, #tpu.memory_space<vmem>>
    %dma_wait3A_79 = arith.constant 1664 : i32
    %dma_wait3A_80 = arith.constant 0 : i32
    %dma_wait3A_81 = tpu.memref_slice %arg2[%add3A, %dma_wait3A_79, %dma_wait3A_80] : memref<32x3200x32xf32, #tpu.memory_space<hbm>> -> memref<1x1536x16xf32, #tpu.memory_space<hbm>>
    %dma_wait3A_82 = tpu.memref_squeeze %dma_wait3A_81 : memref<1x1536x16xf32, #tpu.memory_space<hbm>> -> memref<1536x16xf32, #tpu.memory_space<hbm>>
    %dma_wait3A_83 = arith.constant 0 : i32
    %dma_wait3A_84 = arith.constant 0 : i32
    %dma_wait3A_85 = tpu.memref_slice %arg7[%dma_wait3A_74, %dma_wait3A_83, %dma_wait3A_84] : memref<2x1664x16xf32, #tpu.memory_space<vmem>> -> memref<1x1536x16xf32, #tpu.memory_space<vmem>>
    %dma_wait3A_86 = tpu.memref_squeeze %dma_wait3A_85 : memref<1x1536x16xf32, #tpu.memory_space<vmem>> -> memref<1536x16xf32, #tpu.memory_space<vmem>>
    %dma_wait3A_87 = arith.constant 1664 : i32
    %dma_wait3A_88 = arith.constant 0 : i32
    %dma_wait3A_89 = tpu.memref_slice %arg2[%add3A, %dma_wait3A_87, %dma_wait3A_88] : memref<32x3200x32xf32, #tpu.memory_space<hbm>> -> memref<1x1536x16xf32, #tpu.memory_space<hbm>>
    %dma_wait3A_90 = tpu.memref_squeeze %dma_wait3A_89 : memref<1x1536x16xf32, #tpu.memory_space<hbm>> -> memref<1536x16xf32, #tpu.memory_space<hbm>>
    tpu.wait_dma2 semaphore(%arg11 : memref<!tpu.dma_semaphore, #tpu.memory_space<semaphore_mem>>) src(%dma_wait3A_90 : memref<1536x16xf32, #tpu.memory_space<hbm>>) dst(%dma_wait3A_86 : memref<1536x16xf32, #tpu.memory_space<vmem>>)
    %dma_start3A_91 = arith.constant 1 : i32
    %dma_start3A_92 = arith.constant 0 : i32
    %dma_start3A_93 = arith.constant 0 : i32
    %dma_start3A_94 = tpu.memref_slice %arg7[%dma_start3A_91, %dma_start3A_92, %dma_start3A_93] : memref<2x1664x16xf32, #tpu.memory_space<vmem>> -> memref<1x1536x16xf32, #tpu.memory_space<vmem>>
    %dma_start3A_95 = tpu.memref_squeeze %dma_start3A_94 : memref<1x1536x16xf32, #tpu.memory_space<vmem>> -> memref<1536x16xf32, #tpu.memory_space<vmem>>
    %dma_start3A_96 = arith.constant 1664 : i32
    %dma_start3A_97 = tpu.memref_slice %arg6[%dma_start3A_96] : memref<3200xi32, #tpu.memory_space<vmem>> -> memref<1536xi32, #tpu.memory_space<vmem>>
    %dma_start3A_98 = arith.constant 0 : i32
    %dma_start3A_99 = arith.constant 0 : i32
    %dma_start3A_100 = tpu.memref_slice %arg8[%dma_start3A_98, %dma_start3A_99] : memref<53248x16xf32, #tpu.memory_space<vmem_shared>> -> memref<53248x16xf32, #tpu.memory_space<vmem_shared>>
    tpu.enqueue_indirect_dma source(%dma_start3A_95 : memref<1536x16xf32, #tpu.memory_space<vmem>>) target(%dma_start3A_100 : memref<53248x16xf32, #tpu.memory_space<vmem_shared>>) offsets(%dma_start3A_97 : memref<1536xi32, #tpu.memory_space<vmem>>) semaphore(%arg9 : memref<!tpu.dma_semaphore, #tpu.memory_space<semaphore_mem>>) {add = true}
    %dma_wait3A_101 = arith.constant 1 : i32
    %dma_wait3A_102 = arith.constant 0 : i32
    %dma_wait3A_103 = arith.constant 0 : i32
    %dma_wait3A_104 = tpu.memref_slice %arg7[%dma_wait3A_101, %dma_wait3A_102, %dma_wait3A_103] : memref<2x1664x16xf32, #tpu.memory_space<vmem>> -> memref<1x1536x16xf32, #tpu.memory_space<vmem>>
    %dma_wait3A_105 = tpu.memref_squeeze %dma_wait3A_104 : memref<1x1536x16xf32, #tpu.memory_space<vmem>> -> memref<1536x16xf32, #tpu.memory_space<vmem>>
    %dma_wait3A_106 = arith.constant 1664 : i32
    %dma_wait3A_107 = tpu.memref_slice %arg6[%dma_wait3A_106] : memref<3200xi32, #tpu.memory_space<vmem>> -> memref<1536xi32, #tpu.memory_space<vmem>>
    %dma_wait3A_108 = arith.constant 0 : i32
    %dma_wait3A_109 = arith.constant 0 : i32
    %dma_wait3A_110 = tpu.memref_slice %arg8[%dma_wait3A_108, %dma_wait3A_109] : memref<53248x16xf32, #tpu.memory_space<vmem_shared>> -> memref<53248x16xf32, #tpu.memory_space<vmem_shared>>
    tpu.wait_indirect_dma semaphore(%arg9 : memref<!tpu.dma_semaphore, #tpu.memory_space<semaphore_mem>>) src(%dma_wait3A_105 : memref<1536x16xf32, #tpu.memory_space<vmem>>) dst(%dma_wait3A_110 : memref<53248x16xf32, #tpu.memory_space<vmem_shared>>)
    %barrier3A_111 = arith.constant 0 : index
    tpu.barrier barrier_id(%barrier3A_111)
    %mul3A_112 = arith.constant 3328 : i32
    %mul3A_113 = arith.muli %arg1, %mul3A_112 : i32
    %mul3A_114 = arith.constant 3328 : i32
    %mul3A_115 = arith.muli %arg1, %mul3A_114 : i32
    "tpu.region"() ({
      %run_scoped3A = tpu.sem_alloc : memref<!tpu.dma_semaphore, #tpu.memory_space<semaphore_mem>>
      %dma_start3A_236 = arith.constant 0 : i32
      %dma_start3A_237 = tpu.memref_slice %arg5[%arg0, %mul3A_115, %dma_start3A_236] : memref<2x53248x32xf32, #tpu.memory_space<hbm>> -> memref<1x3328x16xf32, #tpu.memory_space<hbm>>
      %dma_start3A_238 = tpu.memref_squeeze %dma_start3A_237 : memref<1x3328x16xf32, #tpu.memory_space<hbm>> -> memref<3328x16xf32, #tpu.memory_space<hbm>>
      %dma_start3A_239 = arith.constant 0 : i32
      %dma_start3A_240 = tpu.memref_slice %arg8[%mul3A_113, %dma_start3A_239] : memref<53248x16xf32, #tpu.memory_space<vmem_shared>> -> memref<3328x16xf32, #tpu.memory_space<vmem_shared>>
      tpu.enqueue_dma source(%dma_start3A_240 : memref<3328x16xf32, #tpu.memory_space<vmem_shared>>) target(%dma_start3A_238 : memref<3328x16xf32, #tpu.memory_space<hbm>>) target_semaphore(%run_scoped3A : memref<!tpu.dma_semaphore, #tpu.memory_space<semaphore_mem>>)
      %dma_wait3A_241 = arith.constant 0 : i32
      %dma_wait3A_242 = tpu.memref_slice %arg5[%arg0, %mul3A_115, %dma_wait3A_241] : memref<2x53248x32xf32, #tpu.memory_space<hbm>> -> memref<1x3328x16xf32, #tpu.memory_space<hbm>>
      %dma_wait3A_243 = tpu.memref_squeeze %dma_wait3A_242 : memref<1x3328x16xf32, #tpu.memory_space<hbm>> -> memref<3328x16xf32, #tpu.memory_space<hbm>>
      %dma_wait3A_244 = arith.constant 0 : i32
      %dma_wait3A_245 = tpu.memref_slice %arg8[%mul3A_113, %dma_wait3A_244] : memref<53248x16xf32, #tpu.memory_space<vmem_shared>> -> memref<3328x16xf32, #tpu.memory_space<vmem_shared>>
      tpu.wait_dma2 semaphore(%run_scoped3A : memref<!tpu.dma_semaphore, #tpu.memory_space<semaphore_mem>>) src(%dma_wait3A_245 : memref<3328x16xf32, #tpu.memory_space<vmem_shared>>) dst(%dma_wait3A_243 : memref<3328x16xf32, #tpu.memory_space<hbm>>)
      tpu.yield
    }) : () -> ()
    %barrier3A_116 = arith.constant 0 : index
    tpu.barrier barrier_id(%barrier3A_116)
    %mul3A_117 = arith.constant 3328 : i32
    %mul3A_118 = arith.muli %arg1, %mul3A_117 : i32
    %mul3A_119 = arith.constant 3328 : i32
    %mul3A_120 = arith.muli %arg1, %mul3A_119 : i32
    "tpu.region"() ({
      %run_scoped3A = tpu.sem_alloc : memref<!tpu.dma_semaphore, #tpu.memory_space<semaphore_mem>>
      %dma_start3A_236 = arith.constant 0 : i32
      %dma_start3A_237 = tpu.memref_slice %arg8[%mul3A_120, %dma_start3A_236] : memref<53248x16xf32, #tpu.memory_space<vmem_shared>> -> memref<3328x16xf32, #tpu.memory_space<vmem_shared>>
      %dma_start3A_238 = arith.constant 0 : i32
      %dma_start3A_239 = tpu.memref_slice %arg4[%mul3A_118, %dma_start3A_238] : memref<53248x16xf32, #tpu.memory_space<hbm>> -> memref<3328x16xf32, #tpu.memory_space<hbm>>
      tpu.enqueue_dma source(%dma_start3A_239 : memref<3328x16xf32, #tpu.memory_space<hbm>>) target(%dma_start3A_237 : memref<3328x16xf32, #tpu.memory_space<vmem_shared>>) target_semaphore(%run_scoped3A : memref<!tpu.dma_semaphore, #tpu.memory_space<semaphore_mem>>)
      %dma_wait3A_240 = arith.constant 0 : i32
      %dma_wait3A_241 = tpu.memref_slice %arg8[%mul3A_120, %dma_wait3A_240] : memref<53248x16xf32, #tpu.memory_space<vmem_shared>> -> memref<3328x16xf32, #tpu.memory_space<vmem_shared>>
      %dma_wait3A_242 = arith.constant 0 : i32
      %dma_wait3A_243 = tpu.memref_slice %arg4[%mul3A_118, %dma_wait3A_242] : memref<53248x16xf32, #tpu.memory_space<hbm>> -> memref<3328x16xf32, #tpu.memory_space<hbm>>
      tpu.wait_dma2 semaphore(%run_scoped3A : memref<!tpu.dma_semaphore, #tpu.memory_space<semaphore_mem>>) src(%dma_wait3A_243 : memref<3328x16xf32, #tpu.memory_space<hbm>>) dst(%dma_wait3A_241 : memref<3328x16xf32, #tpu.memory_space<vmem_shared>>)
      tpu.yield
    }) : () -> ()
    %barrier3A_121 = arith.constant 0 : index
    tpu.barrier barrier_id(%barrier3A_121)
    %dma_start3A_122 = arith.constant 0 : i32
    %dma_start3A_123 = arith.constant 0 : i32
    %dma_start3A_124 = arith.constant 0 : i32
    %dma_start3A_125 = tpu.memref_slice %arg7[%dma_start3A_122, %dma_start3A_123, %dma_start3A_124] : memref<2x1664x16xf32, #tpu.memory_space<vmem>> -> memref<1x1664x16xf32, #tpu.memory_space<vmem>>
    %dma_start3A_126 = tpu.memref_squeeze %dma_start3A_125 : memref<1x1664x16xf32, #tpu.memory_space<vmem>> -> memref<1664x16xf32, #tpu.memory_space<vmem>>
    %dma_start3A_127 = arith.constant 0 : i32
    %dma_start3A_128 = arith.constant 16 : i32
    %dma_start3A_129 = tpu.memref_slice %arg2[%add3A, %dma_start3A_127, %dma_start3A_128] : memref<32x3200x32xf32, #tpu.memory_space<hbm>> -> memref<1x1664x16xf32, #tpu.memory_space<hbm>>
    %dma_start3A_130 = tpu.memref_squeeze %dma_start3A_129 : memref<1x1664x16xf32, #tpu.memory_space<hbm>> -> memref<1664x16xf32, #tpu.memory_space<hbm>>
    %dma_start3A_131 = arith.constant 0 : i32
    %dma_start3A_132 = arith.constant 0 : i32
    %dma_start3A_133 = tpu.memref_slice %arg7[%dma_start3A_122, %dma_start3A_131, %dma_start3A_132] : memref<2x1664x16xf32, #tpu.memory_space<vmem>> -> memref<1x1664x16xf32, #tpu.memory_space<vmem>>
    %dma_start3A_134 = tpu.memref_squeeze %dma_start3A_133 : memref<1x1664x16xf32, #tpu.memory_space<vmem>> -> memref<1664x16xf32, #tpu.memory_space<vmem>>
    %dma_start3A_135 = arith.constant 0 : i32
    %dma_start3A_136 = arith.constant 16 : i32
    %dma_start3A_137 = tpu.memref_slice %arg2[%add3A, %dma_start3A_135, %dma_start3A_136] : memref<32x3200x32xf32, #tpu.memory_space<hbm>> -> memref<1x1664x16xf32, #tpu.memory_space<hbm>>
    %dma_start3A_138 = tpu.memref_squeeze %dma_start3A_137 : memref<1x1664x16xf32, #tpu.memory_space<hbm>> -> memref<1664x16xf32, #tpu.memory_space<hbm>>
    tpu.enqueue_dma source(%dma_start3A_138 : memref<1664x16xf32, #tpu.memory_space<hbm>>) target(%dma_start3A_134 : memref<1664x16xf32, #tpu.memory_space<vmem>>) target_semaphore(%arg10 : memref<!tpu.dma_semaphore, #tpu.memory_space<semaphore_mem>>)
    %dma_wait3A_139 = arith.constant 0 : i32
    %dma_wait3A_140 = arith.constant 0 : i32
    %dma_wait3A_141 = arith.constant 0 : i32
    %dma_wait3A_142 = tpu.memref_slice %arg7[%dma_wait3A_139, %dma_wait3A_140, %dma_wait3A_141] : memref<2x1664x16xf32, #tpu.memory_space<vmem>> -> memref<1x1664x16xf32, #tpu.memory_space<vmem>>
    %dma_wait3A_143 = tpu.memref_squeeze %dma_wait3A_142 : memref<1x1664x16xf32, #tpu.memory_space<vmem>> -> memref<1664x16xf32, #tpu.memory_space<vmem>>
    %dma_wait3A_144 = arith.constant 0 : i32
    %dma_wait3A_145 = arith.constant 16 : i32
    %dma_wait3A_146 = tpu.memref_slice %arg2[%add3A, %dma_wait3A_144, %dma_wait3A_145] : memref<32x3200x32xf32, #tpu.memory_space<hbm>> -> memref<1x1664x16xf32, #tpu.memory_space<hbm>>
    %dma_wait3A_147 = tpu.memref_squeeze %dma_wait3A_146 : memref<1x1664x16xf32, #tpu.memory_space<hbm>> -> memref<1664x16xf32, #tpu.memory_space<hbm>>
    %dma_wait3A_148 = arith.constant 0 : i32
    %dma_wait3A_149 = arith.constant 0 : i32
    %dma_wait3A_150 = tpu.memref_slice %arg7[%dma_wait3A_139, %dma_wait3A_148, %dma_wait3A_149] : memref<2x1664x16xf32, #tpu.memory_space<vmem>> -> memref<1x1664x16xf32, #tpu.memory_space<vmem>>
    %dma_wait3A_151 = tpu.memref_squeeze %dma_wait3A_150 : memref<1x1664x16xf32, #tpu.memory_space<vmem>> -> memref<1664x16xf32, #tpu.memory_space<vmem>>
    %dma_wait3A_152 = arith.constant 0 : i32
    %dma_wait3A_153 = arith.constant 16 : i32
    %dma_wait3A_154 = tpu.memref_slice %arg2[%add3A, %dma_wait3A_152, %dma_wait3A_153] : memref<32x3200x32xf32, #tpu.memory_space<hbm>> -> memref<1x1664x16xf32, #tpu.memory_space<hbm>>
    %dma_wait3A_155 = tpu.memref_squeeze %dma_wait3A_154 : memref<1x1664x16xf32, #tpu.memory_space<hbm>> -> memref<1664x16xf32, #tpu.memory_space<hbm>>
    tpu.wait_dma2 semaphore(%arg10 : memref<!tpu.dma_semaphore, #tpu.memory_space<semaphore_mem>>) src(%dma_wait3A_155 : memref<1664x16xf32, #tpu.memory_space<hbm>>) dst(%dma_wait3A_151 : memref<1664x16xf32, #tpu.memory_space<vmem>>)
    %dma_start3A_156 = arith.constant 1 : i32
    %dma_start3A_157 = arith.constant 0 : i32
    %dma_start3A_158 = arith.constant 0 : i32
    %dma_start3A_159 = tpu.memref_slice %arg7[%dma_start3A_156, %dma_start3A_157, %dma_start3A_158] : memref<2x1664x16xf32, #tpu.memory_space<vmem>> -> memref<1x1536x16xf32, #tpu.memory_space<vmem>>
    %dma_start3A_160 = tpu.memref_squeeze %dma_start3A_159 : memref<1x1536x16xf32, #tpu.memory_space<vmem>> -> memref<1536x16xf32, #tpu.memory_space<vmem>>
    %dma_start3A_161 = arith.constant 1664 : i32
    %dma_start3A_162 = arith.constant 16 : i32
    %dma_start3A_163 = tpu.memref_slice %arg2[%add3A, %dma_start3A_161, %dma_start3A_162] : memref<32x3200x32xf32, #tpu.memory_space<hbm>> -> memref<1x1536x16xf32, #tpu.memory_space<hbm>>
    %dma_start3A_164 = tpu.memref_squeeze %dma_start3A_163 : memref<1x1536x16xf32, #tpu.memory_space<hbm>> -> memref<1536x16xf32, #tpu.memory_space<hbm>>
    %dma_start3A_165 = arith.constant 0 : i32
    %dma_start3A_166 = arith.constant 0 : i32
    %dma_start3A_167 = tpu.memref_slice %arg7[%dma_start3A_156, %dma_start3A_165, %dma_start3A_166] : memref<2x1664x16xf32, #tpu.memory_space<vmem>> -> memref<1x1536x16xf32, #tpu.memory_space<vmem>>
    %dma_start3A_168 = tpu.memref_squeeze %dma_start3A_167 : memref<1x1536x16xf32, #tpu.memory_space<vmem>> -> memref<1536x16xf32, #tpu.memory_space<vmem>>
    %dma_start3A_169 = arith.constant 1664 : i32
    %dma_start3A_170 = arith.constant 16 : i32
    %dma_start3A_171 = tpu.memref_slice %arg2[%add3A, %dma_start3A_169, %dma_start3A_170] : memref<32x3200x32xf32, #tpu.memory_space<hbm>> -> memref<1x1536x16xf32, #tpu.memory_space<hbm>>
    %dma_start3A_172 = tpu.memref_squeeze %dma_start3A_171 : memref<1x1536x16xf32, #tpu.memory_space<hbm>> -> memref<1536x16xf32, #tpu.memory_space<hbm>>
    tpu.enqueue_dma source(%dma_start3A_172 : memref<1536x16xf32, #tpu.memory_space<hbm>>) target(%dma_start3A_168 : memref<1536x16xf32, #tpu.memory_space<vmem>>) target_semaphore(%arg11 : memref<!tpu.dma_semaphore, #tpu.memory_space<semaphore_mem>>)
    %dma_start3A_173 = arith.constant 0 : i32
    %dma_start3A_174 = arith.constant 0 : i32
    %dma_start3A_175 = arith.constant 0 : i32
    %dma_start3A_176 = tpu.memref_slice %arg7[%dma_start3A_173, %dma_start3A_174, %dma_start3A_175] : memref<2x1664x16xf32, #tpu.memory_space<vmem>> -> memref<1x1664x16xf32, #tpu.memory_space<vmem>>
    %dma_start3A_177 = tpu.memref_squeeze %dma_start3A_176 : memref<1x1664x16xf32, #tpu.memory_space<vmem>> -> memref<1664x16xf32, #tpu.memory_space<vmem>>
    %dma_start3A_178 = arith.constant 0 : i32
    %dma_start3A_179 = tpu.memref_slice %arg6[%dma_start3A_178] : memref<3200xi32, #tpu.memory_space<vmem>> -> memref<1664xi32, #tpu.memory_space<vmem>>
    %dma_start3A_180 = arith.constant 0 : i32
    %dma_start3A_181 = arith.constant 0 : i32
    %dma_start3A_182 = tpu.memref_slice %arg8[%dma_start3A_180, %dma_start3A_181] : memref<53248x16xf32, #tpu.memory_space<vmem_shared>> -> memref<53248x16xf32, #tpu.memory_space<vmem_shared>>
    tpu.enqueue_indirect_dma source(%dma_start3A_177 : memref<1664x16xf32, #tpu.memory_space<vmem>>) target(%dma_start3A_182 : memref<53248x16xf32, #tpu.memory_space<vmem_shared>>) offsets(%dma_start3A_179 : memref<1664xi32, #tpu.memory_space<vmem>>) semaphore(%arg9 : memref<!tpu.dma_semaphore, #tpu.memory_space<semaphore_mem>>) {add = true}
    %dma_wait3A_183 = arith.constant 0 : i32
    %dma_wait3A_184 = arith.constant 0 : i32
    %dma_wait3A_185 = arith.constant 0 : i32
    %dma_wait3A_186 = tpu.memref_slice %arg7[%dma_wait3A_183, %dma_wait3A_184, %dma_wait3A_185] : memref<2x1664x16xf32, #tpu.memory_space<vmem>> -> memref<1x1664x16xf32, #tpu.memory_space<vmem>>
    %dma_wait3A_187 = tpu.memref_squeeze %dma_wait3A_186 : memref<1x1664x16xf32, #tpu.memory_space<vmem>> -> memref<1664x16xf32, #tpu.memory_space<vmem>>
    %dma_wait3A_188 = arith.constant 0 : i32
    %dma_wait3A_189 = tpu.memref_slice %arg6[%dma_wait3A_188] : memref<3200xi32, #tpu.memory_space<vmem>> -> memref<1664xi32, #tpu.memory_space<vmem>>
    %dma_wait3A_190 = arith.constant 0 : i32
    %dma_wait3A_191 = arith.constant 0 : i32
    %dma_wait3A_192 = tpu.memref_slice %arg8[%dma_wait3A_190, %dma_wait3A_191] : memref<53248x16xf32, #tpu.memory_space<vmem_shared>> -> memref<53248x16xf32, #tpu.memory_space<vmem_shared>>
    tpu.wait_indirect_dma semaphore(%arg9 : memref<!tpu.dma_semaphore, #tpu.memory_space<semaphore_mem>>) src(%dma_wait3A_187 : memref<1664x16xf32, #tpu.memory_space<vmem>>) dst(%dma_wait3A_192 : memref<53248x16xf32, #tpu.memory_space<vmem_shared>>)
    %dma_wait3A_193 = arith.constant 1 : i32
    %dma_wait3A_194 = arith.constant 0 : i32
    %dma_wait3A_195 = arith.constant 0 : i32
    %dma_wait3A_196 = tpu.memref_slice %arg7[%dma_wait3A_193, %dma_wait3A_194, %dma_wait3A_195] : memref<2x1664x16xf32, #tpu.memory_space<vmem>> -> memref<1x1536x16xf32, #tpu.memory_space<vmem>>
    %dma_wait3A_197 = tpu.memref_squeeze %dma_wait3A_196 : memref<1x1536x16xf32, #tpu.memory_space<vmem>> -> memref<1536x16xf32, #tpu.memory_space<vmem>>
    %dma_wait3A_198 = arith.constant 1664 : i32
    %dma_wait3A_199 = arith.constant 16 : i32
    %dma_wait3A_200 = tpu.memref_slice %arg2[%add3A, %dma_wait3A_198, %dma_wait3A_199] : memref<32x3200x32xf32, #tpu.memory_space<hbm>> -> memref<1x1536x16xf32, #tpu.memory_space<hbm>>
    %dma_wait3A_201 = tpu.memref_squeeze %dma_wait3A_200 : memref<1x1536x16xf32, #tpu.memory_space<hbm>> -> memref<1536x16xf32, #tpu.memory_space<hbm>>
    %dma_wait3A_202 = arith.constant 0 : i32
    %dma_wait3A_203 = arith.constant 0 : i32
    %dma_wait3A_204 = tpu.memref_slice %arg7[%dma_wait3A_193, %dma_wait3A_202, %dma_wait3A_203] : memref<2x1664x16xf32, #tpu.memory_space<vmem>> -> memref<1x1536x16xf32, #tpu.memory_space<vmem>>
    %dma_wait3A_205 = tpu.memref_squeeze %dma_wait3A_204 : memref<1x1536x16xf32, #tpu.memory_space<vmem>> -> memref<1536x16xf32, #tpu.memory_space<vmem>>
    %dma_wait3A_206 = arith.constant 1664 : i32
    %dma_wait3A_207 = arith.constant 16 : i32
    %dma_wait3A_208 = tpu.memref_slice %arg2[%add3A, %dma_wait3A_206, %dma_wait3A_207] : memref<32x3200x32xf32, #tpu.memory_space<hbm>> -> memref<1x1536x16xf32, #tpu.memory_space<hbm>>
    %dma_wait3A_209 = tpu.memref_squeeze %dma_wait3A_208 : memref<1x1536x16xf32, #tpu.memory_space<hbm>> -> memref<1536x16xf32, #tpu.memory_space<hbm>>
    tpu.wait_dma2 semaphore(%arg11 : memref<!tpu.dma_semaphore, #tpu.memory_space<semaphore_mem>>) src(%dma_wait3A_209 : memref<1536x16xf32, #tpu.memory_space<hbm>>) dst(%dma_wait3A_205 : memref<1536x16xf32, #tpu.memory_space<vmem>>)
    %dma_start3A_210 = arith.constant 1 : i32
    %dma_start3A_211 = arith.constant 0 : i32
    %dma_start3A_212 = arith.constant 0 : i32
    %dma_start3A_213 = tpu.memref_slice %arg7[%dma_start3A_210, %dma_start3A_211, %dma_start3A_212] : memref<2x1664x16xf32, #tpu.memory_space<vmem>> -> memref<1x1536x16xf32, #tpu.memory_space<vmem>>
    %dma_start3A_214 = tpu.memref_squeeze %dma_start3A_213 : memref<1x1536x16xf32, #tpu.memory_space<vmem>> -> memref<1536x16xf32, #tpu.memory_space<vmem>>
    %dma_start3A_215 = arith.constant 1664 : i32
    %dma_start3A_216 = tpu.memref_slice %arg6[%dma_start3A_215] : memref<3200xi32, #tpu.memory_space<vmem>> -> memref<1536xi32, #tpu.memory_space<vmem>>
    %dma_start3A_217 = arith.constant 0 : i32
    %dma_start3A_218 = arith.constant 0 : i32
    %dma_start3A_219 = tpu.memref_slice %arg8[%dma_start3A_217, %dma_start3A_218] : memref<53248x16xf32, #tpu.memory_space<vmem_shared>> -> memref<53248x16xf32, #tpu.memory_space<vmem_shared>>
    tpu.enqueue_indirect_dma source(%dma_start3A_214 : memref<1536x16xf32, #tpu.memory_space<vmem>>) target(%dma_start3A_219 : memref<53248x16xf32, #tpu.memory_space<vmem_shared>>) offsets(%dma_start3A_216 : memref<1536xi32, #tpu.memory_space<vmem>>) semaphore(%arg9 : memref<!tpu.dma_semaphore, #tpu.memory_space<semaphore_mem>>) {add = true}
    %dma_wait3A_220 = arith.constant 1 : i32
    %dma_wait3A_221 = arith.constant 0 : i32
    %dma_wait3A_222 = arith.constant 0 : i32
    %dma_wait3A_223 = tpu.memref_slice %arg7[%dma_wait3A_220, %dma_wait3A_221, %dma_wait3A_222] : memref<2x1664x16xf32, #tpu.memory_space<vmem>> -> memref<1x1536x16xf32, #tpu.memory_space<vmem>>
    %dma_wait3A_224 = tpu.memref_squeeze %dma_wait3A_223 : memref<1x1536x16xf32, #tpu.memory_space<vmem>> -> memref<1536x16xf32, #tpu.memory_space<vmem>>
    %dma_wait3A_225 = arith.constant 1664 : i32
    %dma_wait3A_226 = tpu.memref_slice %arg6[%dma_wait3A_225] : memref<3200xi32, #tpu.memory_space<vmem>> -> memref<1536xi32, #tpu.memory_space<vmem>>
    %dma_wait3A_227 = arith.constant 0 : i32
    %dma_wait3A_228 = arith.constant 0 : i32
    %dma_wait3A_229 = tpu.memref_slice %arg8[%dma_wait3A_227, %dma_wait3A_228] : memref<53248x16xf32, #tpu.memory_space<vmem_shared>> -> memref<53248x16xf32, #tpu.memory_space<vmem_shared>>
    tpu.wait_indirect_dma semaphore(%arg9 : memref<!tpu.dma_semaphore, #tpu.memory_space<semaphore_mem>>) src(%dma_wait3A_224 : memref<1536x16xf32, #tpu.memory_space<vmem>>) dst(%dma_wait3A_229 : memref<53248x16xf32, #tpu.memory_space<vmem_shared>>)
    %barrier3A_230 = arith.constant 0 : index
    tpu.barrier barrier_id(%barrier3A_230)
    %mul3A_231 = arith.constant 3328 : i32
    %mul3A_232 = arith.muli %arg1, %mul3A_231 : i32
    %mul3A_233 = arith.constant 3328 : i32
    %mul3A_234 = arith.muli %arg1, %mul3A_233 : i32
    "tpu.region"() ({
      %run_scoped3A = tpu.sem_alloc : memref<!tpu.dma_semaphore, #tpu.memory_space<semaphore_mem>>
      %dma_start3A_236 = arith.constant 16 : i32
      %dma_start3A_237 = tpu.memref_slice %arg5[%arg0, %mul3A_234, %dma_start3A_236] : memref<2x53248x32xf32, #tpu.memory_space<hbm>> -> memref<1x3328x16xf32, #tpu.memory_space<hbm>>
      %dma_start3A_238 = tpu.memref_squeeze %dma_start3A_237 : memref<1x3328x16xf32, #tpu.memory_space<hbm>> -> memref<3328x16xf32, #tpu.memory_space<hbm>>
      %dma_start3A_239 = arith.constant 0 : i32
      %dma_start3A_240 = tpu.memref_slice %arg8[%mul3A_232, %dma_start3A_239] : memref<53248x16xf32, #tpu.memory_space<vmem_shared>> -> memref<3328x16xf32, #tpu.memory_space<vmem_shared>>
      tpu.enqueue_dma source(%dma_start3A_240 : memref<3328x16xf32, #tpu.memory_space<vmem_shared>>) target(%dma_start3A_238 : memref<3328x16xf32, #tpu.memory_space<hbm>>) target_semaphore(%run_scoped3A : memref<!tpu.dma_semaphore, #tpu.memory_space<semaphore_mem>>)
      %dma_wait3A_241 = arith.constant 16 : i32
      %dma_wait3A_242 = tpu.memref_slice %arg5[%arg0, %mul3A_234, %dma_wait3A_241] : memref<2x53248x32xf32, #tpu.memory_space<hbm>> -> memref<1x3328x16xf32, #tpu.memory_space<hbm>>
      %dma_wait3A_243 = tpu.memref_squeeze %dma_wait3A_242 : memref<1x3328x16xf32, #tpu.memory_space<hbm>> -> memref<3328x16xf32, #tpu.memory_space<hbm>>
      %dma_wait3A_244 = arith.constant 0 : i32
      %dma_wait3A_245 = tpu.memref_slice %arg8[%mul3A_232, %dma_wait3A_244] : memref<53248x16xf32, #tpu.memory_space<vmem_shared>> -> memref<3328x16xf32, #tpu.memory_space<vmem_shared>>
      tpu.wait_dma2 semaphore(%run_scoped3A : memref<!tpu.dma_semaphore, #tpu.memory_space<semaphore_mem>>) src(%dma_wait3A_245 : memref<3328x16xf32, #tpu.memory_space<vmem_shared>>) dst(%dma_wait3A_243 : memref<3328x16xf32, #tpu.memory_space<hbm>>)
      tpu.yield
    }) : () -> ()
    %barrier3A_235 = arith.constant 0 : index
    tpu.barrier barrier_id(%barrier3A_235)
    return
  }
}

#map = affine_map<(d0, d1) -> (0, 0)>
#map1 = affine_map<(d0, d1) -> (0, 0, 0)>
module attributes {stable_mosaic.version = 14 : i64} {
  func.func @k(%arg0: i32, %arg1: i32, %arg2: memref<20480x32xf32, #tpu.memory_space<hbm>>, %arg3: memref<32x4864xi32, #tpu.memory_space<hbm>>, %arg4: memref<32x4864x32xf32, #tpu.memory_space<hbm>>, %arg5: memref<4864xi32, #tpu.memory_space<vmem>>, %arg6: memref<2x1664x32xf32, #tpu.memory_space<vmem>>, %arg7: memref<!tpu.dma_semaphore, #tpu.memory_space<semaphore_mem>>, %arg8: memref<!tpu.dma_semaphore, #tpu.memory_space<semaphore_mem>>, %arg9: memref<!tpu.dma_semaphore, #tpu.memory_space<semaphore_mem>>) attributes {dimension_semantics = [#tpu.dimension_semantics<core_parallel>, #tpu.dimension_semantics<subcore_parallel>], iteration_bounds = array<i64: 2, 16>, scalar_prefetch = 0 : i64, scratch_operands = 5 : i64, tpu.core_type = #tpu.core_type<sc_vector_subcore>, window_params = [{transform_indices = #map}, {transform_indices = #map}, {transform_indices = #map1}]} {
    %mul3A = arith.constant 2 : i32
    %mul3A_0 = arith.muli %arg1, %mul3A : i32
    %add3A = arith.addi %mul3A_0, %arg0 : i32
    "tpu.region"() ({
      %run_scoped3A = tpu.sem_alloc : memref<!tpu.dma_semaphore, #tpu.memory_space<semaphore_mem>>
      %dma_start3A_161 = arith.constant 0 : i32
      %dma_start3A_162 = tpu.memref_slice %arg3[%add3A, %dma_start3A_161] : memref<32x4864xi32, #tpu.memory_space<hbm>> -> memref<1x4864xi32, #tpu.memory_space<hbm>>
      %dma_start3A_163 = tpu.memref_squeeze %dma_start3A_162 : memref<1x4864xi32, #tpu.memory_space<hbm>> -> memref<4864xi32, #tpu.memory_space<hbm>>
      %dma_start3A_164 = arith.constant 0 : i32
      %dma_start3A_165 = tpu.memref_slice %arg3[%add3A, %dma_start3A_164] : memref<32x4864xi32, #tpu.memory_space<hbm>> -> memref<1x4864xi32, #tpu.memory_space<hbm>>
      %dma_start3A_166 = tpu.memref_squeeze %dma_start3A_165 : memref<1x4864xi32, #tpu.memory_space<hbm>> -> memref<4864xi32, #tpu.memory_space<hbm>>
      tpu.enqueue_dma source(%dma_start3A_166 : memref<4864xi32, #tpu.memory_space<hbm>>) target(%arg5 : memref<4864xi32, #tpu.memory_space<vmem>>) target_semaphore(%run_scoped3A : memref<!tpu.dma_semaphore, #tpu.memory_space<semaphore_mem>>)
      %dma_wait3A_167 = arith.constant 0 : i32
      %dma_wait3A_168 = tpu.memref_slice %arg3[%add3A, %dma_wait3A_167] : memref<32x4864xi32, #tpu.memory_space<hbm>> -> memref<1x4864xi32, #tpu.memory_space<hbm>>
      %dma_wait3A_169 = tpu.memref_squeeze %dma_wait3A_168 : memref<1x4864xi32, #tpu.memory_space<hbm>> -> memref<4864xi32, #tpu.memory_space<hbm>>
      %dma_wait3A_170 = arith.constant 0 : i32
      %dma_wait3A_171 = tpu.memref_slice %arg3[%add3A, %dma_wait3A_170] : memref<32x4864xi32, #tpu.memory_space<hbm>> -> memref<1x4864xi32, #tpu.memory_space<hbm>>
      %dma_wait3A_172 = tpu.memref_squeeze %dma_wait3A_171 : memref<1x4864xi32, #tpu.memory_space<hbm>> -> memref<4864xi32, #tpu.memory_space<hbm>>
      tpu.wait_dma2 semaphore(%run_scoped3A : memref<!tpu.dma_semaphore, #tpu.memory_space<semaphore_mem>>) src(%dma_wait3A_172 : memref<4864xi32, #tpu.memory_space<hbm>>) dst(%arg5 : memref<4864xi32, #tpu.memory_space<vmem>>)
      tpu.yield
    }) : () -> ()
    %dma_start3A = arith.constant 0 : i32
    %dma_start3A_1 = arith.constant 0 : i32
    %dma_start3A_2 = arith.constant 0 : i32
    %dma_start3A_3 = tpu.memref_slice %arg6[%dma_start3A, %dma_start3A_1, %dma_start3A_2] : memref<2x1664x32xf32, #tpu.memory_space<vmem>> -> memref<1x1664x32xf32, #tpu.memory_space<vmem>>
    %dma_start3A_4 = tpu.memref_squeeze %dma_start3A_3 : memref<1x1664x32xf32, #tpu.memory_space<vmem>> -> memref<1664x32xf32, #tpu.memory_space<vmem>>
    %dma_start3A_5 = arith.constant 0 : i32
    %dma_start3A_6 = tpu.memref_slice %arg5[%dma_start3A_5] : memref<4864xi32, #tpu.memory_space<vmem>> -> memref<1664xi32, #tpu.memory_space<vmem>>
    %dma_start3A_7 = arith.constant 0 : i32
    %dma_start3A_8 = arith.constant 0 : i32
    %dma_start3A_9 = tpu.memref_slice %arg2[%dma_start3A_7, %dma_start3A_8] : memref<20480x32xf32, #tpu.memory_space<hbm>> -> memref<20480x32xf32, #tpu.memory_space<hbm>>
    tpu.enqueue_indirect_dma source(%dma_start3A_9 : memref<20480x32xf32, #tpu.memory_space<hbm>>) target(%dma_start3A_4 : memref<1664x32xf32, #tpu.memory_space<vmem>>) offsets(%dma_start3A_6 : memref<1664xi32, #tpu.memory_space<vmem>>) semaphore(%arg7 : memref<!tpu.dma_semaphore, #tpu.memory_space<semaphore_mem>>)
    %dma_wait3A = arith.constant 0 : i32
    %dma_wait3A_10 = arith.constant 0 : i32
    %dma_wait3A_11 = arith.constant 0 : i32
    %dma_wait3A_12 = tpu.memref_slice %arg6[%dma_wait3A, %dma_wait3A_10, %dma_wait3A_11] : memref<2x1664x32xf32, #tpu.memory_space<vmem>> -> memref<1x1664x32xf32, #tpu.memory_space<vmem>>
    %dma_wait3A_13 = tpu.memref_squeeze %dma_wait3A_12 : memref<1x1664x32xf32, #tpu.memory_space<vmem>> -> memref<1664x32xf32, #tpu.memory_space<vmem>>
    %dma_wait3A_14 = arith.constant 0 : i32
    %dma_wait3A_15 = tpu.memref_slice %arg5[%dma_wait3A_14] : memref<4864xi32, #tpu.memory_space<vmem>> -> memref<1664xi32, #tpu.memory_space<vmem>>
    %dma_wait3A_16 = arith.constant 0 : i32
    %dma_wait3A_17 = arith.constant 0 : i32
    %dma_wait3A_18 = tpu.memref_slice %arg2[%dma_wait3A_16, %dma_wait3A_17] : memref<20480x32xf32, #tpu.memory_space<hbm>> -> memref<20480x32xf32, #tpu.memory_space<hbm>>
    tpu.wait_indirect_dma semaphore(%arg7 : memref<!tpu.dma_semaphore, #tpu.memory_space<semaphore_mem>>) src(%dma_wait3A_18 : memref<20480x32xf32, #tpu.memory_space<hbm>>) dst(%dma_wait3A_13 : memref<1664x32xf32, #tpu.memory_space<vmem>>)
    %dma_start3A_19 = arith.constant 0 : i32
    %dma_start3A_20 = arith.constant 0 : i32
    %dma_start3A_21 = arith.constant 0 : i32
    %dma_start3A_22 = tpu.memref_slice %arg6[%dma_start3A_19, %dma_start3A_20, %dma_start3A_21] : memref<2x1664x32xf32, #tpu.memory_space<vmem>> -> memref<1x1664x32xf32, #tpu.memory_space<vmem>>
    %dma_start3A_23 = tpu.memref_squeeze %dma_start3A_22 : memref<1x1664x32xf32, #tpu.memory_space<vmem>> -> memref<1664x32xf32, #tpu.memory_space<vmem>>
    %dma_start3A_24 = arith.constant 0 : i32
    %dma_start3A_25 = arith.constant 0 : i32
    %dma_start3A_26 = tpu.memref_slice %arg4[%add3A, %dma_start3A_24, %dma_start3A_25] : memref<32x4864x32xf32, #tpu.memory_space<hbm>> -> memref<1x1664x32xf32, #tpu.memory_space<hbm>>
    %dma_start3A_27 = tpu.memref_squeeze %dma_start3A_26 : memref<1x1664x32xf32, #tpu.memory_space<hbm>> -> memref<1664x32xf32, #tpu.memory_space<hbm>>
    %dma_start3A_28 = arith.constant 0 : i32
    %dma_start3A_29 = arith.constant 0 : i32
    %dma_start3A_30 = tpu.memref_slice %arg4[%add3A, %dma_start3A_28, %dma_start3A_29] : memref<32x4864x32xf32, #tpu.memory_space<hbm>> -> memref<1x1664x32xf32, #tpu.memory_space<hbm>>
    %dma_start3A_31 = tpu.memref_squeeze %dma_start3A_30 : memref<1x1664x32xf32, #tpu.memory_space<hbm>> -> memref<1664x32xf32, #tpu.memory_space<hbm>>
    %dma_start3A_32 = arith.constant 0 : i32
    %dma_start3A_33 = arith.constant 0 : i32
    %dma_start3A_34 = tpu.memref_slice %arg6[%dma_start3A_19, %dma_start3A_32, %dma_start3A_33] : memref<2x1664x32xf32, #tpu.memory_space<vmem>> -> memref<1x1664x32xf32, #tpu.memory_space<vmem>>
    %dma_start3A_35 = tpu.memref_squeeze %dma_start3A_34 : memref<1x1664x32xf32, #tpu.memory_space<vmem>> -> memref<1664x32xf32, #tpu.memory_space<vmem>>
    tpu.enqueue_dma source(%dma_start3A_35 : memref<1664x32xf32, #tpu.memory_space<vmem>>) target(%dma_start3A_31 : memref<1664x32xf32, #tpu.memory_space<hbm>>) target_semaphore(%arg8 : memref<!tpu.dma_semaphore, #tpu.memory_space<semaphore_mem>>)
    %dma_start3A_36 = arith.constant 1 : i32
    %dma_start3A_37 = arith.constant 0 : i32
    %dma_start3A_38 = arith.constant 0 : i32
    %dma_start3A_39 = tpu.memref_slice %arg6[%dma_start3A_36, %dma_start3A_37, %dma_start3A_38] : memref<2x1664x32xf32, #tpu.memory_space<vmem>> -> memref<1x1664x32xf32, #tpu.memory_space<vmem>>
    %dma_start3A_40 = tpu.memref_squeeze %dma_start3A_39 : memref<1x1664x32xf32, #tpu.memory_space<vmem>> -> memref<1664x32xf32, #tpu.memory_space<vmem>>
    %dma_start3A_41 = arith.constant 1664 : i32
    %dma_start3A_42 = tpu.memref_slice %arg5[%dma_start3A_41] : memref<4864xi32, #tpu.memory_space<vmem>> -> memref<1664xi32, #tpu.memory_space<vmem>>
    %dma_start3A_43 = arith.constant 0 : i32
    %dma_start3A_44 = arith.constant 0 : i32
    %dma_start3A_45 = tpu.memref_slice %arg2[%dma_start3A_43, %dma_start3A_44] : memref<20480x32xf32, #tpu.memory_space<hbm>> -> memref<20480x32xf32, #tpu.memory_space<hbm>>
    tpu.enqueue_indirect_dma source(%dma_start3A_45 : memref<20480x32xf32, #tpu.memory_space<hbm>>) target(%dma_start3A_40 : memref<1664x32xf32, #tpu.memory_space<vmem>>) offsets(%dma_start3A_42 : memref<1664xi32, #tpu.memory_space<vmem>>) semaphore(%arg7 : memref<!tpu.dma_semaphore, #tpu.memory_space<semaphore_mem>>)
    %dma_wait3A_46 = arith.constant 1 : i32
    %dma_wait3A_47 = arith.constant 0 : i32
    %dma_wait3A_48 = arith.constant 0 : i32
    %dma_wait3A_49 = tpu.memref_slice %arg6[%dma_wait3A_46, %dma_wait3A_47, %dma_wait3A_48] : memref<2x1664x32xf32, #tpu.memory_space<vmem>> -> memref<1x1664x32xf32, #tpu.memory_space<vmem>>
    %dma_wait3A_50 = tpu.memref_squeeze %dma_wait3A_49 : memref<1x1664x32xf32, #tpu.memory_space<vmem>> -> memref<1664x32xf32, #tpu.memory_space<vmem>>
    %dma_wait3A_51 = arith.constant 1664 : i32
    %dma_wait3A_52 = tpu.memref_slice %arg5[%dma_wait3A_51] : memref<4864xi32, #tpu.memory_space<vmem>> -> memref<1664xi32, #tpu.memory_space<vmem>>
    %dma_wait3A_53 = arith.constant 0 : i32
    %dma_wait3A_54 = arith.constant 0 : i32
    %dma_wait3A_55 = tpu.memref_slice %arg2[%dma_wait3A_53, %dma_wait3A_54] : memref<20480x32xf32, #tpu.memory_space<hbm>> -> memref<20480x32xf32, #tpu.memory_space<hbm>>
    tpu.wait_indirect_dma semaphore(%arg7 : memref<!tpu.dma_semaphore, #tpu.memory_space<semaphore_mem>>) src(%dma_wait3A_55 : memref<20480x32xf32, #tpu.memory_space<hbm>>) dst(%dma_wait3A_50 : memref<1664x32xf32, #tpu.memory_space<vmem>>)
    %dma_start3A_56 = arith.constant 1 : i32
    %dma_start3A_57 = arith.constant 0 : i32
    %dma_start3A_58 = arith.constant 0 : i32
    %dma_start3A_59 = tpu.memref_slice %arg6[%dma_start3A_56, %dma_start3A_57, %dma_start3A_58] : memref<2x1664x32xf32, #tpu.memory_space<vmem>> -> memref<1x1664x32xf32, #tpu.memory_space<vmem>>
    %dma_start3A_60 = tpu.memref_squeeze %dma_start3A_59 : memref<1x1664x32xf32, #tpu.memory_space<vmem>> -> memref<1664x32xf32, #tpu.memory_space<vmem>>
    %dma_start3A_61 = arith.constant 1664 : i32
    %dma_start3A_62 = arith.constant 0 : i32
    %dma_start3A_63 = tpu.memref_slice %arg4[%add3A, %dma_start3A_61, %dma_start3A_62] : memref<32x4864x32xf32, #tpu.memory_space<hbm>> -> memref<1x1664x32xf32, #tpu.memory_space<hbm>>
    %dma_start3A_64 = tpu.memref_squeeze %dma_start3A_63 : memref<1x1664x32xf32, #tpu.memory_space<hbm>> -> memref<1664x32xf32, #tpu.memory_space<hbm>>
    %dma_start3A_65 = arith.constant 1664 : i32
    %dma_start3A_66 = arith.constant 0 : i32
    %dma_start3A_67 = tpu.memref_slice %arg4[%add3A, %dma_start3A_65, %dma_start3A_66] : memref<32x4864x32xf32, #tpu.memory_space<hbm>> -> memref<1x1664x32xf32, #tpu.memory_space<hbm>>
    %dma_start3A_68 = tpu.memref_squeeze %dma_start3A_67 : memref<1x1664x32xf32, #tpu.memory_space<hbm>> -> memref<1664x32xf32, #tpu.memory_space<hbm>>
    %dma_start3A_69 = arith.constant 0 : i32
    %dma_start3A_70 = arith.constant 0 : i32
    %dma_start3A_71 = tpu.memref_slice %arg6[%dma_start3A_56, %dma_start3A_69, %dma_start3A_70] : memref<2x1664x32xf32, #tpu.memory_space<vmem>> -> memref<1x1664x32xf32, #tpu.memory_space<vmem>>
    %dma_start3A_72 = tpu.memref_squeeze %dma_start3A_71 : memref<1x1664x32xf32, #tpu.memory_space<vmem>> -> memref<1664x32xf32, #tpu.memory_space<vmem>>
    tpu.enqueue_dma source(%dma_start3A_72 : memref<1664x32xf32, #tpu.memory_space<vmem>>) target(%dma_start3A_68 : memref<1664x32xf32, #tpu.memory_space<hbm>>) target_semaphore(%arg9 : memref<!tpu.dma_semaphore, #tpu.memory_space<semaphore_mem>>)
    %dma_wait3A_73 = arith.constant 0 : i32
    %dma_wait3A_74 = arith.constant 0 : i32
    %dma_wait3A_75 = arith.constant 0 : i32
    %dma_wait3A_76 = tpu.memref_slice %arg6[%dma_wait3A_73, %dma_wait3A_74, %dma_wait3A_75] : memref<2x1664x32xf32, #tpu.memory_space<vmem>> -> memref<1x1664x32xf32, #tpu.memory_space<vmem>>
    %dma_wait3A_77 = tpu.memref_squeeze %dma_wait3A_76 : memref<1x1664x32xf32, #tpu.memory_space<vmem>> -> memref<1664x32xf32, #tpu.memory_space<vmem>>
    %dma_wait3A_78 = arith.constant 0 : i32
    %dma_wait3A_79 = arith.constant 0 : i32
    %dma_wait3A_80 = tpu.memref_slice %arg4[%add3A, %dma_wait3A_78, %dma_wait3A_79] : memref<32x4864x32xf32, #tpu.memory_space<hbm>> -> memref<1x1664x32xf32, #tpu.memory_space<hbm>>
    %dma_wait3A_81 = tpu.memref_squeeze %dma_wait3A_80 : memref<1x1664x32xf32, #tpu.memory_space<hbm>> -> memref<1664x32xf32, #tpu.memory_space<hbm>>
    %dma_wait3A_82 = arith.constant 0 : i32
    %dma_wait3A_83 = arith.constant 0 : i32
    %dma_wait3A_84 = tpu.memref_slice %arg4[%add3A, %dma_wait3A_82, %dma_wait3A_83] : memref<32x4864x32xf32, #tpu.memory_space<hbm>> -> memref<1x1664x32xf32, #tpu.memory_space<hbm>>
    %dma_wait3A_85 = tpu.memref_squeeze %dma_wait3A_84 : memref<1x1664x32xf32, #tpu.memory_space<hbm>> -> memref<1664x32xf32, #tpu.memory_space<hbm>>
    %dma_wait3A_86 = arith.constant 0 : i32
    %dma_wait3A_87 = arith.constant 0 : i32
    %dma_wait3A_88 = tpu.memref_slice %arg6[%dma_wait3A_73, %dma_wait3A_86, %dma_wait3A_87] : memref<2x1664x32xf32, #tpu.memory_space<vmem>> -> memref<1x1664x32xf32, #tpu.memory_space<vmem>>
    %dma_wait3A_89 = tpu.memref_squeeze %dma_wait3A_88 : memref<1x1664x32xf32, #tpu.memory_space<vmem>> -> memref<1664x32xf32, #tpu.memory_space<vmem>>
    tpu.wait_dma2 semaphore(%arg8 : memref<!tpu.dma_semaphore, #tpu.memory_space<semaphore_mem>>) src(%dma_wait3A_89 : memref<1664x32xf32, #tpu.memory_space<vmem>>) dst(%dma_wait3A_85 : memref<1664x32xf32, #tpu.memory_space<hbm>>)
    %dma_start3A_90 = arith.constant 0 : i32
    %dma_start3A_91 = arith.constant 0 : i32
    %dma_start3A_92 = arith.constant 0 : i32
    %dma_start3A_93 = tpu.memref_slice %arg6[%dma_start3A_90, %dma_start3A_91, %dma_start3A_92] : memref<2x1664x32xf32, #tpu.memory_space<vmem>> -> memref<1x1536x32xf32, #tpu.memory_space<vmem>>
    %dma_start3A_94 = tpu.memref_squeeze %dma_start3A_93 : memref<1x1536x32xf32, #tpu.memory_space<vmem>> -> memref<1536x32xf32, #tpu.memory_space<vmem>>
    %dma_start3A_95 = arith.constant 3328 : i32
    %dma_start3A_96 = tpu.memref_slice %arg5[%dma_start3A_95] : memref<4864xi32, #tpu.memory_space<vmem>> -> memref<1536xi32, #tpu.memory_space<vmem>>
    %dma_start3A_97 = arith.constant 0 : i32
    %dma_start3A_98 = arith.constant 0 : i32
    %dma_start3A_99 = tpu.memref_slice %arg2[%dma_start3A_97, %dma_start3A_98] : memref<20480x32xf32, #tpu.memory_space<hbm>> -> memref<20480x32xf32, #tpu.memory_space<hbm>>
    tpu.enqueue_indirect_dma source(%dma_start3A_99 : memref<20480x32xf32, #tpu.memory_space<hbm>>) target(%dma_start3A_94 : memref<1536x32xf32, #tpu.memory_space<vmem>>) offsets(%dma_start3A_96 : memref<1536xi32, #tpu.memory_space<vmem>>) semaphore(%arg7 : memref<!tpu.dma_semaphore, #tpu.memory_space<semaphore_mem>>)
    %dma_wait3A_100 = arith.constant 0 : i32
    %dma_wait3A_101 = arith.constant 0 : i32
    %dma_wait3A_102 = arith.constant 0 : i32
    %dma_wait3A_103 = tpu.memref_slice %arg6[%dma_wait3A_100, %dma_wait3A_101, %dma_wait3A_102] : memref<2x1664x32xf32, #tpu.memory_space<vmem>> -> memref<1x1536x32xf32, #tpu.memory_space<vmem>>
    %dma_wait3A_104 = tpu.memref_squeeze %dma_wait3A_103 : memref<1x1536x32xf32, #tpu.memory_space<vmem>> -> memref<1536x32xf32, #tpu.memory_space<vmem>>
    %dma_wait3A_105 = arith.constant 3328 : i32
    %dma_wait3A_106 = tpu.memref_slice %arg5[%dma_wait3A_105] : memref<4864xi32, #tpu.memory_space<vmem>> -> memref<1536xi32, #tpu.memory_space<vmem>>
    %dma_wait3A_107 = arith.constant 0 : i32
    %dma_wait3A_108 = arith.constant 0 : i32
    %dma_wait3A_109 = tpu.memref_slice %arg2[%dma_wait3A_107, %dma_wait3A_108] : memref<20480x32xf32, #tpu.memory_space<hbm>> -> memref<20480x32xf32, #tpu.memory_space<hbm>>
    tpu.wait_indirect_dma semaphore(%arg7 : memref<!tpu.dma_semaphore, #tpu.memory_space<semaphore_mem>>) src(%dma_wait3A_109 : memref<20480x32xf32, #tpu.memory_space<hbm>>) dst(%dma_wait3A_104 : memref<1536x32xf32, #tpu.memory_space<vmem>>)
    %dma_start3A_110 = arith.constant 0 : i32
    %dma_start3A_111 = arith.constant 0 : i32
    %dma_start3A_112 = arith.constant 0 : i32
    %dma_start3A_113 = tpu.memref_slice %arg6[%dma_start3A_110, %dma_start3A_111, %dma_start3A_112] : memref<2x1664x32xf32, #tpu.memory_space<vmem>> -> memref<1x1536x32xf32, #tpu.memory_space<vmem>>
    %dma_start3A_114 = tpu.memref_squeeze %dma_start3A_113 : memref<1x1536x32xf32, #tpu.memory_space<vmem>> -> memref<1536x32xf32, #tpu.memory_space<vmem>>
    %dma_start3A_115 = arith.constant 3328 : i32
    %dma_start3A_116 = arith.constant 0 : i32
    %dma_start3A_117 = tpu.memref_slice %arg4[%add3A, %dma_start3A_115, %dma_start3A_116] : memref<32x4864x32xf32, #tpu.memory_space<hbm>> -> memref<1x1536x32xf32, #tpu.memory_space<hbm>>
    %dma_start3A_118 = tpu.memref_squeeze %dma_start3A_117 : memref<1x1536x32xf32, #tpu.memory_space<hbm>> -> memref<1536x32xf32, #tpu.memory_space<hbm>>
    %dma_start3A_119 = arith.constant 3328 : i32
    %dma_start3A_120 = arith.constant 0 : i32
    %dma_start3A_121 = tpu.memref_slice %arg4[%add3A, %dma_start3A_119, %dma_start3A_120] : memref<32x4864x32xf32, #tpu.memory_space<hbm>> -> memref<1x1536x32xf32, #tpu.memory_space<hbm>>
    %dma_start3A_122 = tpu.memref_squeeze %dma_start3A_121 : memref<1x1536x32xf32, #tpu.memory_space<hbm>> -> memref<1536x32xf32, #tpu.memory_space<hbm>>
    %dma_start3A_123 = arith.constant 0 : i32
    %dma_start3A_124 = arith.constant 0 : i32
    %dma_start3A_125 = tpu.memref_slice %arg6[%dma_start3A_110, %dma_start3A_123, %dma_start3A_124] : memref<2x1664x32xf32, #tpu.memory_space<vmem>> -> memref<1x1536x32xf32, #tpu.memory_space<vmem>>
    %dma_start3A_126 = tpu.memref_squeeze %dma_start3A_125 : memref<1x1536x32xf32, #tpu.memory_space<vmem>> -> memref<1536x32xf32, #tpu.memory_space<vmem>>
    tpu.enqueue_dma source(%dma_start3A_126 : memref<1536x32xf32, #tpu.memory_space<vmem>>) target(%dma_start3A_122 : memref<1536x32xf32, #tpu.memory_space<hbm>>) target_semaphore(%arg8 : memref<!tpu.dma_semaphore, #tpu.memory_space<semaphore_mem>>)
    %dma_wait3A_127 = arith.constant 0 : i32
    %dma_wait3A_128 = arith.constant 0 : i32
    %dma_wait3A_129 = arith.constant 0 : i32
    %dma_wait3A_130 = tpu.memref_slice %arg6[%dma_wait3A_127, %dma_wait3A_128, %dma_wait3A_129] : memref<2x1664x32xf32, #tpu.memory_space<vmem>> -> memref<1x1536x32xf32, #tpu.memory_space<vmem>>
    %dma_wait3A_131 = tpu.memref_squeeze %dma_wait3A_130 : memref<1x1536x32xf32, #tpu.memory_space<vmem>> -> memref<1536x32xf32, #tpu.memory_space<vmem>>
    %dma_wait3A_132 = arith.constant 3328 : i32
    %dma_wait3A_133 = arith.constant 0 : i32
    %dma_wait3A_134 = tpu.memref_slice %arg4[%add3A, %dma_wait3A_132, %dma_wait3A_133] : memref<32x4864x32xf32, #tpu.memory_space<hbm>> -> memref<1x1536x32xf32, #tpu.memory_space<hbm>>
    %dma_wait3A_135 = tpu.memref_squeeze %dma_wait3A_134 : memref<1x1536x32xf32, #tpu.memory_space<hbm>> -> memref<1536x32xf32, #tpu.memory_space<hbm>>
    %dma_wait3A_136 = arith.constant 3328 : i32
    %dma_wait3A_137 = arith.constant 0 : i32
    %dma_wait3A_138 = tpu.memref_slice %arg4[%add3A, %dma_wait3A_136, %dma_wait3A_137] : memref<32x4864x32xf32, #tpu.memory_space<hbm>> -> memref<1x1536x32xf32, #tpu.memory_space<hbm>>
    %dma_wait3A_139 = tpu.memref_squeeze %dma_wait3A_138 : memref<1x1536x32xf32, #tpu.memory_space<hbm>> -> memref<1536x32xf32, #tpu.memory_space<hbm>>
    %dma_wait3A_140 = arith.constant 0 : i32
    %dma_wait3A_141 = arith.constant 0 : i32
    %dma_wait3A_142 = tpu.memref_slice %arg6[%dma_wait3A_127, %dma_wait3A_140, %dma_wait3A_141] : memref<2x1664x32xf32, #tpu.memory_space<vmem>> -> memref<1x1536x32xf32, #tpu.memory_space<vmem>>
    %dma_wait3A_143 = tpu.memref_squeeze %dma_wait3A_142 : memref<1x1536x32xf32, #tpu.memory_space<vmem>> -> memref<1536x32xf32, #tpu.memory_space<vmem>>
    tpu.wait_dma2 semaphore(%arg8 : memref<!tpu.dma_semaphore, #tpu.memory_space<semaphore_mem>>) src(%dma_wait3A_143 : memref<1536x32xf32, #tpu.memory_space<vmem>>) dst(%dma_wait3A_139 : memref<1536x32xf32, #tpu.memory_space<hbm>>)
    %dma_wait3A_144 = arith.constant 1 : i32
    %dma_wait3A_145 = arith.constant 0 : i32
    %dma_wait3A_146 = arith.constant 0 : i32
    %dma_wait3A_147 = tpu.memref_slice %arg6[%dma_wait3A_144, %dma_wait3A_145, %dma_wait3A_146] : memref<2x1664x32xf32, #tpu.memory_space<vmem>> -> memref<1x1664x32xf32, #tpu.memory_space<vmem>>
    %dma_wait3A_148 = tpu.memref_squeeze %dma_wait3A_147 : memref<1x1664x32xf32, #tpu.memory_space<vmem>> -> memref<1664x32xf32, #tpu.memory_space<vmem>>
    %dma_wait3A_149 = arith.constant 1664 : i32
    %dma_wait3A_150 = arith.constant 0 : i32
    %dma_wait3A_151 = tpu.memref_slice %arg4[%add3A, %dma_wait3A_149, %dma_wait3A_150] : memref<32x4864x32xf32, #tpu.memory_space<hbm>> -> memref<1x1664x32xf32, #tpu.memory_space<hbm>>
    %dma_wait3A_152 = tpu.memref_squeeze %dma_wait3A_151 : memref<1x1664x32xf32, #tpu.memory_space<hbm>> -> memref<1664x32xf32, #tpu.memory_space<hbm>>
    %dma_wait3A_153 = arith.constant 1664 : i32
    %dma_wait3A_154 = arith.constant 0 : i32
    %dma_wait3A_155 = tpu.memref_slice %arg4[%add3A, %dma_wait3A_153, %dma_wait3A_154] : memref<32x4864x32xf32, #tpu.memory_space<hbm>> -> memref<1x1664x32xf32, #tpu.memory_space<hbm>>
    %dma_wait3A_156 = tpu.memref_squeeze %dma_wait3A_155 : memref<1x1664x32xf32, #tpu.memory_space<hbm>> -> memref<1664x32xf32, #tpu.memory_space<hbm>>
    %dma_wait3A_157 = arith.constant 0 : i32
    %dma_wait3A_158 = arith.constant 0 : i32
    %dma_wait3A_159 = tpu.memref_slice %arg6[%dma_wait3A_144, %dma_wait3A_157, %dma_wait3A_158] : memref<2x1664x32xf32, #tpu.memory_space<vmem>> -> memref<1x1664x32xf32, #tpu.memory_space<vmem>>
    %dma_wait3A_160 = tpu.memref_squeeze %dma_wait3A_159 : memref<1x1664x32xf32, #tpu.memory_space<vmem>> -> memref<1664x32xf32, #tpu.memory_space<vmem>>
    tpu.wait_dma2 semaphore(%arg9 : memref<!tpu.dma_semaphore, #tpu.memory_space<semaphore_mem>>) src(%dma_wait3A_160 : memref<1664x32xf32, #tpu.memory_space<vmem>>) dst(%dma_wait3A_156 : memref<1664x32xf32, #tpu.memory_space<hbm>>)
    return
  }
}

#map = affine_map<(d0, d1) -> (0, 0)>
#map1 = affine_map<(d0, d1) -> (0, 0, 0)>
module attributes {stable_mosaic.version = 14 : i64} {
  func.func @k(%arg0: i32, %arg1: i32, %arg2: memref<20480x32xf32, #tpu.memory_space<hbm>>, %arg3: memref<32x4864xi32, #tpu.memory_space<hbm>>, %arg4: memref<32x4864x32xf32, #tpu.memory_space<hbm>>, %arg5: memref<4864xi32, #tpu.memory_space<vmem>>, %arg6: memref<2x1664x32xf32, #tpu.memory_space<vmem>>, %arg7: memref<!tpu.dma_semaphore, #tpu.memory_space<semaphore_mem>>, %arg8: memref<!tpu.dma_semaphore, #tpu.memory_space<semaphore_mem>>, %arg9: memref<!tpu.dma_semaphore, #tpu.memory_space<semaphore_mem>>) attributes {dimension_semantics = [#tpu.dimension_semantics<core_parallel>, #tpu.dimension_semantics<subcore_parallel>], iteration_bounds = array<i64: 2, 16>, scalar_prefetch = 0 : i64, scratch_operands = 5 : i64, tpu.core_type = #tpu.core_type<sc_vector_subcore>, window_params = [{transform_indices = #map}, {transform_indices = #map}, {transform_indices = #map1}]} {
    %mul3A = arith.constant 2 : i32
    %mul3A_0 = arith.muli %arg1, %mul3A : i32
    %add3A = arith.addi %mul3A_0, %arg0 : i32
    "tpu.region"() ({
      %run_scoped3A = tpu.sem_alloc : memref<!tpu.dma_semaphore, #tpu.memory_space<semaphore_mem>>
      %dma_start3A_161 = arith.constant 0 : i32
      %dma_start3A_162 = tpu.memref_slice %arg3[%add3A, %dma_start3A_161] : memref<32x4864xi32, #tpu.memory_space<hbm>> -> memref<1x4864xi32, #tpu.memory_space<hbm>>
      %dma_start3A_163 = tpu.memref_squeeze %dma_start3A_162 : memref<1x4864xi32, #tpu.memory_space<hbm>> -> memref<4864xi32, #tpu.memory_space<hbm>>
      %dma_start3A_164 = arith.constant 0 : i32
      %dma_start3A_165 = tpu.memref_slice %arg3[%add3A, %dma_start3A_164] : memref<32x4864xi32, #tpu.memory_space<hbm>> -> memref<1x4864xi32, #tpu.memory_space<hbm>>
      %dma_start3A_166 = tpu.memref_squeeze %dma_start3A_165 : memref<1x4864xi32, #tpu.memory_space<hbm>> -> memref<4864xi32, #tpu.memory_space<hbm>>
      tpu.enqueue_dma source(%dma_start3A_166 : memref<4864xi32, #tpu.memory_space<hbm>>) target(%arg5 : memref<4864xi32, #tpu.memory_space<vmem>>) target_semaphore(%run_scoped3A : memref<!tpu.dma_semaphore, #tpu.memory_space<semaphore_mem>>)
      %dma_wait3A_167 = arith.constant 0 : i32
      %dma_wait3A_168 = tpu.memref_slice %arg3[%add3A, %dma_wait3A_167] : memref<32x4864xi32, #tpu.memory_space<hbm>> -> memref<1x4864xi32, #tpu.memory_space<hbm>>
      %dma_wait3A_169 = tpu.memref_squeeze %dma_wait3A_168 : memref<1x4864xi32, #tpu.memory_space<hbm>> -> memref<4864xi32, #tpu.memory_space<hbm>>
      %dma_wait3A_170 = arith.constant 0 : i32
      %dma_wait3A_171 = tpu.memref_slice %arg3[%add3A, %dma_wait3A_170] : memref<32x4864xi32, #tpu.memory_space<hbm>> -> memref<1x4864xi32, #tpu.memory_space<hbm>>
      %dma_wait3A_172 = tpu.memref_squeeze %dma_wait3A_171 : memref<1x4864xi32, #tpu.memory_space<hbm>> -> memref<4864xi32, #tpu.memory_space<hbm>>
      tpu.wait_dma2 semaphore(%run_scoped3A : memref<!tpu.dma_semaphore, #tpu.memory_space<semaphore_mem>>) src(%dma_wait3A_172 : memref<4864xi32, #tpu.memory_space<hbm>>) dst(%arg5 : memref<4864xi32, #tpu.memory_space<vmem>>)
      tpu.yield
    }) : () -> ()
    %dma_start3A = arith.constant 0 : i32
    %dma_start3A_1 = arith.constant 0 : i32
    %dma_start3A_2 = arith.constant 0 : i32
    %dma_start3A_3 = tpu.memref_slice %arg6[%dma_start3A, %dma_start3A_1, %dma_start3A_2] : memref<2x1664x32xf32, #tpu.memory_space<vmem>> -> memref<1x1664x32xf32, #tpu.memory_space<vmem>>
    %dma_start3A_4 = tpu.memref_squeeze %dma_start3A_3 : memref<1x1664x32xf32, #tpu.memory_space<vmem>> -> memref<1664x32xf32, #tpu.memory_space<vmem>>
    %dma_start3A_5 = arith.constant 0 : i32
    %dma_start3A_6 = tpu.memref_slice %arg5[%dma_start3A_5] : memref<4864xi32, #tpu.memory_space<vmem>> -> memref<1664xi32, #tpu.memory_space<vmem>>
    %dma_start3A_7 = arith.constant 0 : i32
    %dma_start3A_8 = arith.constant 0 : i32
    %dma_start3A_9 = tpu.memref_slice %arg2[%dma_start3A_7, %dma_start3A_8] : memref<20480x32xf32, #tpu.memory_space<hbm>> -> memref<20480x32xf32, #tpu.memory_space<hbm>>
    tpu.enqueue_indirect_dma source(%dma_start3A_9 : memref<20480x32xf32, #tpu.memory_space<hbm>>) target(%dma_start3A_4 : memref<1664x32xf32, #tpu.memory_space<vmem>>) offsets(%dma_start3A_6 : memref<1664xi32, #tpu.memory_space<vmem>>) semaphore(%arg7 : memref<!tpu.dma_semaphore, #tpu.memory_space<semaphore_mem>>)
    %dma_wait3A = arith.constant 0 : i32
    %dma_wait3A_10 = arith.constant 0 : i32
    %dma_wait3A_11 = arith.constant 0 : i32
    %dma_wait3A_12 = tpu.memref_slice %arg6[%dma_wait3A, %dma_wait3A_10, %dma_wait3A_11] : memref<2x1664x32xf32, #tpu.memory_space<vmem>> -> memref<1x1664x32xf32, #tpu.memory_space<vmem>>
    %dma_wait3A_13 = tpu.memref_squeeze %dma_wait3A_12 : memref<1x1664x32xf32, #tpu.memory_space<vmem>> -> memref<1664x32xf32, #tpu.memory_space<vmem>>
    %dma_wait3A_14 = arith.constant 0 : i32
    %dma_wait3A_15 = tpu.memref_slice %arg5[%dma_wait3A_14] : memref<4864xi32, #tpu.memory_space<vmem>> -> memref<1664xi32, #tpu.memory_space<vmem>>
    %dma_wait3A_16 = arith.constant 0 : i32
    %dma_wait3A_17 = arith.constant 0 : i32
    %dma_wait3A_18 = tpu.memref_slice %arg2[%dma_wait3A_16, %dma_wait3A_17] : memref<20480x32xf32, #tpu.memory_space<hbm>> -> memref<20480x32xf32, #tpu.memory_space<hbm>>
    tpu.wait_indirect_dma semaphore(%arg7 : memref<!tpu.dma_semaphore, #tpu.memory_space<semaphore_mem>>) src(%dma_wait3A_18 : memref<20480x32xf32, #tpu.memory_space<hbm>>) dst(%dma_wait3A_13 : memref<1664x32xf32, #tpu.memory_space<vmem>>)
    %dma_start3A_19 = arith.constant 0 : i32
    %dma_start3A_20 = arith.constant 0 : i32
    %dma_start3A_21 = arith.constant 0 : i32
    %dma_start3A_22 = tpu.memref_slice %arg6[%dma_start3A_19, %dma_start3A_20, %dma_start3A_21] : memref<2x1664x32xf32, #tpu.memory_space<vmem>> -> memref<1x1664x32xf32, #tpu.memory_space<vmem>>
    %dma_start3A_23 = tpu.memref_squeeze %dma_start3A_22 : memref<1x1664x32xf32, #tpu.memory_space<vmem>> -> memref<1664x32xf32, #tpu.memory_space<vmem>>
    %dma_start3A_24 = arith.constant 0 : i32
    %dma_start3A_25 = arith.constant 0 : i32
    %dma_start3A_26 = tpu.memref_slice %arg4[%add3A, %dma_start3A_24, %dma_start3A_25] : memref<32x4864x32xf32, #tpu.memory_space<hbm>> -> memref<1x1664x32xf32, #tpu.memory_space<hbm>>
    %dma_start3A_27 = tpu.memref_squeeze %dma_start3A_26 : memref<1x1664x32xf32, #tpu.memory_space<hbm>> -> memref<1664x32xf32, #tpu.memory_space<hbm>>
    %dma_start3A_28 = arith.constant 0 : i32
    %dma_start3A_29 = arith.constant 0 : i32
    %dma_start3A_30 = tpu.memref_slice %arg4[%add3A, %dma_start3A_28, %dma_start3A_29] : memref<32x4864x32xf32, #tpu.memory_space<hbm>> -> memref<1x1664x32xf32, #tpu.memory_space<hbm>>
    %dma_start3A_31 = tpu.memref_squeeze %dma_start3A_30 : memref<1x1664x32xf32, #tpu.memory_space<hbm>> -> memref<1664x32xf32, #tpu.memory_space<hbm>>
    %dma_start3A_32 = arith.constant 0 : i32
    %dma_start3A_33 = arith.constant 0 : i32
    %dma_start3A_34 = tpu.memref_slice %arg6[%dma_start3A_19, %dma_start3A_32, %dma_start3A_33] : memref<2x1664x32xf32, #tpu.memory_space<vmem>> -> memref<1x1664x32xf32, #tpu.memory_space<vmem>>
    %dma_start3A_35 = tpu.memref_squeeze %dma_start3A_34 : memref<1x1664x32xf32, #tpu.memory_space<vmem>> -> memref<1664x32xf32, #tpu.memory_space<vmem>>
    tpu.enqueue_dma source(%dma_start3A_35 : memref<1664x32xf32, #tpu.memory_space<vmem>>) target(%dma_start3A_31 : memref<1664x32xf32, #tpu.memory_space<hbm>>) target_semaphore(%arg8 : memref<!tpu.dma_semaphore, #tpu.memory_space<semaphore_mem>>)
    %dma_start3A_36 = arith.constant 1 : i32
    %dma_start3A_37 = arith.constant 0 : i32
    %dma_start3A_38 = arith.constant 0 : i32
    %dma_start3A_39 = tpu.memref_slice %arg6[%dma_start3A_36, %dma_start3A_37, %dma_start3A_38] : memref<2x1664x32xf32, #tpu.memory_space<vmem>> -> memref<1x1664x32xf32, #tpu.memory_space<vmem>>
    %dma_start3A_40 = tpu.memref_squeeze %dma_start3A_39 : memref<1x1664x32xf32, #tpu.memory_space<vmem>> -> memref<1664x32xf32, #tpu.memory_space<vmem>>
    %dma_start3A_41 = arith.constant 1664 : i32
    %dma_start3A_42 = tpu.memref_slice %arg5[%dma_start3A_41] : memref<4864xi32, #tpu.memory_space<vmem>> -> memref<1664xi32, #tpu.memory_space<vmem>>
    %dma_start3A_43 = arith.constant 0 : i32
    %dma_start3A_44 = arith.constant 0 : i32
    %dma_start3A_45 = tpu.memref_slice %arg2[%dma_start3A_43, %dma_start3A_44] : memref<20480x32xf32, #tpu.memory_space<hbm>> -> memref<20480x32xf32, #tpu.memory_space<hbm>>
    tpu.enqueue_indirect_dma source(%dma_start3A_45 : memref<20480x32xf32, #tpu.memory_space<hbm>>) target(%dma_start3A_40 : memref<1664x32xf32, #tpu.memory_space<vmem>>) offsets(%dma_start3A_42 : memref<1664xi32, #tpu.memory_space<vmem>>) semaphore(%arg7 : memref<!tpu.dma_semaphore, #tpu.memory_space<semaphore_mem>>)
    %dma_wait3A_46 = arith.constant 1 : i32
    %dma_wait3A_47 = arith.constant 0 : i32
    %dma_wait3A_48 = arith.constant 0 : i32
    %dma_wait3A_49 = tpu.memref_slice %arg6[%dma_wait3A_46, %dma_wait3A_47, %dma_wait3A_48] : memref<2x1664x32xf32, #tpu.memory_space<vmem>> -> memref<1x1664x32xf32, #tpu.memory_space<vmem>>
    %dma_wait3A_50 = tpu.memref_squeeze %dma_wait3A_49 : memref<1x1664x32xf32, #tpu.memory_space<vmem>> -> memref<1664x32xf32, #tpu.memory_space<vmem>>
    %dma_wait3A_51 = arith.constant 1664 : i32
    %dma_wait3A_52 = tpu.memref_slice %arg5[%dma_wait3A_51] : memref<4864xi32, #tpu.memory_space<vmem>> -> memref<1664xi32, #tpu.memory_space<vmem>>
    %dma_wait3A_53 = arith.constant 0 : i32
    %dma_wait3A_54 = arith.constant 0 : i32
    %dma_wait3A_55 = tpu.memref_slice %arg2[%dma_wait3A_53, %dma_wait3A_54] : memref<20480x32xf32, #tpu.memory_space<hbm>> -> memref<20480x32xf32, #tpu.memory_space<hbm>>
    tpu.wait_indirect_dma semaphore(%arg7 : memref<!tpu.dma_semaphore, #tpu.memory_space<semaphore_mem>>) src(%dma_wait3A_55 : memref<20480x32xf32, #tpu.memory_space<hbm>>) dst(%dma_wait3A_50 : memref<1664x32xf32, #tpu.memory_space<vmem>>)
    %dma_start3A_56 = arith.constant 1 : i32
    %dma_start3A_57 = arith.constant 0 : i32
    %dma_start3A_58 = arith.constant 0 : i32
    %dma_start3A_59 = tpu.memref_slice %arg6[%dma_start3A_56, %dma_start3A_57, %dma_start3A_58] : memref<2x1664x32xf32, #tpu.memory_space<vmem>> -> memref<1x1664x32xf32, #tpu.memory_space<vmem>>
    %dma_start3A_60 = tpu.memref_squeeze %dma_start3A_59 : memref<1x1664x32xf32, #tpu.memory_space<vmem>> -> memref<1664x32xf32, #tpu.memory_space<vmem>>
    %dma_start3A_61 = arith.constant 1664 : i32
    %dma_start3A_62 = arith.constant 0 : i32
    %dma_start3A_63 = tpu.memref_slice %arg4[%add3A, %dma_start3A_61, %dma_start3A_62] : memref<32x4864x32xf32, #tpu.memory_space<hbm>> -> memref<1x1664x32xf32, #tpu.memory_space<hbm>>
    %dma_start3A_64 = tpu.memref_squeeze %dma_start3A_63 : memref<1x1664x32xf32, #tpu.memory_space<hbm>> -> memref<1664x32xf32, #tpu.memory_space<hbm>>
    %dma_start3A_65 = arith.constant 1664 : i32
    %dma_start3A_66 = arith.constant 0 : i32
    %dma_start3A_67 = tpu.memref_slice %arg4[%add3A, %dma_start3A_65, %dma_start3A_66] : memref<32x4864x32xf32, #tpu.memory_space<hbm>> -> memref<1x1664x32xf32, #tpu.memory_space<hbm>>
    %dma_start3A_68 = tpu.memref_squeeze %dma_start3A_67 : memref<1x1664x32xf32, #tpu.memory_space<hbm>> -> memref<1664x32xf32, #tpu.memory_space<hbm>>
    %dma_start3A_69 = arith.constant 0 : i32
    %dma_start3A_70 = arith.constant 0 : i32
    %dma_start3A_71 = tpu.memref_slice %arg6[%dma_start3A_56, %dma_start3A_69, %dma_start3A_70] : memref<2x1664x32xf32, #tpu.memory_space<vmem>> -> memref<1x1664x32xf32, #tpu.memory_space<vmem>>
    %dma_start3A_72 = tpu.memref_squeeze %dma_start3A_71 : memref<1x1664x32xf32, #tpu.memory_space<vmem>> -> memref<1664x32xf32, #tpu.memory_space<vmem>>
    tpu.enqueue_dma source(%dma_start3A_72 : memref<1664x32xf32, #tpu.memory_space<vmem>>) target(%dma_start3A_68 : memref<1664x32xf32, #tpu.memory_space<hbm>>) target_semaphore(%arg9 : memref<!tpu.dma_semaphore, #tpu.memory_space<semaphore_mem>>)
    %dma_wait3A_73 = arith.constant 0 : i32
    %dma_wait3A_74 = arith.constant 0 : i32
    %dma_wait3A_75 = arith.constant 0 : i32
    %dma_wait3A_76 = tpu.memref_slice %arg6[%dma_wait3A_73, %dma_wait3A_74, %dma_wait3A_75] : memref<2x1664x32xf32, #tpu.memory_space<vmem>> -> memref<1x1664x32xf32, #tpu.memory_space<vmem>>
    %dma_wait3A_77 = tpu.memref_squeeze %dma_wait3A_76 : memref<1x1664x32xf32, #tpu.memory_space<vmem>> -> memref<1664x32xf32, #tpu.memory_space<vmem>>
    %dma_wait3A_78 = arith.constant 0 : i32
    %dma_wait3A_79 = arith.constant 0 : i32
    %dma_wait3A_80 = tpu.memref_slice %arg4[%add3A, %dma_wait3A_78, %dma_wait3A_79] : memref<32x4864x32xf32, #tpu.memory_space<hbm>> -> memref<1x1664x32xf32, #tpu.memory_space<hbm>>
    %dma_wait3A_81 = tpu.memref_squeeze %dma_wait3A_80 : memref<1x1664x32xf32, #tpu.memory_space<hbm>> -> memref<1664x32xf32, #tpu.memory_space<hbm>>
    %dma_wait3A_82 = arith.constant 0 : i32
    %dma_wait3A_83 = arith.constant 0 : i32
    %dma_wait3A_84 = tpu.memref_slice %arg4[%add3A, %dma_wait3A_82, %dma_wait3A_83] : memref<32x4864x32xf32, #tpu.memory_space<hbm>> -> memref<1x1664x32xf32, #tpu.memory_space<hbm>>
    %dma_wait3A_85 = tpu.memref_squeeze %dma_wait3A_84 : memref<1x1664x32xf32, #tpu.memory_space<hbm>> -> memref<1664x32xf32, #tpu.memory_space<hbm>>
    %dma_wait3A_86 = arith.constant 0 : i32
    %dma_wait3A_87 = arith.constant 0 : i32
    %dma_wait3A_88 = tpu.memref_slice %arg6[%dma_wait3A_73, %dma_wait3A_86, %dma_wait3A_87] : memref<2x1664x32xf32, #tpu.memory_space<vmem>> -> memref<1x1664x32xf32, #tpu.memory_space<vmem>>
    %dma_wait3A_89 = tpu.memref_squeeze %dma_wait3A_88 : memref<1x1664x32xf32, #tpu.memory_space<vmem>> -> memref<1664x32xf32, #tpu.memory_space<vmem>>
    tpu.wait_dma2 semaphore(%arg8 : memref<!tpu.dma_semaphore, #tpu.memory_space<semaphore_mem>>) src(%dma_wait3A_89 : memref<1664x32xf32, #tpu.memory_space<vmem>>) dst(%dma_wait3A_85 : memref<1664x32xf32, #tpu.memory_space<hbm>>)
    %dma_start3A_90 = arith.constant 0 : i32
    %dma_start3A_91 = arith.constant 0 : i32
    %dma_start3A_92 = arith.constant 0 : i32
    %dma_start3A_93 = tpu.memref_slice %arg6[%dma_start3A_90, %dma_start3A_91, %dma_start3A_92] : memref<2x1664x32xf32, #tpu.memory_space<vmem>> -> memref<1x1536x32xf32, #tpu.memory_space<vmem>>
    %dma_start3A_94 = tpu.memref_squeeze %dma_start3A_93 : memref<1x1536x32xf32, #tpu.memory_space<vmem>> -> memref<1536x32xf32, #tpu.memory_space<vmem>>
    %dma_start3A_95 = arith.constant 3328 : i32
    %dma_start3A_96 = tpu.memref_slice %arg5[%dma_start3A_95] : memref<4864xi32, #tpu.memory_space<vmem>> -> memref<1536xi32, #tpu.memory_space<vmem>>
    %dma_start3A_97 = arith.constant 0 : i32
    %dma_start3A_98 = arith.constant 0 : i32
    %dma_start3A_99 = tpu.memref_slice %arg2[%dma_start3A_97, %dma_start3A_98] : memref<20480x32xf32, #tpu.memory_space<hbm>> -> memref<20480x32xf32, #tpu.memory_space<hbm>>
    tpu.enqueue_indirect_dma source(%dma_start3A_99 : memref<20480x32xf32, #tpu.memory_space<hbm>>) target(%dma_start3A_94 : memref<1536x32xf32, #tpu.memory_space<vmem>>) offsets(%dma_start3A_96 : memref<1536xi32, #tpu.memory_space<vmem>>) semaphore(%arg7 : memref<!tpu.dma_semaphore, #tpu.memory_space<semaphore_mem>>)
    %dma_wait3A_100 = arith.constant 0 : i32
    %dma_wait3A_101 = arith.constant 0 : i32
    %dma_wait3A_102 = arith.constant 0 : i32
    %dma_wait3A_103 = tpu.memref_slice %arg6[%dma_wait3A_100, %dma_wait3A_101, %dma_wait3A_102] : memref<2x1664x32xf32, #tpu.memory_space<vmem>> -> memref<1x1536x32xf32, #tpu.memory_space<vmem>>
    %dma_wait3A_104 = tpu.memref_squeeze %dma_wait3A_103 : memref<1x1536x32xf32, #tpu.memory_space<vmem>> -> memref<1536x32xf32, #tpu.memory_space<vmem>>
    %dma_wait3A_105 = arith.constant 3328 : i32
    %dma_wait3A_106 = tpu.memref_slice %arg5[%dma_wait3A_105] : memref<4864xi32, #tpu.memory_space<vmem>> -> memref<1536xi32, #tpu.memory_space<vmem>>
    %dma_wait3A_107 = arith.constant 0 : i32
    %dma_wait3A_108 = arith.constant 0 : i32
    %dma_wait3A_109 = tpu.memref_slice %arg2[%dma_wait3A_107, %dma_wait3A_108] : memref<20480x32xf32, #tpu.memory_space<hbm>> -> memref<20480x32xf32, #tpu.memory_space<hbm>>
    tpu.wait_indirect_dma semaphore(%arg7 : memref<!tpu.dma_semaphore, #tpu.memory_space<semaphore_mem>>) src(%dma_wait3A_109 : memref<20480x32xf32, #tpu.memory_space<hbm>>) dst(%dma_wait3A_104 : memref<1536x32xf32, #tpu.memory_space<vmem>>)
    %dma_start3A_110 = arith.constant 0 : i32
    %dma_start3A_111 = arith.constant 0 : i32
    %dma_start3A_112 = arith.constant 0 : i32
    %dma_start3A_113 = tpu.memref_slice %arg6[%dma_start3A_110, %dma_start3A_111, %dma_start3A_112] : memref<2x1664x32xf32, #tpu.memory_space<vmem>> -> memref<1x1536x32xf32, #tpu.memory_space<vmem>>
    %dma_start3A_114 = tpu.memref_squeeze %dma_start3A_113 : memref<1x1536x32xf32, #tpu.memory_space<vmem>> -> memref<1536x32xf32, #tpu.memory_space<vmem>>
    %dma_start3A_115 = arith.constant 3328 : i32
    %dma_start3A_116 = arith.constant 0 : i32
    %dma_start3A_117 = tpu.memref_slice %arg4[%add3A, %dma_start3A_115, %dma_start3A_116] : memref<32x4864x32xf32, #tpu.memory_space<hbm>> -> memref<1x1536x32xf32, #tpu.memory_space<hbm>>
    %dma_start3A_118 = tpu.memref_squeeze %dma_start3A_117 : memref<1x1536x32xf32, #tpu.memory_space<hbm>> -> memref<1536x32xf32, #tpu.memory_space<hbm>>
    %dma_start3A_119 = arith.constant 3328 : i32
    %dma_start3A_120 = arith.constant 0 : i32
    %dma_start3A_121 = tpu.memref_slice %arg4[%add3A, %dma_start3A_119, %dma_start3A_120] : memref<32x4864x32xf32, #tpu.memory_space<hbm>> -> memref<1x1536x32xf32, #tpu.memory_space<hbm>>
    %dma_start3A_122 = tpu.memref_squeeze %dma_start3A_121 : memref<1x1536x32xf32, #tpu.memory_space<hbm>> -> memref<1536x32xf32, #tpu.memory_space<hbm>>
    %dma_start3A_123 = arith.constant 0 : i32
    %dma_start3A_124 = arith.constant 0 : i32
    %dma_start3A_125 = tpu.memref_slice %arg6[%dma_start3A_110, %dma_start3A_123, %dma_start3A_124] : memref<2x1664x32xf32, #tpu.memory_space<vmem>> -> memref<1x1536x32xf32, #tpu.memory_space<vmem>>
    %dma_start3A_126 = tpu.memref_squeeze %dma_start3A_125 : memref<1x1536x32xf32, #tpu.memory_space<vmem>> -> memref<1536x32xf32, #tpu.memory_space<vmem>>
    tpu.enqueue_dma source(%dma_start3A_126 : memref<1536x32xf32, #tpu.memory_space<vmem>>) target(%dma_start3A_122 : memref<1536x32xf32, #tpu.memory_space<hbm>>) target_semaphore(%arg8 : memref<!tpu.dma_semaphore, #tpu.memory_space<semaphore_mem>>)
    %dma_wait3A_127 = arith.constant 0 : i32
    %dma_wait3A_128 = arith.constant 0 : i32
    %dma_wait3A_129 = arith.constant 0 : i32
    %dma_wait3A_130 = tpu.memref_slice %arg6[%dma_wait3A_127, %dma_wait3A_128, %dma_wait3A_129] : memref<2x1664x32xf32, #tpu.memory_space<vmem>> -> memref<1x1536x32xf32, #tpu.memory_space<vmem>>
    %dma_wait3A_131 = tpu.memref_squeeze %dma_wait3A_130 : memref<1x1536x32xf32, #tpu.memory_space<vmem>> -> memref<1536x32xf32, #tpu.memory_space<vmem>>
    %dma_wait3A_132 = arith.constant 3328 : i32
    %dma_wait3A_133 = arith.constant 0 : i32
    %dma_wait3A_134 = tpu.memref_slice %arg4[%add3A, %dma_wait3A_132, %dma_wait3A_133] : memref<32x4864x32xf32, #tpu.memory_space<hbm>> -> memref<1x1536x32xf32, #tpu.memory_space<hbm>>
    %dma_wait3A_135 = tpu.memref_squeeze %dma_wait3A_134 : memref<1x1536x32xf32, #tpu.memory_space<hbm>> -> memref<1536x32xf32, #tpu.memory_space<hbm>>
    %dma_wait3A_136 = arith.constant 3328 : i32
    %dma_wait3A_137 = arith.constant 0 : i32
    %dma_wait3A_138 = tpu.memref_slice %arg4[%add3A, %dma_wait3A_136, %dma_wait3A_137] : memref<32x4864x32xf32, #tpu.memory_space<hbm>> -> memref<1x1536x32xf32, #tpu.memory_space<hbm>>
    %dma_wait3A_139 = tpu.memref_squeeze %dma_wait3A_138 : memref<1x1536x32xf32, #tpu.memory_space<hbm>> -> memref<1536x32xf32, #tpu.memory_space<hbm>>
    %dma_wait3A_140 = arith.constant 0 : i32
    %dma_wait3A_141 = arith.constant 0 : i32
    %dma_wait3A_142 = tpu.memref_slice %arg6[%dma_wait3A_127, %dma_wait3A_140, %dma_wait3A_141] : memref<2x1664x32xf32, #tpu.memory_space<vmem>> -> memref<1x1536x32xf32, #tpu.memory_space<vmem>>
    %dma_wait3A_143 = tpu.memref_squeeze %dma_wait3A_142 : memref<1x1536x32xf32, #tpu.memory_space<vmem>> -> memref<1536x32xf32, #tpu.memory_space<vmem>>
    tpu.wait_dma2 semaphore(%arg8 : memref<!tpu.dma_semaphore, #tpu.memory_space<semaphore_mem>>) src(%dma_wait3A_143 : memref<1536x32xf32, #tpu.memory_space<vmem>>) dst(%dma_wait3A_139 : memref<1536x32xf32, #tpu.memory_space<hbm>>)
    %dma_wait3A_144 = arith.constant 1 : i32
    %dma_wait3A_145 = arith.constant 0 : i32
    %dma_wait3A_146 = arith.constant 0 : i32
    %dma_wait3A_147 = tpu.memref_slice %arg6[%dma_wait3A_144, %dma_wait3A_145, %dma_wait3A_146] : memref<2x1664x32xf32, #tpu.memory_space<vmem>> -> memref<1x1664x32xf32, #tpu.memory_space<vmem>>
    %dma_wait3A_148 = tpu.memref_squeeze %dma_wait3A_147 : memref<1x1664x32xf32, #tpu.memory_space<vmem>> -> memref<1664x32xf32, #tpu.memory_space<vmem>>
    %dma_wait3A_149 = arith.constant 1664 : i32
    %dma_wait3A_150 = arith.constant 0 : i32
    %dma_wait3A_151 = tpu.memref_slice %arg4[%add3A, %dma_wait3A_149, %dma_wait3A_150] : memref<32x4864x32xf32, #tpu.memory_space<hbm>> -> memref<1x1664x32xf32, #tpu.memory_space<hbm>>
    %dma_wait3A_152 = tpu.memref_squeeze %dma_wait3A_151 : memref<1x1664x32xf32, #tpu.memory_space<hbm>> -> memref<1664x32xf32, #tpu.memory_space<hbm>>
    %dma_wait3A_153 = arith.constant 1664 : i32
    %dma_wait3A_154 = arith.constant 0 : i32
    %dma_wait3A_155 = tpu.memref_slice %arg4[%add3A, %dma_wait3A_153, %dma_wait3A_154] : memref<32x4864x32xf32, #tpu.memory_space<hbm>> -> memref<1x1664x32xf32, #tpu.memory_space<hbm>>
    %dma_wait3A_156 = tpu.memref_squeeze %dma_wait3A_155 : memref<1x1664x32xf32, #tpu.memory_space<hbm>> -> memref<1664x32xf32, #tpu.memory_space<hbm>>
    %dma_wait3A_157 = arith.constant 0 : i32
    %dma_wait3A_158 = arith.constant 0 : i32
    %dma_wait3A_159 = tpu.memref_slice %arg6[%dma_wait3A_144, %dma_wait3A_157, %dma_wait3A_158] : memref<2x1664x32xf32, #tpu.memory_space<vmem>> -> memref<1x1664x32xf32, #tpu.memory_space<vmem>>
    %dma_wait3A_160 = tpu.memref_squeeze %dma_wait3A_159 : memref<1x1664x32xf32, #tpu.memory_space<vmem>> -> memref<1664x32xf32, #tpu.memory_space<vmem>>
    tpu.wait_dma2 semaphore(%arg9 : memref<!tpu.dma_semaphore, #tpu.memory_space<semaphore_mem>>) src(%dma_wait3A_160 : memref<1664x32xf32, #tpu.memory_space<vmem>>) dst(%dma_wait3A_156 : memref<1664x32xf32, #tpu.memory_space<hbm>>)
    return
  }
}

#map = affine_map<(d0, d1) -> (0, 0, 0)>
#map1 = affine_map<(d0, d1) -> (0, 0)>
module attributes {stable_mosaic.version = 14 : i64} {
  func.func @k(%arg0: i32, %arg1: i32, %arg2: memref<32x3200x32xf32, #tpu.memory_space<hbm>>, %arg3: memref<32x3200xi32, #tpu.memory_space<hbm>>, %arg4: memref<53248x16xf32, #tpu.memory_space<hbm>>, %arg5: memref<2x53248x32xf32, #tpu.memory_space<hbm>>, %arg6: memref<3200xi32, #tpu.memory_space<vmem>>, %arg7: memref<2x1664x16xf32, #tpu.memory_space<vmem>>, %arg8: memref<53248x16xf32, #tpu.memory_space<vmem_shared>>, %arg9: memref<!tpu.dma_semaphore, #tpu.memory_space<semaphore_mem>>, %arg10: memref<!tpu.dma_semaphore, #tpu.memory_space<semaphore_mem>>, %arg11: memref<!tpu.dma_semaphore, #tpu.memory_space<semaphore_mem>>) attributes {dimension_semantics = [#tpu.dimension_semantics<core_parallel>, #tpu.dimension_semantics<subcore_parallel>], iteration_bounds = array<i64: 2, 16>, scalar_prefetch = 0 : i64, scratch_operands = 6 : i64, tpu.core_type = #tpu.core_type<sc_vector_subcore>, window_params = [{transform_indices = #map}, {transform_indices = #map1}, {transform_indices = #map1}, {transform_indices = #map}]} {
    %mul3A = arith.constant 2 : i32
    %mul3A_0 = arith.muli %arg1, %mul3A : i32
    %add3A = arith.addi %mul3A_0, %arg0 : i32
    "tpu.region"() ({
      %run_scoped3A = tpu.sem_alloc : memref<!tpu.dma_semaphore, #tpu.memory_space<semaphore_mem>>
      %dma_start3A_236 = arith.constant 0 : i32
      %dma_start3A_237 = tpu.memref_slice %arg3[%add3A, %dma_start3A_236] : memref<32x3200xi32, #tpu.memory_space<hbm>> -> memref<1x3200xi32, #tpu.memory_space<hbm>>
      %dma_start3A_238 = tpu.memref_squeeze %dma_start3A_237 : memref<1x3200xi32, #tpu.memory_space<hbm>> -> memref<3200xi32, #tpu.memory_space<hbm>>
      %dma_start3A_239 = arith.constant 0 : i32
      %dma_start3A_240 = tpu.memref_slice %arg3[%add3A, %dma_start3A_239] : memref<32x3200xi32, #tpu.memory_space<hbm>> -> memref<1x3200xi32, #tpu.memory_space<hbm>>
      %dma_start3A_241 = tpu.memref_squeeze %dma_start3A_240 : memref<1x3200xi32, #tpu.memory_space<hbm>> -> memref<3200xi32, #tpu.memory_space<hbm>>
      tpu.enqueue_dma source(%dma_start3A_241 : memref<3200xi32, #tpu.memory_space<hbm>>) target(%arg6 : memref<3200xi32, #tpu.memory_space<vmem>>) target_semaphore(%run_scoped3A : memref<!tpu.dma_semaphore, #tpu.memory_space<semaphore_mem>>)
      %dma_wait3A_242 = arith.constant 0 : i32
      %dma_wait3A_243 = tpu.memref_slice %arg3[%add3A, %dma_wait3A_242] : memref<32x3200xi32, #tpu.memory_space<hbm>> -> memref<1x3200xi32, #tpu.memory_space<hbm>>
      %dma_wait3A_244 = tpu.memref_squeeze %dma_wait3A_243 : memref<1x3200xi32, #tpu.memory_space<hbm>> -> memref<3200xi32, #tpu.memory_space<hbm>>
      %dma_wait3A_245 = arith.constant 0 : i32
      %dma_wait3A_246 = tpu.memref_slice %arg3[%add3A, %dma_wait3A_245] : memref<32x3200xi32, #tpu.memory_space<hbm>> -> memref<1x3200xi32, #tpu.memory_space<hbm>>
      %dma_wait3A_247 = tpu.memref_squeeze %dma_wait3A_246 : memref<1x3200xi32, #tpu.memory_space<hbm>> -> memref<3200xi32, #tpu.memory_space<hbm>>
      tpu.wait_dma2 semaphore(%run_scoped3A : memref<!tpu.dma_semaphore, #tpu.memory_space<semaphore_mem>>) src(%dma_wait3A_247 : memref<3200xi32, #tpu.memory_space<hbm>>) dst(%arg6 : memref<3200xi32, #tpu.memory_space<vmem>>)
      tpu.yield
    }) : () -> ()
    %mul3A_1 = arith.constant 3328 : i32
    %mul3A_2 = arith.muli %arg1, %mul3A_1 : i32
    %mul3A_3 = arith.constant 3328 : i32
    %mul3A_4 = arith.muli %arg1, %mul3A_3 : i32
    "tpu.region"() ({
      %run_scoped3A = tpu.sem_alloc : memref<!tpu.dma_semaphore, #tpu.memory_space<semaphore_mem>>
      %dma_start3A_236 = arith.constant 0 : i32
      %dma_start3A_237 = tpu.memref_slice %arg8[%mul3A_4, %dma_start3A_236] : memref<53248x16xf32, #tpu.memory_space<vmem_shared>> -> memref<3328x16xf32, #tpu.memory_space<vmem_shared>>
      %dma_start3A_238 = arith.constant 0 : i32
      %dma_start3A_239 = tpu.memref_slice %arg4[%mul3A_2, %dma_start3A_238] : memref<53248x16xf32, #tpu.memory_space<hbm>> -> memref<3328x16xf32, #tpu.memory_space<hbm>>
      tpu.enqueue_dma source(%dma_start3A_239 : memref<3328x16xf32, #tpu.memory_space<hbm>>) target(%dma_start3A_237 : memref<3328x16xf32, #tpu.memory_space<vmem_shared>>) target_semaphore(%run_scoped3A : memref<!tpu.dma_semaphore, #tpu.memory_space<semaphore_mem>>)
      %dma_wait3A_240 = arith.constant 0 : i32
      %dma_wait3A_241 = tpu.memref_slice %arg8[%mul3A_4, %dma_wait3A_240] : memref<53248x16xf32, #tpu.memory_space<vmem_shared>> -> memref<3328x16xf32, #tpu.memory_space<vmem_shared>>
      %dma_wait3A_242 = arith.constant 0 : i32
      %dma_wait3A_243 = tpu.memref_slice %arg4[%mul3A_2, %dma_wait3A_242] : memref<53248x16xf32, #tpu.memory_space<hbm>> -> memref<3328x16xf32, #tpu.memory_space<hbm>>
      tpu.wait_dma2 semaphore(%run_scoped3A : memref<!tpu.dma_semaphore, #tpu.memory_space<semaphore_mem>>) src(%dma_wait3A_243 : memref<3328x16xf32, #tpu.memory_space<hbm>>) dst(%dma_wait3A_241 : memref<3328x16xf32, #tpu.memory_space<vmem_shared>>)
      tpu.yield
    }) : () -> ()
    %barrier3A = arith.constant 0 : index
    tpu.barrier barrier_id(%barrier3A)
    %dma_start3A = arith.constant 0 : i32
    %dma_start3A_5 = arith.constant 0 : i32
    %dma_start3A_6 = arith.constant 0 : i32
    %dma_start3A_7 = tpu.memref_slice %arg7[%dma_start3A, %dma_start3A_5, %dma_start3A_6] : memref<2x1664x16xf32, #tpu.memory_space<vmem>> -> memref<1x1664x16xf32, #tpu.memory_space<vmem>>
    %dma_start3A_8 = tpu.memref_squeeze %dma_start3A_7 : memref<1x1664x16xf32, #tpu.memory_space<vmem>> -> memref<1664x16xf32, #tpu.memory_space<vmem>>
    %dma_start3A_9 = arith.constant 0 : i32
    %dma_start3A_10 = arith.constant 0 : i32
    %dma_start3A_11 = tpu.memref_slice %arg2[%add3A, %dma_start3A_9, %dma_start3A_10] : memref<32x3200x32xf32, #tpu.memory_space<hbm>> -> memref<1x1664x16xf32, #tpu.memory_space<hbm>>
    %dma_start3A_12 = tpu.memref_squeeze %dma_start3A_11 : memref<1x1664x16xf32, #tpu.memory_space<hbm>> -> memref<1664x16xf32, #tpu.memory_space<hbm>>
    %dma_start3A_13 = arith.constant 0 : i32
    %dma_start3A_14 = arith.constant 0 : i32
    %dma_start3A_15 = tpu.memref_slice %arg7[%dma_start3A, %dma_start3A_13, %dma_start3A_14] : memref<2x1664x16xf32, #tpu.memory_space<vmem>> -> memref<1x1664x16xf32, #tpu.memory_space<vmem>>
    %dma_start3A_16 = tpu.memref_squeeze %dma_start3A_15 : memref<1x1664x16xf32, #tpu.memory_space<vmem>> -> memref<1664x16xf32, #tpu.memory_space<vmem>>
    %dma_start3A_17 = arith.constant 0 : i32
    %dma_start3A_18 = arith.constant 0 : i32
    %dma_start3A_19 = tpu.memref_slice %arg2[%add3A, %dma_start3A_17, %dma_start3A_18] : memref<32x3200x32xf32, #tpu.memory_space<hbm>> -> memref<1x1664x16xf32, #tpu.memory_space<hbm>>
    %dma_start3A_20 = tpu.memref_squeeze %dma_start3A_19 : memref<1x1664x16xf32, #tpu.memory_space<hbm>> -> memref<1664x16xf32, #tpu.memory_space<hbm>>
    tpu.enqueue_dma source(%dma_start3A_20 : memref<1664x16xf32, #tpu.memory_space<hbm>>) target(%dma_start3A_16 : memref<1664x16xf32, #tpu.memory_space<vmem>>) target_semaphore(%arg10 : memref<!tpu.dma_semaphore, #tpu.memory_space<semaphore_mem>>)
    %dma_wait3A = arith.constant 0 : i32
    %dma_wait3A_21 = arith.constant 0 : i32
    %dma_wait3A_22 = arith.constant 0 : i32
    %dma_wait3A_23 = tpu.memref_slice %arg7[%dma_wait3A, %dma_wait3A_21, %dma_wait3A_22] : memref<2x1664x16xf32, #tpu.memory_space<vmem>> -> memref<1x1664x16xf32, #tpu.memory_space<vmem>>
    %dma_wait3A_24 = tpu.memref_squeeze %dma_wait3A_23 : memref<1x1664x16xf32, #tpu.memory_space<vmem>> -> memref<1664x16xf32, #tpu.memory_space<vmem>>
    %dma_wait3A_25 = arith.constant 0 : i32
    %dma_wait3A_26 = arith.constant 0 : i32
    %dma_wait3A_27 = tpu.memref_slice %arg2[%add3A, %dma_wait3A_25, %dma_wait3A_26] : memref<32x3200x32xf32, #tpu.memory_space<hbm>> -> memref<1x1664x16xf32, #tpu.memory_space<hbm>>
    %dma_wait3A_28 = tpu.memref_squeeze %dma_wait3A_27 : memref<1x1664x16xf32, #tpu.memory_space<hbm>> -> memref<1664x16xf32, #tpu.memory_space<hbm>>
    %dma_wait3A_29 = arith.constant 0 : i32
    %dma_wait3A_30 = arith.constant 0 : i32
    %dma_wait3A_31 = tpu.memref_slice %arg7[%dma_wait3A, %dma_wait3A_29, %dma_wait3A_30] : memref<2x1664x16xf32, #tpu.memory_space<vmem>> -> memref<1x1664x16xf32, #tpu.memory_space<vmem>>
    %dma_wait3A_32 = tpu.memref_squeeze %dma_wait3A_31 : memref<1x1664x16xf32, #tpu.memory_space<vmem>> -> memref<1664x16xf32, #tpu.memory_space<vmem>>
    %dma_wait3A_33 = arith.constant 0 : i32
    %dma_wait3A_34 = arith.constant 0 : i32
    %dma_wait3A_35 = tpu.memref_slice %arg2[%add3A, %dma_wait3A_33, %dma_wait3A_34] : memref<32x3200x32xf32, #tpu.memory_space<hbm>> -> memref<1x1664x16xf32, #tpu.memory_space<hbm>>
    %dma_wait3A_36 = tpu.memref_squeeze %dma_wait3A_35 : memref<1x1664x16xf32, #tpu.memory_space<hbm>> -> memref<1664x16xf32, #tpu.memory_space<hbm>>
    tpu.wait_dma2 semaphore(%arg10 : memref<!tpu.dma_semaphore, #tpu.memory_space<semaphore_mem>>) src(%dma_wait3A_36 : memref<1664x16xf32, #tpu.memory_space<hbm>>) dst(%dma_wait3A_32 : memref<1664x16xf32, #tpu.memory_space<vmem>>)
    %dma_start3A_37 = arith.constant 1 : i32
    %dma_start3A_38 = arith.constant 0 : i32
    %dma_start3A_39 = arith.constant 0 : i32
    %dma_start3A_40 = tpu.memref_slice %arg7[%dma_start3A_37, %dma_start3A_38, %dma_start3A_39] : memref<2x1664x16xf32, #tpu.memory_space<vmem>> -> memref<1x1536x16xf32, #tpu.memory_space<vmem>>
    %dma_start3A_41 = tpu.memref_squeeze %dma_start3A_40 : memref<1x1536x16xf32, #tpu.memory_space<vmem>> -> memref<1536x16xf32, #tpu.memory_space<vmem>>
    %dma_start3A_42 = arith.constant 1664 : i32
    %dma_start3A_43 = arith.constant 0 : i32
    %dma_start3A_44 = tpu.memref_slice %arg2[%add3A, %dma_start3A_42, %dma_start3A_43] : memref<32x3200x32xf32, #tpu.memory_space<hbm>> -> memref<1x1536x16xf32, #tpu.memory_space<hbm>>
    %dma_start3A_45 = tpu.memref_squeeze %dma_start3A_44 : memref<1x1536x16xf32, #tpu.memory_space<hbm>> -> memref<1536x16xf32, #tpu.memory_space<hbm>>
    %dma_start3A_46 = arith.constant 0 : i32
    %dma_start3A_47 = arith.constant 0 : i32
    %dma_start3A_48 = tpu.memref_slice %arg7[%dma_start3A_37, %dma_start3A_46, %dma_start3A_47] : memref<2x1664x16xf32, #tpu.memory_space<vmem>> -> memref<1x1536x16xf32, #tpu.memory_space<vmem>>
    %dma_start3A_49 = tpu.memref_squeeze %dma_start3A_48 : memref<1x1536x16xf32, #tpu.memory_space<vmem>> -> memref<1536x16xf32, #tpu.memory_space<vmem>>
    %dma_start3A_50 = arith.constant 1664 : i32
    %dma_start3A_51 = arith.constant 0 : i32
    %dma_start3A_52 = tpu.memref_slice %arg2[%add3A, %dma_start3A_50, %dma_start3A_51] : memref<32x3200x32xf32, #tpu.memory_space<hbm>> -> memref<1x1536x16xf32, #tpu.memory_space<hbm>>
    %dma_start3A_53 = tpu.memref_squeeze %dma_start3A_52 : memref<1x1536x16xf32, #tpu.memory_space<hbm>> -> memref<1536x16xf32, #tpu.memory_space<hbm>>
    tpu.enqueue_dma source(%dma_start3A_53 : memref<1536x16xf32, #tpu.memory_space<hbm>>) target(%dma_start3A_49 : memref<1536x16xf32, #tpu.memory_space<vmem>>) target_semaphore(%arg11 : memref<!tpu.dma_semaphore, #tpu.memory_space<semaphore_mem>>)
    %dma_start3A_54 = arith.constant 0 : i32
    %dma_start3A_55 = arith.constant 0 : i32
    %dma_start3A_56 = arith.constant 0 : i32
    %dma_start3A_57 = tpu.memref_slice %arg7[%dma_start3A_54, %dma_start3A_55, %dma_start3A_56] : memref<2x1664x16xf32, #tpu.memory_space<vmem>> -> memref<1x1664x16xf32, #tpu.memory_space<vmem>>
    %dma_start3A_58 = tpu.memref_squeeze %dma_start3A_57 : memref<1x1664x16xf32, #tpu.memory_space<vmem>> -> memref<1664x16xf32, #tpu.memory_space<vmem>>
    %dma_start3A_59 = arith.constant 0 : i32
    %dma_start3A_60 = tpu.memref_slice %arg6[%dma_start3A_59] : memref<3200xi32, #tpu.memory_space<vmem>> -> memref<1664xi32, #tpu.memory_space<vmem>>
    %dma_start3A_61 = arith.constant 0 : i32
    %dma_start3A_62 = arith.constant 0 : i32
    %dma_start3A_63 = tpu.memref_slice %arg8[%dma_start3A_61, %dma_start3A_62] : memref<53248x16xf32, #tpu.memory_space<vmem_shared>> -> memref<53248x16xf32, #tpu.memory_space<vmem_shared>>
    tpu.enqueue_indirect_dma source(%dma_start3A_58 : memref<1664x16xf32, #tpu.memory_space<vmem>>) target(%dma_start3A_63 : memref<53248x16xf32, #tpu.memory_space<vmem_shared>>) offsets(%dma_start3A_60 : memref<1664xi32, #tpu.memory_space<vmem>>) semaphore(%arg9 : memref<!tpu.dma_semaphore, #tpu.memory_space<semaphore_mem>>) {add = true}
    %dma_wait3A_64 = arith.constant 0 : i32
    %dma_wait3A_65 = arith.constant 0 : i32
    %dma_wait3A_66 = arith.constant 0 : i32
    %dma_wait3A_67 = tpu.memref_slice %arg7[%dma_wait3A_64, %dma_wait3A_65, %dma_wait3A_66] : memref<2x1664x16xf32, #tpu.memory_space<vmem>> -> memref<1x1664x16xf32, #tpu.memory_space<vmem>>
    %dma_wait3A_68 = tpu.memref_squeeze %dma_wait3A_67 : memref<1x1664x16xf32, #tpu.memory_space<vmem>> -> memref<1664x16xf32, #tpu.memory_space<vmem>>
    %dma_wait3A_69 = arith.constant 0 : i32
    %dma_wait3A_70 = tpu.memref_slice %arg6[%dma_wait3A_69] : memref<3200xi32, #tpu.memory_space<vmem>> -> memref<1664xi32, #tpu.memory_space<vmem>>
    %dma_wait3A_71 = arith.constant 0 : i32
    %dma_wait3A_72 = arith.constant 0 : i32
    %dma_wait3A_73 = tpu.memref_slice %arg8[%dma_wait3A_71, %dma_wait3A_72] : memref<53248x16xf32, #tpu.memory_space<vmem_shared>> -> memref<53248x16xf32, #tpu.memory_space<vmem_shared>>
    tpu.wait_indirect_dma semaphore(%arg9 : memref<!tpu.dma_semaphore, #tpu.memory_space<semaphore_mem>>) src(%dma_wait3A_68 : memref<1664x16xf32, #tpu.memory_space<vmem>>) dst(%dma_wait3A_73 : memref<53248x16xf32, #tpu.memory_space<vmem_shared>>)
    %dma_wait3A_74 = arith.constant 1 : i32
    %dma_wait3A_75 = arith.constant 0 : i32
    %dma_wait3A_76 = arith.constant 0 : i32
    %dma_wait3A_77 = tpu.memref_slice %arg7[%dma_wait3A_74, %dma_wait3A_75, %dma_wait3A_76] : memref<2x1664x16xf32, #tpu.memory_space<vmem>> -> memref<1x1536x16xf32, #tpu.memory_space<vmem>>
    %dma_wait3A_78 = tpu.memref_squeeze %dma_wait3A_77 : memref<1x1536x16xf32, #tpu.memory_space<vmem>> -> memref<1536x16xf32, #tpu.memory_space<vmem>>
    %dma_wait3A_79 = arith.constant 1664 : i32
    %dma_wait3A_80 = arith.constant 0 : i32
    %dma_wait3A_81 = tpu.memref_slice %arg2[%add3A, %dma_wait3A_79, %dma_wait3A_80] : memref<32x3200x32xf32, #tpu.memory_space<hbm>> -> memref<1x1536x16xf32, #tpu.memory_space<hbm>>
    %dma_wait3A_82 = tpu.memref_squeeze %dma_wait3A_81 : memref<1x1536x16xf32, #tpu.memory_space<hbm>> -> memref<1536x16xf32, #tpu.memory_space<hbm>>
    %dma_wait3A_83 = arith.constant 0 : i32
    %dma_wait3A_84 = arith.constant 0 : i32
    %dma_wait3A_85 = tpu.memref_slice %arg7[%dma_wait3A_74, %dma_wait3A_83, %dma_wait3A_84] : memref<2x1664x16xf32, #tpu.memory_space<vmem>> -> memref<1x1536x16xf32, #tpu.memory_space<vmem>>
    %dma_wait3A_86 = tpu.memref_squeeze %dma_wait3A_85 : memref<1x1536x16xf32, #tpu.memory_space<vmem>> -> memref<1536x16xf32, #tpu.memory_space<vmem>>
    %dma_wait3A_87 = arith.constant 1664 : i32
    %dma_wait3A_88 = arith.constant 0 : i32
    %dma_wait3A_89 = tpu.memref_slice %arg2[%add3A, %dma_wait3A_87, %dma_wait3A_88] : memref<32x3200x32xf32, #tpu.memory_space<hbm>> -> memref<1x1536x16xf32, #tpu.memory_space<hbm>>
    %dma_wait3A_90 = tpu.memref_squeeze %dma_wait3A_89 : memref<1x1536x16xf32, #tpu.memory_space<hbm>> -> memref<1536x16xf32, #tpu.memory_space<hbm>>
    tpu.wait_dma2 semaphore(%arg11 : memref<!tpu.dma_semaphore, #tpu.memory_space<semaphore_mem>>) src(%dma_wait3A_90 : memref<1536x16xf32, #tpu.memory_space<hbm>>) dst(%dma_wait3A_86 : memref<1536x16xf32, #tpu.memory_space<vmem>>)
    %dma_start3A_91 = arith.constant 1 : i32
    %dma_start3A_92 = arith.constant 0 : i32
    %dma_start3A_93 = arith.constant 0 : i32
    %dma_start3A_94 = tpu.memref_slice %arg7[%dma_start3A_91, %dma_start3A_92, %dma_start3A_93] : memref<2x1664x16xf32, #tpu.memory_space<vmem>> -> memref<1x1536x16xf32, #tpu.memory_space<vmem>>
    %dma_start3A_95 = tpu.memref_squeeze %dma_start3A_94 : memref<1x1536x16xf32, #tpu.memory_space<vmem>> -> memref<1536x16xf32, #tpu.memory_space<vmem>>
    %dma_start3A_96 = arith.constant 1664 : i32
    %dma_start3A_97 = tpu.memref_slice %arg6[%dma_start3A_96] : memref<3200xi32, #tpu.memory_space<vmem>> -> memref<1536xi32, #tpu.memory_space<vmem>>
    %dma_start3A_98 = arith.constant 0 : i32
    %dma_start3A_99 = arith.constant 0 : i32
    %dma_start3A_100 = tpu.memref_slice %arg8[%dma_start3A_98, %dma_start3A_99] : memref<53248x16xf32, #tpu.memory_space<vmem_shared>> -> memref<53248x16xf32, #tpu.memory_space<vmem_shared>>
    tpu.enqueue_indirect_dma source(%dma_start3A_95 : memref<1536x16xf32, #tpu.memory_space<vmem>>) target(%dma_start3A_100 : memref<53248x16xf32, #tpu.memory_space<vmem_shared>>) offsets(%dma_start3A_97 : memref<1536xi32, #tpu.memory_space<vmem>>) semaphore(%arg9 : memref<!tpu.dma_semaphore, #tpu.memory_space<semaphore_mem>>) {add = true}
    %dma_wait3A_101 = arith.constant 1 : i32
    %dma_wait3A_102 = arith.constant 0 : i32
    %dma_wait3A_103 = arith.constant 0 : i32
    %dma_wait3A_104 = tpu.memref_slice %arg7[%dma_wait3A_101, %dma_wait3A_102, %dma_wait3A_103] : memref<2x1664x16xf32, #tpu.memory_space<vmem>> -> memref<1x1536x16xf32, #tpu.memory_space<vmem>>
    %dma_wait3A_105 = tpu.memref_squeeze %dma_wait3A_104 : memref<1x1536x16xf32, #tpu.memory_space<vmem>> -> memref<1536x16xf32, #tpu.memory_space<vmem>>
    %dma_wait3A_106 = arith.constant 1664 : i32
    %dma_wait3A_107 = tpu.memref_slice %arg6[%dma_wait3A_106] : memref<3200xi32, #tpu.memory_space<vmem>> -> memref<1536xi32, #tpu.memory_space<vmem>>
    %dma_wait3A_108 = arith.constant 0 : i32
    %dma_wait3A_109 = arith.constant 0 : i32
    %dma_wait3A_110 = tpu.memref_slice %arg8[%dma_wait3A_108, %dma_wait3A_109] : memref<53248x16xf32, #tpu.memory_space<vmem_shared>> -> memref<53248x16xf32, #tpu.memory_space<vmem_shared>>
    tpu.wait_indirect_dma semaphore(%arg9 : memref<!tpu.dma_semaphore, #tpu.memory_space<semaphore_mem>>) src(%dma_wait3A_105 : memref<1536x16xf32, #tpu.memory_space<vmem>>) dst(%dma_wait3A_110 : memref<53248x16xf32, #tpu.memory_space<vmem_shared>>)
    %barrier3A_111 = arith.constant 0 : index
    tpu.barrier barrier_id(%barrier3A_111)
    %mul3A_112 = arith.constant 3328 : i32
    %mul3A_113 = arith.muli %arg1, %mul3A_112 : i32
    %mul3A_114 = arith.constant 3328 : i32
    %mul3A_115 = arith.muli %arg1, %mul3A_114 : i32
    "tpu.region"() ({
      %run_scoped3A = tpu.sem_alloc : memref<!tpu.dma_semaphore, #tpu.memory_space<semaphore_mem>>
      %dma_start3A_236 = arith.constant 0 : i32
      %dma_start3A_237 = tpu.memref_slice %arg5[%arg0, %mul3A_115, %dma_start3A_236] : memref<2x53248x32xf32, #tpu.memory_space<hbm>> -> memref<1x3328x16xf32, #tpu.memory_space<hbm>>
      %dma_start3A_238 = tpu.memref_squeeze %dma_start3A_237 : memref<1x3328x16xf32, #tpu.memory_space<hbm>> -> memref<3328x16xf32, #tpu.memory_space<hbm>>
      %dma_start3A_239 = arith.constant 0 : i32
      %dma_start3A_240 = tpu.memref_slice %arg8[%mul3A_113, %dma_start3A_239] : memref<53248x16xf32, #tpu.memory_space<vmem_shared>> -> memref<3328x16xf32, #tpu.memory_space<vmem_shared>>
      tpu.enqueue_dma source(%dma_start3A_240 : memref<3328x16xf32, #tpu.memory_space<vmem_shared>>) target(%dma_start3A_238 : memref<3328x16xf32, #tpu.memory_space<hbm>>) target_semaphore(%run_scoped3A : memref<!tpu.dma_semaphore, #tpu.memory_space<semaphore_mem>>)
      %dma_wait3A_241 = arith.constant 0 : i32
      %dma_wait3A_242 = tpu.memref_slice %arg5[%arg0, %mul3A_115, %dma_wait3A_241] : memref<2x53248x32xf32, #tpu.memory_space<hbm>> -> memref<1x3328x16xf32, #tpu.memory_space<hbm>>
      %dma_wait3A_243 = tpu.memref_squeeze %dma_wait3A_242 : memref<1x3328x16xf32, #tpu.memory_space<hbm>> -> memref<3328x16xf32, #tpu.memory_space<hbm>>
      %dma_wait3A_244 = arith.constant 0 : i32
      %dma_wait3A_245 = tpu.memref_slice %arg8[%mul3A_113, %dma_wait3A_244] : memref<53248x16xf32, #tpu.memory_space<vmem_shared>> -> memref<3328x16xf32, #tpu.memory_space<vmem_shared>>
      tpu.wait_dma2 semaphore(%run_scoped3A : memref<!tpu.dma_semaphore, #tpu.memory_space<semaphore_mem>>) src(%dma_wait3A_245 : memref<3328x16xf32, #tpu.memory_space<vmem_shared>>) dst(%dma_wait3A_243 : memref<3328x16xf32, #tpu.memory_space<hbm>>)
      tpu.yield
    }) : () -> ()
    %barrier3A_116 = arith.constant 0 : index
    tpu.barrier barrier_id(%barrier3A_116)
    %mul3A_117 = arith.constant 3328 : i32
    %mul3A_118 = arith.muli %arg1, %mul3A_117 : i32
    %mul3A_119 = arith.constant 3328 : i32
    %mul3A_120 = arith.muli %arg1, %mul3A_119 : i32
    "tpu.region"() ({
      %run_scoped3A = tpu.sem_alloc : memref<!tpu.dma_semaphore, #tpu.memory_space<semaphore_mem>>
      %dma_start3A_236 = arith.constant 0 : i32
      %dma_start3A_237 = tpu.memref_slice %arg8[%mul3A_120, %dma_start3A_236] : memref<53248x16xf32, #tpu.memory_space<vmem_shared>> -> memref<3328x16xf32, #tpu.memory_space<vmem_shared>>
      %dma_start3A_238 = arith.constant 0 : i32
      %dma_start3A_239 = tpu.memref_slice %arg4[%mul3A_118, %dma_start3A_238] : memref<53248x16xf32, #tpu.memory_space<hbm>> -> memref<3328x16xf32, #tpu.memory_space<hbm>>
      tpu.enqueue_dma source(%dma_start3A_239 : memref<3328x16xf32, #tpu.memory_space<hbm>>) target(%dma_start3A_237 : memref<3328x16xf32, #tpu.memory_space<vmem_shared>>) target_semaphore(%run_scoped3A : memref<!tpu.dma_semaphore, #tpu.memory_space<semaphore_mem>>)
      %dma_wait3A_240 = arith.constant 0 : i32
      %dma_wait3A_241 = tpu.memref_slice %arg8[%mul3A_120, %dma_wait3A_240] : memref<53248x16xf32, #tpu.memory_space<vmem_shared>> -> memref<3328x16xf32, #tpu.memory_space<vmem_shared>>
      %dma_wait3A_242 = arith.constant 0 : i32
      %dma_wait3A_243 = tpu.memref_slice %arg4[%mul3A_118, %dma_wait3A_242] : memref<53248x16xf32, #tpu.memory_space<hbm>> -> memref<3328x16xf32, #tpu.memory_space<hbm>>
      tpu.wait_dma2 semaphore(%run_scoped3A : memref<!tpu.dma_semaphore, #tpu.memory_space<semaphore_mem>>) src(%dma_wait3A_243 : memref<3328x16xf32, #tpu.memory_space<hbm>>) dst(%dma_wait3A_241 : memref<3328x16xf32, #tpu.memory_space<vmem_shared>>)
      tpu.yield
    }) : () -> ()
    %barrier3A_121 = arith.constant 0 : index
    tpu.barrier barrier_id(%barrier3A_121)
    %dma_start3A_122 = arith.constant 0 : i32
    %dma_start3A_123 = arith.constant 0 : i32
    %dma_start3A_124 = arith.constant 0 : i32
    %dma_start3A_125 = tpu.memref_slice %arg7[%dma_start3A_122, %dma_start3A_123, %dma_start3A_124] : memref<2x1664x16xf32, #tpu.memory_space<vmem>> -> memref<1x1664x16xf32, #tpu.memory_space<vmem>>
    %dma_start3A_126 = tpu.memref_squeeze %dma_start3A_125 : memref<1x1664x16xf32, #tpu.memory_space<vmem>> -> memref<1664x16xf32, #tpu.memory_space<vmem>>
    %dma_start3A_127 = arith.constant 0 : i32
    %dma_start3A_128 = arith.constant 16 : i32
    %dma_start3A_129 = tpu.memref_slice %arg2[%add3A, %dma_start3A_127, %dma_start3A_128] : memref<32x3200x32xf32, #tpu.memory_space<hbm>> -> memref<1x1664x16xf32, #tpu.memory_space<hbm>>
    %dma_start3A_130 = tpu.memref_squeeze %dma_start3A_129 : memref<1x1664x16xf32, #tpu.memory_space<hbm>> -> memref<1664x16xf32, #tpu.memory_space<hbm>>
    %dma_start3A_131 = arith.constant 0 : i32
    %dma_start3A_132 = arith.constant 0 : i32
    %dma_start3A_133 = tpu.memref_slice %arg7[%dma_start3A_122, %dma_start3A_131, %dma_start3A_132] : memref<2x1664x16xf32, #tpu.memory_space<vmem>> -> memref<1x1664x16xf32, #tpu.memory_space<vmem>>
    %dma_start3A_134 = tpu.memref_squeeze %dma_start3A_133 : memref<1x1664x16xf32, #tpu.memory_space<vmem>> -> memref<1664x16xf32, #tpu.memory_space<vmem>>
    %dma_start3A_135 = arith.constant 0 : i32
    %dma_start3A_136 = arith.constant 16 : i32
    %dma_start3A_137 = tpu.memref_slice %arg2[%add3A, %dma_start3A_135, %dma_start3A_136] : memref<32x3200x32xf32, #tpu.memory_space<hbm>> -> memref<1x1664x16xf32, #tpu.memory_space<hbm>>
    %dma_start3A_138 = tpu.memref_squeeze %dma_start3A_137 : memref<1x1664x16xf32, #tpu.memory_space<hbm>> -> memref<1664x16xf32, #tpu.memory_space<hbm>>
    tpu.enqueue_dma source(%dma_start3A_138 : memref<1664x16xf32, #tpu.memory_space<hbm>>) target(%dma_start3A_134 : memref<1664x16xf32, #tpu.memory_space<vmem>>) target_semaphore(%arg10 : memref<!tpu.dma_semaphore, #tpu.memory_space<semaphore_mem>>)
    %dma_wait3A_139 = arith.constant 0 : i32
    %dma_wait3A_140 = arith.constant 0 : i32
    %dma_wait3A_141 = arith.constant 0 : i32
    %dma_wait3A_142 = tpu.memref_slice %arg7[%dma_wait3A_139, %dma_wait3A_140, %dma_wait3A_141] : memref<2x1664x16xf32, #tpu.memory_space<vmem>> -> memref<1x1664x16xf32, #tpu.memory_space<vmem>>
    %dma_wait3A_143 = tpu.memref_squeeze %dma_wait3A_142 : memref<1x1664x16xf32, #tpu.memory_space<vmem>> -> memref<1664x16xf32, #tpu.memory_space<vmem>>
    %dma_wait3A_144 = arith.constant 0 : i32
    %dma_wait3A_145 = arith.constant 16 : i32
    %dma_wait3A_146 = tpu.memref_slice %arg2[%add3A, %dma_wait3A_144, %dma_wait3A_145] : memref<32x3200x32xf32, #tpu.memory_space<hbm>> -> memref<1x1664x16xf32, #tpu.memory_space<hbm>>
    %dma_wait3A_147 = tpu.memref_squeeze %dma_wait3A_146 : memref<1x1664x16xf32, #tpu.memory_space<hbm>> -> memref<1664x16xf32, #tpu.memory_space<hbm>>
    %dma_wait3A_148 = arith.constant 0 : i32
    %dma_wait3A_149 = arith.constant 0 : i32
    %dma_wait3A_150 = tpu.memref_slice %arg7[%dma_wait3A_139, %dma_wait3A_148, %dma_wait3A_149] : memref<2x1664x16xf32, #tpu.memory_space<vmem>> -> memref<1x1664x16xf32, #tpu.memory_space<vmem>>
    %dma_wait3A_151 = tpu.memref_squeeze %dma_wait3A_150 : memref<1x1664x16xf32, #tpu.memory_space<vmem>> -> memref<1664x16xf32, #tpu.memory_space<vmem>>
    %dma_wait3A_152 = arith.constant 0 : i32
    %dma_wait3A_153 = arith.constant 16 : i32
    %dma_wait3A_154 = tpu.memref_slice %arg2[%add3A, %dma_wait3A_152, %dma_wait3A_153] : memref<32x3200x32xf32, #tpu.memory_space<hbm>> -> memref<1x1664x16xf32, #tpu.memory_space<hbm>>
    %dma_wait3A_155 = tpu.memref_squeeze %dma_wait3A_154 : memref<1x1664x16xf32, #tpu.memory_space<hbm>> -> memref<1664x16xf32, #tpu.memory_space<hbm>>
    tpu.wait_dma2 semaphore(%arg10 : memref<!tpu.dma_semaphore, #tpu.memory_space<semaphore_mem>>) src(%dma_wait3A_155 : memref<1664x16xf32, #tpu.memory_space<hbm>>) dst(%dma_wait3A_151 : memref<1664x16xf32, #tpu.memory_space<vmem>>)
    %dma_start3A_156 = arith.constant 1 : i32
    %dma_start3A_157 = arith.constant 0 : i32
    %dma_start3A_158 = arith.constant 0 : i32
    %dma_start3A_159 = tpu.memref_slice %arg7[%dma_start3A_156, %dma_start3A_157, %dma_start3A_158] : memref<2x1664x16xf32, #tpu.memory_space<vmem>> -> memref<1x1536x16xf32, #tpu.memory_space<vmem>>
    %dma_start3A_160 = tpu.memref_squeeze %dma_start3A_159 : memref<1x1536x16xf32, #tpu.memory_space<vmem>> -> memref<1536x16xf32, #tpu.memory_space<vmem>>
    %dma_start3A_161 = arith.constant 1664 : i32
    %dma_start3A_162 = arith.constant 16 : i32
    %dma_start3A_163 = tpu.memref_slice %arg2[%add3A, %dma_start3A_161, %dma_start3A_162] : memref<32x3200x32xf32, #tpu.memory_space<hbm>> -> memref<1x1536x16xf32, #tpu.memory_space<hbm>>
    %dma_start3A_164 = tpu.memref_squeeze %dma_start3A_163 : memref<1x1536x16xf32, #tpu.memory_space<hbm>> -> memref<1536x16xf32, #tpu.memory_space<hbm>>
    %dma_start3A_165 = arith.constant 0 : i32
    %dma_start3A_166 = arith.constant 0 : i32
    %dma_start3A_167 = tpu.memref_slice %arg7[%dma_start3A_156, %dma_start3A_165, %dma_start3A_166] : memref<2x1664x16xf32, #tpu.memory_space<vmem>> -> memref<1x1536x16xf32, #tpu.memory_space<vmem>>
    %dma_start3A_168 = tpu.memref_squeeze %dma_start3A_167 : memref<1x1536x16xf32, #tpu.memory_space<vmem>> -> memref<1536x16xf32, #tpu.memory_space<vmem>>
    %dma_start3A_169 = arith.constant 1664 : i32
    %dma_start3A_170 = arith.constant 16 : i32
    %dma_start3A_171 = tpu.memref_slice %arg2[%add3A, %dma_start3A_169, %dma_start3A_170] : memref<32x3200x32xf32, #tpu.memory_space<hbm>> -> memref<1x1536x16xf32, #tpu.memory_space<hbm>>
    %dma_start3A_172 = tpu.memref_squeeze %dma_start3A_171 : memref<1x1536x16xf32, #tpu.memory_space<hbm>> -> memref<1536x16xf32, #tpu.memory_space<hbm>>
    tpu.enqueue_dma source(%dma_start3A_172 : memref<1536x16xf32, #tpu.memory_space<hbm>>) target(%dma_start3A_168 : memref<1536x16xf32, #tpu.memory_space<vmem>>) target_semaphore(%arg11 : memref<!tpu.dma_semaphore, #tpu.memory_space<semaphore_mem>>)
    %dma_start3A_173 = arith.constant 0 : i32
    %dma_start3A_174 = arith.constant 0 : i32
    %dma_start3A_175 = arith.constant 0 : i32
    %dma_start3A_176 = tpu.memref_slice %arg7[%dma_start3A_173, %dma_start3A_174, %dma_start3A_175] : memref<2x1664x16xf32, #tpu.memory_space<vmem>> -> memref<1x1664x16xf32, #tpu.memory_space<vmem>>
    %dma_start3A_177 = tpu.memref_squeeze %dma_start3A_176 : memref<1x1664x16xf32, #tpu.memory_space<vmem>> -> memref<1664x16xf32, #tpu.memory_space<vmem>>
    %dma_start3A_178 = arith.constant 0 : i32
    %dma_start3A_179 = tpu.memref_slice %arg6[%dma_start3A_178] : memref<3200xi32, #tpu.memory_space<vmem>> -> memref<1664xi32, #tpu.memory_space<vmem>>
    %dma_start3A_180 = arith.constant 0 : i32
    %dma_start3A_181 = arith.constant 0 : i32
    %dma_start3A_182 = tpu.memref_slice %arg8[%dma_start3A_180, %dma_start3A_181] : memref<53248x16xf32, #tpu.memory_space<vmem_shared>> -> memref<53248x16xf32, #tpu.memory_space<vmem_shared>>
    tpu.enqueue_indirect_dma source(%dma_start3A_177 : memref<1664x16xf32, #tpu.memory_space<vmem>>) target(%dma_start3A_182 : memref<53248x16xf32, #tpu.memory_space<vmem_shared>>) offsets(%dma_start3A_179 : memref<1664xi32, #tpu.memory_space<vmem>>) semaphore(%arg9 : memref<!tpu.dma_semaphore, #tpu.memory_space<semaphore_mem>>) {add = true}
    %dma_wait3A_183 = arith.constant 0 : i32
    %dma_wait3A_184 = arith.constant 0 : i32
    %dma_wait3A_185 = arith.constant 0 : i32
    %dma_wait3A_186 = tpu.memref_slice %arg7[%dma_wait3A_183, %dma_wait3A_184, %dma_wait3A_185] : memref<2x1664x16xf32, #tpu.memory_space<vmem>> -> memref<1x1664x16xf32, #tpu.memory_space<vmem>>
    %dma_wait3A_187 = tpu.memref_squeeze %dma_wait3A_186 : memref<1x1664x16xf32, #tpu.memory_space<vmem>> -> memref<1664x16xf32, #tpu.memory_space<vmem>>
    %dma_wait3A_188 = arith.constant 0 : i32
    %dma_wait3A_189 = tpu.memref_slice %arg6[%dma_wait3A_188] : memref<3200xi32, #tpu.memory_space<vmem>> -> memref<1664xi32, #tpu.memory_space<vmem>>
    %dma_wait3A_190 = arith.constant 0 : i32
    %dma_wait3A_191 = arith.constant 0 : i32
    %dma_wait3A_192 = tpu.memref_slice %arg8[%dma_wait3A_190, %dma_wait3A_191] : memref<53248x16xf32, #tpu.memory_space<vmem_shared>> -> memref<53248x16xf32, #tpu.memory_space<vmem_shared>>
    tpu.wait_indirect_dma semaphore(%arg9 : memref<!tpu.dma_semaphore, #tpu.memory_space<semaphore_mem>>) src(%dma_wait3A_187 : memref<1664x16xf32, #tpu.memory_space<vmem>>) dst(%dma_wait3A_192 : memref<53248x16xf32, #tpu.memory_space<vmem_shared>>)
    %dma_wait3A_193 = arith.constant 1 : i32
    %dma_wait3A_194 = arith.constant 0 : i32
    %dma_wait3A_195 = arith.constant 0 : i32
    %dma_wait3A_196 = tpu.memref_slice %arg7[%dma_wait3A_193, %dma_wait3A_194, %dma_wait3A_195] : memref<2x1664x16xf32, #tpu.memory_space<vmem>> -> memref<1x1536x16xf32, #tpu.memory_space<vmem>>
    %dma_wait3A_197 = tpu.memref_squeeze %dma_wait3A_196 : memref<1x1536x16xf32, #tpu.memory_space<vmem>> -> memref<1536x16xf32, #tpu.memory_space<vmem>>
    %dma_wait3A_198 = arith.constant 1664 : i32
    %dma_wait3A_199 = arith.constant 16 : i32
    %dma_wait3A_200 = tpu.memref_slice %arg2[%add3A, %dma_wait3A_198, %dma_wait3A_199] : memref<32x3200x32xf32, #tpu.memory_space<hbm>> -> memref<1x1536x16xf32, #tpu.memory_space<hbm>>
    %dma_wait3A_201 = tpu.memref_squeeze %dma_wait3A_200 : memref<1x1536x16xf32, #tpu.memory_space<hbm>> -> memref<1536x16xf32, #tpu.memory_space<hbm>>
    %dma_wait3A_202 = arith.constant 0 : i32
    %dma_wait3A_203 = arith.constant 0 : i32
    %dma_wait3A_204 = tpu.memref_slice %arg7[%dma_wait3A_193, %dma_wait3A_202, %dma_wait3A_203] : memref<2x1664x16xf32, #tpu.memory_space<vmem>> -> memref<1x1536x16xf32, #tpu.memory_space<vmem>>
    %dma_wait3A_205 = tpu.memref_squeeze %dma_wait3A_204 : memref<1x1536x16xf32, #tpu.memory_space<vmem>> -> memref<1536x16xf32, #tpu.memory_space<vmem>>
    %dma_wait3A_206 = arith.constant 1664 : i32
    %dma_wait3A_207 = arith.constant 16 : i32
    %dma_wait3A_208 = tpu.memref_slice %arg2[%add3A, %dma_wait3A_206, %dma_wait3A_207] : memref<32x3200x32xf32, #tpu.memory_space<hbm>> -> memref<1x1536x16xf32, #tpu.memory_space<hbm>>
    %dma_wait3A_209 = tpu.memref_squeeze %dma_wait3A_208 : memref<1x1536x16xf32, #tpu.memory_space<hbm>> -> memref<1536x16xf32, #tpu.memory_space<hbm>>
    tpu.wait_dma2 semaphore(%arg11 : memref<!tpu.dma_semaphore, #tpu.memory_space<semaphore_mem>>) src(%dma_wait3A_209 : memref<1536x16xf32, #tpu.memory_space<hbm>>) dst(%dma_wait3A_205 : memref<1536x16xf32, #tpu.memory_space<vmem>>)
    %dma_start3A_210 = arith.constant 1 : i32
    %dma_start3A_211 = arith.constant 0 : i32
    %dma_start3A_212 = arith.constant 0 : i32
    %dma_start3A_213 = tpu.memref_slice %arg7[%dma_start3A_210, %dma_start3A_211, %dma_start3A_212] : memref<2x1664x16xf32, #tpu.memory_space<vmem>> -> memref<1x1536x16xf32, #tpu.memory_space<vmem>>
    %dma_start3A_214 = tpu.memref_squeeze %dma_start3A_213 : memref<1x1536x16xf32, #tpu.memory_space<vmem>> -> memref<1536x16xf32, #tpu.memory_space<vmem>>
    %dma_start3A_215 = arith.constant 1664 : i32
    %dma_start3A_216 = tpu.memref_slice %arg6[%dma_start3A_215] : memref<3200xi32, #tpu.memory_space<vmem>> -> memref<1536xi32, #tpu.memory_space<vmem>>
    %dma_start3A_217 = arith.constant 0 : i32
    %dma_start3A_218 = arith.constant 0 : i32
    %dma_start3A_219 = tpu.memref_slice %arg8[%dma_start3A_217, %dma_start3A_218] : memref<53248x16xf32, #tpu.memory_space<vmem_shared>> -> memref<53248x16xf32, #tpu.memory_space<vmem_shared>>
    tpu.enqueue_indirect_dma source(%dma_start3A_214 : memref<1536x16xf32, #tpu.memory_space<vmem>>) target(%dma_start3A_219 : memref<53248x16xf32, #tpu.memory_space<vmem_shared>>) offsets(%dma_start3A_216 : memref<1536xi32, #tpu.memory_space<vmem>>) semaphore(%arg9 : memref<!tpu.dma_semaphore, #tpu.memory_space<semaphore_mem>>) {add = true}
    %dma_wait3A_220 = arith.constant 1 : i32
    %dma_wait3A_221 = arith.constant 0 : i32
    %dma_wait3A_222 = arith.constant 0 : i32
    %dma_wait3A_223 = tpu.memref_slice %arg7[%dma_wait3A_220, %dma_wait3A_221, %dma_wait3A_222] : memref<2x1664x16xf32, #tpu.memory_space<vmem>> -> memref<1x1536x16xf32, #tpu.memory_space<vmem>>
    %dma_wait3A_224 = tpu.memref_squeeze %dma_wait3A_223 : memref<1x1536x16xf32, #tpu.memory_space<vmem>> -> memref<1536x16xf32, #tpu.memory_space<vmem>>
    %dma_wait3A_225 = arith.constant 1664 : i32
    %dma_wait3A_226 = tpu.memref_slice %arg6[%dma_wait3A_225] : memref<3200xi32, #tpu.memory_space<vmem>> -> memref<1536xi32, #tpu.memory_space<vmem>>
    %dma_wait3A_227 = arith.constant 0 : i32
    %dma_wait3A_228 = arith.constant 0 : i32
    %dma_wait3A_229 = tpu.memref_slice %arg8[%dma_wait3A_227, %dma_wait3A_228] : memref<53248x16xf32, #tpu.memory_space<vmem_shared>> -> memref<53248x16xf32, #tpu.memory_space<vmem_shared>>
    tpu.wait_indirect_dma semaphore(%arg9 : memref<!tpu.dma_semaphore, #tpu.memory_space<semaphore_mem>>) src(%dma_wait3A_224 : memref<1536x16xf32, #tpu.memory_space<vmem>>) dst(%dma_wait3A_229 : memref<53248x16xf32, #tpu.memory_space<vmem_shared>>)
    %barrier3A_230 = arith.constant 0 : index
    tpu.barrier barrier_id(%barrier3A_230)
    %mul3A_231 = arith.constant 3328 : i32
    %mul3A_232 = arith.muli %arg1, %mul3A_231 : i32
    %mul3A_233 = arith.constant 3328 : i32
    %mul3A_234 = arith.muli %arg1, %mul3A_233 : i32
    "tpu.region"() ({
      %run_scoped3A = tpu.sem_alloc : memref<!tpu.dma_semaphore, #tpu.memory_space<semaphore_mem>>
      %dma_start3A_236 = arith.constant 16 : i32
      %dma_start3A_237 = tpu.memref_slice %arg5[%arg0, %mul3A_234, %dma_start3A_236] : memref<2x53248x32xf32, #tpu.memory_space<hbm>> -> memref<1x3328x16xf32, #tpu.memory_space<hbm>>
      %dma_start3A_238 = tpu.memref_squeeze %dma_start3A_237 : memref<1x3328x16xf32, #tpu.memory_space<hbm>> -> memref<3328x16xf32, #tpu.memory_space<hbm>>
      %dma_start3A_239 = arith.constant 0 : i32
      %dma_start3A_240 = tpu.memref_slice %arg8[%mul3A_232, %dma_start3A_239] : memref<53248x16xf32, #tpu.memory_space<vmem_shared>> -> memref<3328x16xf32, #tpu.memory_space<vmem_shared>>
      tpu.enqueue_dma source(%dma_start3A_240 : memref<3328x16xf32, #tpu.memory_space<vmem_shared>>) target(%dma_start3A_238 : memref<3328x16xf32, #tpu.memory_space<hbm>>) target_semaphore(%run_scoped3A : memref<!tpu.dma_semaphore, #tpu.memory_space<semaphore_mem>>)
      %dma_wait3A_241 = arith.constant 16 : i32
      %dma_wait3A_242 = tpu.memref_slice %arg5[%arg0, %mul3A_234, %dma_wait3A_241] : memref<2x53248x32xf32, #tpu.memory_space<hbm>> -> memref<1x3328x16xf32, #tpu.memory_space<hbm>>
      %dma_wait3A_243 = tpu.memref_squeeze %dma_wait3A_242 : memref<1x3328x16xf32, #tpu.memory_space<hbm>> -> memref<3328x16xf32, #tpu.memory_space<hbm>>
      %dma_wait3A_244 = arith.constant 0 : i32
      %dma_wait3A_245 = tpu.memref_slice %arg8[%mul3A_232, %dma_wait3A_244] : memref<53248x16xf32, #tpu.memory_space<vmem_shared>> -> memref<3328x16xf32, #tpu.memory_space<vmem_shared>>
      tpu.wait_dma2 semaphore(%run_scoped3A : memref<!tpu.dma_semaphore, #tpu.memory_space<semaphore_mem>>) src(%dma_wait3A_245 : memref<3328x16xf32, #tpu.memory_space<vmem_shared>>) dst(%dma_wait3A_243 : memref<3328x16xf32, #tpu.memory_space<hbm>>)
      tpu.yield
    }) : () -> ()
    %barrier3A_235 = arith.constant 0 : index
    tpu.barrier barrier_id(%barrier3A_235)
    return
  }
}

#map = affine_map<(d0, d1) -> (0, 0, 0)>
#map1 = affine_map<(d0, d1) -> (0, 0)>
module attributes {stable_mosaic.version = 14 : i64} {
  func.func @k(%arg0: i32, %arg1: i32, %arg2: memref<32x1664x32xf32, #tpu.memory_space<hbm>>, %arg3: memref<32x1664xi32, #tpu.memory_space<hbm>>, %arg4: memref<20480x16xf32, #tpu.memory_space<hbm>>, %arg5: memref<2x20480x32xf32, #tpu.memory_space<hbm>>, %arg6: memref<1664xi32, #tpu.memory_space<vmem>>, %arg7: memref<2x1664x16xf32, #tpu.memory_space<vmem>>, %arg8: memref<20480x16xf32, #tpu.memory_space<vmem_shared>>, %arg9: memref<!tpu.dma_semaphore, #tpu.memory_space<semaphore_mem>>, %arg10: memref<!tpu.dma_semaphore, #tpu.memory_space<semaphore_mem>>, %arg11: memref<!tpu.dma_semaphore, #tpu.memory_space<semaphore_mem>>) attributes {dimension_semantics = [#tpu.dimension_semantics<core_parallel>, #tpu.dimension_semantics<subcore_parallel>], iteration_bounds = array<i64: 2, 16>, scalar_prefetch = 0 : i64, scratch_operands = 6 : i64, tpu.core_type = #tpu.core_type<sc_vector_subcore>, window_params = [{transform_indices = #map}, {transform_indices = #map1}, {transform_indices = #map1}, {transform_indices = #map}]} {
    %mul3A = arith.constant 2 : i32
    %mul3A_0 = arith.muli %arg1, %mul3A : i32
    %add3A = arith.addi %mul3A_0, %arg0 : i32
    "tpu.region"() ({
      %run_scoped3A = tpu.sem_alloc : memref<!tpu.dma_semaphore, #tpu.memory_space<semaphore_mem>>
      %dma_start3A_128 = arith.constant 0 : i32
      %dma_start3A_129 = tpu.memref_slice %arg3[%add3A, %dma_start3A_128] : memref<32x1664xi32, #tpu.memory_space<hbm>> -> memref<1x1664xi32, #tpu.memory_space<hbm>>
      %dma_start3A_130 = tpu.memref_squeeze %dma_start3A_129 : memref<1x1664xi32, #tpu.memory_space<hbm>> -> memref<1664xi32, #tpu.memory_space<hbm>>
      %dma_start3A_131 = arith.constant 0 : i32
      %dma_start3A_132 = tpu.memref_slice %arg3[%add3A, %dma_start3A_131] : memref<32x1664xi32, #tpu.memory_space<hbm>> -> memref<1x1664xi32, #tpu.memory_space<hbm>>
      %dma_start3A_133 = tpu.memref_squeeze %dma_start3A_132 : memref<1x1664xi32, #tpu.memory_space<hbm>> -> memref<1664xi32, #tpu.memory_space<hbm>>
      tpu.enqueue_dma source(%dma_start3A_133 : memref<1664xi32, #tpu.memory_space<hbm>>) target(%arg6 : memref<1664xi32, #tpu.memory_space<vmem>>) target_semaphore(%run_scoped3A : memref<!tpu.dma_semaphore, #tpu.memory_space<semaphore_mem>>)
      %dma_wait3A_134 = arith.constant 0 : i32
      %dma_wait3A_135 = tpu.memref_slice %arg3[%add3A, %dma_wait3A_134] : memref<32x1664xi32, #tpu.memory_space<hbm>> -> memref<1x1664xi32, #tpu.memory_space<hbm>>
      %dma_wait3A_136 = tpu.memref_squeeze %dma_wait3A_135 : memref<1x1664xi32, #tpu.memory_space<hbm>> -> memref<1664xi32, #tpu.memory_space<hbm>>
      %dma_wait3A_137 = arith.constant 0 : i32
      %dma_wait3A_138 = tpu.memref_slice %arg3[%add3A, %dma_wait3A_137] : memref<32x1664xi32, #tpu.memory_space<hbm>> -> memref<1x1664xi32, #tpu.memory_space<hbm>>
      %dma_wait3A_139 = tpu.memref_squeeze %dma_wait3A_138 : memref<1x1664xi32, #tpu.memory_space<hbm>> -> memref<1664xi32, #tpu.memory_space<hbm>>
      tpu.wait_dma2 semaphore(%run_scoped3A : memref<!tpu.dma_semaphore, #tpu.memory_space<semaphore_mem>>) src(%dma_wait3A_139 : memref<1664xi32, #tpu.memory_space<hbm>>) dst(%arg6 : memref<1664xi32, #tpu.memory_space<vmem>>)
      tpu.yield
    }) : () -> ()
    %mul3A_1 = arith.constant 1280 : i32
    %mul3A_2 = arith.muli %arg1, %mul3A_1 : i32
    %mul3A_3 = arith.constant 1280 : i32
    %mul3A_4 = arith.muli %arg1, %mul3A_3 : i32
    "tpu.region"() ({
      %run_scoped3A = tpu.sem_alloc : memref<!tpu.dma_semaphore, #tpu.memory_space<semaphore_mem>>
      %dma_start3A_128 = arith.constant 0 : i32
      %dma_start3A_129 = tpu.memref_slice %arg8[%mul3A_4, %dma_start3A_128] : memref<20480x16xf32, #tpu.memory_space<vmem_shared>> -> memref<1280x16xf32, #tpu.memory_space<vmem_shared>>
      %dma_start3A_130 = arith.constant 0 : i32
      %dma_start3A_131 = tpu.memref_slice %arg4[%mul3A_2, %dma_start3A_130] : memref<20480x16xf32, #tpu.memory_space<hbm>> -> memref<1280x16xf32, #tpu.memory_space<hbm>>
      tpu.enqueue_dma source(%dma_start3A_131 : memref<1280x16xf32, #tpu.memory_space<hbm>>) target(%dma_start3A_129 : memref<1280x16xf32, #tpu.memory_space<vmem_shared>>) target_semaphore(%run_scoped3A : memref<!tpu.dma_semaphore, #tpu.memory_space<semaphore_mem>>)
      %dma_wait3A_132 = arith.constant 0 : i32
      %dma_wait3A_133 = tpu.memref_slice %arg8[%mul3A_4, %dma_wait3A_132] : memref<20480x16xf32, #tpu.memory_space<vmem_shared>> -> memref<1280x16xf32, #tpu.memory_space<vmem_shared>>
      %dma_wait3A_134 = arith.constant 0 : i32
      %dma_wait3A_135 = tpu.memref_slice %arg4[%mul3A_2, %dma_wait3A_134] : memref<20480x16xf32, #tpu.memory_space<hbm>> -> memref<1280x16xf32, #tpu.memory_space<hbm>>
      tpu.wait_dma2 semaphore(%run_scoped3A : memref<!tpu.dma_semaphore, #tpu.memory_space<semaphore_mem>>) src(%dma_wait3A_135 : memref<1280x16xf32, #tpu.memory_space<hbm>>) dst(%dma_wait3A_133 : memref<1280x16xf32, #tpu.memory_space<vmem_shared>>)
      tpu.yield
    }) : () -> ()
    %barrier3A = arith.constant 0 : index
    tpu.barrier barrier_id(%barrier3A)
    %dma_start3A = arith.constant 0 : i32
    %dma_start3A_5 = arith.constant 0 : i32
    %dma_start3A_6 = arith.constant 0 : i32
    %dma_start3A_7 = tpu.memref_slice %arg7[%dma_start3A, %dma_start3A_5, %dma_start3A_6] : memref<2x1664x16xf32, #tpu.memory_space<vmem>> -> memref<1x1664x16xf32, #tpu.memory_space<vmem>>
    %dma_start3A_8 = tpu.memref_squeeze %dma_start3A_7 : memref<1x1664x16xf32, #tpu.memory_space<vmem>> -> memref<1664x16xf32, #tpu.memory_space<vmem>>
    %dma_start3A_9 = arith.constant 0 : i32
    %dma_start3A_10 = arith.constant 0 : i32
    %dma_start3A_11 = tpu.memref_slice %arg2[%add3A, %dma_start3A_9, %dma_start3A_10] : memref<32x1664x32xf32, #tpu.memory_space<hbm>> -> memref<1x1664x16xf32, #tpu.memory_space<hbm>>
    %dma_start3A_12 = tpu.memref_squeeze %dma_start3A_11 : memref<1x1664x16xf32, #tpu.memory_space<hbm>> -> memref<1664x16xf32, #tpu.memory_space<hbm>>
    %dma_start3A_13 = arith.constant 0 : i32
    %dma_start3A_14 = arith.constant 0 : i32
    %dma_start3A_15 = tpu.memref_slice %arg7[%dma_start3A, %dma_start3A_13, %dma_start3A_14] : memref<2x1664x16xf32, #tpu.memory_space<vmem>> -> memref<1x1664x16xf32, #tpu.memory_space<vmem>>
    %dma_start3A_16 = tpu.memref_squeeze %dma_start3A_15 : memref<1x1664x16xf32, #tpu.memory_space<vmem>> -> memref<1664x16xf32, #tpu.memory_space<vmem>>
    %dma_start3A_17 = arith.constant 0 : i32
    %dma_start3A_18 = arith.constant 0 : i32
    %dma_start3A_19 = tpu.memref_slice %arg2[%add3A, %dma_start3A_17, %dma_start3A_18] : memref<32x1664x32xf32, #tpu.memory_space<hbm>> -> memref<1x1664x16xf32, #tpu.memory_space<hbm>>
    %dma_start3A_20 = tpu.memref_squeeze %dma_start3A_19 : memref<1x1664x16xf32, #tpu.memory_space<hbm>> -> memref<1664x16xf32, #tpu.memory_space<hbm>>
    tpu.enqueue_dma source(%dma_start3A_20 : memref<1664x16xf32, #tpu.memory_space<hbm>>) target(%dma_start3A_16 : memref<1664x16xf32, #tpu.memory_space<vmem>>) target_semaphore(%arg10 : memref<!tpu.dma_semaphore, #tpu.memory_space<semaphore_mem>>)
    %dma_wait3A = arith.constant 0 : i32
    %dma_wait3A_21 = arith.constant 0 : i32
    %dma_wait3A_22 = arith.constant 0 : i32
    %dma_wait3A_23 = tpu.memref_slice %arg7[%dma_wait3A, %dma_wait3A_21, %dma_wait3A_22] : memref<2x1664x16xf32, #tpu.memory_space<vmem>> -> memref<1x1664x16xf32, #tpu.memory_space<vmem>>
    %dma_wait3A_24 = tpu.memref_squeeze %dma_wait3A_23 : memref<1x1664x16xf32, #tpu.memory_space<vmem>> -> memref<1664x16xf32, #tpu.memory_space<vmem>>
    %dma_wait3A_25 = arith.constant 0 : i32
    %dma_wait3A_26 = arith.constant 0 : i32
    %dma_wait3A_27 = tpu.memref_slice %arg2[%add3A, %dma_wait3A_25, %dma_wait3A_26] : memref<32x1664x32xf32, #tpu.memory_space<hbm>> -> memref<1x1664x16xf32, #tpu.memory_space<hbm>>
    %dma_wait3A_28 = tpu.memref_squeeze %dma_wait3A_27 : memref<1x1664x16xf32, #tpu.memory_space<hbm>> -> memref<1664x16xf32, #tpu.memory_space<hbm>>
    %dma_wait3A_29 = arith.constant 0 : i32
    %dma_wait3A_30 = arith.constant 0 : i32
    %dma_wait3A_31 = tpu.memref_slice %arg7[%dma_wait3A, %dma_wait3A_29, %dma_wait3A_30] : memref<2x1664x16xf32, #tpu.memory_space<vmem>> -> memref<1x1664x16xf32, #tpu.memory_space<vmem>>
    %dma_wait3A_32 = tpu.memref_squeeze %dma_wait3A_31 : memref<1x1664x16xf32, #tpu.memory_space<vmem>> -> memref<1664x16xf32, #tpu.memory_space<vmem>>
    %dma_wait3A_33 = arith.constant 0 : i32
    %dma_wait3A_34 = arith.constant 0 : i32
    %dma_wait3A_35 = tpu.memref_slice %arg2[%add3A, %dma_wait3A_33, %dma_wait3A_34] : memref<32x1664x32xf32, #tpu.memory_space<hbm>> -> memref<1x1664x16xf32, #tpu.memory_space<hbm>>
    %dma_wait3A_36 = tpu.memref_squeeze %dma_wait3A_35 : memref<1x1664x16xf32, #tpu.memory_space<hbm>> -> memref<1664x16xf32, #tpu.memory_space<hbm>>
    tpu.wait_dma2 semaphore(%arg10 : memref<!tpu.dma_semaphore, #tpu.memory_space<semaphore_mem>>) src(%dma_wait3A_36 : memref<1664x16xf32, #tpu.memory_space<hbm>>) dst(%dma_wait3A_32 : memref<1664x16xf32, #tpu.memory_space<vmem>>)
    %dma_start3A_37 = arith.constant 0 : i32
    %dma_start3A_38 = arith.constant 0 : i32
    %dma_start3A_39 = arith.constant 0 : i32
    %dma_start3A_40 = tpu.memref_slice %arg7[%dma_start3A_37, %dma_start3A_38, %dma_start3A_39] : memref<2x1664x16xf32, #tpu.memory_space<vmem>> -> memref<1x1664x16xf32, #tpu.memory_space<vmem>>
    %dma_start3A_41 = tpu.memref_squeeze %dma_start3A_40 : memref<1x1664x16xf32, #tpu.memory_space<vmem>> -> memref<1664x16xf32, #tpu.memory_space<vmem>>
    %dma_start3A_42 = arith.constant 0 : i32
    %dma_start3A_43 = tpu.memref_slice %arg6[%dma_start3A_42] : memref<1664xi32, #tpu.memory_space<vmem>> -> memref<1664xi32, #tpu.memory_space<vmem>>
    %dma_start3A_44 = arith.constant 0 : i32
    %dma_start3A_45 = arith.constant 0 : i32
    %dma_start3A_46 = tpu.memref_slice %arg8[%dma_start3A_44, %dma_start3A_45] : memref<20480x16xf32, #tpu.memory_space<vmem_shared>> -> memref<20480x16xf32, #tpu.memory_space<vmem_shared>>
    tpu.enqueue_indirect_dma source(%dma_start3A_41 : memref<1664x16xf32, #tpu.memory_space<vmem>>) target(%dma_start3A_46 : memref<20480x16xf32, #tpu.memory_space<vmem_shared>>) offsets(%dma_start3A_43 : memref<1664xi32, #tpu.memory_space<vmem>>) semaphore(%arg9 : memref<!tpu.dma_semaphore, #tpu.memory_space<semaphore_mem>>) {add = true}
    %dma_wait3A_47 = arith.constant 0 : i32
    %dma_wait3A_48 = arith.constant 0 : i32
    %dma_wait3A_49 = arith.constant 0 : i32
    %dma_wait3A_50 = tpu.memref_slice %arg7[%dma_wait3A_47, %dma_wait3A_48, %dma_wait3A_49] : memref<2x1664x16xf32, #tpu.memory_space<vmem>> -> memref<1x1664x16xf32, #tpu.memory_space<vmem>>
    %dma_wait3A_51 = tpu.memref_squeeze %dma_wait3A_50 : memref<1x1664x16xf32, #tpu.memory_space<vmem>> -> memref<1664x16xf32, #tpu.memory_space<vmem>>
    %dma_wait3A_52 = arith.constant 0 : i32
    %dma_wait3A_53 = tpu.memref_slice %arg6[%dma_wait3A_52] : memref<1664xi32, #tpu.memory_space<vmem>> -> memref<1664xi32, #tpu.memory_space<vmem>>
    %dma_wait3A_54 = arith.constant 0 : i32
    %dma_wait3A_55 = arith.constant 0 : i32
    %dma_wait3A_56 = tpu.memref_slice %arg8[%dma_wait3A_54, %dma_wait3A_55] : memref<20480x16xf32, #tpu.memory_space<vmem_shared>> -> memref<20480x16xf32, #tpu.memory_space<vmem_shared>>
    tpu.wait_indirect_dma semaphore(%arg9 : memref<!tpu.dma_semaphore, #tpu.memory_space<semaphore_mem>>) src(%dma_wait3A_51 : memref<1664x16xf32, #tpu.memory_space<vmem>>) dst(%dma_wait3A_56 : memref<20480x16xf32, #tpu.memory_space<vmem_shared>>)
    %barrier3A_57 = arith.constant 0 : index
    tpu.barrier barrier_id(%barrier3A_57)
    %mul3A_58 = arith.constant 1280 : i32
    %mul3A_59 = arith.muli %arg1, %mul3A_58 : i32
    %mul3A_60 = arith.constant 1280 : i32
    %mul3A_61 = arith.muli %arg1, %mul3A_60 : i32
    "tpu.region"() ({
      %run_scoped3A = tpu.sem_alloc : memref<!tpu.dma_semaphore, #tpu.memory_space<semaphore_mem>>
      %dma_start3A_128 = arith.constant 0 : i32
      %dma_start3A_129 = tpu.memref_slice %arg5[%arg0, %mul3A_61, %dma_start3A_128] : memref<2x20480x32xf32, #tpu.memory_space<hbm>> -> memref<1x1280x16xf32, #tpu.memory_space<hbm>>
      %dma_start3A_130 = tpu.memref_squeeze %dma_start3A_129 : memref<1x1280x16xf32, #tpu.memory_space<hbm>> -> memref<1280x16xf32, #tpu.memory_space<hbm>>
      %dma_start3A_131 = arith.constant 0 : i32
      %dma_start3A_132 = tpu.memref_slice %arg8[%mul3A_59, %dma_start3A_131] : memref<20480x16xf32, #tpu.memory_space<vmem_shared>> -> memref<1280x16xf32, #tpu.memory_space<vmem_shared>>
      tpu.enqueue_dma source(%dma_start3A_132 : memref<1280x16xf32, #tpu.memory_space<vmem_shared>>) target(%dma_start3A_130 : memref<1280x16xf32, #tpu.memory_space<hbm>>) target_semaphore(%run_scoped3A : memref<!tpu.dma_semaphore, #tpu.memory_space<semaphore_mem>>)
      %dma_wait3A_133 = arith.constant 0 : i32
      %dma_wait3A_134 = tpu.memref_slice %arg5[%arg0, %mul3A_61, %dma_wait3A_133] : memref<2x20480x32xf32, #tpu.memory_space<hbm>> -> memref<1x1280x16xf32, #tpu.memory_space<hbm>>
      %dma_wait3A_135 = tpu.memref_squeeze %dma_wait3A_134 : memref<1x1280x16xf32, #tpu.memory_space<hbm>> -> memref<1280x16xf32, #tpu.memory_space<hbm>>
      %dma_wait3A_136 = arith.constant 0 : i32
      %dma_wait3A_137 = tpu.memref_slice %arg8[%mul3A_59, %dma_wait3A_136] : memref<20480x16xf32, #tpu.memory_space<vmem_shared>> -> memref<1280x16xf32, #tpu.memory_space<vmem_shared>>
      tpu.wait_dma2 semaphore(%run_scoped3A : memref<!tpu.dma_semaphore, #tpu.memory_space<semaphore_mem>>) src(%dma_wait3A_137 : memref<1280x16xf32, #tpu.memory_space<vmem_shared>>) dst(%dma_wait3A_135 : memref<1280x16xf32, #tpu.memory_space<hbm>>)
      tpu.yield
    }) : () -> ()
    %barrier3A_62 = arith.constant 0 : index
    tpu.barrier barrier_id(%barrier3A_62)
    %mul3A_63 = arith.constant 1280 : i32
    %mul3A_64 = arith.muli %arg1, %mul3A_63 : i32
    %mul3A_65 = arith.constant 1280 : i32
    %mul3A_66 = arith.muli %arg1, %mul3A_65 : i32
    "tpu.region"() ({
      %run_scoped3A = tpu.sem_alloc : memref<!tpu.dma_semaphore, #tpu.memory_space<semaphore_mem>>
      %dma_start3A_128 = arith.constant 0 : i32
      %dma_start3A_129 = tpu.memref_slice %arg8[%mul3A_66, %dma_start3A_128] : memref<20480x16xf32, #tpu.memory_space<vmem_shared>> -> memref<1280x16xf32, #tpu.memory_space<vmem_shared>>
      %dma_start3A_130 = arith.constant 0 : i32
      %dma_start3A_131 = tpu.memref_slice %arg4[%mul3A_64, %dma_start3A_130] : memref<20480x16xf32, #tpu.memory_space<hbm>> -> memref<1280x16xf32, #tpu.memory_space<hbm>>
      tpu.enqueue_dma source(%dma_start3A_131 : memref<1280x16xf32, #tpu.memory_space<hbm>>) target(%dma_start3A_129 : memref<1280x16xf32, #tpu.memory_space<vmem_shared>>) target_semaphore(%run_scoped3A : memref<!tpu.dma_semaphore, #tpu.memory_space<semaphore_mem>>)
      %dma_wait3A_132 = arith.constant 0 : i32
      %dma_wait3A_133 = tpu.memref_slice %arg8[%mul3A_66, %dma_wait3A_132] : memref<20480x16xf32, #tpu.memory_space<vmem_shared>> -> memref<1280x16xf32, #tpu.memory_space<vmem_shared>>
      %dma_wait3A_134 = arith.constant 0 : i32
      %dma_wait3A_135 = tpu.memref_slice %arg4[%mul3A_64, %dma_wait3A_134] : memref<20480x16xf32, #tpu.memory_space<hbm>> -> memref<1280x16xf32, #tpu.memory_space<hbm>>
      tpu.wait_dma2 semaphore(%run_scoped3A : memref<!tpu.dma_semaphore, #tpu.memory_space<semaphore_mem>>) src(%dma_wait3A_135 : memref<1280x16xf32, #tpu.memory_space<hbm>>) dst(%dma_wait3A_133 : memref<1280x16xf32, #tpu.memory_space<vmem_shared>>)
      tpu.yield
    }) : () -> ()
    %barrier3A_67 = arith.constant 0 : index
    tpu.barrier barrier_id(%barrier3A_67)
    %dma_start3A_68 = arith.constant 0 : i32
    %dma_start3A_69 = arith.constant 0 : i32
    %dma_start3A_70 = arith.constant 0 : i32
    %dma_start3A_71 = tpu.memref_slice %arg7[%dma_start3A_68, %dma_start3A_69, %dma_start3A_70] : memref<2x1664x16xf32, #tpu.memory_space<vmem>> -> memref<1x1664x16xf32, #tpu.memory_space<vmem>>
    %dma_start3A_72 = tpu.memref_squeeze %dma_start3A_71 : memref<1x1664x16xf32, #tpu.memory_space<vmem>> -> memref<1664x16xf32, #tpu.memory_space<vmem>>
    %dma_start3A_73 = arith.constant 0 : i32
    %dma_start3A_74 = arith.constant 16 : i32
    %dma_start3A_75 = tpu.memref_slice %arg2[%add3A, %dma_start3A_73, %dma_start3A_74] : memref<32x1664x32xf32, #tpu.memory_space<hbm>> -> memref<1x1664x16xf32, #tpu.memory_space<hbm>>
    %dma_start3A_76 = tpu.memref_squeeze %dma_start3A_75 : memref<1x1664x16xf32, #tpu.memory_space<hbm>> -> memref<1664x16xf32, #tpu.memory_space<hbm>>
    %dma_start3A_77 = arith.constant 0 : i32
    %dma_start3A_78 = arith.constant 0 : i32
    %dma_start3A_79 = tpu.memref_slice %arg7[%dma_start3A_68, %dma_start3A_77, %dma_start3A_78] : memref<2x1664x16xf32, #tpu.memory_space<vmem>> -> memref<1x1664x16xf32, #tpu.memory_space<vmem>>
    %dma_start3A_80 = tpu.memref_squeeze %dma_start3A_79 : memref<1x1664x16xf32, #tpu.memory_space<vmem>> -> memref<1664x16xf32, #tpu.memory_space<vmem>>
    %dma_start3A_81 = arith.constant 0 : i32
    %dma_start3A_82 = arith.constant 16 : i32
    %dma_start3A_83 = tpu.memref_slice %arg2[%add3A, %dma_start3A_81, %dma_start3A_82] : memref<32x1664x32xf32, #tpu.memory_space<hbm>> -> memref<1x1664x16xf32, #tpu.memory_space<hbm>>
    %dma_start3A_84 = tpu.memref_squeeze %dma_start3A_83 : memref<1x1664x16xf32, #tpu.memory_space<hbm>> -> memref<1664x16xf32, #tpu.memory_space<hbm>>
    tpu.enqueue_dma source(%dma_start3A_84 : memref<1664x16xf32, #tpu.memory_space<hbm>>) target(%dma_start3A_80 : memref<1664x16xf32, #tpu.memory_space<vmem>>) target_semaphore(%arg10 : memref<!tpu.dma_semaphore, #tpu.memory_space<semaphore_mem>>)
    %dma_wait3A_85 = arith.constant 0 : i32
    %dma_wait3A_86 = arith.constant 0 : i32
    %dma_wait3A_87 = arith.constant 0 : i32
    %dma_wait3A_88 = tpu.memref_slice %arg7[%dma_wait3A_85, %dma_wait3A_86, %dma_wait3A_87] : memref<2x1664x16xf32, #tpu.memory_space<vmem>> -> memref<1x1664x16xf32, #tpu.memory_space<vmem>>
    %dma_wait3A_89 = tpu.memref_squeeze %dma_wait3A_88 : memref<1x1664x16xf32, #tpu.memory_space<vmem>> -> memref<1664x16xf32, #tpu.memory_space<vmem>>
    %dma_wait3A_90 = arith.constant 0 : i32
    %dma_wait3A_91 = arith.constant 16 : i32
    %dma_wait3A_92 = tpu.memref_slice %arg2[%add3A, %dma_wait3A_90, %dma_wait3A_91] : memref<32x1664x32xf32, #tpu.memory_space<hbm>> -> memref<1x1664x16xf32, #tpu.memory_space<hbm>>
    %dma_wait3A_93 = tpu.memref_squeeze %dma_wait3A_92 : memref<1x1664x16xf32, #tpu.memory_space<hbm>> -> memref<1664x16xf32, #tpu.memory_space<hbm>>
    %dma_wait3A_94 = arith.constant 0 : i32
    %dma_wait3A_95 = arith.constant 0 : i32
    %dma_wait3A_96 = tpu.memref_slice %arg7[%dma_wait3A_85, %dma_wait3A_94, %dma_wait3A_95] : memref<2x1664x16xf32, #tpu.memory_space<vmem>> -> memref<1x1664x16xf32, #tpu.memory_space<vmem>>
    %dma_wait3A_97 = tpu.memref_squeeze %dma_wait3A_96 : memref<1x1664x16xf32, #tpu.memory_space<vmem>> -> memref<1664x16xf32, #tpu.memory_space<vmem>>
    %dma_wait3A_98 = arith.constant 0 : i32
    %dma_wait3A_99 = arith.constant 16 : i32
    %dma_wait3A_100 = tpu.memref_slice %arg2[%add3A, %dma_wait3A_98, %dma_wait3A_99] : memref<32x1664x32xf32, #tpu.memory_space<hbm>> -> memref<1x1664x16xf32, #tpu.memory_space<hbm>>
    %dma_wait3A_101 = tpu.memref_squeeze %dma_wait3A_100 : memref<1x1664x16xf32, #tpu.memory_space<hbm>> -> memref<1664x16xf32, #tpu.memory_space<hbm>>
    tpu.wait_dma2 semaphore(%arg10 : memref<!tpu.dma_semaphore, #tpu.memory_space<semaphore_mem>>) src(%dma_wait3A_101 : memref<1664x16xf32, #tpu.memory_space<hbm>>) dst(%dma_wait3A_97 : memref<1664x16xf32, #tpu.memory_space<vmem>>)
    %dma_start3A_102 = arith.constant 0 : i32
    %dma_start3A_103 = arith.constant 0 : i32
    %dma_start3A_104 = arith.constant 0 : i32
    %dma_start3A_105 = tpu.memref_slice %arg7[%dma_start3A_102, %dma_start3A_103, %dma_start3A_104] : memref<2x1664x16xf32, #tpu.memory_space<vmem>> -> memref<1x1664x16xf32, #tpu.memory_space<vmem>>
    %dma_start3A_106 = tpu.memref_squeeze %dma_start3A_105 : memref<1x1664x16xf32, #tpu.memory_space<vmem>> -> memref<1664x16xf32, #tpu.memory_space<vmem>>
    %dma_start3A_107 = arith.constant 0 : i32
    %dma_start3A_108 = tpu.memref_slice %arg6[%dma_start3A_107] : memref<1664xi32, #tpu.memory_space<vmem>> -> memref<1664xi32, #tpu.memory_space<vmem>>
    %dma_start3A_109 = arith.constant 0 : i32
    %dma_start3A_110 = arith.constant 0 : i32
    %dma_start3A_111 = tpu.memref_slice %arg8[%dma_start3A_109, %dma_start3A_110] : memref<20480x16xf32, #tpu.memory_space<vmem_shared>> -> memref<20480x16xf32, #tpu.memory_space<vmem_shared>>
    tpu.enqueue_indirect_dma source(%dma_start3A_106 : memref<1664x16xf32, #tpu.memory_space<vmem>>) target(%dma_start3A_111 : memref<20480x16xf32, #tpu.memory_space<vmem_shared>>) offsets(%dma_start3A_108 : memref<1664xi32, #tpu.memory_space<vmem>>) semaphore(%arg9 : memref<!tpu.dma_semaphore, #tpu.memory_space<semaphore_mem>>) {add = true}
    %dma_wait3A_112 = arith.constant 0 : i32
    %dma_wait3A_113 = arith.constant 0 : i32
    %dma_wait3A_114 = arith.constant 0 : i32
    %dma_wait3A_115 = tpu.memref_slice %arg7[%dma_wait3A_112, %dma_wait3A_113, %dma_wait3A_114] : memref<2x1664x16xf32, #tpu.memory_space<vmem>> -> memref<1x1664x16xf32, #tpu.memory_space<vmem>>
    %dma_wait3A_116 = tpu.memref_squeeze %dma_wait3A_115 : memref<1x1664x16xf32, #tpu.memory_space<vmem>> -> memref<1664x16xf32, #tpu.memory_space<vmem>>
    %dma_wait3A_117 = arith.constant 0 : i32
    %dma_wait3A_118 = tpu.memref_slice %arg6[%dma_wait3A_117] : memref<1664xi32, #tpu.memory_space<vmem>> -> memref<1664xi32, #tpu.memory_space<vmem>>
    %dma_wait3A_119 = arith.constant 0 : i32
    %dma_wait3A_120 = arith.constant 0 : i32
    %dma_wait3A_121 = tpu.memref_slice %arg8[%dma_wait3A_119, %dma_wait3A_120] : memref<20480x16xf32, #tpu.memory_space<vmem_shared>> -> memref<20480x16xf32, #tpu.memory_space<vmem_shared>>
    tpu.wait_indirect_dma semaphore(%arg9 : memref<!tpu.dma_semaphore, #tpu.memory_space<semaphore_mem>>) src(%dma_wait3A_116 : memref<1664x16xf32, #tpu.memory_space<vmem>>) dst(%dma_wait3A_121 : memref<20480x16xf32, #tpu.memory_space<vmem_shared>>)
    %barrier3A_122 = arith.constant 0 : index
    tpu.barrier barrier_id(%barrier3A_122)
    %mul3A_123 = arith.constant 1280 : i32
    %mul3A_124 = arith.muli %arg1, %mul3A_123 : i32
    %mul3A_125 = arith.constant 1280 : i32
    %mul3A_126 = arith.muli %arg1, %mul3A_125 : i32
    "tpu.region"() ({
      %run_scoped3A = tpu.sem_alloc : memref<!tpu.dma_semaphore, #tpu.memory_space<semaphore_mem>>
      %dma_start3A_128 = arith.constant 16 : i32
      %dma_start3A_129 = tpu.memref_slice %arg5[%arg0, %mul3A_126, %dma_start3A_128] : memref<2x20480x32xf32, #tpu.memory_space<hbm>> -> memref<1x1280x16xf32, #tpu.memory_space<hbm>>
      %dma_start3A_130 = tpu.memref_squeeze %dma_start3A_129 : memref<1x1280x16xf32, #tpu.memory_space<hbm>> -> memref<1280x16xf32, #tpu.memory_space<hbm>>
      %dma_start3A_131 = arith.constant 0 : i32
      %dma_start3A_132 = tpu.memref_slice %arg8[%mul3A_124, %dma_start3A_131] : memref<20480x16xf32, #tpu.memory_space<vmem_shared>> -> memref<1280x16xf32, #tpu.memory_space<vmem_shared>>
      tpu.enqueue_dma source(%dma_start3A_132 : memref<1280x16xf32, #tpu.memory_space<vmem_shared>>) target(%dma_start3A_130 : memref<1280x16xf32, #tpu.memory_space<hbm>>) target_semaphore(%run_scoped3A : memref<!tpu.dma_semaphore, #tpu.memory_space<semaphore_mem>>)
      %dma_wait3A_133 = arith.constant 16 : i32
      %dma_wait3A_134 = tpu.memref_slice %arg5[%arg0, %mul3A_126, %dma_wait3A_133] : memref<2x20480x32xf32, #tpu.memory_space<hbm>> -> memref<1x1280x16xf32, #tpu.memory_space<hbm>>
      %dma_wait3A_135 = tpu.memref_squeeze %dma_wait3A_134 : memref<1x1280x16xf32, #tpu.memory_space<hbm>> -> memref<1280x16xf32, #tpu.memory_space<hbm>>
      %dma_wait3A_136 = arith.constant 0 : i32
      %dma_wait3A_137 = tpu.memref_slice %arg8[%mul3A_124, %dma_wait3A_136] : memref<20480x16xf32, #tpu.memory_space<vmem_shared>> -> memref<1280x16xf32, #tpu.memory_space<vmem_shared>>
      tpu.wait_dma2 semaphore(%run_scoped3A : memref<!tpu.dma_semaphore, #tpu.memory_space<semaphore_mem>>) src(%dma_wait3A_137 : memref<1280x16xf32, #tpu.memory_space<vmem_shared>>) dst(%dma_wait3A_135 : memref<1280x16xf32, #tpu.memory_space<hbm>>)
      tpu.yield
    }) : () -> ()
    %barrier3A_127 = arith.constant 0 : index
    tpu.barrier barrier_id(%barrier3A_127)
    return
  }
}

module attributes {stable_mosaic.version = 14 : i64} {
  func.func @_k0_body(%arg0: i32, %arg1: memref<2048x112xf32, #tpu.memory_space<vmem>>, %arg2: memref<112x32xf32, #tpu.memory_space<vmem>>, %arg3: memref<1x32xf32, #tpu.memory_space<vmem>>, %arg4: memref<2048x32xf32, #tpu.memory_space<vmem>>) attributes {dimension_semantics = [#tpu.dimension_semantics<arbitrary>], iteration_bounds = array<i64: 10>, scalar_prefetch = 0 : i64, scratch_operands = 0 : i64, tpu.core_type = #tpu.core_type<tc>, window_params = [{transform_indices = @transform_0, window_bounds = array<i64: 2048, 112>}, {pipeline_mode = #tpu.pipeline_mode<synchronous>, transform_indices = @transform_1, window_bounds = array<i64: 112, 32>}, {pipeline_mode = #tpu.pipeline_mode<synchronous>, transform_indices = @transform_2, window_bounds = array<i64: 1, 32>}, {transform_indices = @transform_3, window_bounds = array<i64: 2048, 32>}]} {
    %get3A = arith.constant 0 : index
    %get3A_0 = arith.constant 0 : index
    %get3A_1 = vector.load %arg1[%get3A, %get3A_0] : memref<2048x112xf32, #tpu.memory_space<vmem>>, vector<2048x112xf32>
    %get3A_2 = arith.constant 0 : index
    %get3A_3 = arith.constant 0 : index
    %get3A_4 = vector.load %arg2[%get3A_2, %get3A_3] : memref<112x32xf32, #tpu.memory_space<vmem>>, vector<112x32xf32>
    %dot_general3A = arith.constant dense<0.000000e+00> : vector<2048x32xf32>
    %dot_general3A_5 = tpu.matmul %get3A_1, %get3A_4, %dot_general3A {dimension_numbers = #tpu.dot_dimension_numbers<[1], [0], [0], [1], [0, 0, 1, 1], [], []>, transpose_lhs_hint = false} : vector<2048x112xf32>, vector<112x32xf32>, vector<2048x32xf32> -> vector<2048x32xf32>
    %get3A_6 = arith.constant 0 : index
    %get3A_7 = arith.constant 0 : index
    %get3A_8 = vector.load %arg3[%get3A_6, %get3A_7] : memref<1x32xf32, #tpu.memory_space<vmem>>, vector<1x32xf32>
    %add3A = vector.broadcast %get3A_8 : vector<1x32xf32> to vector<2048x32xf32>
    %add3A_9 = arith.addf %dot_general3A_5, %add3A : vector<2048x32xf32>
    %max3A = arith.constant 0.000000e+00 : f32
    %max3A_10 = vector.broadcast %max3A : f32 to vector<2048x32xf32>
    %max3A_11 = arith.maximumf %add3A_9, %max3A_10 : vector<2048x32xf32>
    %mul3A = arith.constant 2048 : i32
    %mul3A_12 = arith.muli %arg0, %mul3A : i32
    %iota3A = tpu.iota {dimensions = array<i32: 0>} : vector<2048x1xi32>
    %add3A_13 = vector.broadcast %mul3A_12 : i32 to vector<2048x1xi32>
    %add3A_14 = arith.addi %add3A_13, %iota3A : vector<2048x1xi32>
    %lt3A = arith.constant 20000 : i32
    %lt3A_15 = vector.broadcast %lt3A : i32 to vector<2048x1xi32>
    %lt3A_16 = arith.cmpi slt, %add3A_14, %lt3A_15 : vector<2048x1xi32>
    %jit3A = arith.constant 0.000000e+00 : f32
    %broadcast_in_dim3A = vector.shape_cast %lt3A_16 : vector<2048x1xi1> to vector<2048x1xi1>
    %broadcast_in_dim3A_17 = vector.broadcast %broadcast_in_dim3A : vector<2048x1xi1> to vector<2048x32xi1>
    %broadcast_in_dim3A_18 = vector.broadcast %jit3A : f32 to vector<2048x32xf32>
    %select_n3A = arith.select %broadcast_in_dim3A_17, %max3A_11, %broadcast_in_dim3A_18 : vector<2048x32xi1>, vector<2048x32xf32>
    %swap3A = arith.constant 0 : index
    %swap3A_19 = arith.constant 0 : index
    %swap3A_20 = vector.load %arg4[%swap3A, %swap3A_19] : memref<2048x32xf32, #tpu.memory_space<vmem>>, vector<2048x32xf32>
    tpu.vector_store %arg4[%swap3A, %swap3A_19], %select_n3A {strides = array<i32>} : memref<2048x32xf32, #tpu.memory_space<vmem>>, vector<2048x32xf32>,
    return
  }
  func.func @transform_0(%arg0: i32) -> (i32, i32) {
    %c0_i32 = arith.constant 0 : i32
    %c0_i32_0 = arith.constant 0 : i32
    return %arg0, %c0_i32 : i32, i32
  }
  func.func @transform_1(%arg0: i32) -> (i32, i32) {
    %c0_i32 = arith.constant 0 : i32
    %c0_i32_0 = arith.constant 0 : i32
    %c0_i32_1 = arith.constant 0 : i32
    return %c0_i32, %c0_i32_0 : i32, i32
  }
  func.func @transform_2(%arg0: i32) -> (i32, i32) {
    %c0_i32 = arith.constant 0 : i32
    %c0_i32_0 = arith.constant 0 : i32
    %c0_i32_1 = arith.constant 0 : i32
    return %c0_i32, %c0_i32_0 : i32, i32
  }
  func.func @transform_3(%arg0: i32) -> (i32, i32) {
    %c0_i32 = arith.constant 0 : i32
    %c0_i32_0 = arith.constant 0 : i32
    return %arg0, %c0_i32 : i32, i32
  }
}

module attributes {stable_mosaic.version = 14 : i64} {
  func.func @_kb_body(%arg0: i32, %arg1: memref<1x2048xf32, #tpu.memory_space<vmem>>, %arg2: memref<1x2048xf32, #tpu.memory_space<vmem>>, %arg3: memref<2048x32xf32, #tpu.memory_space<vmem>>, %arg4: memref<32x32xf32, #tpu.memory_space<vmem>>, %arg5: memref<32x1xf32, #tpu.memory_space<vmem>>, %arg6: memref<32x512xf32, #tpu.memory_space<vmem>>, %arg7: memref<32x32xf32, #tpu.memory_space<vmem>>, %arg8: memref<2048x32xf32, #tpu.memory_space<vmem>>) attributes {dimension_semantics = [#tpu.dimension_semantics<arbitrary>], iteration_bounds = array<i64: 50>, scalar_prefetch = 0 : i64, scratch_operands = 0 : i64, tpu.core_type = #tpu.core_type<tc>, window_params = [{transform_indices = @transform_0, window_bounds = array<i64: 1, 2048>}, {transform_indices = @transform_1, window_bounds = array<i64: 1, 2048>}, {transform_indices = @transform_2, window_bounds = array<i64: 2048, 32>}, {pipeline_mode = #tpu.pipeline_mode<synchronous>, transform_indices = @transform_3, window_bounds = array<i64: 32, 32>}, {pipeline_mode = #tpu.pipeline_mode<synchronous>, transform_indices = @transform_4, window_bounds = array<i64: 32, 1>}, {pipeline_mode = #tpu.pipeline_mode<synchronous>, transform_indices = @transform_5, window_bounds = array<i64: 32, 512>}, {pipeline_mode = #tpu.pipeline_mode<synchronous>, transform_indices = @transform_6, window_bounds = array<i64: 32, 32>}, {transform_indices = @transform_7, window_bounds = array<i64: 2048, 32>}]} {
    %get3A = arith.constant 0 : index
    %get3A_0 = arith.constant 0 : index
    %get3A_1 = vector.load %arg4[%get3A, %get3A_0] : memref<32x32xf32, #tpu.memory_space<vmem>>, vector<32x32xf32>
    %get3A_2 = arith.constant 0 : index
    %get3A_3 = arith.constant 0 : index
    %get3A_4 = vector.load %arg3[%get3A_2, %get3A_3] : memref<2048x32xf32, #tpu.memory_space<vmem>>, vector<2048x32xf32>
    %dot_general3A = arith.constant dense<0.000000e+00> : vector<32x2048xf32>
    %dot_general3A_5 = tpu.matmul %get3A_1, %get3A_4, %dot_general3A {dimension_numbers = #tpu.dot_dimension_numbers<[0], [1], [1], [0], [0, 1, 1, 0], [], []>, transpose_lhs_hint = false} : vector<32x32xf32>, vector<2048x32xf32>, vector<32x2048xf32> -> vector<32x2048xf32>
    %get3A_6 = arith.constant 0 : index
    %get3A_7 = arith.constant 0 : index
    %get3A_8 = vector.load %arg5[%get3A_6, %get3A_7] : memref<32x1xf32, #tpu.memory_space<vmem>>, vector<32x1xf32>
    %add3A = vector.broadcast %get3A_8 : vector<32x1xf32> to vector<32x2048xf32>
    %add3A_9 = arith.addf %dot_general3A_5, %add3A : vector<32x2048xf32>
    %max3A = arith.constant 0.000000e+00 : f32
    %max3A_10 = vector.broadcast %max3A : f32 to vector<32x2048xf32>
    %max3A_11 = arith.maximumf %add3A_9, %max3A_10 : vector<32x2048xf32>
    %get3A_12 = arith.constant 0 : index
    %get3A_13 = arith.constant 0 : index
    %get3A_14 = vector.load %arg6[%get3A_12, %get3A_13] : memref<32x512xf32, #tpu.memory_space<vmem>>, vector<32x512xf32>
    %dot_general3A_15 = arith.constant dense<0.000000e+00> : vector<512x2048xf32>
    %dot_general3A_16 = tpu.matmul %get3A_14, %max3A_11, %dot_general3A_15 {dimension_numbers = #tpu.dot_dimension_numbers<[0], [0], [1], [1], [0, 1, 1, 1], [], []>, transpose_lhs_hint = false} : vector<32x512xf32>, vector<32x2048xf32>, vector<512x2048xf32> -> vector<512x2048xf32>
    %get3A_17 = arith.constant 0 : index
    %get3A_18 = arith.constant 0 : index
    %get3A_19 = vector.load %arg7[%get3A_17, %get3A_18] : memref<32x32xf32, #tpu.memory_space<vmem>>, vector<32x32xf32>
    %dot_general3A_20 = arith.constant dense<0.000000e+00> : vector<32x2048xf32>
    %dot_general3A_21 = tpu.matmul %get3A_19, %max3A_11, %dot_general3A_20 {dimension_numbers = #tpu.dot_dimension_numbers<[0], [0], [1], [1], [0, 1, 1, 1], [], []>, transpose_lhs_hint = false} : vector<32x32xf32>, vector<32x2048xf32>, vector<32x2048xf32> -> vector<32x2048xf32>
    %get3A_22 = arith.constant 0 : index
    %get3A_23 = arith.constant 0 : index
    %get3A_24 = vector.load %arg1[%get3A_22, %get3A_23] : memref<1x2048xf32, #tpu.memory_space<vmem>>, vector<1x2048xf32>
    %get3A_25 = arith.constant 0 : index
    %get3A_26 = arith.constant 0 : index
    %get3A_27 = vector.load %arg2[%get3A_25, %get3A_26] : memref<1x2048xf32, #tpu.memory_space<vmem>>, vector<1x2048xf32>
    %slice3A = vector.extract_strided_slice %dot_general3A_16 {offsets = [0, 0], sizes = [32, 2048], strides = [1, 1]} : vector<512x2048xf32> to vector<32x2048xf32>
    %sub3A = arith.constant 0.000000e+00 : f32
    %sub3A_28 = vector.broadcast %sub3A : f32 to vector<1x2048xf32>
    %sub3A_29 = arith.subf %get3A_24, %sub3A_28 : vector<1x2048xf32>
    %integer_pow3A = arith.mulf %sub3A_29, %sub3A_29 : vector<1x2048xf32>
    %mul3A = arith.constant -1.000000e+01 : f32
    %mul3A_30 = vector.broadcast %mul3A : f32 to vector<1x2048xf32>
    %mul3A_31 = arith.mulf %mul3A_30, %integer_pow3A : vector<1x2048xf32>
    %exp3A = math.exp %mul3A_31 : vector<1x2048xf32>
    %mul3A_32 = vector.broadcast %exp3A : vector<1x2048xf32> to vector<32x2048xf32>
    %mul3A_33 = arith.mulf %slice3A, %mul3A_32 : vector<32x2048xf32>
    %add3A_34 = arith.addf %dot_general3A_21, %mul3A_33 : vector<32x2048xf32>
    %slice3A_35 = vector.extract_strided_slice %dot_general3A_16 {offsets = [32, 0], sizes = [32, 2048], strides = [1, 1]} : vector<512x2048xf32> to vector<32x2048xf32>
    %sub3A_36 = arith.constant 0.714285731 : f32
    %sub3A_37 = vector.broadcast %sub3A_36 : f32 to vector<1x2048xf32>
    %sub3A_38 = arith.subf %get3A_24, %sub3A_37 : vector<1x2048xf32>
    %integer_pow3A_39 = arith.mulf %sub3A_38, %sub3A_38 : vector<1x2048xf32>
    %mul3A_40 = arith.constant -1.000000e+01 : f32
    %mul3A_41 = vector.broadcast %mul3A_40 : f32 to vector<1x2048xf32>
    %mul3A_42 = arith.mulf %mul3A_41, %integer_pow3A_39 : vector<1x2048xf32>
    %exp3A_43 = math.exp %mul3A_42 : vector<1x2048xf32>
    %mul3A_44 = vector.broadcast %exp3A_43 : vector<1x2048xf32> to vector<32x2048xf32>
    %mul3A_45 = arith.mulf %slice3A_35, %mul3A_44 : vector<32x2048xf32>
    %add3A_46 = arith.addf %add3A_34, %mul3A_45 : vector<32x2048xf32>
    %slice3A_47 = vector.extract_strided_slice %dot_general3A_16 {offsets = [64, 0], sizes = [32, 2048], strides = [1, 1]} : vector<512x2048xf32> to vector<32x2048xf32>
    %sub3A_48 = arith.constant 1.42857146 : f32
    %sub3A_49 = vector.broadcast %sub3A_48 : f32 to vector<1x2048xf32>
    %sub3A_50 = arith.subf %get3A_24, %sub3A_49 : vector<1x2048xf32>
    %integer_pow3A_51 = arith.mulf %sub3A_50, %sub3A_50 : vector<1x2048xf32>
    %mul3A_52 = arith.constant -1.000000e+01 : f32
    %mul3A_53 = vector.broadcast %mul3A_52 : f32 to vector<1x2048xf32>
    %mul3A_54 = arith.mulf %mul3A_53, %integer_pow3A_51 : vector<1x2048xf32>
    %exp3A_55 = math.exp %mul3A_54 : vector<1x2048xf32>
    %mul3A_56 = vector.broadcast %exp3A_55 : vector<1x2048xf32> to vector<32x2048xf32>
    %mul3A_57 = arith.mulf %slice3A_47, %mul3A_56 : vector<32x2048xf32>
    %add3A_58 = arith.addf %add3A_46, %mul3A_57 : vector<32x2048xf32>
    %slice3A_59 = vector.extract_strided_slice %dot_general3A_16 {offsets = [96, 0], sizes = [32, 2048], strides = [1, 1]} : vector<512x2048xf32> to vector<32x2048xf32>
    %sub3A_60 = arith.constant 2.14285707 : f32
    %sub3A_61 = vector.broadcast %sub3A_60 : f32 to vector<1x2048xf32>
    %sub3A_62 = arith.subf %get3A_24, %sub3A_61 : vector<1x2048xf32>
    %integer_pow3A_63 = arith.mulf %sub3A_62, %sub3A_62 : vector<1x2048xf32>
    %mul3A_64 = arith.constant -1.000000e+01 : f32
    %mul3A_65 = vector.broadcast %mul3A_64 : f32 to vector<1x2048xf32>
    %mul3A_66 = arith.mulf %mul3A_65, %integer_pow3A_63 : vector<1x2048xf32>
    %exp3A_67 = math.exp %mul3A_66 : vector<1x2048xf32>
    %mul3A_68 = vector.broadcast %exp3A_67 : vector<1x2048xf32> to vector<32x2048xf32>
    %mul3A_69 = arith.mulf %slice3A_59, %mul3A_68 : vector<32x2048xf32>
    %add3A_70 = arith.addf %add3A_58, %mul3A_69 : vector<32x2048xf32>
    %slice3A_71 = vector.extract_strided_slice %dot_general3A_16 {offsets = [128, 0], sizes = [32, 2048], strides = [1, 1]} : vector<512x2048xf32> to vector<32x2048xf32>
    %sub3A_72 = arith.constant 2.85714293 : f32
    %sub3A_73 = vector.broadcast %sub3A_72 : f32 to vector<1x2048xf32>
    %sub3A_74 = arith.subf %get3A_24, %sub3A_73 : vector<1x2048xf32>
    %integer_pow3A_75 = arith.mulf %sub3A_74, %sub3A_74 : vector<1x2048xf32>
    %mul3A_76 = arith.constant -1.000000e+01 : f32
    %mul3A_77 = vector.broadcast %mul3A_76 : f32 to vector<1x2048xf32>
    %mul3A_78 = arith.mulf %mul3A_77, %integer_pow3A_75 : vector<1x2048xf32>
    %exp3A_79 = math.exp %mul3A_78 : vector<1x2048xf32>
    %mul3A_80 = vector.broadcast %exp3A_79 : vector<1x2048xf32> to vector<32x2048xf32>
    %mul3A_81 = arith.mulf %slice3A_71, %mul3A_80 : vector<32x2048xf32>
    %add3A_82 = arith.addf %add3A_70, %mul3A_81 : vector<32x2048xf32>
    %slice3A_83 = vector.extract_strided_slice %dot_general3A_16 {offsets = [160, 0], sizes = [32, 2048], strides = [1, 1]} : vector<512x2048xf32> to vector<32x2048xf32>
    %sub3A_84 = arith.constant 3.57142854 : f32
    %sub3A_85 = vector.broadcast %sub3A_84 : f32 to vector<1x2048xf32>
    %sub3A_86 = arith.subf %get3A_24, %sub3A_85 : vector<1x2048xf32>
    %integer_pow3A_87 = arith.mulf %sub3A_86, %sub3A_86 : vector<1x2048xf32>
    %mul3A_88 = arith.constant -1.000000e+01 : f32
    %mul3A_89 = vector.broadcast %mul3A_88 : f32 to vector<1x2048xf32>
    %mul3A_90 = arith.mulf %mul3A_89, %integer_pow3A_87 : vector<1x2048xf32>
    %exp3A_91 = math.exp %mul3A_90 : vector<1x2048xf32>
    %mul3A_92 = vector.broadcast %exp3A_91 : vector<1x2048xf32> to vector<32x2048xf32>
    %mul3A_93 = arith.mulf %slice3A_83, %mul3A_92 : vector<32x2048xf32>
    %add3A_94 = arith.addf %add3A_82, %mul3A_93 : vector<32x2048xf32>
    %slice3A_95 = vector.extract_strided_slice %dot_general3A_16 {offsets = [192, 0], sizes = [32, 2048], strides = [1, 1]} : vector<512x2048xf32> to vector<32x2048xf32>
    %sub3A_96 = arith.constant 4.28571415 : f32
    %sub3A_97 = vector.broadcast %sub3A_96 : f32 to vector<1x2048xf32>
    %sub3A_98 = arith.subf %get3A_24, %sub3A_97 : vector<1x2048xf32>
    %integer_pow3A_99 = arith.mulf %sub3A_98, %sub3A_98 : vector<1x2048xf32>
    %mul3A_100 = arith.constant -1.000000e+01 : f32
    %mul3A_101 = vector.broadcast %mul3A_100 : f32 to vector<1x2048xf32>
    %mul3A_102 = arith.mulf %mul3A_101, %integer_pow3A_99 : vector<1x2048xf32>
    %exp3A_103 = math.exp %mul3A_102 : vector<1x2048xf32>
    %mul3A_104 = vector.broadcast %exp3A_103 : vector<1x2048xf32> to vector<32x2048xf32>
    %mul3A_105 = arith.mulf %slice3A_95, %mul3A_104 : vector<32x2048xf32>
    %add3A_106 = arith.addf %add3A_94, %mul3A_105 : vector<32x2048xf32>
    %slice3A_107 = vector.extract_strided_slice %dot_general3A_16 {offsets = [224, 0], sizes = [32, 2048], strides = [1, 1]} : vector<512x2048xf32> to vector<32x2048xf32>
    %sub3A_108 = arith.constant 5.000000e+00 : f32
    %sub3A_109 = vector.broadcast %sub3A_108 : f32 to vector<1x2048xf32>
    %sub3A_110 = arith.subf %get3A_24, %sub3A_109 : vector<1x2048xf32>
    %integer_pow3A_111 = arith.mulf %sub3A_110, %sub3A_110 : vector<1x2048xf32>
    %mul3A_112 = arith.constant -1.000000e+01 : f32
    %mul3A_113 = vector.broadcast %mul3A_112 : f32 to vector<1x2048xf32>
    %mul3A_114 = arith.mulf %mul3A_113, %integer_pow3A_111 : vector<1x2048xf32>
    %exp3A_115 = math.exp %mul3A_114 : vector<1x2048xf32>
    %mul3A_116 = vector.broadcast %exp3A_115 : vector<1x2048xf32> to vector<32x2048xf32>
    %mul3A_117 = arith.mulf %slice3A_107, %mul3A_116 : vector<32x2048xf32>
    %add3A_118 = arith.addf %add3A_106, %mul3A_117 : vector<32x2048xf32>
    %slice3A_119 = vector.extract_strided_slice %dot_general3A_16 {offsets = [256, 0], sizes = [32, 2048], strides = [1, 1]} : vector<512x2048xf32> to vector<32x2048xf32>
    %sub3A_120 = arith.constant 0.000000e+00 : f32
    %sub3A_121 = vector.broadcast %sub3A_120 : f32 to vector<1x2048xf32>
    %sub3A_122 = arith.subf %get3A_27, %sub3A_121 : vector<1x2048xf32>
    %integer_pow3A_123 = arith.mulf %sub3A_122, %sub3A_122 : vector<1x2048xf32>
    %mul3A_124 = arith.constant -1.000000e+01 : f32
    %mul3A_125 = vector.broadcast %mul3A_124 : f32 to vector<1x2048xf32>
    %mul3A_126 = arith.mulf %mul3A_125, %integer_pow3A_123 : vector<1x2048xf32>
    %exp3A_127 = math.exp %mul3A_126 : vector<1x2048xf32>
    %mul3A_128 = vector.broadcast %exp3A_127 : vector<1x2048xf32> to vector<32x2048xf32>
    %mul3A_129 = arith.mulf %slice3A_119, %mul3A_128 : vector<32x2048xf32>
    %add3A_130 = arith.addf %add3A_118, %mul3A_129 : vector<32x2048xf32>
    %slice3A_131 = vector.extract_strided_slice %dot_general3A_16 {offsets = [288, 0], sizes = [32, 2048], strides = [1, 1]} : vector<512x2048xf32> to vector<32x2048xf32>
    %sub3A_132 = arith.constant 0.714285731 : f32
    %sub3A_133 = vector.broadcast %sub3A_132 : f32 to vector<1x2048xf32>
    %sub3A_134 = arith.subf %get3A_27, %sub3A_133 : vector<1x2048xf32>
    %integer_pow3A_135 = arith.mulf %sub3A_134, %sub3A_134 : vector<1x2048xf32>
    %mul3A_136 = arith.constant -1.000000e+01 : f32
    %mul3A_137 = vector.broadcast %mul3A_136 : f32 to vector<1x2048xf32>
    %mul3A_138 = arith.mulf %mul3A_137, %integer_pow3A_135 : vector<1x2048xf32>
    %exp3A_139 = math.exp %mul3A_138 : vector<1x2048xf32>
    %mul3A_140 = vector.broadcast %exp3A_139 : vector<1x2048xf32> to vector<32x2048xf32>
    %mul3A_141 = arith.mulf %slice3A_131, %mul3A_140 : vector<32x2048xf32>
    %add3A_142 = arith.addf %add3A_130, %mul3A_141 : vector<32x2048xf32>
    %slice3A_143 = vector.extract_strided_slice %dot_general3A_16 {offsets = [320, 0], sizes = [32, 2048], strides = [1, 1]} : vector<512x2048xf32> to vector<32x2048xf32>
    %sub3A_144 = arith.constant 1.42857146 : f32
    %sub3A_145 = vector.broadcast %sub3A_144 : f32 to vector<1x2048xf32>
    %sub3A_146 = arith.subf %get3A_27, %sub3A_145 : vector<1x2048xf32>
    %integer_pow3A_147 = arith.mulf %sub3A_146, %sub3A_146 : vector<1x2048xf32>
    %mul3A_148 = arith.constant -1.000000e+01 : f32
    %mul3A_149 = vector.broadcast %mul3A_148 : f32 to vector<1x2048xf32>
    %mul3A_150 = arith.mulf %mul3A_149, %integer_pow3A_147 : vector<1x2048xf32>
    %exp3A_151 = math.exp %mul3A_150 : vector<1x2048xf32>
    %mul3A_152 = vector.broadcast %exp3A_151 : vector<1x2048xf32> to vector<32x2048xf32>
    %mul3A_153 = arith.mulf %slice3A_143, %mul3A_152 : vector<32x2048xf32>
    %add3A_154 = arith.addf %add3A_142, %mul3A_153 : vector<32x2048xf32>
    %slice3A_155 = vector.extract_strided_slice %dot_general3A_16 {offsets = [352, 0], sizes = [32, 2048], strides = [1, 1]} : vector<512x2048xf32> to vector<32x2048xf32>
    %sub3A_156 = arith.constant 2.14285707 : f32
    %sub3A_157 = vector.broadcast %sub3A_156 : f32 to vector<1x2048xf32>
    %sub3A_158 = arith.subf %get3A_27, %sub3A_157 : vector<1x2048xf32>
    %integer_pow3A_159 = arith.mulf %sub3A_158, %sub3A_158 : vector<1x2048xf32>
    %mul3A_160 = arith.constant -1.000000e+01 : f32
    %mul3A_161 = vector.broadcast %mul3A_160 : f32 to vector<1x2048xf32>
    %mul3A_162 = arith.mulf %mul3A_161, %integer_pow3A_159 : vector<1x2048xf32>
    %exp3A_163 = math.exp %mul3A_162 : vector<1x2048xf32>
    %mul3A_164 = vector.broadcast %exp3A_163 : vector<1x2048xf32> to vector<32x2048xf32>
    %mul3A_165 = arith.mulf %slice3A_155, %mul3A_164 : vector<32x2048xf32>
    %add3A_166 = arith.addf %add3A_154, %mul3A_165 : vector<32x2048xf32>
    %slice3A_167 = vector.extract_strided_slice %dot_general3A_16 {offsets = [384, 0], sizes = [32, 2048], strides = [1, 1]} : vector<512x2048xf32> to vector<32x2048xf32>
    %sub3A_168 = arith.constant 2.85714293 : f32
    %sub3A_169 = vector.broadcast %sub3A_168 : f32 to vector<1x2048xf32>
    %sub3A_170 = arith.subf %get3A_27, %sub3A_169 : vector<1x2048xf32>
    %integer_pow3A_171 = arith.mulf %sub3A_170, %sub3A_170 : vector<1x2048xf32>
    %mul3A_172 = arith.constant -1.000000e+01 : f32
    %mul3A_173 = vector.broadcast %mul3A_172 : f32 to vector<1x2048xf32>
    %mul3A_174 = arith.mulf %mul3A_173, %integer_pow3A_171 : vector<1x2048xf32>
    %exp3A_175 = math.exp %mul3A_174 : vector<1x2048xf32>
    %mul3A_176 = vector.broadcast %exp3A_175 : vector<1x2048xf32> to vector<32x2048xf32>
    %mul3A_177 = arith.mulf %slice3A_167, %mul3A_176 : vector<32x2048xf32>
    %add3A_178 = arith.addf %add3A_166, %mul3A_177 : vector<32x2048xf32>
    %slice3A_179 = vector.extract_strided_slice %dot_general3A_16 {offsets = [416, 0], sizes = [32, 2048], strides = [1, 1]} : vector<512x2048xf32> to vector<32x2048xf32>
    %sub3A_180 = arith.constant 3.57142854 : f32
    %sub3A_181 = vector.broadcast %sub3A_180 : f32 to vector<1x2048xf32>
    %sub3A_182 = arith.subf %get3A_27, %sub3A_181 : vector<1x2048xf32>
    %integer_pow3A_183 = arith.mulf %sub3A_182, %sub3A_182 : vector<1x2048xf32>
    %mul3A_184 = arith.constant -1.000000e+01 : f32
    %mul3A_185 = vector.broadcast %mul3A_184 : f32 to vector<1x2048xf32>
    %mul3A_186 = arith.mulf %mul3A_185, %integer_pow3A_183 : vector<1x2048xf32>
    %exp3A_187 = math.exp %mul3A_186 : vector<1x2048xf32>
    %mul3A_188 = vector.broadcast %exp3A_187 : vector<1x2048xf32> to vector<32x2048xf32>
    %mul3A_189 = arith.mulf %slice3A_179, %mul3A_188 : vector<32x2048xf32>
    %add3A_190 = arith.addf %add3A_178, %mul3A_189 : vector<32x2048xf32>
    %slice3A_191 = vector.extract_strided_slice %dot_general3A_16 {offsets = [448, 0], sizes = [32, 2048], strides = [1, 1]} : vector<512x2048xf32> to vector<32x2048xf32>
    %sub3A_192 = arith.constant 4.28571415 : f32
    %sub3A_193 = vector.broadcast %sub3A_192 : f32 to vector<1x2048xf32>
    %sub3A_194 = arith.subf %get3A_27, %sub3A_193 : vector<1x2048xf32>
    %integer_pow3A_195 = arith.mulf %sub3A_194, %sub3A_194 : vector<1x2048xf32>
    %mul3A_196 = arith.constant -1.000000e+01 : f32
    %mul3A_197 = vector.broadcast %mul3A_196 : f32 to vector<1x2048xf32>
    %mul3A_198 = arith.mulf %mul3A_197, %integer_pow3A_195 : vector<1x2048xf32>
    %exp3A_199 = math.exp %mul3A_198 : vector<1x2048xf32>
    %mul3A_200 = vector.broadcast %exp3A_199 : vector<1x2048xf32> to vector<32x2048xf32>
    %mul3A_201 = arith.mulf %slice3A_191, %mul3A_200 : vector<32x2048xf32>
    %add3A_202 = arith.addf %add3A_190, %mul3A_201 : vector<32x2048xf32>
    %slice3A_203 = vector.extract_strided_slice %dot_general3A_16 {offsets = [480, 0], sizes = [32, 2048], strides = [1, 1]} : vector<512x2048xf32> to vector<32x2048xf32>
    %sub3A_204 = arith.constant 5.000000e+00 : f32
    %sub3A_205 = vector.broadcast %sub3A_204 : f32 to vector<1x2048xf32>
    %sub3A_206 = arith.subf %get3A_27, %sub3A_205 : vector<1x2048xf32>
    %integer_pow3A_207 = arith.mulf %sub3A_206, %sub3A_206 : vector<1x2048xf32>
    %mul3A_208 = arith.constant -1.000000e+01 : f32
    %mul3A_209 = vector.broadcast %mul3A_208 : f32 to vector<1x2048xf32>
    %mul3A_210 = arith.mulf %mul3A_209, %integer_pow3A_207 : vector<1x2048xf32>
    %exp3A_211 = math.exp %mul3A_210 : vector<1x2048xf32>
    %mul3A_212 = vector.broadcast %exp3A_211 : vector<1x2048xf32> to vector<32x2048xf32>
    %mul3A_213 = arith.mulf %slice3A_203, %mul3A_212 : vector<32x2048xf32>
    %add3A_214 = arith.addf %add3A_202, %mul3A_213 : vector<32x2048xf32>
    %mul3A_215 = arith.constant 2048 : i32
    %mul3A_216 = arith.muli %arg0, %mul3A_215 : i32
    %iota3A = tpu.iota {dimensions = array<i32: 0>} : vector<2048x1xi32>
    %add3A_217 = vector.broadcast %mul3A_216 : i32 to vector<2048x1xi32>
    %add3A_218 = arith.addi %add3A_217, %iota3A : vector<2048x1xi32>
    %lt3A = arith.constant 100000 : i32
    %lt3A_219 = vector.broadcast %lt3A : i32 to vector<2048x1xi32>
    %lt3A_220 = arith.cmpi slt, %add3A_218, %lt3A_219 : vector<2048x1xi32>
    %transpose3A = tpu.transpose %add3A_214, [1, 0] : vector<32x2048xf32> -> vector<2048x32xf32>
    %jit3A = arith.constant 0.000000e+00 : f32
    %broadcast_in_dim3A = vector.shape_cast %lt3A_220 : vector<2048x1xi1> to vector<2048x1xi1>
    %broadcast_in_dim3A_221 = vector.broadcast %broadcast_in_dim3A : vector<2048x1xi1> to vector<2048x32xi1>
    %broadcast_in_dim3A_222 = vector.broadcast %jit3A : f32 to vector<2048x32xf32>
    %select_n3A = arith.select %broadcast_in_dim3A_221, %transpose3A, %broadcast_in_dim3A_222 : vector<2048x32xi1>, vector<2048x32xf32>
    %swap3A = arith.constant 0 : index
    %swap3A_223 = arith.constant 0 : index
    %swap3A_224 = vector.load %arg8[%swap3A, %swap3A_223] : memref<2048x32xf32, #tpu.memory_space<vmem>>, vector<2048x32xf32>
    tpu.vector_store %arg8[%swap3A, %swap3A_223], %select_n3A {strides = array<i32>} : memref<2048x32xf32, #tpu.memory_space<vmem>>, vector<2048x32xf32>,
    return
  }
  func.func @transform_0(%arg0: i32) -> (i32, i32) {
    %c0_i32 = arith.constant 0 : i32
    %c0_i32_0 = arith.constant 0 : i32
    return %c0_i32, %arg0 : i32, i32
  }
  func.func @transform_1(%arg0: i32) -> (i32, i32) {
    %c0_i32 = arith.constant 0 : i32
    %c0_i32_0 = arith.constant 0 : i32
    return %c0_i32, %arg0 : i32, i32
  }
  func.func @transform_2(%arg0: i32) -> (i32, i32) {
    %add3A = arith.constant 26 : i32
    %add3A_0 = arith.addi %add3A, %arg0 : i32
    %c0_i32 = arith.constant 0 : i32
    %c0_i32_1 = arith.constant 0 : i32
    return %add3A_0, %c0_i32 : i32, i32
  }
  func.func @transform_3(%arg0: i32) -> (i32, i32) {
    %c0_i32 = arith.constant 0 : i32
    %c0_i32_0 = arith.constant 0 : i32
    %c0_i32_1 = arith.constant 0 : i32
    return %c0_i32, %c0_i32_0 : i32, i32
  }
  func.func @transform_4(%arg0: i32) -> (i32, i32) {
    %c0_i32 = arith.constant 0 : i32
    %c0_i32_0 = arith.constant 0 : i32
    %c0_i32_1 = arith.constant 0 : i32
    return %c0_i32, %c0_i32_0 : i32, i32
  }
  func.func @transform_5(%arg0: i32) -> (i32, i32) {
    %c0_i32 = arith.constant 0 : i32
    %c0_i32_0 = arith.constant 0 : i32
    %c0_i32_1 = arith.constant 0 : i32
    return %c0_i32, %c0_i32_0 : i32, i32
  }
  func.func @transform_6(%arg0: i32) -> (i32, i32) {
    %c0_i32 = arith.constant 0 : i32
    %c0_i32_0 = arith.constant 0 : i32
    %c0_i32_1 = arith.constant 0 : i32
    return %c0_i32, %c0_i32_0 : i32, i32
  }
  func.func @transform_7(%arg0: i32) -> (i32, i32) {
    %c0_i32 = arith.constant 0 : i32
    %c0_i32_0 = arith.constant 0 : i32
    return %arg0, %c0_i32 : i32, i32
  }
}

module attributes {stable_mosaic.version = 14 : i64} {
  func.func @_kc_body(%arg0: i32, %arg1: memref<8x2048xf32, #tpu.memory_space<vmem>>, %arg2: memref<1x2048xf32, #tpu.memory_space<vmem>>, %arg3: memref<2048x32xf32, #tpu.memory_space<vmem>>, %arg4: memref<2x2048x32xf32, #tpu.memory_space<vmem>>, %arg5: memref<32x32xf32, #tpu.memory_space<vmem>>, %arg6: memref<32x1xf32, #tpu.memory_space<vmem>>, %arg7: memref<32x512xf32, #tpu.memory_space<vmem>>, %arg8: memref<32x32xf32, #tpu.memory_space<vmem>>, %arg9: memref<2048x32xf32, #tpu.memory_space<vmem>>) attributes {dimension_semantics = [#tpu.dimension_semantics<arbitrary>], iteration_bounds = array<i64: 26>, scalar_prefetch = 0 : i64, scratch_operands = 0 : i64, tpu.core_type = #tpu.core_type<tc>, window_params = [{transform_indices = @transform_0, window_bounds = array<i64: 8, 2048>}, {transform_indices = @transform_1, window_bounds = array<i64: 1, 2048>}, {transform_indices = @transform_2, window_bounds = array<i64: 2048, 32>}, {transform_indices = @transform_3, window_bounds = array<i64: 2, 2048, 32>}, {pipeline_mode = #tpu.pipeline_mode<synchronous>, transform_indices = @transform_4, window_bounds = array<i64: 32, 32>}, {pipeline_mode = #tpu.pipeline_mode<synchronous>, transform_indices = @transform_5, window_bounds = array<i64: 32, 1>}, {pipeline_mode = #tpu.pipeline_mode<synchronous>, transform_indices = @transform_6, window_bounds = array<i64: 32, 512>}, {pipeline_mode = #tpu.pipeline_mode<synchronous>, transform_indices = @transform_7, window_bounds = array<i64: 32, 32>}, {transform_indices = @transform_8, window_bounds = array<i64: 2048, 32>}]} {
    %get3A = arith.constant 0 : index
    %get3A_0 = arith.constant 0 : index
    %get3A_1 = vector.load %arg5[%get3A, %get3A_0] : memref<32x32xf32, #tpu.memory_space<vmem>>, vector<32x32xf32>
    %get3A_2 = arith.constant 0 : index
    %get3A_3 = arith.constant 0 : index
    %get3A_4 = vector.load %arg3[%get3A_2, %get3A_3] : memref<2048x32xf32, #tpu.memory_space<vmem>>, vector<2048x32xf32>
    %dot_general3A = arith.constant dense<0.000000e+00> : vector<32x2048xf32>
    %dot_general3A_5 = tpu.matmul %get3A_1, %get3A_4, %dot_general3A {dimension_numbers = #tpu.dot_dimension_numbers<[0], [1], [1], [0], [0, 1, 1, 0], [], []>, transpose_lhs_hint = false} : vector<32x32xf32>, vector<2048x32xf32>, vector<32x2048xf32> -> vector<32x2048xf32>
    %get3A_6 = arith.constant 0 : index
    %get3A_7 = arith.constant 0 : index
    %get3A_8 = vector.load %arg6[%get3A_6, %get3A_7] : memref<32x1xf32, #tpu.memory_space<vmem>>, vector<32x1xf32>
    %add3A = vector.broadcast %get3A_8 : vector<32x1xf32> to vector<32x2048xf32>
    %add3A_9 = arith.addf %dot_general3A_5, %add3A : vector<32x2048xf32>
    %max3A = arith.constant 0.000000e+00 : f32
    %max3A_10 = vector.broadcast %max3A : f32 to vector<32x2048xf32>
    %max3A_11 = arith.maximumf %add3A_9, %max3A_10 : vector<32x2048xf32>
    %get3A_12 = arith.constant 0 : index
    %get3A_13 = arith.constant 0 : index
    %get3A_14 = arith.constant 0 : index
    %get3A_15 = vector.load %arg4[%get3A_12, %get3A_13, %get3A_14] : memref<2x2048x32xf32, #tpu.memory_space<vmem>>, vector<1x2048x32xf32>
    %get3A_16 = vector.shape_cast %get3A_15 : vector<1x2048x32xf32> to vector<2048x32xf32>
    %get3A_17 = arith.constant 1 : index
    %get3A_18 = arith.constant 0 : index
    %get3A_19 = arith.constant 0 : index
    %get3A_20 = vector.load %arg4[%get3A_17, %get3A_18, %get3A_19] : memref<2x2048x32xf32, #tpu.memory_space<vmem>>, vector<1x2048x32xf32>
    %get3A_21 = vector.shape_cast %get3A_20 : vector<1x2048x32xf32> to vector<2048x32xf32>
    %add3A_22 = arith.addf %get3A_16, %get3A_21 : vector<2048x32xf32>
    %transpose3A = tpu.transpose %add3A_22, [1, 0] : vector<2048x32xf32> -> vector<32x2048xf32>
    %add3A_23 = arith.addf %max3A_11, %transpose3A : vector<32x2048xf32>
    %get3A_24 = arith.constant 0 : index
    %get3A_25 = arith.constant 0 : index
    %get3A_26 = vector.load %arg7[%get3A_24, %get3A_25] : memref<32x512xf32, #tpu.memory_space<vmem>>, vector<32x512xf32>
    %dot_general3A_27 = arith.constant dense<0.000000e+00> : vector<512x2048xf32>
    %dot_general3A_28 = tpu.matmul %get3A_26, %add3A_23, %dot_general3A_27 {dimension_numbers = #tpu.dot_dimension_numbers<[0], [0], [1], [1], [0, 1, 1, 1], [], []>, transpose_lhs_hint = false} : vector<32x512xf32>, vector<32x2048xf32>, vector<512x2048xf32> -> vector<512x2048xf32>
    %get3A_29 = arith.constant 0 : index
    %get3A_30 = arith.constant 0 : index
    %get3A_31 = vector.load %arg8[%get3A_29, %get3A_30] : memref<32x32xf32, #tpu.memory_space<vmem>>, vector<32x32xf32>
    %dot_general3A_32 = arith.constant dense<0.000000e+00> : vector<32x2048xf32>
    %dot_general3A_33 = tpu.matmul %get3A_31, %add3A_23, %dot_general3A_32 {dimension_numbers = #tpu.dot_dimension_numbers<[0], [0], [1], [1], [0, 1, 1, 1], [], []>, transpose_lhs_hint = false} : vector<32x32xf32>, vector<32x2048xf32>, vector<32x2048xf32> -> vector<32x2048xf32>
    %get3A_34 = arith.constant 0 : index
    %get3A_35 = arith.constant 0 : index
    %get3A_36 = vector.load %arg1[%get3A_34, %get3A_35] : memref<8x2048xf32, #tpu.memory_space<vmem>>, vector<8x2048xf32>
    %get3A_37 = arith.constant 0 : index
    %get3A_38 = arith.constant 0 : index
    %get3A_39 = vector.load %arg2[%get3A_37, %get3A_38] : memref<1x2048xf32, #tpu.memory_space<vmem>>, vector<1x2048xf32>
    %slice3A = vector.extract_strided_slice %dot_general3A_28 {offsets = [0, 0], sizes = [32, 2048], strides = [1, 1]} : vector<512x2048xf32> to vector<32x2048xf32>
    %slice3A_40 = vector.extract_strided_slice %get3A_36 {offsets = [0, 0], sizes = [1, 2048], strides = [1, 1]} : vector<8x2048xf32> to vector<1x2048xf32>
    %mul3A = vector.broadcast %slice3A_40 : vector<1x2048xf32> to vector<32x2048xf32>
    %mul3A_41 = arith.mulf %slice3A, %mul3A : vector<32x2048xf32>
    %add3A_42 = arith.addf %dot_general3A_33, %mul3A_41 : vector<32x2048xf32>
    %slice3A_43 = vector.extract_strided_slice %dot_general3A_28 {offsets = [32, 0], sizes = [32, 2048], strides = [1, 1]} : vector<512x2048xf32> to vector<32x2048xf32>
    %slice3A_44 = vector.extract_strided_slice %get3A_36 {offsets = [1, 0], sizes = [1, 2048], strides = [1, 1]} : vector<8x2048xf32> to vector<1x2048xf32>
    %mul3A_45 = vector.broadcast %slice3A_44 : vector<1x2048xf32> to vector<32x2048xf32>
    %mul3A_46 = arith.mulf %slice3A_43, %mul3A_45 : vector<32x2048xf32>
    %add3A_47 = arith.addf %add3A_42, %mul3A_46 : vector<32x2048xf32>
    %slice3A_48 = vector.extract_strided_slice %dot_general3A_28 {offsets = [64, 0], sizes = [32, 2048], strides = [1, 1]} : vector<512x2048xf32> to vector<32x2048xf32>
    %slice3A_49 = vector.extract_strided_slice %get3A_36 {offsets = [2, 0], sizes = [1, 2048], strides = [1, 1]} : vector<8x2048xf32> to vector<1x2048xf32>
    %mul3A_50 = vector.broadcast %slice3A_49 : vector<1x2048xf32> to vector<32x2048xf32>
    %mul3A_51 = arith.mulf %slice3A_48, %mul3A_50 : vector<32x2048xf32>
    %add3A_52 = arith.addf %add3A_47, %mul3A_51 : vector<32x2048xf32>
    %slice3A_53 = vector.extract_strided_slice %dot_general3A_28 {offsets = [96, 0], sizes = [32, 2048], strides = [1, 1]} : vector<512x2048xf32> to vector<32x2048xf32>
    %slice3A_54 = vector.extract_strided_slice %get3A_36 {offsets = [3, 0], sizes = [1, 2048], strides = [1, 1]} : vector<8x2048xf32> to vector<1x2048xf32>
    %mul3A_55 = vector.broadcast %slice3A_54 : vector<1x2048xf32> to vector<32x2048xf32>
    %mul3A_56 = arith.mulf %slice3A_53, %mul3A_55 : vector<32x2048xf32>
    %add3A_57 = arith.addf %add3A_52, %mul3A_56 : vector<32x2048xf32>
    %slice3A_58 = vector.extract_strided_slice %dot_general3A_28 {offsets = [128, 0], sizes = [32, 2048], strides = [1, 1]} : vector<512x2048xf32> to vector<32x2048xf32>
    %slice3A_59 = vector.extract_strided_slice %get3A_36 {offsets = [4, 0], sizes = [1, 2048], strides = [1, 1]} : vector<8x2048xf32> to vector<1x2048xf32>
    %mul3A_60 = vector.broadcast %slice3A_59 : vector<1x2048xf32> to vector<32x2048xf32>
    %mul3A_61 = arith.mulf %slice3A_58, %mul3A_60 : vector<32x2048xf32>
    %add3A_62 = arith.addf %add3A_57, %mul3A_61 : vector<32x2048xf32>
    %slice3A_63 = vector.extract_strided_slice %dot_general3A_28 {offsets = [160, 0], sizes = [32, 2048], strides = [1, 1]} : vector<512x2048xf32> to vector<32x2048xf32>
    %slice3A_64 = vector.extract_strided_slice %get3A_36 {offsets = [5, 0], sizes = [1, 2048], strides = [1, 1]} : vector<8x2048xf32> to vector<1x2048xf32>
    %mul3A_65 = vector.broadcast %slice3A_64 : vector<1x2048xf32> to vector<32x2048xf32>
    %mul3A_66 = arith.mulf %slice3A_63, %mul3A_65 : vector<32x2048xf32>
    %add3A_67 = arith.addf %add3A_62, %mul3A_66 : vector<32x2048xf32>
    %slice3A_68 = vector.extract_strided_slice %dot_general3A_28 {offsets = [192, 0], sizes = [32, 2048], strides = [1, 1]} : vector<512x2048xf32> to vector<32x2048xf32>
    %slice3A_69 = vector.extract_strided_slice %get3A_36 {offsets = [6, 0], sizes = [1, 2048], strides = [1, 1]} : vector<8x2048xf32> to vector<1x2048xf32>
    %mul3A_70 = vector.broadcast %slice3A_69 : vector<1x2048xf32> to vector<32x2048xf32>
    %mul3A_71 = arith.mulf %slice3A_68, %mul3A_70 : vector<32x2048xf32>
    %add3A_72 = arith.addf %add3A_67, %mul3A_71 : vector<32x2048xf32>
    %slice3A_73 = vector.extract_strided_slice %dot_general3A_28 {offsets = [224, 0], sizes = [32, 2048], strides = [1, 1]} : vector<512x2048xf32> to vector<32x2048xf32>
    %slice3A_74 = vector.extract_strided_slice %get3A_36 {offsets = [7, 0], sizes = [1, 2048], strides = [1, 1]} : vector<8x2048xf32> to vector<1x2048xf32>
    %mul3A_75 = vector.broadcast %slice3A_74 : vector<1x2048xf32> to vector<32x2048xf32>
    %mul3A_76 = arith.mulf %slice3A_73, %mul3A_75 : vector<32x2048xf32>
    %add3A_77 = arith.addf %add3A_72, %mul3A_76 : vector<32x2048xf32>
    %slice3A_78 = vector.extract_strided_slice %dot_general3A_28 {offsets = [256, 0], sizes = [32, 2048], strides = [1, 1]} : vector<512x2048xf32> to vector<32x2048xf32>
    %sub3A = arith.constant 0.000000e+00 : f32
    %sub3A_79 = vector.broadcast %sub3A : f32 to vector<1x2048xf32>
    %sub3A_80 = arith.subf %get3A_39, %sub3A_79 : vector<1x2048xf32>
    %integer_pow3A = arith.mulf %sub3A_80, %sub3A_80 : vector<1x2048xf32>
    %mul3A_81 = arith.constant -1.000000e+01 : f32
    %mul3A_82 = vector.broadcast %mul3A_81 : f32 to vector<1x2048xf32>
    %mul3A_83 = arith.mulf %mul3A_82, %integer_pow3A : vector<1x2048xf32>
    %exp3A = math.exp %mul3A_83 : vector<1x2048xf32>
    %mul3A_84 = vector.broadcast %exp3A : vector<1x2048xf32> to vector<32x2048xf32>
    %mul3A_85 = arith.mulf %slice3A_78, %mul3A_84 : vector<32x2048xf32>
    %add3A_86 = arith.addf %add3A_77, %mul3A_85 : vector<32x2048xf32>
    %slice3A_87 = vector.extract_strided_slice %dot_general3A_28 {offsets = [288, 0], sizes = [32, 2048], strides = [1, 1]} : vector<512x2048xf32> to vector<32x2048xf32>
    %sub3A_88 = arith.constant 0.714285731 : f32
    %sub3A_89 = vector.broadcast %sub3A_88 : f32 to vector<1x2048xf32>
    %sub3A_90 = arith.subf %get3A_39, %sub3A_89 : vector<1x2048xf32>
    %integer_pow3A_91 = arith.mulf %sub3A_90, %sub3A_90 : vector<1x2048xf32>
    %mul3A_92 = arith.constant -1.000000e+01 : f32
    %mul3A_93 = vector.broadcast %mul3A_92 : f32 to vector<1x2048xf32>
    %mul3A_94 = arith.mulf %mul3A_93, %integer_pow3A_91 : vector<1x2048xf32>
    %exp3A_95 = math.exp %mul3A_94 : vector<1x2048xf32>
    %mul3A_96 = vector.broadcast %exp3A_95 : vector<1x2048xf32> to vector<32x2048xf32>
    %mul3A_97 = arith.mulf %slice3A_87, %mul3A_96 : vector<32x2048xf32>
    %add3A_98 = arith.addf %add3A_86, %mul3A_97 : vector<32x2048xf32>
    %slice3A_99 = vector.extract_strided_slice %dot_general3A_28 {offsets = [320, 0], sizes = [32, 2048], strides = [1, 1]} : vector<512x2048xf32> to vector<32x2048xf32>
    %sub3A_100 = arith.constant 1.42857146 : f32
    %sub3A_101 = vector.broadcast %sub3A_100 : f32 to vector<1x2048xf32>
    %sub3A_102 = arith.subf %get3A_39, %sub3A_101 : vector<1x2048xf32>
    %integer_pow3A_103 = arith.mulf %sub3A_102, %sub3A_102 : vector<1x2048xf32>
    %mul3A_104 = arith.constant -1.000000e+01 : f32
    %mul3A_105 = vector.broadcast %mul3A_104 : f32 to vector<1x2048xf32>
    %mul3A_106 = arith.mulf %mul3A_105, %integer_pow3A_103 : vector<1x2048xf32>
    %exp3A_107 = math.exp %mul3A_106 : vector<1x2048xf32>
    %mul3A_108 = vector.broadcast %exp3A_107 : vector<1x2048xf32> to vector<32x2048xf32>
    %mul3A_109 = arith.mulf %slice3A_99, %mul3A_108 : vector<32x2048xf32>
    %add3A_110 = arith.addf %add3A_98, %mul3A_109 : vector<32x2048xf32>
    %slice3A_111 = vector.extract_strided_slice %dot_general3A_28 {offsets = [352, 0], sizes = [32, 2048], strides = [1, 1]} : vector<512x2048xf32> to vector<32x2048xf32>
    %sub3A_112 = arith.constant 2.14285707 : f32
    %sub3A_113 = vector.broadcast %sub3A_112 : f32 to vector<1x2048xf32>
    %sub3A_114 = arith.subf %get3A_39, %sub3A_113 : vector<1x2048xf32>
    %integer_pow3A_115 = arith.mulf %sub3A_114, %sub3A_114 : vector<1x2048xf32>
    %mul3A_116 = arith.constant -1.000000e+01 : f32
    %mul3A_117 = vector.broadcast %mul3A_116 : f32 to vector<1x2048xf32>
    %mul3A_118 = arith.mulf %mul3A_117, %integer_pow3A_115 : vector<1x2048xf32>
    %exp3A_119 = math.exp %mul3A_118 : vector<1x2048xf32>
    %mul3A_120 = vector.broadcast %exp3A_119 : vector<1x2048xf32> to vector<32x2048xf32>
    %mul3A_121 = arith.mulf %slice3A_111, %mul3A_120 : vector<32x2048xf32>
    %add3A_122 = arith.addf %add3A_110, %mul3A_121 : vector<32x2048xf32>
    %slice3A_123 = vector.extract_strided_slice %dot_general3A_28 {offsets = [384, 0], sizes = [32, 2048], strides = [1, 1]} : vector<512x2048xf32> to vector<32x2048xf32>
    %sub3A_124 = arith.constant 2.85714293 : f32
    %sub3A_125 = vector.broadcast %sub3A_124 : f32 to vector<1x2048xf32>
    %sub3A_126 = arith.subf %get3A_39, %sub3A_125 : vector<1x2048xf32>
    %integer_pow3A_127 = arith.mulf %sub3A_126, %sub3A_126 : vector<1x2048xf32>
    %mul3A_128 = arith.constant -1.000000e+01 : f32
    %mul3A_129 = vector.broadcast %mul3A_128 : f32 to vector<1x2048xf32>
    %mul3A_130 = arith.mulf %mul3A_129, %integer_pow3A_127 : vector<1x2048xf32>
    %exp3A_131 = math.exp %mul3A_130 : vector<1x2048xf32>
    %mul3A_132 = vector.broadcast %exp3A_131 : vector<1x2048xf32> to vector<32x2048xf32>
    %mul3A_133 = arith.mulf %slice3A_123, %mul3A_132 : vector<32x2048xf32>
    %add3A_134 = arith.addf %add3A_122, %mul3A_133 : vector<32x2048xf32>
    %slice3A_135 = vector.extract_strided_slice %dot_general3A_28 {offsets = [416, 0], sizes = [32, 2048], strides = [1, 1]} : vector<512x2048xf32> to vector<32x2048xf32>
    %sub3A_136 = arith.constant 3.57142854 : f32
    %sub3A_137 = vector.broadcast %sub3A_136 : f32 to vector<1x2048xf32>
    %sub3A_138 = arith.subf %get3A_39, %sub3A_137 : vector<1x2048xf32>
    %integer_pow3A_139 = arith.mulf %sub3A_138, %sub3A_138 : vector<1x2048xf32>
    %mul3A_140 = arith.constant -1.000000e+01 : f32
    %mul3A_141 = vector.broadcast %mul3A_140 : f32 to vector<1x2048xf32>
    %mul3A_142 = arith.mulf %mul3A_141, %integer_pow3A_139 : vector<1x2048xf32>
    %exp3A_143 = math.exp %mul3A_142 : vector<1x2048xf32>
    %mul3A_144 = vector.broadcast %exp3A_143 : vector<1x2048xf32> to vector<32x2048xf32>
    %mul3A_145 = arith.mulf %slice3A_135, %mul3A_144 : vector<32x2048xf32>
    %add3A_146 = arith.addf %add3A_134, %mul3A_145 : vector<32x2048xf32>
    %slice3A_147 = vector.extract_strided_slice %dot_general3A_28 {offsets = [448, 0], sizes = [32, 2048], strides = [1, 1]} : vector<512x2048xf32> to vector<32x2048xf32>
    %sub3A_148 = arith.constant 4.28571415 : f32
    %sub3A_149 = vector.broadcast %sub3A_148 : f32 to vector<1x2048xf32>
    %sub3A_150 = arith.subf %get3A_39, %sub3A_149 : vector<1x2048xf32>
    %integer_pow3A_151 = arith.mulf %sub3A_150, %sub3A_150 : vector<1x2048xf32>
    %mul3A_152 = arith.constant -1.000000e+01 : f32
    %mul3A_153 = vector.broadcast %mul3A_152 : f32 to vector<1x2048xf32>
    %mul3A_154 = arith.mulf %mul3A_153, %integer_pow3A_151 : vector<1x2048xf32>
    %exp3A_155 = math.exp %mul3A_154 : vector<1x2048xf32>
    %mul3A_156 = vector.broadcast %exp3A_155 : vector<1x2048xf32> to vector<32x2048xf32>
    %mul3A_157 = arith.mulf %slice3A_147, %mul3A_156 : vector<32x2048xf32>
    %add3A_158 = arith.addf %add3A_146, %mul3A_157 : vector<32x2048xf32>
    %slice3A_159 = vector.extract_strided_slice %dot_general3A_28 {offsets = [480, 0], sizes = [32, 2048], strides = [1, 1]} : vector<512x2048xf32> to vector<32x2048xf32>
    %sub3A_160 = arith.constant 5.000000e+00 : f32
    %sub3A_161 = vector.broadcast %sub3A_160 : f32 to vector<1x2048xf32>
    %sub3A_162 = arith.subf %get3A_39, %sub3A_161 : vector<1x2048xf32>
    %integer_pow3A_163 = arith.mulf %sub3A_162, %sub3A_162 : vector<1x2048xf32>
    %mul3A_164 = arith.constant -1.000000e+01 : f32
    %mul3A_165 = vector.broadcast %mul3A_164 : f32 to vector<1x2048xf32>
    %mul3A_166 = arith.mulf %mul3A_165, %integer_pow3A_163 : vector<1x2048xf32>
    %exp3A_167 = math.exp %mul3A_166 : vector<1x2048xf32>
    %mul3A_168 = vector.broadcast %exp3A_167 : vector<1x2048xf32> to vector<32x2048xf32>
    %mul3A_169 = arith.mulf %slice3A_159, %mul3A_168 : vector<32x2048xf32>
    %add3A_170 = arith.addf %add3A_158, %mul3A_169 : vector<32x2048xf32>
    %mul3A_171 = arith.constant 2048 : i32
    %mul3A_172 = arith.muli %arg0, %mul3A_171 : i32
    %iota3A = tpu.iota {dimensions = array<i32: 0>} : vector<2048x1xi32>
    %add3A_173 = vector.broadcast %mul3A_172 : i32 to vector<2048x1xi32>
    %add3A_174 = arith.addi %add3A_173, %iota3A : vector<2048x1xi32>
    %lt3A = arith.constant 50000 : i32
    %lt3A_175 = vector.broadcast %lt3A : i32 to vector<2048x1xi32>
    %lt3A_176 = arith.cmpi slt, %add3A_174, %lt3A_175 : vector<2048x1xi32>
    %transpose3A_177 = tpu.transpose %add3A_170, [1, 0] : vector<32x2048xf32> -> vector<2048x32xf32>
    %jit3A = arith.constant 0.000000e+00 : f32
    %broadcast_in_dim3A = vector.shape_cast %lt3A_176 : vector<2048x1xi1> to vector<2048x1xi1>
    %broadcast_in_dim3A_178 = vector.broadcast %broadcast_in_dim3A : vector<2048x1xi1> to vector<2048x32xi1>
    %broadcast_in_dim3A_179 = vector.broadcast %jit3A : f32 to vector<2048x32xf32>
    %select_n3A = arith.select %broadcast_in_dim3A_178, %transpose3A_177, %broadcast_in_dim3A_179 : vector<2048x32xi1>, vector<2048x32xf32>
    %swap3A = arith.constant 0 : index
    %swap3A_180 = arith.constant 0 : index
    %swap3A_181 = vector.load %arg9[%swap3A, %swap3A_180] : memref<2048x32xf32, #tpu.memory_space<vmem>>, vector<2048x32xf32>
    tpu.vector_store %arg9[%swap3A, %swap3A_180], %select_n3A {strides = array<i32>} : memref<2048x32xf32, #tpu.memory_space<vmem>>, vector<2048x32xf32>,
    return
  }
  func.func @transform_0(%arg0: i32) -> (i32, i32) {
    %c0_i32 = arith.constant 0 : i32
    %c0_i32_0 = arith.constant 0 : i32
    return %c0_i32, %arg0 : i32, i32
  }
  func.func @transform_1(%arg0: i32) -> (i32, i32) {
    %c0_i32 = arith.constant 0 : i32
    %c0_i32_0 = arith.constant 0 : i32
    return %c0_i32, %arg0 : i32, i32
  }
  func.func @transform_2(%arg0: i32) -> (i32, i32) {
    %c0_i32 = arith.constant 0 : i32
    %c0_i32_0 = arith.constant 0 : i32
    return %arg0, %c0_i32 : i32, i32
  }
  func.func @transform_3(%arg0: i32) -> (i32, i32, i32) {
    %c0_i32 = arith.constant 0 : i32
    %c0_i32_0 = arith.constant 0 : i32
    %c0_i32_1 = arith.constant 0 : i32
    return %c0_i32, %arg0, %c0_i32_0 : i32, i32, i32
  }
  func.func @transform_4(%arg0: i32) -> (i32, i32) {
    %c0_i32 = arith.constant 0 : i32
    %c0_i32_0 = arith.constant 0 : i32
    %c0_i32_1 = arith.constant 0 : i32
    return %c0_i32, %c0_i32_0 : i32, i32
  }
  func.func @transform_5(%arg0: i32) -> (i32, i32) {
    %c0_i32 = arith.constant 0 : i32
    %c0_i32_0 = arith.constant 0 : i32
    %c0_i32_1 = arith.constant 0 : i32
    return %c0_i32, %c0_i32_0 : i32, i32
  }
  func.func @transform_6(%arg0: i32) -> (i32, i32) {
    %c0_i32 = arith.constant 0 : i32
    %c0_i32_0 = arith.constant 0 : i32
    %c0_i32_1 = arith.constant 0 : i32
    return %c0_i32, %c0_i32_0 : i32, i32
  }
  func.func @transform_7(%arg0: i32) -> (i32, i32) {
    %c0_i32 = arith.constant 0 : i32
    %c0_i32_0 = arith.constant 0 : i32
    %c0_i32_1 = arith.constant 0 : i32
    return %c0_i32, %c0_i32_0 : i32, i32
  }
  func.func @transform_8(%arg0: i32) -> (i32, i32) {
    %c0_i32 = arith.constant 0 : i32
    %c0_i32_0 = arith.constant 0 : i32
    return %arg0, %c0_i32 : i32, i32
  }
}

module attributes {stable_mosaic.version = 14 : i64} {
  func.func @_kd_body(%arg0: i32, %arg1: memref<2x2048x32xf32, #tpu.memory_space<vmem>>, %arg2: memref<2048x32xf32, #tpu.memory_space<vmem>>, %arg3: memref<1x32xf32, #tpu.memory_space<vmem>>, %arg4: memref<96x32xf32, #tpu.memory_space<vmem>>, %arg5: memref<96x32xf32, #tpu.memory_space<vmem>>, %arg6: memref<1x96xf32, #tpu.memory_space<vmem>>, %arg7: memref<1x96xf32, #tpu.memory_space<vmem>>, %arg8: memref<2048x32xf32, #tpu.memory_space<vmem>>) attributes {dimension_semantics = [#tpu.dimension_semantics<arbitrary>], iteration_bounds = array<i64: 10>, scalar_prefetch = 0 : i64, scratch_operands = 0 : i64, tpu.core_type = #tpu.core_type<tc>, window_params = [{transform_indices = @transform_0, window_bounds = array<i64: 2, 2048, 32>}, {transform_indices = @transform_1, window_bounds = array<i64: 2048, 32>}, {pipeline_mode = #tpu.pipeline_mode<synchronous>, transform_indices = @transform_2, window_bounds = array<i64: 1, 32>}, {pipeline_mode = #tpu.pipeline_mode<synchronous>, transform_indices = @transform_3, window_bounds = array<i64: 96, 32>}, {pipeline_mode = #tpu.pipeline_mode<synchronous>, transform_indices = @transform_4, window_bounds = array<i64: 96, 32>}, {pipeline_mode = #tpu.pipeline_mode<synchronous>, transform_indices = @transform_5, window_bounds = array<i64: 1, 96>}, {pipeline_mode = #tpu.pipeline_mode<synchronous>, transform_indices = @transform_6, window_bounds = array<i64: 1, 96>}, {transform_indices = @transform_7, window_bounds = array<i64: 2048, 32>}]} {
    %get3A = arith.constant 0 : index
    %get3A_0 = arith.constant 0 : index
    %get3A_1 = arith.constant 0 : index
    %get3A_2 = vector.load %arg1[%get3A, %get3A_0, %get3A_1] : memref<2x2048x32xf32, #tpu.memory_space<vmem>>, vector<1x2048x32xf32>
    %get3A_3 = vector.shape_cast %get3A_2 : vector<1x2048x32xf32> to vector<2048x32xf32>
    %get3A_4 = arith.constant 1 : index
    %get3A_5 = arith.constant 0 : index
    %get3A_6 = arith.constant 0 : index
    %get3A_7 = vector.load %arg1[%get3A_4, %get3A_5, %get3A_6] : memref<2x2048x32xf32, #tpu.memory_space<vmem>>, vector<1x2048x32xf32>
    %get3A_8 = vector.shape_cast %get3A_7 : vector<1x2048x32xf32> to vector<2048x32xf32>
    %add3A = arith.addf %get3A_3, %get3A_8 : vector<2048x32xf32>
    %get3A_9 = arith.constant 0 : index
    %get3A_10 = arith.constant 0 : index
    %get3A_11 = vector.load %arg3[%get3A_9, %get3A_10] : memref<1x32xf32, #tpu.memory_space<vmem>>, vector<1x32xf32>
    %add3A_12 = vector.broadcast %get3A_11 : vector<1x32xf32> to vector<2048x32xf32>
    %add3A_13 = arith.addf %add3A, %add3A_12 : vector<2048x32xf32>
    %max3A = arith.constant 0.000000e+00 : f32
    %max3A_14 = vector.broadcast %max3A : f32 to vector<2048x32xf32>
    %max3A_15 = arith.maximumf %add3A_13, %max3A_14 : vector<2048x32xf32>
    %get3A_16 = arith.constant 0 : index
    %get3A_17 = arith.constant 0 : index
    %get3A_18 = vector.load %arg2[%get3A_16, %get3A_17] : memref<2048x32xf32, #tpu.memory_space<vmem>>, vector<2048x32xf32>
    %get3A_19 = arith.constant 0 : index
    %get3A_20 = arith.constant 0 : index
    %get3A_21 = vector.load %arg4[%get3A_19, %get3A_20] : memref<96x32xf32, #tpu.memory_space<vmem>>, vector<96x32xf32>
    %transpose3A = tpu.transpose %get3A_21, [1, 0] : vector<96x32xf32> -> vector<32x96xf32>
    %dot_general3A = arith.constant dense<0.000000e+00> : vector<2048x96xf32>
    %dot_general3A_22 = tpu.matmul %max3A_15, %transpose3A, %dot_general3A {dimension_numbers = #tpu.dot_dimension_numbers<[1], [0], [0], [1], [0, 0, 1, 1], [], []>, transpose_lhs_hint = false} : vector<2048x32xf32>, vector<32x96xf32>, vector<2048x96xf32> -> vector<2048x96xf32>
    %get3A_23 = arith.constant 0 : index
    %get3A_24 = arith.constant 0 : index
    %get3A_25 = vector.load %arg6[%get3A_23, %get3A_24] : memref<1x96xf32, #tpu.memory_space<vmem>>, vector<1x96xf32>
    %add3A_26 = vector.broadcast %get3A_25 : vector<1x96xf32> to vector<2048x96xf32>
    %add3A_27 = arith.addf %dot_general3A_22, %add3A_26 : vector<2048x96xf32>
    %get3A_28 = arith.constant 0 : index
    %get3A_29 = arith.constant 0 : index
    %get3A_30 = vector.load %arg5[%get3A_28, %get3A_29] : memref<96x32xf32, #tpu.memory_space<vmem>>, vector<96x32xf32>
    %transpose3A_31 = tpu.transpose %get3A_30, [1, 0] : vector<96x32xf32> -> vector<32x96xf32>
    %dot_general3A_32 = arith.constant dense<0.000000e+00> : vector<2048x96xf32>
    %dot_general3A_33 = tpu.matmul %get3A_18, %transpose3A_31, %dot_general3A_32 {dimension_numbers = #tpu.dot_dimension_numbers<[1], [0], [0], [1], [0, 0, 1, 1], [], []>, transpose_lhs_hint = false} : vector<2048x32xf32>, vector<32x96xf32>, vector<2048x96xf32> -> vector<2048x96xf32>
    %get3A_34 = arith.constant 0 : index
    %get3A_35 = arith.constant 0 : index
    %get3A_36 = vector.load %arg7[%get3A_34, %get3A_35] : memref<1x96xf32, #tpu.memory_space<vmem>>, vector<1x96xf32>
    %add3A_37 = vector.broadcast %get3A_36 : vector<1x96xf32> to vector<2048x96xf32>
    %add3A_38 = arith.addf %dot_general3A_33, %add3A_37 : vector<2048x96xf32>
    %slice3A = vector.extract_strided_slice %add3A_27 {offsets = [0, 0], sizes = [2048, 32], strides = [1, 1]} : vector<2048x96xf32> to vector<2048x32xf32>
    %slice3A_39 = vector.extract_strided_slice %add3A_38 {offsets = [0, 0], sizes = [2048, 32], strides = [1, 1]} : vector<2048x96xf32> to vector<2048x32xf32>
    %add3A_40 = arith.addf %slice3A, %slice3A_39 : vector<2048x32xf32>
    %logistic3A = arith.negf %add3A_40 : vector<2048x32xf32>
    %logistic3A_41 = math.exp %logistic3A : vector<2048x32xf32>
    %logistic3A_42 = arith.constant 1.000000e+00 : f32
    %logistic3A_43 = vector.broadcast %logistic3A_42 : f32 to vector<2048x32xf32>
    %logistic3A_44 = arith.addf %logistic3A_43, %logistic3A_41 : vector<2048x32xf32>
    %logistic3A_45 = arith.divf %logistic3A_43, %logistic3A_44 : vector<2048x32xf32>
    %slice3A_46 = vector.extract_strided_slice %add3A_27 {offsets = [0, 32], sizes = [2048, 32], strides = [1, 1]} : vector<2048x96xf32> to vector<2048x32xf32>
    %slice3A_47 = vector.extract_strided_slice %add3A_38 {offsets = [0, 32], sizes = [2048, 32], strides = [1, 1]} : vector<2048x96xf32> to vector<2048x32xf32>
    %add3A_48 = arith.addf %slice3A_46, %slice3A_47 : vector<2048x32xf32>
    %logistic3A_49 = arith.negf %add3A_48 : vector<2048x32xf32>
    %logistic3A_50 = math.exp %logistic3A_49 : vector<2048x32xf32>
    %logistic3A_51 = arith.constant 1.000000e+00 : f32
    %logistic3A_52 = vector.broadcast %logistic3A_51 : f32 to vector<2048x32xf32>
    %logistic3A_53 = arith.addf %logistic3A_52, %logistic3A_50 : vector<2048x32xf32>
    %logistic3A_54 = arith.divf %logistic3A_52, %logistic3A_53 : vector<2048x32xf32>
    %slice3A_55 = vector.extract_strided_slice %add3A_27 {offsets = [0, 64], sizes = [2048, 32], strides = [1, 1]} : vector<2048x96xf32> to vector<2048x32xf32>
    %slice3A_56 = vector.extract_strided_slice %add3A_38 {offsets = [0, 64], sizes = [2048, 32], strides = [1, 1]} : vector<2048x96xf32> to vector<2048x32xf32>
    %mul3A = arith.mulf %logistic3A_45, %slice3A_56 : vector<2048x32xf32>
    %add3A_57 = arith.addf %slice3A_55, %mul3A : vector<2048x32xf32>
    %tanh3A = math.tanh %add3A_57 : vector<2048x32xf32>
    %sub3A = arith.constant 1.000000e+00 : f32
    %sub3A_58 = vector.broadcast %sub3A : f32 to vector<2048x32xf32>
    %sub3A_59 = arith.subf %sub3A_58, %logistic3A_54 : vector<2048x32xf32>
    %mul3A_60 = arith.mulf %sub3A_59, %tanh3A : vector<2048x32xf32>
    %mul3A_61 = arith.mulf %logistic3A_54, %get3A_18 : vector<2048x32xf32>
    %add3A_62 = arith.addf %mul3A_60, %mul3A_61 : vector<2048x32xf32>
    %swap3A = arith.constant 0 : index
    %swap3A_63 = arith.constant 0 : index
    %swap3A_64 = vector.load %arg8[%swap3A, %swap3A_63] : memref<2048x32xf32, #tpu.memory_space<vmem>>, vector<2048x32xf32>
    tpu.vector_store %arg8[%swap3A, %swap3A_63], %add3A_62 {strides = array<i32>} : memref<2048x32xf32, #tpu.memory_space<vmem>>, vector<2048x32xf32>,
    return
  }
  func.func @transform_0(%arg0: i32) -> (i32, i32, i32) {
    %c0_i32 = arith.constant 0 : i32
    %c0_i32_0 = arith.constant 0 : i32
    %c0_i32_1 = arith.constant 0 : i32
    return %c0_i32, %arg0, %c0_i32_0 : i32, i32, i32
  }
  func.func @transform_1(%arg0: i32) -> (i32, i32) {
    %c0_i32 = arith.constant 0 : i32
    %c0_i32_0 = arith.constant 0 : i32
    return %arg0, %c0_i32 : i32, i32
  }
  func.func @transform_2(%arg0: i32) -> (i32, i32) {
    %c0_i32 = arith.constant 0 : i32
    %c0_i32_0 = arith.constant 0 : i32
    %c0_i32_1 = arith.constant 0 : i32
    return %c0_i32, %c0_i32_0 : i32, i32
  }
  func.func @transform_3(%arg0: i32) -> (i32, i32) {
    %c0_i32 = arith.constant 0 : i32
    %c0_i32_0 = arith.constant 0 : i32
    %c0_i32_1 = arith.constant 0 : i32
    return %c0_i32, %c0_i32_0 : i32, i32
  }
  func.func @transform_4(%arg0: i32) -> (i32, i32) {
    %c0_i32 = arith.constant 0 : i32
    %c0_i32_0 = arith.constant 0 : i32
    %c0_i32_1 = arith.constant 0 : i32
    return %c0_i32, %c0_i32_0 : i32, i32
  }
  func.func @transform_5(%arg0: i32) -> (i32, i32) {
    %c0_i32 = arith.constant 0 : i32
    %c0_i32_0 = arith.constant 0 : i32
    %c0_i32_1 = arith.constant 0 : i32
    return %c0_i32, %c0_i32_0 : i32, i32
  }
  func.func @transform_6(%arg0: i32) -> (i32, i32) {
    %c0_i32 = arith.constant 0 : i32
    %c0_i32_0 = arith.constant 0 : i32
    %c0_i32_1 = arith.constant 0 : i32
    return %c0_i32, %c0_i32_0 : i32, i32
  }
  func.func @transform_7(%arg0: i32) -> (i32, i32) {
    %c0_i32 = arith.constant 0 : i32
    %c0_i32_0 = arith.constant 0 : i32
    return %arg0, %c0_i32 : i32, i32
  }
}

module attributes {stable_mosaic.version = 14 : i64} {
  func.func @_kz_body(%arg0: memref<20480x32xf32, #tpu.memory_space<vmem>>, %arg1: memref<20480x32xf32, #tpu.memory_space<vmem>>, %arg2: memref<256x128xf32, #tpu.memory_space<vmem>>, %arg3: memref<256x64xf32, #tpu.memory_space<vmem>>, %arg4: memref<1x256xf32, #tpu.memory_space<vmem>>, %arg5: memref<1x256xf32, #tpu.memory_space<vmem>>, %arg6: memref<256x64xf32, #tpu.memory_space<vmem>>, %arg7: memref<256x64xf32, #tpu.memory_space<vmem>>, %arg8: memref<1x256xf32, #tpu.memory_space<vmem>>, %arg9: memref<1x256xf32, #tpu.memory_space<vmem>>, %arg10: memref<128x4096xf32, #tpu.memory_space<vmem>>, %arg11: memref<1x4096xf32, #tpu.memory_space<vmem>>, %arg12: memref<1x1xf32, #tpu.memory_space<vmem>>, %arg13: memref<1x4096xf32, #tpu.memory_space<vmem>>) attributes {dimension_semantics = [], scalar_prefetch = 0 : i64, scratch_operands = 0 : i64, tpu.core_type = #tpu.core_type<tc>} {
    %get3A = arith.constant 0 : index
    %get3A_0 = arith.constant 0 : index
    %get3A_1 = vector.load %arg0[%get3A, %get3A_0] : memref<20480x32xf32, #tpu.memory_space<vmem>>, vector<20480x32xf32>
    %transpose3A = tpu.transpose %get3A_1, [1, 0] : vector<20480x32xf32> -> vector<32x20480xf32>
    %get3A_2 = arith.constant 0 : index
    %get3A_3 = arith.constant 0 : index
    %get3A_4 = vector.load %arg1[%get3A_2, %get3A_3] : memref<20480x32xf32, #tpu.memory_space<vmem>>, vector<20480x32xf32>
    %transpose3A_5 = tpu.transpose %get3A_4, [1, 0] : vector<20480x32xf32> -> vector<32x20480xf32>
    %concatenate3A = tpu.concatenate %transpose3A, %transpose3A_5 in 0 : vector<32x20480xf32>, vector<32x20480xf32> -> vector<64x20480xf32>
    %iota3A = tpu.iota {dimensions = array<i32: 1>} : vector<1x20480xi32>
    %lt3A = arith.constant 20000 : i32
    %lt3A_6 = vector.broadcast %lt3A : i32 to vector<1x20480xi32>
    %lt3A_7 = arith.cmpi slt, %iota3A, %lt3A_6 : vector<1x20480xi32>
    %broadcast_in_dim3A = arith.constant 0.000000e+00 : f32
    %broadcast_in_dim3A_8 = vector.broadcast %broadcast_in_dim3A : f32 to vector<1x128xf32>
    %broadcast_in_dim3A_9 = arith.constant 0.000000e+00 : f32
    %broadcast_in_dim3A_10 = vector.broadcast %broadcast_in_dim3A_9 : f32 to vector<1x64xf32>
    %broadcast_in_dim3A_11 = arith.constant 0.000000e+00 : f32
    %broadcast_in_dim3A_12 = vector.broadcast %broadcast_in_dim3A_11 : f32 to vector<1x64xf32>
    %broadcast_in_dim3A_13 = arith.constant 0.000000e+00 : f32
    %broadcast_in_dim3A_14 = vector.broadcast %broadcast_in_dim3A_13 : f32 to vector<1x64xf32>
    %broadcast_in_dim3A_15 = arith.constant 0.000000e+00 : f32
    %broadcast_in_dim3A_16 = vector.broadcast %broadcast_in_dim3A_15 : f32 to vector<1x64xf32>
    %get3A_17 = arith.constant 0 : index
    %get3A_18 = arith.constant 0 : index
    %get3A_19 = vector.load %arg2[%get3A_17, %get3A_18] : memref<256x128xf32, #tpu.memory_space<vmem>>, vector<256x128xf32>
    %get3A_20 = arith.constant 0 : index
    %get3A_21 = arith.constant 0 : index
    %get3A_22 = vector.load %arg3[%get3A_20, %get3A_21] : memref<256x64xf32, #tpu.memory_space<vmem>>, vector<256x64xf32>
    %get3A_23 = arith.constant 0 : index
    %get3A_24 = arith.constant 0 : index
    %get3A_25 = vector.load %arg4[%get3A_23, %get3A_24] : memref<1x256xf32, #tpu.memory_space<vmem>>, vector<1x256xf32>
    %get3A_26 = arith.constant 0 : index
    %get3A_27 = arith.constant 0 : index
    %get3A_28 = vector.load %arg5[%get3A_26, %get3A_27] : memref<1x256xf32, #tpu.memory_space<vmem>>, vector<1x256xf32>
    %transpose3A_29 = tpu.transpose %get3A_19, [1, 0] : vector<256x128xf32> -> vector<128x256xf32>
    %dot_general3A = arith.constant dense<0.000000e+00> : vector<1x256xf32>
    %dot_general3A_30 = tpu.matmul %broadcast_in_dim3A_8, %transpose3A_29, %dot_general3A {dimension_numbers = #tpu.dot_dimension_numbers<[1], [0], [0], [1], [0, 0, 1, 1], [], []>, transpose_lhs_hint = false} : vector<1x128xf32>, vector<128x256xf32>, vector<1x256xf32> -> vector<1x256xf32>
    %add3A = arith.addf %dot_general3A_30, %get3A_25 : vector<1x256xf32>
    %transpose3A_31 = tpu.transpose %get3A_22, [1, 0] : vector<256x64xf32> -> vector<64x256xf32>
    %dot_general3A_32 = arith.constant dense<0.000000e+00> : vector<1x256xf32>
    %dot_general3A_33 = tpu.matmul %broadcast_in_dim3A_10, %transpose3A_31, %dot_general3A_32 {dimension_numbers = #tpu.dot_dimension_numbers<[1], [0], [0], [1], [0, 0, 1, 1], [], []>, transpose_lhs_hint = false} : vector<1x64xf32>, vector<64x256xf32>, vector<1x256xf32> -> vector<1x256xf32>
    %add3A_34 = arith.addf %add3A, %dot_general3A_33 : vector<1x256xf32>
    %add3A_35 = arith.addf %add3A_34, %get3A_28 : vector<1x256xf32>
    %split3A = vector.extract_strided_slice %add3A_35 {offsets = [0, 0], sizes = [1, 64], strides = [1, 1]} : vector<1x256xf32> to vector<1x64xf32>
    %split3A_36 = vector.extract_strided_slice %add3A_35 {offsets = [0, 64], sizes = [1, 64], strides = [1, 1]} : vector<1x256xf32> to vector<1x64xf32>
    %split3A_37 = vector.extract_strided_slice %add3A_35 {offsets = [0, 128], sizes = [1, 64], strides = [1, 1]} : vector<1x256xf32> to vector<1x64xf32>
    %split3A_38 = vector.extract_strided_slice %add3A_35 {offsets = [0, 192], sizes = [1, 64], strides = [1, 1]} : vector<1x256xf32> to vector<1x64xf32>
    %logistic3A = arith.negf %split3A_36 : vector<1x64xf32>
    %logistic3A_39 = math.exp %logistic3A : vector<1x64xf32>
    %logistic3A_40 = arith.constant 1.000000e+00 : f32
    %logistic3A_41 = vector.broadcast %logistic3A_40 : f32 to vector<1x64xf32>
    %logistic3A_42 = arith.addf %logistic3A_41, %logistic3A_39 : vector<1x64xf32>
    %logistic3A_43 = arith.divf %logistic3A_41, %logistic3A_42 : vector<1x64xf32>
    %mul3A = arith.mulf %logistic3A_43, %broadcast_in_dim3A_12 : vector<1x64xf32>
    %logistic3A_44 = arith.negf %split3A : vector<1x64xf32>
    %logistic3A_45 = math.exp %logistic3A_44 : vector<1x64xf32>
    %logistic3A_46 = arith.constant 1.000000e+00 : f32
    %logistic3A_47 = vector.broadcast %logistic3A_46 : f32 to vector<1x64xf32>
    %logistic3A_48 = arith.addf %logistic3A_47, %logistic3A_45 : vector<1x64xf32>
    %logistic3A_49 = arith.divf %logistic3A_47, %logistic3A_48 : vector<1x64xf32>
    %tanh3A = math.tanh %split3A_37 : vector<1x64xf32>
    %mul3A_50 = arith.mulf %logistic3A_49, %tanh3A : vector<1x64xf32>
    %add3A_51 = arith.addf %mul3A, %mul3A_50 : vector<1x64xf32>
    %logistic3A_52 = arith.negf %split3A_38 : vector<1x64xf32>
    %logistic3A_53 = math.exp %logistic3A_52 : vector<1x64xf32>
    %logistic3A_54 = arith.constant 1.000000e+00 : f32
    %logistic3A_55 = vector.broadcast %logistic3A_54 : f32 to vector<1x64xf32>
    %logistic3A_56 = arith.addf %logistic3A_55, %logistic3A_53 : vector<1x64xf32>
    %logistic3A_57 = arith.divf %logistic3A_55, %logistic3A_56 : vector<1x64xf32>
    %tanh3A_58 = math.tanh %add3A_51 : vector<1x64xf32>
    %mul3A_59 = arith.mulf %logistic3A_57, %tanh3A_58 : vector<1x64xf32>
    %get3A_60 = arith.constant 0 : index
    %get3A_61 = arith.constant 0 : index
    %get3A_62 = vector.load %arg6[%get3A_60, %get3A_61] : memref<256x64xf32, #tpu.memory_space<vmem>>, vector<256x64xf32>
    %get3A_63 = arith.constant 0 : index
    %get3A_64 = arith.constant 0 : index
    %get3A_65 = vector.load %arg7[%get3A_63, %get3A_64] : memref<256x64xf32, #tpu.memory_space<vmem>>, vector<256x64xf32>
    %get3A_66 = arith.constant 0 : index
    %get3A_67 = arith.constant 0 : index
    %get3A_68 = vector.load %arg8[%get3A_66, %get3A_67] : memref<1x256xf32, #tpu.memory_space<vmem>>, vector<1x256xf32>
    %get3A_69 = arith.constant 0 : index
    %get3A_70 = arith.constant 0 : index
    %get3A_71 = vector.load %arg9[%get3A_69, %get3A_70] : memref<1x256xf32, #tpu.memory_space<vmem>>, vector<1x256xf32>
    %transpose3A_72 = tpu.transpose %get3A_62, [1, 0] : vector<256x64xf32> -> vector<64x256xf32>
    %dot_general3A_73 = arith.constant dense<0.000000e+00> : vector<1x256xf32>
    %dot_general3A_74 = tpu.matmul %mul3A_59, %transpose3A_72, %dot_general3A_73 {dimension_numbers = #tpu.dot_dimension_numbers<[1], [0], [0], [1], [0, 0, 1, 1], [], []>, transpose_lhs_hint = false} : vector<1x64xf32>, vector<64x256xf32>, vector<1x256xf32> -> vector<1x256xf32>
    %add3A_75 = arith.addf %dot_general3A_74, %get3A_68 : vector<1x256xf32>
    %transpose3A_76 = tpu.transpose %get3A_65, [1, 0] : vector<256x64xf32> -> vector<64x256xf32>
    %dot_general3A_77 = arith.constant dense<0.000000e+00> : vector<1x256xf32>
    %dot_general3A_78 = tpu.matmul %broadcast_in_dim3A_14, %transpose3A_76, %dot_general3A_77 {dimension_numbers = #tpu.dot_dimension_numbers<[1], [0], [0], [1], [0, 0, 1, 1], [], []>, transpose_lhs_hint = false} : vector<1x64xf32>, vector<64x256xf32>, vector<1x256xf32> -> vector<1x256xf32>
    %add3A_79 = arith.addf %add3A_75, %dot_general3A_78 : vector<1x256xf32>
    %add3A_80 = arith.addf %add3A_79, %get3A_71 : vector<1x256xf32>
    %split3A_81 = vector.extract_strided_slice %add3A_80 {offsets = [0, 0], sizes = [1, 64], strides = [1, 1]} : vector<1x256xf32> to vector<1x64xf32>
    %split3A_82 = vector.extract_strided_slice %add3A_80 {offsets = [0, 64], sizes = [1, 64], strides = [1, 1]} : vector<1x256xf32> to vector<1x64xf32>
    %split3A_83 = vector.extract_strided_slice %add3A_80 {offsets = [0, 128], sizes = [1, 64], strides = [1, 1]} : vector<1x256xf32> to vector<1x64xf32>
    %split3A_84 = vector.extract_strided_slice %add3A_80 {offsets = [0, 192], sizes = [1, 64], strides = [1, 1]} : vector<1x256xf32> to vector<1x64xf32>
    %logistic3A_85 = arith.negf %split3A_82 : vector<1x64xf32>
    %logistic3A_86 = math.exp %logistic3A_85 : vector<1x64xf32>
    %logistic3A_87 = arith.constant 1.000000e+00 : f32
    %logistic3A_88 = vector.broadcast %logistic3A_87 : f32 to vector<1x64xf32>
    %logistic3A_89 = arith.addf %logistic3A_88, %logistic3A_86 : vector<1x64xf32>
    %logistic3A_90 = arith.divf %logistic3A_88, %logistic3A_89 : vector<1x64xf32>
    %mul3A_91 = arith.mulf %logistic3A_90, %broadcast_in_dim3A_16 : vector<1x64xf32>
    %logistic3A_92 = arith.negf %split3A_81 : vector<1x64xf32>
    %logistic3A_93 = math.exp %logistic3A_92 : vector<1x64xf32>
    %logistic3A_94 = arith.constant 1.000000e+00 : f32
    %logistic3A_95 = vector.broadcast %logistic3A_94 : f32 to vector<1x64xf32>
    %logistic3A_96 = arith.addf %logistic3A_95, %logistic3A_93 : vector<1x64xf32>
    %logistic3A_97 = arith.divf %logistic3A_95, %logistic3A_96 : vector<1x64xf32>
    %tanh3A_98 = math.tanh %split3A_83 : vector<1x64xf32>
    %mul3A_99 = arith.mulf %logistic3A_97, %tanh3A_98 : vector<1x64xf32>
    %add3A_100 = arith.addf %mul3A_91, %mul3A_99 : vector<1x64xf32>
    %logistic3A_101 = arith.negf %split3A_84 : vector<1x64xf32>
    %logistic3A_102 = math.exp %logistic3A_101 : vector<1x64xf32>
    %logistic3A_103 = arith.constant 1.000000e+00 : f32
    %logistic3A_104 = vector.broadcast %logistic3A_103 : f32 to vector<1x64xf32>
    %logistic3A_105 = arith.addf %logistic3A_104, %logistic3A_102 : vector<1x64xf32>
    %logistic3A_106 = arith.divf %logistic3A_104, %logistic3A_105 : vector<1x64xf32>
    %tanh3A_107 = math.tanh %add3A_100 : vector<1x64xf32>
    %mul3A_108 = arith.mulf %logistic3A_106, %tanh3A_107 : vector<1x64xf32>
    %dot_general3A_109 = arith.constant dense<0.000000e+00> : vector<1x20480xf32>
    %dot_general3A_110 = tpu.matmul %mul3A_108, %concatenate3A, %dot_general3A_109 {dimension_numbers = #tpu.dot_dimension_numbers<[1], [0], [0], [1], [0, 0, 1, 1], [], []>, transpose_lhs_hint = false} : vector<1x64xf32>, vector<64x20480xf32>, vector<1x20480xf32> -> vector<1x20480xf32>
    %jit3A = arith.constant -1.000000e+30 : f32
    %broadcast_in_dim3A_111 = vector.broadcast %jit3A : f32 to vector<1x20480xf32>
    %select_n3A = arith.select %lt3A_7, %dot_general3A_110, %broadcast_in_dim3A_111 : vector<1x20480xi1>, vector<1x20480xf32>
    %reduce_max3A = arith.constant dense<0xFF800000> : vector<1xf32>
    %reduce_max3A_112 = vector.multi_reduction <maximumf>, %select_n3A, %reduce_max3A [1] : vector<1x20480xf32> to vector<1xf32>
    %broadcast_in_dim3A_113 = vector.shape_cast %reduce_max3A_112 : vector<1xf32> to vector<1x1xf32>
    %sub3A = vector.broadcast %broadcast_in_dim3A_113 : vector<1x1xf32> to vector<1x20480xf32>
    %sub3A_114 = arith.subf %select_n3A, %sub3A : vector<1x20480xf32>
    %exp3A = math.exp %sub3A_114 : vector<1x20480xf32>
    %jit3A_115 = arith.constant 0.000000e+00 : f32
    %broadcast_in_dim3A_116 = vector.broadcast %jit3A_115 : f32 to vector<1x20480xf32>
    %select_n3A_117 = arith.select %lt3A_7, %exp3A, %broadcast_in_dim3A_116 : vector<1x20480xi1>, vector<1x20480xf32>
    %reduce_sum3A = arith.constant dense<0.000000e+00> : vector<1xf32>
    %reduce_sum3A_118 = vector.multi_reduction <add>, %select_n3A_117, %reduce_sum3A [1] : vector<1x20480xf32> to vector<1xf32>
    %broadcast_in_dim3A_119 = vector.shape_cast %reduce_sum3A_118 : vector<1xf32> to vector<1x1xf32>
    %div3A = vector.broadcast %broadcast_in_dim3A_119 : vector<1x1xf32> to vector<1x20480xf32>
    %div3A_120 = arith.divf %select_n3A_117, %div3A : vector<1x20480xf32>
    %dot_general3A_121 = arith.constant dense<0.000000e+00> : vector<1x64xf32>
    %dot_general3A_122 = tpu.matmul %div3A_120, %concatenate3A, %dot_general3A_121 {dimension_numbers = #tpu.dot_dimension_numbers<[1], [1], [0], [0], [0, 0, 1, 0], [], []>, transpose_lhs_hint = false} : vector<1x20480xf32>, vector<64x20480xf32>, vector<1x64xf32> -> vector<1x64xf32>
    %concatenate3A_123 = tpu.concatenate %mul3A_108, %dot_general3A_122 in 1 : vector<1x64xf32>, vector<1x64xf32> -> vector<1x128xf32>
    %get3A_124 = arith.constant 0 : index
    %get3A_125 = arith.constant 0 : index
    %get3A_126 = vector.load %arg2[%get3A_124, %get3A_125] : memref<256x128xf32, #tpu.memory_space<vmem>>, vector<256x128xf32>
    %get3A_127 = arith.constant 0 : index
    %get3A_128 = arith.constant 0 : index
    %get3A_129 = vector.load %arg3[%get3A_127, %get3A_128] : memref<256x64xf32, #tpu.memory_space<vmem>>, vector<256x64xf32>
    %get3A_130 = arith.constant 0 : index
    %get3A_131 = arith.constant 0 : index
    %get3A_132 = vector.load %arg4[%get3A_130, %get3A_131] : memref<1x256xf32, #tpu.memory_space<vmem>>, vector<1x256xf32>
    %get3A_133 = arith.constant 0 : index
    %get3A_134 = arith.constant 0 : index
    %get3A_135 = vector.load %arg5[%get3A_133, %get3A_134] : memref<1x256xf32, #tpu.memory_space<vmem>>, vector<1x256xf32>
    %transpose3A_136 = tpu.transpose %get3A_126, [1, 0] : vector<256x128xf32> -> vector<128x256xf32>
    %dot_general3A_137 = arith.constant dense<0.000000e+00> : vector<1x256xf32>
    %dot_general3A_138 = tpu.matmul %concatenate3A_123, %transpose3A_136, %dot_general3A_137 {dimension_numbers = #tpu.dot_dimension_numbers<[1], [0], [0], [1], [0, 0, 1, 1], [], []>, transpose_lhs_hint = false} : vector<1x128xf32>, vector<128x256xf32>, vector<1x256xf32> -> vector<1x256xf32>
    %add3A_139 = arith.addf %dot_general3A_138, %get3A_132 : vector<1x256xf32>
    %transpose3A_140 = tpu.transpose %get3A_129, [1, 0] : vector<256x64xf32> -> vector<64x256xf32>
    %dot_general3A_141 = arith.constant dense<0.000000e+00> : vector<1x256xf32>
    %dot_general3A_142 = tpu.matmul %mul3A_59, %transpose3A_140, %dot_general3A_141 {dimension_numbers = #tpu.dot_dimension_numbers<[1], [0], [0], [1], [0, 0, 1, 1], [], []>, transpose_lhs_hint = false} : vector<1x64xf32>, vector<64x256xf32>, vector<1x256xf32> -> vector<1x256xf32>
    %add3A_143 = arith.addf %add3A_139, %dot_general3A_142 : vector<1x256xf32>
    %add3A_144 = arith.addf %add3A_143, %get3A_135 : vector<1x256xf32>
    %split3A_145 = vector.extract_strided_slice %add3A_144 {offsets = [0, 0], sizes = [1, 64], strides = [1, 1]} : vector<1x256xf32> to vector<1x64xf32>
    %split3A_146 = vector.extract_strided_slice %add3A_144 {offsets = [0, 64], sizes = [1, 64], strides = [1, 1]} : vector<1x256xf32> to vector<1x64xf32>
    %split3A_147 = vector.extract_strided_slice %add3A_144 {offsets = [0, 128], sizes = [1, 64], strides = [1, 1]} : vector<1x256xf32> to vector<1x64xf32>
    %split3A_148 = vector.extract_strided_slice %add3A_144 {offsets = [0, 192], sizes = [1, 64], strides = [1, 1]} : vector<1x256xf32> to vector<1x64xf32>
    %logistic3A_149 = arith.negf %split3A_146 : vector<1x64xf32>
    %logistic3A_150 = math.exp %logistic3A_149 : vector<1x64xf32>
    %logistic3A_151 = arith.constant 1.000000e+00 : f32
    %logistic3A_152 = vector.broadcast %logistic3A_151 : f32 to vector<1x64xf32>
    %logistic3A_153 = arith.addf %logistic3A_152, %logistic3A_150 : vector<1x64xf32>
    %logistic3A_154 = arith.divf %logistic3A_152, %logistic3A_153 : vector<1x64xf32>
    %mul3A_155 = arith.mulf %logistic3A_154, %add3A_51 : vector<1x64xf32>
    %logistic3A_156 = arith.negf %split3A_145 : vector<1x64xf32>
    %logistic3A_157 = math.exp %logistic3A_156 : vector<1x64xf32>
    %logistic3A_158 = arith.constant 1.000000e+00 : f32
    %logistic3A_159 = vector.broadcast %logistic3A_158 : f32 to vector<1x64xf32>
    %logistic3A_160 = arith.addf %logistic3A_159, %logistic3A_157 : vector<1x64xf32>
    %logistic3A_161 = arith.divf %logistic3A_159, %logistic3A_160 : vector<1x64xf32>
    %tanh3A_162 = math.tanh %split3A_147 : vector<1x64xf32>
    %mul3A_163 = arith.mulf %logistic3A_161, %tanh3A_162 : vector<1x64xf32>
    %add3A_164 = arith.addf %mul3A_155, %mul3A_163 : vector<1x64xf32>
    %logistic3A_165 = arith.negf %split3A_148 : vector<1x64xf32>
    %logistic3A_166 = math.exp %logistic3A_165 : vector<1x64xf32>
    %logistic3A_167 = arith.constant 1.000000e+00 : f32
    %logistic3A_168 = vector.broadcast %logistic3A_167 : f32 to vector<1x64xf32>
    %logistic3A_169 = arith.addf %logistic3A_168, %logistic3A_166 : vector<1x64xf32>
    %logistic3A_170 = arith.divf %logistic3A_168, %logistic3A_169 : vector<1x64xf32>
    %tanh3A_171 = math.tanh %add3A_164 : vector<1x64xf32>
    %mul3A_172 = arith.mulf %logistic3A_170, %tanh3A_171 : vector<1x64xf32>
    %get3A_173 = arith.constant 0 : index
    %get3A_174 = arith.constant 0 : index
    %get3A_175 = vector.load %arg6[%get3A_173, %get3A_174] : memref<256x64xf32, #tpu.memory_space<vmem>>, vector<256x64xf32>
    %get3A_176 = arith.constant 0 : index
    %get3A_177 = arith.constant 0 : index
    %get3A_178 = vector.load %arg7[%get3A_176, %get3A_177] : memref<256x64xf32, #tpu.memory_space<vmem>>, vector<256x64xf32>
    %get3A_179 = arith.constant 0 : index
    %get3A_180 = arith.constant 0 : index
    %get3A_181 = vector.load %arg8[%get3A_179, %get3A_180] : memref<1x256xf32, #tpu.memory_space<vmem>>, vector<1x256xf32>
    %get3A_182 = arith.constant 0 : index
    %get3A_183 = arith.constant 0 : index
    %get3A_184 = vector.load %arg9[%get3A_182, %get3A_183] : memref<1x256xf32, #tpu.memory_space<vmem>>, vector<1x256xf32>
    %transpose3A_185 = tpu.transpose %get3A_175, [1, 0] : vector<256x64xf32> -> vector<64x256xf32>
    %dot_general3A_186 = arith.constant dense<0.000000e+00> : vector<1x256xf32>
    %dot_general3A_187 = tpu.matmul %mul3A_172, %transpose3A_185, %dot_general3A_186 {dimension_numbers = #tpu.dot_dimension_numbers<[1], [0], [0], [1], [0, 0, 1, 1], [], []>, transpose_lhs_hint = false} : vector<1x64xf32>, vector<64x256xf32>, vector<1x256xf32> -> vector<1x256xf32>
    %add3A_188 = arith.addf %dot_general3A_187, %get3A_181 : vector<1x256xf32>
    %transpose3A_189 = tpu.transpose %get3A_178, [1, 0] : vector<256x64xf32> -> vector<64x256xf32>
    %dot_general3A_190 = arith.constant dense<0.000000e+00> : vector<1x256xf32>
    %dot_general3A_191 = tpu.matmul %mul3A_108, %transpose3A_189, %dot_general3A_190 {dimension_numbers = #tpu.dot_dimension_numbers<[1], [0], [0], [1], [0, 0, 1, 1], [], []>, transpose_lhs_hint = false} : vector<1x64xf32>, vector<64x256xf32>, vector<1x256xf32> -> vector<1x256xf32>
    %add3A_192 = arith.addf %add3A_188, %dot_general3A_191 : vector<1x256xf32>
    %add3A_193 = arith.addf %add3A_192, %get3A_184 : vector<1x256xf32>
    %split3A_194 = vector.extract_strided_slice %add3A_193 {offsets = [0, 0], sizes = [1, 64], strides = [1, 1]} : vector<1x256xf32> to vector<1x64xf32>
    %split3A_195 = vector.extract_strided_slice %add3A_193 {offsets = [0, 64], sizes = [1, 64], strides = [1, 1]} : vector<1x256xf32> to vector<1x64xf32>
    %split3A_196 = vector.extract_strided_slice %add3A_193 {offsets = [0, 128], sizes = [1, 64], strides = [1, 1]} : vector<1x256xf32> to vector<1x64xf32>
    %split3A_197 = vector.extract_strided_slice %add3A_193 {offsets = [0, 192], sizes = [1, 64], strides = [1, 1]} : vector<1x256xf32> to vector<1x64xf32>
    %logistic3A_198 = arith.negf %split3A_195 : vector<1x64xf32>
    %logistic3A_199 = math.exp %logistic3A_198 : vector<1x64xf32>
    %logistic3A_200 = arith.constant 1.000000e+00 : f32
    %logistic3A_201 = vector.broadcast %logistic3A_200 : f32 to vector<1x64xf32>
    %logistic3A_202 = arith.addf %logistic3A_201, %logistic3A_199 : vector<1x64xf32>
    %logistic3A_203 = arith.divf %logistic3A_201, %logistic3A_202 : vector<1x64xf32>
    %mul3A_204 = arith.mulf %logistic3A_203, %add3A_100 : vector<1x64xf32>
    %logistic3A_205 = arith.negf %split3A_194 : vector<1x64xf32>
    %logistic3A_206 = math.exp %logistic3A_205 : vector<1x64xf32>
    %logistic3A_207 = arith.constant 1.000000e+00 : f32
    %logistic3A_208 = vector.broadcast %logistic3A_207 : f32 to vector<1x64xf32>
    %logistic3A_209 = arith.addf %logistic3A_208, %logistic3A_206 : vector<1x64xf32>
    %logistic3A_210 = arith.divf %logistic3A_208, %logistic3A_209 : vector<1x64xf32>
    %tanh3A_211 = math.tanh %split3A_196 : vector<1x64xf32>
    %mul3A_212 = arith.mulf %logistic3A_210, %tanh3A_211 : vector<1x64xf32>
    %add3A_213 = arith.addf %mul3A_204, %mul3A_212 : vector<1x64xf32>
    %logistic3A_214 = arith.negf %split3A_197 : vector<1x64xf32>
    %logistic3A_215 = math.exp %logistic3A_214 : vector<1x64xf32>
    %logistic3A_216 = arith.constant 1.000000e+00 : f32
    %logistic3A_217 = vector.broadcast %logistic3A_216 : f32 to vector<1x64xf32>
    %logistic3A_218 = arith.addf %logistic3A_217, %logistic3A_215 : vector<1x64xf32>
    %logistic3A_219 = arith.divf %logistic3A_217, %logistic3A_218 : vector<1x64xf32>
    %tanh3A_220 = math.tanh %add3A_213 : vector<1x64xf32>
    %mul3A_221 = arith.mulf %logistic3A_219, %tanh3A_220 : vector<1x64xf32>
    %dot_general3A_222 = arith.constant dense<0.000000e+00> : vector<1x20480xf32>
    %dot_general3A_223 = tpu.matmul %mul3A_221, %concatenate3A, %dot_general3A_222 {dimension_numbers = #tpu.dot_dimension_numbers<[1], [0], [0], [1], [0, 0, 1, 1], [], []>, transpose_lhs_hint = false} : vector<1x64xf32>, vector<64x20480xf32>, vector<1x20480xf32> -> vector<1x20480xf32>
    %jit3A_224 = arith.constant -1.000000e+30 : f32
    %broadcast_in_dim3A_225 = vector.broadcast %jit3A_224 : f32 to vector<1x20480xf32>
    %select_n3A_226 = arith.select %lt3A_7, %dot_general3A_223, %broadcast_in_dim3A_225 : vector<1x20480xi1>, vector<1x20480xf32>
    %reduce_max3A_227 = arith.constant dense<0xFF800000> : vector<1xf32>
    %reduce_max3A_228 = vector.multi_reduction <maximumf>, %select_n3A_226, %reduce_max3A_227 [1] : vector<1x20480xf32> to vector<1xf32>
    %broadcast_in_dim3A_229 = vector.shape_cast %reduce_max3A_228 : vector<1xf32> to vector<1x1xf32>
    %sub3A_230 = vector.broadcast %broadcast_in_dim3A_229 : vector<1x1xf32> to vector<1x20480xf32>
    %sub3A_231 = arith.subf %select_n3A_226, %sub3A_230 : vector<1x20480xf32>
    %exp3A_232 = math.exp %sub3A_231 : vector<1x20480xf32>
    %jit3A_233 = arith.constant 0.000000e+00 : f32
    %broadcast_in_dim3A_234 = vector.broadcast %jit3A_233 : f32 to vector<1x20480xf32>
    %select_n3A_235 = arith.select %lt3A_7, %exp3A_232, %broadcast_in_dim3A_234 : vector<1x20480xi1>, vector<1x20480xf32>
    %reduce_sum3A_236 = arith.constant dense<0.000000e+00> : vector<1xf32>
    %reduce_sum3A_237 = vector.multi_reduction <add>, %select_n3A_235, %reduce_sum3A_236 [1] : vector<1x20480xf32> to vector<1xf32>
    %broadcast_in_dim3A_238 = vector.shape_cast %reduce_sum3A_237 : vector<1xf32> to vector<1x1xf32>
    %div3A_239 = vector.broadcast %broadcast_in_dim3A_238 : vector<1x1xf32> to vector<1x20480xf32>
    %div3A_240 = arith.divf %select_n3A_235, %div3A_239 : vector<1x20480xf32>
    %dot_general3A_241 = arith.constant dense<0.000000e+00> : vector<1x64xf32>
    %dot_general3A_242 = tpu.matmul %div3A_240, %concatenate3A, %dot_general3A_241 {dimension_numbers = #tpu.dot_dimension_numbers<[1], [1], [0], [0], [0, 0, 1, 0], [], []>, transpose_lhs_hint = false} : vector<1x20480xf32>, vector<64x20480xf32>, vector<1x64xf32> -> vector<1x64xf32>
    %concatenate3A_243 = tpu.concatenate %mul3A_221, %dot_general3A_242 in 1 : vector<1x64xf32>, vector<1x64xf32> -> vector<1x128xf32>
    %get3A_244 = arith.constant 0 : index
    %get3A_245 = arith.constant 0 : index
    %get3A_246 = vector.load %arg2[%get3A_244, %get3A_245] : memref<256x128xf32, #tpu.memory_space<vmem>>, vector<256x128xf32>
    %get3A_247 = arith.constant 0 : index
    %get3A_248 = arith.constant 0 : index
    %get3A_249 = vector.load %arg3[%get3A_247, %get3A_248] : memref<256x64xf32, #tpu.memory_space<vmem>>, vector<256x64xf32>
    %get3A_250 = arith.constant 0 : index
    %get3A_251 = arith.constant 0 : index
    %get3A_252 = vector.load %arg4[%get3A_250, %get3A_251] : memref<1x256xf32, #tpu.memory_space<vmem>>, vector<1x256xf32>
    %get3A_253 = arith.constant 0 : index
    %get3A_254 = arith.constant 0 : index
    %get3A_255 = vector.load %arg5[%get3A_253, %get3A_254] : memref<1x256xf32, #tpu.memory_space<vmem>>, vector<1x256xf32>
    %transpose3A_256 = tpu.transpose %get3A_246, [1, 0] : vector<256x128xf32> -> vector<128x256xf32>
    %dot_general3A_257 = arith.constant dense<0.000000e+00> : vector<1x256xf32>
    %dot_general3A_258 = tpu.matmul %concatenate3A_243, %transpose3A_256, %dot_general3A_257 {dimension_numbers = #tpu.dot_dimension_numbers<[1], [0], [0], [1], [0, 0, 1, 1], [], []>, transpose_lhs_hint = false} : vector<1x128xf32>, vector<128x256xf32>, vector<1x256xf32> -> vector<1x256xf32>
    %add3A_259 = arith.addf %dot_general3A_258, %get3A_252 : vector<1x256xf32>
    %transpose3A_260 = tpu.transpose %get3A_249, [1, 0] : vector<256x64xf32> -> vector<64x256xf32>
    %dot_general3A_261 = arith.constant dense<0.000000e+00> : vector<1x256xf32>
    %dot_general3A_262 = tpu.matmul %mul3A_172, %transpose3A_260, %dot_general3A_261 {dimension_numbers = #tpu.dot_dimension_numbers<[1], [0], [0], [1], [0, 0, 1, 1], [], []>, transpose_lhs_hint = false} : vector<1x64xf32>, vector<64x256xf32>, vector<1x256xf32> -> vector<1x256xf32>
    %add3A_263 = arith.addf %add3A_259, %dot_general3A_262 : vector<1x256xf32>
    %add3A_264 = arith.addf %add3A_263, %get3A_255 : vector<1x256xf32>
    %split3A_265 = vector.extract_strided_slice %add3A_264 {offsets = [0, 0], sizes = [1, 64], strides = [1, 1]} : vector<1x256xf32> to vector<1x64xf32>
    %split3A_266 = vector.extract_strided_slice %add3A_264 {offsets = [0, 64], sizes = [1, 64], strides = [1, 1]} : vector<1x256xf32> to vector<1x64xf32>
    %split3A_267 = vector.extract_strided_slice %add3A_264 {offsets = [0, 128], sizes = [1, 64], strides = [1, 1]} : vector<1x256xf32> to vector<1x64xf32>
    %split3A_268 = vector.extract_strided_slice %add3A_264 {offsets = [0, 192], sizes = [1, 64], strides = [1, 1]} : vector<1x256xf32> to vector<1x64xf32>
    %logistic3A_269 = arith.negf %split3A_266 : vector<1x64xf32>
    %logistic3A_270 = math.exp %logistic3A_269 : vector<1x64xf32>
    %logistic3A_271 = arith.constant 1.000000e+00 : f32
    %logistic3A_272 = vector.broadcast %logistic3A_271 : f32 to vector<1x64xf32>
    %logistic3A_273 = arith.addf %logistic3A_272, %logistic3A_270 : vector<1x64xf32>
    %logistic3A_274 = arith.divf %logistic3A_272, %logistic3A_273 : vector<1x64xf32>
    %mul3A_275 = arith.mulf %logistic3A_274, %add3A_164 : vector<1x64xf32>
    %logistic3A_276 = arith.negf %split3A_265 : vector<1x64xf32>
    %logistic3A_277 = math.exp %logistic3A_276 : vector<1x64xf32>
    %logistic3A_278 = arith.constant 1.000000e+00 : f32
    %logistic3A_279 = vector.broadcast %logistic3A_278 : f32 to vector<1x64xf32>
    %logistic3A_280 = arith.addf %logistic3A_279, %logistic3A_277 : vector<1x64xf32>
    %logistic3A_281 = arith.divf %logistic3A_279, %logistic3A_280 : vector<1x64xf32>
    %tanh3A_282 = math.tanh %split3A_267 : vector<1x64xf32>
    %mul3A_283 = arith.mulf %logistic3A_281, %tanh3A_282 : vector<1x64xf32>
    %add3A_284 = arith.addf %mul3A_275, %mul3A_283 : vector<1x64xf32>
    %logistic3A_285 = arith.negf %split3A_268 : vector<1x64xf32>
    %logistic3A_286 = math.exp %logistic3A_285 : vector<1x64xf32>
    %logistic3A_287 = arith.constant 1.000000e+00 : f32
    %logistic3A_288 = vector.broadcast %logistic3A_287 : f32 to vector<1x64xf32>
    %logistic3A_289 = arith.addf %logistic3A_288, %logistic3A_286 : vector<1x64xf32>
    %logistic3A_290 = arith.divf %logistic3A_288, %logistic3A_289 : vector<1x64xf32>
    %tanh3A_291 = math.tanh %add3A_284 : vector<1x64xf32>
    %mul3A_292 = arith.mulf %logistic3A_290, %tanh3A_291 : vector<1x64xf32>
    %get3A_293 = arith.constant 0 : index
    %get3A_294 = arith.constant 0 : index
    %get3A_295 = vector.load %arg6[%get3A_293, %get3A_294] : memref<256x64xf32, #tpu.memory_space<vmem>>, vector<256x64xf32>
    %get3A_296 = arith.constant 0 : index
    %get3A_297 = arith.constant 0 : index
    %get3A_298 = vector.load %arg7[%get3A_296, %get3A_297] : memref<256x64xf32, #tpu.memory_space<vmem>>, vector<256x64xf32>
    %get3A_299 = arith.constant 0 : index
    %get3A_300 = arith.constant 0 : index
    %get3A_301 = vector.load %arg8[%get3A_299, %get3A_300] : memref<1x256xf32, #tpu.memory_space<vmem>>, vector<1x256xf32>
    %get3A_302 = arith.constant 0 : index
    %get3A_303 = arith.constant 0 : index
    %get3A_304 = vector.load %arg9[%get3A_302, %get3A_303] : memref<1x256xf32, #tpu.memory_space<vmem>>, vector<1x256xf32>
    %transpose3A_305 = tpu.transpose %get3A_295, [1, 0] : vector<256x64xf32> -> vector<64x256xf32>
    %dot_general3A_306 = arith.constant dense<0.000000e+00> : vector<1x256xf32>
    %dot_general3A_307 = tpu.matmul %mul3A_292, %transpose3A_305, %dot_general3A_306 {dimension_numbers = #tpu.dot_dimension_numbers<[1], [0], [0], [1], [0, 0, 1, 1], [], []>, transpose_lhs_hint = false} : vector<1x64xf32>, vector<64x256xf32>, vector<1x256xf32> -> vector<1x256xf32>
    %add3A_308 = arith.addf %dot_general3A_307, %get3A_301 : vector<1x256xf32>
    %transpose3A_309 = tpu.transpose %get3A_298, [1, 0] : vector<256x64xf32> -> vector<64x256xf32>
    %dot_general3A_310 = arith.constant dense<0.000000e+00> : vector<1x256xf32>
    %dot_general3A_311 = tpu.matmul %mul3A_221, %transpose3A_309, %dot_general3A_310 {dimension_numbers = #tpu.dot_dimension_numbers<[1], [0], [0], [1], [0, 0, 1, 1], [], []>, transpose_lhs_hint = false} : vector<1x64xf32>, vector<64x256xf32>, vector<1x256xf32> -> vector<1x256xf32>
    %add3A_312 = arith.addf %add3A_308, %dot_general3A_311 : vector<1x256xf32>
    %add3A_313 = arith.addf %add3A_312, %get3A_304 : vector<1x256xf32>
    %split3A_314 = vector.extract_strided_slice %add3A_313 {offsets = [0, 0], sizes = [1, 64], strides = [1, 1]} : vector<1x256xf32> to vector<1x64xf32>
    %split3A_315 = vector.extract_strided_slice %add3A_313 {offsets = [0, 64], sizes = [1, 64], strides = [1, 1]} : vector<1x256xf32> to vector<1x64xf32>
    %split3A_316 = vector.extract_strided_slice %add3A_313 {offsets = [0, 128], sizes = [1, 64], strides = [1, 1]} : vector<1x256xf32> to vector<1x64xf32>
    %split3A_317 = vector.extract_strided_slice %add3A_313 {offsets = [0, 192], sizes = [1, 64], strides = [1, 1]} : vector<1x256xf32> to vector<1x64xf32>
    %logistic3A_318 = arith.negf %split3A_315 : vector<1x64xf32>
    %logistic3A_319 = math.exp %logistic3A_318 : vector<1x64xf32>
    %logistic3A_320 = arith.constant 1.000000e+00 : f32
    %logistic3A_321 = vector.broadcast %logistic3A_320 : f32 to vector<1x64xf32>
    %logistic3A_322 = arith.addf %logistic3A_321, %logistic3A_319 : vector<1x64xf32>
    %logistic3A_323 = arith.divf %logistic3A_321, %logistic3A_322 : vector<1x64xf32>
    %mul3A_324 = arith.mulf %logistic3A_323, %add3A_213 : vector<1x64xf32>
    %logistic3A_325 = arith.negf %split3A_314 : vector<1x64xf32>
    %logistic3A_326 = math.exp %logistic3A_325 : vector<1x64xf32>
    %logistic3A_327 = arith.constant 1.000000e+00 : f32
    %logistic3A_328 = vector.broadcast %logistic3A_327 : f32 to vector<1x64xf32>
    %logistic3A_329 = arith.addf %logistic3A_328, %logistic3A_326 : vector<1x64xf32>
    %logistic3A_330 = arith.divf %logistic3A_328, %logistic3A_329 : vector<1x64xf32>
    %tanh3A_331 = math.tanh %split3A_316 : vector<1x64xf32>
    %mul3A_332 = arith.mulf %logistic3A_330, %tanh3A_331 : vector<1x64xf32>
    %add3A_333 = arith.addf %mul3A_324, %mul3A_332 : vector<1x64xf32>
    %logistic3A_334 = arith.negf %split3A_317 : vector<1x64xf32>
    %logistic3A_335 = math.exp %logistic3A_334 : vector<1x64xf32>
    %logistic3A_336 = arith.constant 1.000000e+00 : f32
    %logistic3A_337 = vector.broadcast %logistic3A_336 : f32 to vector<1x64xf32>
    %logistic3A_338 = arith.addf %logistic3A_337, %logistic3A_335 : vector<1x64xf32>
    %logistic3A_339 = arith.divf %logistic3A_337, %logistic3A_338 : vector<1x64xf32>
    %tanh3A_340 = math.tanh %add3A_333 : vector<1x64xf32>
    %mul3A_341 = arith.mulf %logistic3A_339, %tanh3A_340 : vector<1x64xf32>
    %dot_general3A_342 = arith.constant dense<0.000000e+00> : vector<1x20480xf32>
    %dot_general3A_343 = tpu.matmul %mul3A_341, %concatenate3A, %dot_general3A_342 {dimension_numbers = #tpu.dot_dimension_numbers<[1], [0], [0], [1], [0, 0, 1, 1], [], []>, transpose_lhs_hint = false} : vector<1x64xf32>, vector<64x20480xf32>, vector<1x20480xf32> -> vector<1x20480xf32>
    %jit3A_344 = arith.constant -1.000000e+30 : f32
    %broadcast_in_dim3A_345 = vector.broadcast %jit3A_344 : f32 to vector<1x20480xf32>
    %select_n3A_346 = arith.select %lt3A_7, %dot_general3A_343, %broadcast_in_dim3A_345 : vector<1x20480xi1>, vector<1x20480xf32>
    %reduce_max3A_347 = arith.constant dense<0xFF800000> : vector<1xf32>
    %reduce_max3A_348 = vector.multi_reduction <maximumf>, %select_n3A_346, %reduce_max3A_347 [1] : vector<1x20480xf32> to vector<1xf32>
    %broadcast_in_dim3A_349 = vector.shape_cast %reduce_max3A_348 : vector<1xf32> to vector<1x1xf32>
    %sub3A_350 = vector.broadcast %broadcast_in_dim3A_349 : vector<1x1xf32> to vector<1x20480xf32>
    %sub3A_351 = arith.subf %select_n3A_346, %sub3A_350 : vector<1x20480xf32>
    %exp3A_352 = math.exp %sub3A_351 : vector<1x20480xf32>
    %jit3A_353 = arith.constant 0.000000e+00 : f32
    %broadcast_in_dim3A_354 = vector.broadcast %jit3A_353 : f32 to vector<1x20480xf32>
    %select_n3A_355 = arith.select %lt3A_7, %exp3A_352, %broadcast_in_dim3A_354 : vector<1x20480xi1>, vector<1x20480xf32>
    %reduce_sum3A_356 = arith.constant dense<0.000000e+00> : vector<1xf32>
    %reduce_sum3A_357 = vector.multi_reduction <add>, %select_n3A_355, %reduce_sum3A_356 [1] : vector<1x20480xf32> to vector<1xf32>
    %broadcast_in_dim3A_358 = vector.shape_cast %reduce_sum3A_357 : vector<1xf32> to vector<1x1xf32>
    %div3A_359 = vector.broadcast %broadcast_in_dim3A_358 : vector<1x1xf32> to vector<1x20480xf32>
    %div3A_360 = arith.divf %select_n3A_355, %div3A_359 : vector<1x20480xf32>
    %dot_general3A_361 = arith.constant dense<0.000000e+00> : vector<1x64xf32>
    %dot_general3A_362 = tpu.matmul %div3A_360, %concatenate3A, %dot_general3A_361 {dimension_numbers = #tpu.dot_dimension_numbers<[1], [1], [0], [0], [0, 0, 1, 0], [], []>, transpose_lhs_hint = false} : vector<1x20480xf32>, vector<64x20480xf32>, vector<1x64xf32> -> vector<1x64xf32>
    %concatenate3A_363 = tpu.concatenate %mul3A_341, %dot_general3A_362 in 1 : vector<1x64xf32>, vector<1x64xf32> -> vector<1x128xf32>
    %get3A_364 = arith.constant 0 : index
    %get3A_365 = arith.constant 0 : index
    %get3A_366 = vector.load %arg10[%get3A_364, %get3A_365] : memref<128x4096xf32, #tpu.memory_space<vmem>>, vector<128x4096xf32>
    %dot_general3A_367 = arith.constant dense<0.000000e+00> : vector<1x4096xf32>
    %dot_general3A_368 = tpu.matmul %concatenate3A_363, %get3A_366, %dot_general3A_367 {dimension_numbers = #tpu.dot_dimension_numbers<[1], [0], [0], [1], [0, 0, 1, 1], [], []>, transpose_lhs_hint = false} : vector<1x128xf32>, vector<128x4096xf32>, vector<1x4096xf32> -> vector<1x4096xf32>
    %get3A_369 = arith.constant 0 : index
    %get3A_370 = arith.constant 0 : index
    %get3A_371 = vector.load %arg11[%get3A_369, %get3A_370] : memref<1x4096xf32, #tpu.memory_space<vmem>>, vector<1x4096xf32>
    %add3A_372 = arith.addf %dot_general3A_368, %get3A_371 : vector<1x4096xf32>
    %ge3A = arith.constant 0.000000e+00 : f32
    %ge3A_373 = vector.broadcast %ge3A : f32 to vector<1x4096xf32>
    %ge3A_374 = arith.cmpf oge, %add3A_372, %ge3A_373 : vector<1x4096xf32>
    %get3A_375 = arith.constant 0 : index
    %get3A_376 = arith.constant 0 : index
    %get3A_377 = vector.load %arg12[%get3A_375, %get3A_376] : memref<1x1xf32, #tpu.memory_space<vmem>>, vector<1x1xf32>
    %mul3A_378 = vector.broadcast %get3A_377 : vector<1x1xf32> to vector<1x4096xf32>
    %mul3A_379 = arith.mulf %mul3A_378, %add3A_372 : vector<1x4096xf32>
    %select_n3A_380 = arith.select %ge3A_374, %add3A_372, %mul3A_379 : vector<1x4096xi1>, vector<1x4096xf32>
    %swap3A = arith.constant 0 : index
    %swap3A_381 = arith.constant 0 : index
    %swap3A_382 = vector.load %arg13[%swap3A, %swap3A_381] : memref<1x4096xf32, #tpu.memory_space<vmem>>, vector<1x4096xf32>
    tpu.vector_store %arg13[%swap3A, %swap3A_381], %select_n3A_380 {strides = array<i32>} : memref<1x4096xf32, #tpu.memory_space<vmem>>, vector<1x4096xf32>,
    return
  }
}

</mosaic_0001>

<sc_bundles>
// kernel: kernel.17.cloned.1.call-start
scs
__scs_entry_jumppad:
0x0: {  	(pc) =	sbr.rel $0x88, $3  }
0x1: {  	(tag) =	ssettag $0x0;
	lr =	simm.s32 $0x1  }
0x2: {  	[smem:$0x3F81] =	sst lr;
	_ =	strace $0xD0000000  }
0x3: {  	_ = 	snop  }
0x4: {  	_ = 	snop  }
0x5: {  	_ = 	snop  }
0x6: {  	_ = 	snop  }
0x7: {  	_ = 	snop  }
__scs_overlays_trampoline_lowered:
0x8: {  	[smem:$0x3F90] =	sst s0  }
0x9: {  	[smem:$0x3F91] =	sst s1  }
0xa: {  	[smem:$0x3F92] =	sst s2  }
0xb: {  	[smem:$0x3F93] =	sst s3  }
0xc: {  	[smem:$0x3F94] =	sst s4  }
0xd: {  	[smem:$0x3F95] =	sst s5  }
0xe: {  	[smem:$0x3F96] =	sst s6  }
0xf: {  	[smem:$0x3F97] =	sst s7  }
0x10: {  	[smem:$0x3F98] =	sst s8  }
0x11: {  	[smem:$0x3F99] =	sst s9;
	s0 =	simm.s32 @!p0 $0x0  }
0x12: {  	s1 =	sld [smem:$0x3F7F];
	s0 =	simm.s32 @p0 $0x1  }
0x13: {  	[smem:$0x3F9A] =	sst s0;
	s0 =	simm.s32 @!p1 $0x0  }
0x14: {  	s2 =	sld [smem:$0x3F7E];
	s0 =	simm.s32 @p1 $0x1  }
0x15: {  	[smem:$0x3F9B] =	sst s0;
	s0 =	simm.s32 @!p2 $0x0  }
0x16: {  	s3 =	sld [smem:$0x3FDB];
	s0 =	simm.s32 @p2 $0x1  }
0x17: {  	s4 =	simm.s32 $0x1BF5;
	[smem:$0x3F9D] =	sst s0  }
0x18: {  	s0 =	sld [smem:$0x3F80];
	_ =	swait.ge [sflag:s4], $0x0  }
0x19: {  	s7 =	sld [smem:$0x3F81]  }
0x1a: {  	s8 =	sadd.s32 $0xFFFFE003, lr  }
0x1b: {  	s9 =	sadd.s32 $0xFFFFFEF7, lr;
	s5 =	simm.s32 $0xFFFFFFFF;
	p2 =	slt.u32 s8, $0xFFFFF086  }
0x1c: {  	p1 =	slt.u32 s9, $0xF7A;
	s5 =	simm.s32 @!p2 $0x0  }
0x1d: {  	s5 =	simm.s32 @p1 $0x1;
	p0 =	seq.s32 s7, s2  }
0x1e: {  	s7 =	smul.u32 @!p0 $0xF7A, s2;
	p2 =	seq.s32 @!p0 s5, $0x0  }
0x1f: {  	s9 =	smul.u32 $0xF7A, s1;
	s8 =	simm.s32 @!p0 $0x1BF5;
	p2 =	por !p2, p0  }
0x20: {  	[sflag:s8] =	ssyncset.s32 @!p0 $0xFFFFF086;
	s6 =	sadd.s32 @!p0 s3, s7;
	s7 =	simm.s32 @!p0 $0x108  }
0x21: {  	s3 =	sadd.s32 s3, s9;
	s6 =	sadd.s32 @!p0 $0x88, s6;
	s7 =	simm.s32 @p2 $0x1082  }
0x22: {  	[simem:s7], [sflag:s8] =	dma.local @!p0 [hbm:s6], $0xF7A  }
0x23: {  	s9 =	sor.u32 $0xD0000000, s2;
	s6 =	simm.s32 $0x108;
	_ =	swait.ge @!p0 [sflag:s8], $0x0  }
0x24: {  	s3 =	sadd.s32 $0x88, s3;
	s6 =	simm.s32 @!p1 $0x1082;
	[sflag:s4] =	ssyncset.s32 $0xFFFFF086  }
0x25: {  	[simem:s6], [sflag:s4] =	dma.local [hbm:s3], $0xF7A  }
0x26: {  	[smem:$0x3F81] =	sst s1;
	(tag) =	ssettag s2;
	_ =	strace s9  }
0x27: {  	s1 =	sld [smem:$0x3F91]  }
0x28: {  	s2 =	sld [smem:$0x3F92]  }
0x29: {  	s4 =	sld [smem:$0x3F94]  }
0x2a: {  	p0 =	seq.s32 s5, $0x0;
	s5 =	sld [smem:$0x3F95]  }
0x2b: {  	s6 =	sld [smem:$0x3F96]  }
0x2c: {  	s7 =	sld [smem:$0x3F97]  }
0x2d: {  	s3 =	simm.s32 $0x108;
	s8 =	sld [smem:$0x3F98]  }
0x2e: {  	s3 =	simm.s32 @!p0 $0x1082;
	s9 =	sld [smem:$0x3F99]  }
0x2f: {  	lr =	sadd.s32 s0, s3;
	s0 =	sld [smem:$0x3F90]  }
0x30: {  	s3 =	sld [smem:$0x3F93]  }
0x31: {  	[smem:$0x3F9C] =	sst s10  }
0x32: {  	s10 =	sld [smem:$0x3F9A];
	_ =	sdelay $0x3  }
0x33: {  	p0 =	seq.s32 s10, $0x1;
	s10 =	sld [smem:$0x3F9C];
	_ =	sdelay $0x3  }
0x34: {  	[smem:$0x3F9C] =	sst s10  }
0x35: {  	s10 =	sld [smem:$0x3F9B];
	_ =	sdelay $0x3  }
0x36: {  	p1 =	seq.s32 s10, $0x1;
	s10 =	sld [smem:$0x3F9C];
	_ =	sdelay $0x3  }
0x37: {  	[smem:$0x3F9C] =	sst s10  }
0x38: {  	s10 =	sld [smem:$0x3F9D]  }
0x39: {  	_ = 	snop;
	(pc) =	sbr.ind lr, $3  }
0x3a: {  	_ = 	snop  }
0x3b: {  	_ = 	snop  }
0x3c: {  	p2 =	seq.s32 s10, $0x1;
	s10 =	sld [smem:$0x3F9C]  }
0x3d: {  	_ =	shalt  }
0x3e: {  	_ =	shalt  }
0x3f: {  	_ =	shalt  }
0x40: {  	_ =	shalt  }
0x41: {  	_ =	shalt  }
0x42: {  	_ =	shalt  }
0x43: {  	_ =	shalt  }
0x44: {  	_ =	shalt  }
0x45: {  	_ =	shalt  }
0x46: {  	_ =	shalt  }
0x47: {  	_ =	shalt  }
0x48: {  	_ =	shalt  }
0x49: {  	_ =	shalt  }
0x4a: {  	_ =	shalt  }
0x4b: {  	_ =	shalt  }
0x4c: {  	_ =	shalt  }
0x4d: {  	_ =	shalt  }
0x4e: {  	_ =	shalt  }
0x4f: {  	_ =	shalt  }
0x50: {  	_ =	shalt  }
0x51: {  	_ =	shalt  }
0x52: {  	_ =	shalt  }
0x53: {  	_ =	shalt  }
0x54: {  	_ =	shalt  }
0x55: {  	_ =	shalt  }
0x56: {  	_ =	shalt  }
0x57: {  	_ =	shalt  }
0x58: {  	_ =	shalt  }
0x59: {  	_ =	shalt  }
0x5a: {  	_ =	shalt  }
0x5b: {  	_ =	shalt  }
0x5c: {  	_ =	shalt  }
0x5d: {  	_ =	shalt  }
0x5e: {  	_ =	shalt  }
0x5f: {  	_ =	shalt  }
0x60: {  	_ =	shalt  }
0x61: {  	_ =	shalt  }
0x62: {  	_ =	shalt  }
0x63: {  	_ =	shalt  }
0x64: {  	_ =	shalt  }
0x65: {  	_ =	shalt  }
0x66: {  	_ =	shalt  }
0x67: {  	_ =	shalt  }
0x68: {  	_ =	shalt  }
0x69: {  	_ =	shalt  }
0x6a: {  	_ =	shalt  }
0x6b: {  	_ =	shalt  }
0x6c: {  	_ =	shalt  }
0x6d: {  	_ =	shalt  }
0x6e: {  	_ =	shalt  }
0x6f: {  	_ =	shalt  }
0x70: {  	_ =	shalt  }
0x71: {  	_ =	shalt  }
0x72: {  	_ =	shalt  }
0x73: {  	_ =	shalt  }
0x74: {  	_ =	shalt  }
0x75: {  	_ =	shalt  }
0x76: {  	_ =	shalt  }
0x77: {  	_ =	shalt  }
0x78: {  	_ =	shalt  }
0x79: {  	_ =	shalt  }
0x7a: {  	_ =	shalt  }
0x7b: {  	_ =	shalt  }
0x7c: {  	_ =	shalt  }
0x7d: {  	_ =	shalt  }
0x7e: {  	_ =	shalt  }
0x7f: {  	_ =	shalt  }
0x80: {  	_ =	shalt  }
0x81: {  	_ =	shalt  }
0x82: {  	_ =	shalt  }
0x83: {  	_ =	shalt  }
0x84: {  	_ =	shalt  }
0x85: {  	_ =	shalt  }
0x86: {  	_ =	shalt  }
0x87: {  	_ =	shalt  }
.Lfunc_end0:
.L_simem_size_0:
called_computation_lowered:
.L_overlay_start_0:
0x88: {  	s2 =	sld [smem:$0x3FD9]  }
0x89: {  	s3 =	sld [smem:$0x3FFE];
	_ =	sdelay $0x1  }
0x8a: {  	s1 =	srdreg.scid  }
0x8b: {  	s0 =	sand.u32 $0x1, s1  }
0x8c: {  	s16 =	sshll.u32 s0, $0xA;
	s2 =	sadd.s32 s3, s2  }
0x8d: {  	s2 =	sadd.s32 s2, s16  }
0x8e: {  	[smem:$0x3FA8] =	sst s2  }
0x8f: {  	_ = 	snop  }
0x90: {  	(tm) =	ssettm $0x1  }
0x91: {  	s17 =	sld [smem:$0x3FFB];
	_ =	sdelay $0x3  }
0x92: {  	_ =	strace s17  }
0x93: {  	s2 =	sld [smem:$0x3FFC];
	_ =	sdelay $0x3  }
0x94: {  	_ =	strace s2  }
0x95: {  	s2 =	sld [smem:$0x3FFD];
	_ =	sdelay $0x3  }
0x96: {  	_ =	strace s2  }
0x97: {  	_ =	strace $0x8FFFFFFF  }
0x98: {  	s18 =	sld [smem:$0x3FDB];
	_ =	sdelay $0x1  }
0x99: {  	s19 =	simm.s32 $_scs_section_size  }
0x9a: {  	s4 =	simm.s32 $_size__tile_overlayer_lowered;
	s5 =	simm.s32 $_tile_overlayer_lowered  }
0x9b: {  	s22 =	simm.s32 $0x1BFF;
	s21 =	sshll.u32 s5, $0x1;
	s2 =	sadd.s32 s19, s18  }
0x9c: {  	s6 =	simm.s32 $0x0;
	s20 =	sshll.u32 s4, $0x1;
	s4 =	sadd.s32 s21, s2  }
0x9d: {  	[timem:s6], [sflag:s22] =	dma.local [hbm:s4], s20  }
0x9e: {  	_ =	swait.ge [sflag:s22], s20  }
0x9f: {  	s3 =	ssub.s32 $0x0, s20;
	[sflag:s22] =	ssyncset.done $0x0  }
0xa0: {  	[sflag:s22] =	ssyncadd.s32 s3;
	_ =	sdelay $0x1  }
0xa1: {  	s23 =	simm.s32 $0x1B8B  }
0xa2: {  	_ =	swait.ge [sflag:s23], $0x1  }
0xa3: {  	[sflag:s23] =	ssyncset.done $0x0  }
0xa4: {  	s25 =	simm.s32 $0x1B8E;
	s24 =	sld [smem:$0x3FFE];
	[sflag:s23] =	ssyncadd.s32 $0xFFFFFFFF  }
0xa5: {  	s26 =	simm.s32 $execute0_lowered;
	[smem:$0x3FD2] =	sst s25  }
0xa6: {  	s4 =	sshll.u32 s26, $0x1;
	_ =	strace $0x80000046;
	[dreg:$0x1] =	wrdreg $0xFFFFFFFF  }
0xa7: {  	s28 =	simm.s32 $_size_execute0_lowered;
	s2 =	sadd.s32 s2, s4;
	[dreg:$0x0] =	wrdreg $0x0  }
0xa8: {  	s4 =	sshll.u32 s28, $0x1;
	[dreg:$0x2] =	wrdreg s2  }
0xa9: {  	[dreg:$0x3] =	wrdreg s4  }
0xaa: {  	[dreg:$0x4] =	wrdreg $0xC0  }
0xab: {  	_ =	task [dreg:s6], $0x5FFFF  }
0xac: {  	[dreg:$0x1] =	wrdreg $0xFFFFFFFF  }
0xad: {  	[dreg:$0x0] =	wrdreg $0x60  }
0xae: {  	[dreg:$0x2] =	wrdreg s24  }
0xaf: {  	[dreg:$0x3] =	wrdreg $0x9  }
0xb0: {  	_ =	task.clear_ibuf [dreg:s6], $0x4FFFF;
	_ =	strace $0x90000046  }
0xb1: {  	s29 =	simm.s32 $0x9;
	_ =	strace $0x80000048  }
0xb2: {  	_ =	swait.ge [sflag:s29], $0x1  }
0xb3: {  	[sflag:s29] =	ssyncadd.s32 $0xFFFFFFFF  }
0xb4: {  	_ =	strace $0x90000048  }
0xb5: {  	_ =	sfence  }
0xb6: {  	s30 =	sld [smem:$0x0];
	_ =	sdelay $0x2  }
0xb7: {  	s31 =	sshll.u32 s1, $0xD;
	s1 =	sshrl.u32 s1, $0x2  }
0xb8: {  	s3 =	sand.u32 $0x4000, s31;
	s1 =	sadd.s32 s1, s30  }
0xb9: {  	s0 =	sor.u32 s3, s0;
	s1 =	sshll.u32 s1, $0x11  }
0xba: {  	s0 =	sor.u32 s1, s0  }
0xbb: {  	s0 =	sadd.s32 $0x8F2B, s0  }
0xbc: {  	[sflag:s0] =	ssyncadd.remote.s32 $0x1  }
0xbd: {  	_ =	sfence.sel $0xFFFF  }
0xbe: {  	[dreg:$0x0] =	wrdreg $0xFFFFFFFF;
	(pc) =	sbr.abs _section_cstart, $3  }
0xbf: {  	[dreg:$0x1] =	wrdreg $0xFFFFFFFF  }
0xc0: {  	_ =	task.clear_ibuf [dreg:s6], $0x2FFFF;
	_ =	strace $0x9FFFFFFF  }
0xc1: {  	(tm) =	ssettm $0x7FFFFFFF  }
tec
execute0_lowered:
.L_overlay_start_1:
0x0: {  	(tag) =	ssettag $0x1  }
0x1: {  	s1 =	srdreg.scid;
	s0 =	stileid.u32  }
0x2: {  	s12 =	sand.u32 $0x1, s1;
	s31 =	sshll.u32 s0, $0x1  }
0x3: {  	s6 =	sor.u32 s12, s31  }
0x4: {  	s3 =	smul.u32 $0x190, s6  }
0x5: {  	s9 =	rddreg [dreg:$0x0];
	s2 =	simm.s32 $0x0  }
0x6: {  	s4 =	simm.s32 $0x4;
	[smem:$0x7FF] =	sst s2;
	s3 =	sadd.s32 s3, s9  }
0x7: {  	s1 =	rddreg [dreg:$0x1];
	_ =	strace $0x80000047;
	s3 =	sadd.s32 $0xD0800, s3  }
0x8: {  	[tilespmem:s2], [sflag:$0x4] =	stream.linear.gather [hbm4b:s3+s2], $0xC80, $0x38;
	[tilespmem:$0xDC80] =	vst v63  }
0x9: {  	s7 =	simm.s32 $0xC80;
	_ =	swait.ge [sflag:s4], $0xC80  }
0xa: {  	s8 =	simm.s32 $0x1;
	s5 =	sadd.s32 $0xD200, s9;
	[sflag:s4] =	ssyncset.done $0x0  }
0xb: {  	s10 =	smul.u32 $0xC800, s6;
	s6 =	simm.s32 $0x680;
	[sflag:s4] =	ssyncadd.s32 $0xFFFFF380  }
0xc: {  	[tilespmem:s7], [sflag:$0x1] =	stream.indirect.gather [hbm4b:s5+s6], $0x10, s2, s6, $0xb8;
	[tilespmem:$0xDC80] =	vst v63  }
0xd: {  	s10 =	sshrl.u32 s10, $0x3;
	_ =	swait.ge [sflag:s8], $0x6800  }
0xe: {  	s14 =	ssub.s32 $0x2, s12;
	s13 =	sadd.s32 s10, s9;
	[sflag:s8] =	ssyncset.done $0x0  }
0xf: {  	s15 =	sshrl.u32 s14, $0x1;
	s9 =	sadd.s32 $0x25A00, s13;
	[sflag:s8] =	ssyncadd.s32 $0xFFFF9800  }
0x10: {  	[hbm4b:s9+s2] =	stream.linear.scatter [tilespmem:s7], [sflag:$0x2], $0x6800, $0x38;
	[tilespmem:$0xDC80] =	vst v63  }
0x11: {  	s11 =	simm.s32 $0x7480;
	s14 =	ssub.s32 s14, s15;
	s10 =	simm.s32 $0x600  }
0x12: {  	[tilespmem:s11], [sflag:$0x1] =	stream.indirect.gather [hbm4b:s5+s10], $0x10, s6, s10, $0xb8;
	[tilespmem:$0xDC80] =	vst v63  }
0x13: {  	s15 =	smax.u32 s14, $0x1;
	_ =	swait.ge [sflag:s8], $0x6000  }
0x14: {  	p0 =	sne.s32 s15, $0x1;
	[sflag:s8] =	ssyncset.done $0x0  }
0x15: {  	s12 =	sadd.s32 $0x26700, s13;
	s13 =	simm.s32 $0x2;
	[sflag:s8] =	ssyncadd.s32 $0xFFFFA000  }
0x16: {  	[hbm4b:s12+s2] =	stream.linear.scatter [tilespmem:s11], [sflag:$0x3], $0x6000, $0x38;
	[tilespmem:$0xDC80] =	vst v63  }
.Ltmp0:
0x17: {  	_ =	swait.ge [sflag:s13], $0x6800;
	(pc) =	sbr.rel @!p0 .LBB2_2-.Ltmp0, $4  }
0x18: {  	[sflag:s13] =	ssyncset.done $0x0  }
0x19: {  	s14 =	simm.s32 $0x3;
	[sflag:s13] =	ssyncadd.s32 $0xFFFF9800  }
0x1a: {  	_ =	swait.ge [sflag:s14], $0x6000  }
0x1b: {  	s15 =	sadd.s32 $0xFFFFFFFF, s15;
	[sflag:s14] =	ssyncset.done $0x0  }
.LBB2_1:
0x1c: {  	p0 =	sne.s32 s15, $0x1;
	s15 =	sadd.s32 $0xFFFFFFFF, s15;
	[sflag:s14] =	ssyncadd.s32 $0xFFFFA000  }
0x1d: {  	[tilespmem:s2], [sflag:$0x4] =	stream.linear.gather [hbm4b:s3+s2], $0xC80, $0x38;
	[tilespmem:$0xDC80] =	vst v63  }
0x1e: {  	_ =	swait.ge [sflag:s4], $0xC80  }
0x1f: {  	[sflag:s4] =	ssyncset.done $0x0  }
0x20: {  	[sflag:s4] =	ssyncadd.s32 $0xFFFFF380  }
0x21: {  	[tilespmem:s7], [sflag:$0x1] =	stream.indirect.gather [hbm4b:s5+s6], $0x10, s2, s6, $0xb8;
	[tilespmem:$0xDC80] =	vst v63  }
0x22: {  	_ =	swait.ge [sflag:s8], $0x6800  }
0x23: {  	[sflag:s8] =	ssyncset.done $0x0  }
0x24: {  	[sflag:s8] =	ssyncadd.s32 $0xFFFF9800  }
0x25: {  	[hbm4b:s9+s2] =	stream.linear.scatter [tilespmem:s7], [sflag:$0x2], $0x6800, $0x38;
	[tilespmem:$0xDC80] =	vst v63  }
0x26: {  	_ = 	snop  }
0x27: {  	[tilespmem:s11], [sflag:$0x1] =	stream.indirect.gather [hbm4b:s5+s10], $0x10, s6, s10, $0xb8;
	[tilespmem:$0xDC80] =	vst v63  }
0x28: {  	_ =	swait.ge [sflag:s8], $0x6000  }
0x29: {  	[sflag:s8] =	ssyncset.done $0x0  }
0x2a: {  	[sflag:s8] =	ssyncadd.s32 $0xFFFFA000  }
0x2b: {  	[hbm4b:s12+s2] =	stream.linear.scatter [tilespmem:s11], [sflag:$0x3], $0x6000, $0x38;
	[tilespmem:$0xDC80] =	vst v63  }
.Ltmp1:
0x2c: {  	_ =	swait.ge [sflag:s13], $0x6800;
	(pc) =	sbr.rel @p0 .LBB2_1-.Ltmp1, $4  }
0x2d: {  	[sflag:s13] =	ssyncset.done $0x0  }
0x2e: {  	[sflag:s13] =	ssyncadd.s32 $0xFFFF9800  }
0x2f: {  	_ =	swait.ge [sflag:s14], $0x6000  }
0x30: {  	[sflag:s14] =	ssyncset.done $0x0  }
.LBB2_2:
0x31: {  	[sflag:s14] =	ssyncadd.s32 $0xFFFFA000  }
0x32: {  	_ =	sfence.sel $0x180000  }
0x33: {  	[bflag:$0x0] =	sbarrier.arrive $0xFFFF  }
0x34: {  	p0 =	sne.s32 s0, $0x0;
	_ =	strace $0x90000047  }
0x35: {  	s0 =	sadd.s32 @!p0 $0x100000, s1;
	[bflag:$0x2] =	sbarrier.arrive $0xFFFF  }
0x36: {  	[sflag:s0] =	ssyncadd.tile.s32 @!p0 $0x1;
	_ =	shalt  }
.Lfunc_end2:
_tile_overlayer_lowered:
.L_overlay_start_2:
0x37: {  	(tag) =	ssettag $0x2  }
0x38: {  	s0 =	rddreg [dreg:$0x0];
	s2 =	stileid.u32  }
0x39: {  	s1 =	rddreg [dreg:$0x1];
	p0 =	sne.s32 s2, $0x0  }
0x3a: {  	s3 =	rddreg [dreg:$0x2];
	[bflag:$0x3] =	sbarrier.arrive $0xFFFF;
	s2 =	simm.s32 @!p0 $0x1C04  }
0x3b: {  	[timem:s3], [sflag:s2] =	dma.local @!p0 [hbm:s0], s1  }
0x3c: {  	s0 =	simm.s32 @!p0 $0x4  }
0x3d: {  	_ =	swait.ge @!p0 [sflag:s0], s1  }
0x3e: {  	s1 =	ssub.s32 @!p0 $0x0, s1;
	[sflag:s0] =	ssyncset.done @!p0 $0x0  }
0x3f: {  	[sflag:s0] =	ssyncadd.s32 @!p0 s1  }
0x40: {  	[bflag:$0x3] =	sbarrier.arrive $0xFFFF  }
0x41: {  	_ =	shalt  }

// kernel: kernel.20.cloned.1.call-start
scs
__scs_entry_jumppad:
0x0: {  	(pc) =	sbr.rel $0x88, $3  }
0x1: {  	(tag) =	ssettag $0x0;
	lr =	simm.s32 $0x1  }
0x2: {  	[smem:$0x3F81] =	sst lr;
	_ =	strace $0xD0000000  }
0x3: {  	_ = 	snop  }
0x4: {  	_ = 	snop  }
0x5: {  	_ = 	snop  }
0x6: {  	_ = 	snop  }
0x7: {  	_ = 	snop  }
__scs_overlays_trampoline_lowered:
0x8: {  	[smem:$0x3F90] =	sst s0  }
0x9: {  	[smem:$0x3F91] =	sst s1  }
0xa: {  	[smem:$0x3F92] =	sst s2  }
0xb: {  	[smem:$0x3F93] =	sst s3  }
0xc: {  	[smem:$0x3F94] =	sst s4  }
0xd: {  	[smem:$0x3F95] =	sst s5  }
0xe: {  	[smem:$0x3F96] =	sst s6  }
0xf: {  	[smem:$0x3F97] =	sst s7  }
0x10: {  	[smem:$0x3F98] =	sst s8  }
0x11: {  	[smem:$0x3F99] =	sst s9;
	s0 =	simm.s32 @!p0 $0x0  }
0x12: {  	s1 =	sld [smem:$0x3F7F];
	s0 =	simm.s32 @p0 $0x1  }
0x13: {  	[smem:$0x3F9A] =	sst s0;
	s0 =	simm.s32 @!p1 $0x0  }
0x14: {  	s2 =	sld [smem:$0x3F7E];
	s0 =	simm.s32 @p1 $0x1  }
0x15: {  	[smem:$0x3F9B] =	sst s0;
	s0 =	simm.s32 @!p2 $0x0  }
0x16: {  	s3 =	sld [smem:$0x3FDB];
	s0 =	simm.s32 @p2 $0x1  }
0x17: {  	s4 =	simm.s32 $0x1BF5;
	[smem:$0x3F9D] =	sst s0  }
0x18: {  	s0 =	sld [smem:$0x3F80];
	_ =	swait.ge [sflag:s4], $0x0  }
0x19: {  	s7 =	sld [smem:$0x3F81]  }
0x1a: {  	s8 =	sadd.s32 $0xFFFFE003, lr  }
0x1b: {  	s9 =	sadd.s32 $0xFFFFFEF7, lr;
	s5 =	simm.s32 $0xFFFFFFFF;
	p2 =	slt.u32 s8, $0xFFFFF086  }
0x1c: {  	p1 =	slt.u32 s9, $0xF7A;
	s5 =	simm.s32 @!p2 $0x0  }
0x1d: {  	s5 =	simm.s32 @p1 $0x1;
	p0 =	seq.s32 s7, s2  }
0x1e: {  	s7 =	smul.u32 @!p0 $0xF7A, s2;
	p2 =	seq.s32 @!p0 s5, $0x0  }
0x1f: {  	s9 =	smul.u32 $0xF7A, s1;
	s8 =	simm.s32 @!p0 $0x1BF5;
	p2 =	por !p2, p0  }
0x20: {  	[sflag:s8] =	ssyncset.s32 @!p0 $0xFFFFF086;
	s6 =	sadd.s32 @!p0 s3, s7;
	s7 =	simm.s32 @!p0 $0x108  }
0x21: {  	s3 =	sadd.s32 s3, s9;
	s6 =	sadd.s32 @!p0 $0x88, s6;
	s7 =	simm.s32 @p2 $0x1082  }
0x22: {  	[simem:s7], [sflag:s8] =	dma.local @!p0 [hbm:s6], $0xF7A  }
0x23: {  	s9 =	sor.u32 $0xD0000000, s2;
	s6 =	simm.s32 $0x108;
	_ =	swait.ge @!p0 [sflag:s8], $0x0  }
0x24: {  	s3 =	sadd.s32 $0x88, s3;
	s6 =	simm.s32 @!p1 $0x1082;
	[sflag:s4] =	ssyncset.s32 $0xFFFFF086  }
0x25: {  	[simem:s6], [sflag:s4] =	dma.local [hbm:s3], $0xF7A  }
0x26: {  	[smem:$0x3F81] =	sst s1;
	(tag) =	ssettag s2;
	_ =	strace s9  }
0x27: {  	s1 =	sld [smem:$0x3F91]  }
0x28: {  	s2 =	sld [smem:$0x3F92]  }
0x29: {  	s4 =	sld [smem:$0x3F94]  }
0x2a: {  	p0 =	seq.s32 s5, $0x0;
	s5 =	sld [smem:$0x3F95]  }
0x2b: {  	s6 =	sld [smem:$0x3F96]  }
0x2c: {  	s7 =	sld [smem:$0x3F97]  }
0x2d: {  	s3 =	simm.s32 $0x108;
	s8 =	sld [smem:$0x3F98]  }
0x2e: {  	s3 =	simm.s32 @!p0 $0x1082;
	s9 =	sld [smem:$0x3F99]  }
0x2f: {  	lr =	sadd.s32 s0, s3;
	s0 =	sld [smem:$0x3F90]  }
0x30: {  	s3 =	sld [smem:$0x3F93]  }
0x31: {  	[smem:$0x3F9C] =	sst s10  }
0x32: {  	s10 =	sld [smem:$0x3F9A];
	_ =	sdelay $0x3  }
0x33: {  	p0 =	seq.s32 s10, $0x1;
	s10 =	sld [smem:$0x3F9C];
	_ =	sdelay $0x3  }
0x34: {  	[smem:$0x3F9C] =	sst s10  }
0x35: {  	s10 =	sld [smem:$0x3F9B];
	_ =	sdelay $0x3  }
0x36: {  	p1 =	seq.s32 s10, $0x1;
	s10 =	sld [smem:$0x3F9C];
	_ =	sdelay $0x3  }
0x37: {  	[smem:$0x3F9C] =	sst s10  }
0x38: {  	s10 =	sld [smem:$0x3F9D]  }
0x39: {  	_ = 	snop;
	(pc) =	sbr.ind lr, $3  }
0x3a: {  	_ = 	snop  }
0x3b: {  	_ = 	snop  }
0x3c: {  	p2 =	seq.s32 s10, $0x1;
	s10 =	sld [smem:$0x3F9C]  }
0x3d: {  	_ =	shalt  }
0x3e: {  	_ =	shalt  }
0x3f: {  	_ =	shalt  }
0x40: {  	_ =	shalt  }
0x41: {  	_ =	shalt  }
0x42: {  	_ =	shalt  }
0x43: {  	_ =	shalt  }
0x44: {  	_ =	shalt  }
0x45: {  	_ =	shalt  }
0x46: {  	_ =	shalt  }
0x47: {  	_ =	shalt  }
0x48: {  	_ =	shalt  }
0x49: {  	_ =	shalt  }
0x4a: {  	_ =	shalt  }
0x4b: {  	_ =	shalt  }
0x4c: {  	_ =	shalt  }
0x4d: {  	_ =	shalt  }
0x4e: {  	_ =	shalt  }
0x4f: {  	_ =	shalt  }
0x50: {  	_ =	shalt  }
0x51: {  	_ =	shalt  }
0x52: {  	_ =	shalt  }
0x53: {  	_ =	shalt  }
0x54: {  	_ =	shalt  }
0x55: {  	_ =	shalt  }
0x56: {  	_ =	shalt  }
0x57: {  	_ =	shalt  }
0x58: {  	_ =	shalt  }
0x59: {  	_ =	shalt  }
0x5a: {  	_ =	shalt  }
0x5b: {  	_ =	shalt  }
0x5c: {  	_ =	shalt  }
0x5d: {  	_ =	shalt  }
0x5e: {  	_ =	shalt  }
0x5f: {  	_ =	shalt  }
0x60: {  	_ =	shalt  }
0x61: {  	_ =	shalt  }
0x62: {  	_ =	shalt  }
0x63: {  	_ =	shalt  }
0x64: {  	_ =	shalt  }
0x65: {  	_ =	shalt  }
0x66: {  	_ =	shalt  }
0x67: {  	_ =	shalt  }
0x68: {  	_ =	shalt  }
0x69: {  	_ =	shalt  }
0x6a: {  	_ =	shalt  }
0x6b: {  	_ =	shalt  }
0x6c: {  	_ =	shalt  }
0x6d: {  	_ =	shalt  }
0x6e: {  	_ =	shalt  }
0x6f: {  	_ =	shalt  }
0x70: {  	_ =	shalt  }
0x71: {  	_ =	shalt  }
0x72: {  	_ =	shalt  }
0x73: {  	_ =	shalt  }
0x74: {  	_ =	shalt  }
0x75: {  	_ =	shalt  }
0x76: {  	_ =	shalt  }
0x77: {  	_ =	shalt  }
0x78: {  	_ =	shalt  }
0x79: {  	_ =	shalt  }
0x7a: {  	_ =	shalt  }
0x7b: {  	_ =	shalt  }
0x7c: {  	_ =	shalt  }
0x7d: {  	_ =	shalt  }
0x7e: {  	_ =	shalt  }
0x7f: {  	_ =	shalt  }
0x80: {  	_ =	shalt  }
0x81: {  	_ =	shalt  }
0x82: {  	_ =	shalt  }
0x83: {  	_ =	shalt  }
0x84: {  	_ =	shalt  }
0x85: {  	_ =	shalt  }
0x86: {  	_ =	shalt  }
0x87: {  	_ =	shalt  }
.Lfunc_end0:
.L_simem_size_0:
called_computation.1_lowered:
.L_overlay_start_0:
0x88: {  	s2 =	sld [smem:$0x3FD9]  }
0x89: {  	s3 =	sld [smem:$0x3FFE];
	_ =	sdelay $0x1  }
0x8a: {  	s1 =	srdreg.scid  }
0x8b: {  	s0 =	sand.u32 $0x1, s1  }
0x8c: {  	s16 =	sshll.u32 s0, $0xA;
	s2 =	sadd.s32 s3, s2  }
0x8d: {  	s2 =	sadd.s32 s2, s16  }
0x8e: {  	[smem:$0x3FA8] =	sst s2  }
0x8f: {  	_ = 	snop  }
0x90: {  	(tm) =	ssettm $0x1  }
0x91: {  	s17 =	sld [smem:$0x3FFB];
	_ =	sdelay $0x3  }
0x92: {  	_ =	strace s17  }
0x93: {  	s2 =	sld [smem:$0x3FFC];
	_ =	sdelay $0x3  }
0x94: {  	_ =	strace s2  }
0x95: {  	s2 =	sld [smem:$0x3FFD];
	_ =	sdelay $0x3  }
0x96: {  	_ =	strace s2  }
0x97: {  	_ =	strace $0x8FFFFFFF  }
0x98: {  	s18 =	sld [smem:$0x3FDB];
	_ =	sdelay $0x1  }
0x99: {  	s19 =	simm.s32 $_scs_section_size  }
0x9a: {  	s4 =	simm.s32 $_size__tile_overlayer_lowered;
	s5 =	simm.s32 $_tile_overlayer_lowered  }
0x9b: {  	s22 =	simm.s32 $0x1BFF;
	s21 =	sshll.u32 s5, $0x1;
	s2 =	sadd.s32 s19, s18  }
0x9c: {  	s6 =	simm.s32 $0x0;
	s20 =	sshll.u32 s4, $0x1;
	s4 =	sadd.s32 s21, s2  }
0x9d: {  	[timem:s6], [sflag:s22] =	dma.local [hbm:s4], s20  }
0x9e: {  	_ =	swait.ge [sflag:s22], s20  }
0x9f: {  	s3 =	ssub.s32 $0x0, s20;
	[sflag:s22] =	ssyncset.done $0x0  }
0xa0: {  	[sflag:s22] =	ssyncadd.s32 s3;
	_ =	sdelay $0x1  }
0xa1: {  	s23 =	simm.s32 $0x1B8B  }
0xa2: {  	_ =	swait.ge [sflag:s23], $0x1  }
0xa3: {  	[sflag:s23] =	ssyncset.done $0x0  }
0xa4: {  	s25 =	simm.s32 $0x1B8E;
	s24 =	sld [smem:$0x3FFE];
	[sflag:s23] =	ssyncadd.s32 $0xFFFFFFFF  }
0xa5: {  	s26 =	simm.s32 $execute0_lowered;
	[smem:$0x3FD2] =	sst s25  }
0xa6: {  	s4 =	sshll.u32 s26, $0x1;
	_ =	strace $0x80000049;
	[dreg:$0x1] =	wrdreg $0xFFFFFFFF  }
0xa7: {  	s28 =	simm.s32 $_size_execute0_lowered;
	s2 =	sadd.s32 s2, s4;
	[dreg:$0x0] =	wrdreg $0x0  }
0xa8: {  	s4 =	sshll.u32 s28, $0x1;
	[dreg:$0x2] =	wrdreg s2  }
0xa9: {  	[dreg:$0x3] =	wrdreg s4  }
0xaa: {  	[dreg:$0x4] =	wrdreg $0xC0  }
0xab: {  	_ =	task [dreg:s6], $0x5FFFF  }
0xac: {  	[dreg:$0x1] =	wrdreg $0xFFFFFFFF  }
0xad: {  	[dreg:$0x0] =	wrdreg $0x60  }
0xae: {  	[dreg:$0x2] =	wrdreg s24  }
0xaf: {  	[dreg:$0x3] =	wrdreg $0x9  }
0xb0: {  	_ =	task.clear_ibuf [dreg:s6], $0x4FFFF;
	_ =	strace $0x90000049  }
0xb1: {  	s29 =	simm.s32 $0x9;
	_ =	strace $0x8000004B  }
0xb2: {  	_ =	swait.ge [sflag:s29], $0x1  }
0xb3: {  	[sflag:s29] =	ssyncadd.s32 $0xFFFFFFFF  }
0xb4: {  	_ =	strace $0x9000004B  }
0xb5: {  	_ =	sfence  }
0xb6: {  	s30 =	sld [smem:$0x0];
	_ =	sdelay $0x2  }
0xb7: {  	s31 =	sshll.u32 s1, $0xD;
	s1 =	sshrl.u32 s1, $0x2  }
0xb8: {  	s3 =	sand.u32 $0x4000, s31;
	s1 =	sadd.s32 s1, s30  }
0xb9: {  	s0 =	sor.u32 s3, s0;
	s1 =	sshll.u32 s1, $0x11  }
0xba: {  	s0 =	sor.u32 s1, s0  }
0xbb: {  	s0 =	sadd.s32 $0x8F2B, s0  }
0xbc: {  	[sflag:s0] =	ssyncadd.remote.s32 $0x1  }
0xbd: {  	_ =	sfence.sel $0xFFFF  }
0xbe: {  	[dreg:$0x0] =	wrdreg $0xFFFFFFFF;
	(pc) =	sbr.abs _section_cstart, $3  }
0xbf: {  	[dreg:$0x1] =	wrdreg $0xFFFFFFFF  }
0xc0: {  	_ =	task.clear_ibuf [dreg:s6], $0x2FFFF;
	_ =	strace $0x9FFFFFFF  }
0xc1: {  	(tm) =	ssettm $0x7FFFFFFF  }
tec
execute0_lowered:
.L_overlay_start_1:
0x0: {  	(tag) =	ssettag $0x1  }
0x1: {  	s1 =	srdreg.scid;
	s0 =	stileid.u32  }
0x2: {  	s15 =	sand.u32 $0x1, s1;
	s30 =	sshll.u32 s0, $0x1  }
0x3: {  	s6 =	sor.u32 s15, s30  }
0x4: {  	s3 =	smul.u32 $0x260, s6  }
0x5: {  	s9 =	rddreg [dreg:$0x0];
	s2 =	simm.s32 $0x0  }
0x6: {  	s4 =	simm.s32 $0x4;
	[smem:$0x7FF] =	sst s2;
	s3 =	sadd.s32 s3, s9  }
0x7: {  	s1 =	rddreg [dreg:$0x1];
	_ =	strace $0x8000004A;
	s3 =	sadd.s32 $0xD200, s3  }
0x8: {  	[tilespmem:s2], [sflag:$0x4] =	stream.linear.gather [hbm4b:s3+s2], $0x1300, $0x38;
	[tilespmem:$0x1B300] =	vst v63  }
0x9: {  	s7 =	simm.s32 $0x1300;
	_ =	swait.ge [sflag:s4], $0x1300  }
0xa: {  	s8 =	simm.s32 $0x1;
	s5 =	sadd.s32 $0xA7A00, s9;
	[sflag:s4] =	ssyncset.done $0x0  }
0xb: {  	s10 =	smul.u32 $0x26000, s6;
	s6 =	simm.s32 $0x680;
	[sflag:s4] =	ssyncadd.s32 $0xFFFFED00  }
0xc: {  	[tilespmem:s7], [sflag:$0x1] =	stream.indirect.gather [hbm4b:s5+s6], $0x20, s2, s6, $0xb8;
	[tilespmem:$0x1B300] =	vst v63  }
0xd: {  	s10 =	sshrl.u32 s10, $0x3;
	_ =	swait.ge [sflag:s8], $0xD000  }
0xe: {  	s16 =	sadd.s32 s10, s9;
	[sflag:s8] =	ssyncset.done $0x0  }
0xf: {  	s9 =	sadd.s32 $0x24D400, s16;
	[sflag:s8] =	ssyncadd.s32 $0xFFFF3000  }
0x10: {  	[hbm4b:s9+s2] =	stream.linear.scatter [tilespmem:s7], [sflag:$0x2], $0xD000, $0x38;
	[tilespmem:$0x1B300] =	vst v63  }
0x11: {  	s10 =	simm.s32 $0xE300  }
0x12: {  	[tilespmem:s10], [sflag:$0x1] =	stream.indirect.gather [hbm4b:s5+s6], $0x20, s6, s6, $0xb8;
	[tilespmem:$0x1B300] =	vst v63  }
0x13: {  	_ =	swait.ge [sflag:s8], $0xD000  }
0x14: {  	[sflag:s8] =	ssyncset.done $0x0  }
0x15: {  	s12 =	simm.s32 $0x2;
	s11 =	sadd.s32 $0x24EE00, s16;
	[sflag:s8] =	ssyncadd.s32 $0xFFFF3000  }
0x16: {  	[hbm4b:s11+s2] =	stream.linear.scatter [tilespmem:s10], [sflag:$0x3], $0xD000, $0x38;
	[tilespmem:$0x1B300] =	vst v63  }
0x17: {  	_ =	swait.ge [sflag:s12], $0xD000  }
0x18: {  	s13 =	simm.s32 $0x600;
	s17 =	ssub.s32 $0x2, s15;
	[sflag:s12] =	ssyncset.done $0x0  }
0x19: {  	s14 =	simm.s32 $0xD00;
	s31 =	sshrl.u32 s17, $0x1;
	[sflag:s12] =	ssyncadd.s32 $0xFFFF3000  }
0x1a: {  	[tilespmem:s7], [sflag:$0x1] =	stream.indirect.gather [hbm4b:s5+s13], $0x20, s14, s13, $0xb8;
	[tilespmem:$0x1B300] =	vst v63  }
0x1b: {  	s15 =	sadd.s32 $0x250800, s16;
	s16 =	ssub.s32 s17, s31;
	_ =	swait.ge [sflag:s8], $0xC000  }
0x1c: {  	s17 =	smax.u32 s16, $0x1;
	[sflag:s8] =	ssyncset.done $0x0  }
0x1d: {  	p0 =	sne.s32 s17, $0x1;
	[sflag:s8] =	ssyncadd.s32 $0xFFFF4000  }
0x1e: {  	[hbm4b:s15+s2] =	stream.linear.scatter [tilespmem:s7], [sflag:$0x2], $0xC000, $0x38;
	[tilespmem:$0x1B300] =	vst v63  }
.Ltmp0:
0x1f: {  	_ =	swait.ge [sflag:s12], $0xC000;
	(pc) =	sbr.rel @!p0 .LBB2_2-.Ltmp0, $4  }
0x20: {  	[sflag:s12] =	ssyncset.done $0x0  }
0x21: {  	s16 =	simm.s32 $0x3;
	[sflag:s12] =	ssyncadd.s32 $0xFFFF4000  }
0x22: {  	_ =	swait.ge [sflag:s16], $0xD000  }
0x23: {  	s17 =	sadd.s32 $0xFFFFFFFF, s17;
	[sflag:s16] =	ssyncset.done $0x0  }
.LBB2_1:
0x24: {  	p0 =	sne.s32 s17, $0x1;
	s17 =	sadd.s32 $0xFFFFFFFF, s17;
	[sflag:s16] =	ssyncadd.s32 $0xFFFF3000  }
0x25: {  	[tilespmem:s2], [sflag:$0x4] =	stream.linear.gather [hbm4b:s3+s2], $0x1300, $0x38;
	[tilespmem:$0x1B300] =	vst v63  }
0x26: {  	_ =	swait.ge [sflag:s4], $0x1300  }
0x27: {  	[sflag:s4] =	ssyncset.done $0x0  }
0x28: {  	[sflag:s4] =	ssyncadd.s32 $0xFFFFED00  }
0x29: {  	[tilespmem:s7], [sflag:$0x1] =	stream.indirect.gather [hbm4b:s5+s6], $0x20, s2, s6, $0xb8;
	[tilespmem:$0x1B300] =	vst v63  }
0x2a: {  	_ =	swait.ge [sflag:s8], $0xD000  }
0x2b: {  	[sflag:s8] =	ssyncset.done $0x0  }
0x2c: {  	[sflag:s8] =	ssyncadd.s32 $0xFFFF3000  }
0x2d: {  	[hbm4b:s9+s2] =	stream.linear.scatter [tilespmem:s7], [sflag:$0x2], $0xD000, $0x38;
	[tilespmem:$0x1B300] =	vst v63  }
0x2e: {  	_ = 	snop  }
0x2f: {  	[tilespmem:s10], [sflag:$0x1] =	stream.indirect.gather [hbm4b:s5+s6], $0x20, s6, s6, $0xb8;
	[tilespmem:$0x1B300] =	vst v63  }
0x30: {  	_ =	swait.ge [sflag:s8], $0xD000  }
0x31: {  	[sflag:s8] =	ssyncset.done $0x0  }
0x32: {  	[sflag:s8] =	ssyncadd.s32 $0xFFFF3000  }
0x33: {  	[hbm4b:s11+s2] =	stream.linear.scatter [tilespmem:s10], [sflag:$0x3], $0xD000, $0x38;
	[tilespmem:$0x1B300] =	vst v63  }
0x34: {  	_ =	swait.ge [sflag:s12], $0xD000  }
0x35: {  	[sflag:s12] =	ssyncset.done $0x0  }
0x36: {  	[sflag:s12] =	ssyncadd.s32 $0xFFFF3000  }
0x37: {  	[tilespmem:s7], [sflag:$0x1] =	stream.indirect.gather [hbm4b:s5+s13], $0x20, s14, s13, $0xb8;
	[tilespmem:$0x1B300] =	vst v63  }
0x38: {  	_ =	swait.ge [sflag:s8], $0xC000  }
0x39: {  	[sflag:s8] =	ssyncset.done $0x0  }
0x3a: {  	[sflag:s8] =	ssyncadd.s32 $0xFFFF4000  }
0x3b: {  	[hbm4b:s15+s2] =	stream.linear.scatter [tilespmem:s7], [sflag:$0x2], $0xC000, $0x38;
	[tilespmem:$0x1B300] =	vst v63  }
.Ltmp1:
0x3c: {  	_ =	swait.ge [sflag:s12], $0xC000;
	(pc) =	sbr.rel @p0 .LBB2_1-.Ltmp1, $4  }
0x3d: {  	[sflag:s12] =	ssyncset.done $0x0  }
0x3e: {  	[sflag:s12] =	ssyncadd.s32 $0xFFFF4000  }
0x3f: {  	_ =	swait.ge [sflag:s16], $0xD000  }
0x40: {  	[sflag:s16] =	ssyncset.done $0x0  }
.LBB2_2:
0x41: {  	[sflag:s16] =	ssyncadd.s32 $0xFFFF3000  }
0x42: {  	_ =	sfence.sel $0x180000  }
0x43: {  	[bflag:$0x0] =	sbarrier.arrive $0xFFFF  }
0x44: {  	p0 =	sne.s32 s0, $0x0;
	_ =	strace $0x9000004A  }
0x45: {  	s0 =	sadd.s32 @!p0 $0x100000, s1;
	[bflag:$0x2] =	sbarrier.arrive $0xFFFF  }
0x46: {  	[sflag:s0] =	ssyncadd.tile.s32 @!p0 $0x1;
	_ =	shalt  }
.Lfunc_end2:
_tile_overlayer_lowered:
.L_overlay_start_2:
0x47: {  	(tag) =	ssettag $0x2  }
0x48: {  	s0 =	rddreg [dreg:$0x0];
	s2 =	stileid.u32  }
0x49: {  	s1 =	rddreg [dreg:$0x1];
	p0 =	sne.s32 s2, $0x0  }
0x4a: {  	s3 =	rddreg [dreg:$0x2];
	[bflag:$0x3] =	sbarrier.arrive $0xFFFF;
	s2 =	simm.s32 @!p0 $0x1C04  }
0x4b: {  	[timem:s3], [sflag:s2] =	dma.local @!p0 [hbm:s0], s1  }
0x4c: {  	s0 =	simm.s32 @!p0 $0x4  }
0x4d: {  	_ =	swait.ge @!p0 [sflag:s0], s1  }
0x4e: {  	s1 =	ssub.s32 @!p0 $0x0, s1;
	[sflag:s0] =	ssyncset.done @!p0 $0x0  }
0x4f: {  	[sflag:s0] =	ssyncadd.s32 @!p0 s1  }
0x50: {  	[bflag:$0x3] =	sbarrier.arrive $0xFFFF  }
0x51: {  	_ =	shalt  }

// kernel: kernel.23.cloned.1.call-start
scs
__scs_entry_jumppad:
0x0: {  	(pc) =	sbr.rel $0x88, $3  }
0x1: {  	(tag) =	ssettag $0x0;
	lr =	simm.s32 $0x1  }
0x2: {  	[smem:$0x3F81] =	sst lr;
	_ =	strace $0xD0000000  }
0x3: {  	_ = 	snop  }
0x4: {  	_ = 	snop  }
0x5: {  	_ = 	snop  }
0x6: {  	_ = 	snop  }
0x7: {  	_ = 	snop  }
__scs_overlays_trampoline_lowered:
0x8: {  	[smem:$0x3F90] =	sst s0  }
0x9: {  	[smem:$0x3F91] =	sst s1  }
0xa: {  	[smem:$0x3F92] =	sst s2  }
0xb: {  	[smem:$0x3F93] =	sst s3  }
0xc: {  	[smem:$0x3F94] =	sst s4  }
0xd: {  	[smem:$0x3F95] =	sst s5  }
0xe: {  	[smem:$0x3F96] =	sst s6  }
0xf: {  	[smem:$0x3F97] =	sst s7  }
0x10: {  	[smem:$0x3F98] =	sst s8  }
0x11: {  	[smem:$0x3F99] =	sst s9;
	s0 =	simm.s32 @!p0 $0x0  }
0x12: {  	s1 =	sld [smem:$0x3F7F];
	s0 =	simm.s32 @p0 $0x1  }
0x13: {  	[smem:$0x3F9A] =	sst s0;
	s0 =	simm.s32 @!p1 $0x0  }
0x14: {  	s2 =	sld [smem:$0x3F7E];
	s0 =	simm.s32 @p1 $0x1  }
0x15: {  	[smem:$0x3F9B] =	sst s0;
	s0 =	simm.s32 @!p2 $0x0  }
0x16: {  	s3 =	sld [smem:$0x3FDB];
	s0 =	simm.s32 @p2 $0x1  }
0x17: {  	s4 =	simm.s32 $0x1BF5;
	[smem:$0x3F9D] =	sst s0  }
0x18: {  	s0 =	sld [smem:$0x3F80];
	_ =	swait.ge [sflag:s4], $0x0  }
0x19: {  	s7 =	sld [smem:$0x3F81]  }
0x1a: {  	s8 =	sadd.s32 $0xFFFFE003, lr  }
0x1b: {  	s9 =	sadd.s32 $0xFFFFFEF7, lr;
	s5 =	simm.s32 $0xFFFFFFFF;
	p2 =	slt.u32 s8, $0xFFFFF086  }
0x1c: {  	p1 =	slt.u32 s9, $0xF7A;
	s5 =	simm.s32 @!p2 $0x0  }
0x1d: {  	s5 =	simm.s32 @p1 $0x1;
	p0 =	seq.s32 s7, s2  }
0x1e: {  	s7 =	smul.u32 @!p0 $0xF7A, s2;
	p2 =	seq.s32 @!p0 s5, $0x0  }
0x1f: {  	s9 =	smul.u32 $0xF7A, s1;
	s8 =	simm.s32 @!p0 $0x1BF5;
	p2 =	por !p2, p0  }
0x20: {  	[sflag:s8] =	ssyncset.s32 @!p0 $0xFFFFF086;
	s6 =	sadd.s32 @!p0 s3, s7;
	s7 =	simm.s32 @!p0 $0x108  }
0x21: {  	s3 =	sadd.s32 s3, s9;
	s6 =	sadd.s32 @!p0 $0x88, s6;
	s7 =	simm.s32 @p2 $0x1082  }
0x22: {  	[simem:s7], [sflag:s8] =	dma.local @!p0 [hbm:s6], $0xF7A  }
0x23: {  	s9 =	sor.u32 $0xD0000000, s2;
	s6 =	simm.s32 $0x108;
	_ =	swait.ge @!p0 [sflag:s8], $0x0  }
0x24: {  	s3 =	sadd.s32 $0x88, s3;
	s6 =	simm.s32 @!p1 $0x1082;
	[sflag:s4] =	ssyncset.s32 $0xFFFFF086  }
0x25: {  	[simem:s6], [sflag:s4] =	dma.local [hbm:s3], $0xF7A  }
0x26: {  	[smem:$0x3F81] =	sst s1;
	(tag) =	ssettag s2;
	_ =	strace s9  }
0x27: {  	s1 =	sld [smem:$0x3F91]  }
0x28: {  	s2 =	sld [smem:$0x3F92]  }
0x29: {  	s4 =	sld [smem:$0x3F94]  }
0x2a: {  	p0 =	seq.s32 s5, $0x0;
	s5 =	sld [smem:$0x3F95]  }
0x2b: {  	s6 =	sld [smem:$0x3F96]  }
0x2c: {  	s7 =	sld [smem:$0x3F97]  }
0x2d: {  	s3 =	simm.s32 $0x108;
	s8 =	sld [smem:$0x3F98]  }
0x2e: {  	s3 =	simm.s32 @!p0 $0x1082;
	s9 =	sld [smem:$0x3F99]  }
0x2f: {  	lr =	sadd.s32 s0, s3;
	s0 =	sld [smem:$0x3F90]  }
0x30: {  	s3 =	sld [smem:$0x3F93]  }
0x31: {  	[smem:$0x3F9C] =	sst s10  }
0x32: {  	s10 =	sld [smem:$0x3F9A];
	_ =	sdelay $0x3  }
0x33: {  	p0 =	seq.s32 s10, $0x1;
	s10 =	sld [smem:$0x3F9C];
	_ =	sdelay $0x3  }
0x34: {  	[smem:$0x3F9C] =	sst s10  }
0x35: {  	s10 =	sld [smem:$0x3F9B];
	_ =	sdelay $0x3  }
0x36: {  	p1 =	seq.s32 s10, $0x1;
	s10 =	sld [smem:$0x3F9C];
	_ =	sdelay $0x3  }
0x37: {  	[smem:$0x3F9C] =	sst s10  }
0x38: {  	s10 =	sld [smem:$0x3F9D]  }
0x39: {  	_ = 	snop;
	(pc) =	sbr.ind lr, $3  }
0x3a: {  	_ = 	snop  }
0x3b: {  	_ = 	snop  }
0x3c: {  	p2 =	seq.s32 s10, $0x1;
	s10 =	sld [smem:$0x3F9C]  }
0x3d: {  	_ =	shalt  }
0x3e: {  	_ =	shalt  }
0x3f: {  	_ =	shalt  }
0x40: {  	_ =	shalt  }
0x41: {  	_ =	shalt  }
0x42: {  	_ =	shalt  }
0x43: {  	_ =	shalt  }
0x44: {  	_ =	shalt  }
0x45: {  	_ =	shalt  }
0x46: {  	_ =	shalt  }
0x47: {  	_ =	shalt  }
0x48: {  	_ =	shalt  }
0x49: {  	_ =	shalt  }
0x4a: {  	_ =	shalt  }
0x4b: {  	_ =	shalt  }
0x4c: {  	_ =	shalt  }
0x4d: {  	_ =	shalt  }
0x4e: {  	_ =	shalt  }
0x4f: {  	_ =	shalt  }
0x50: {  	_ =	shalt  }
0x51: {  	_ =	shalt  }
0x52: {  	_ =	shalt  }
0x53: {  	_ =	shalt  }
0x54: {  	_ =	shalt  }
0x55: {  	_ =	shalt  }
0x56: {  	_ =	shalt  }
0x57: {  	_ =	shalt  }
0x58: {  	_ =	shalt  }
0x59: {  	_ =	shalt  }
0x5a: {  	_ =	shalt  }
0x5b: {  	_ =	shalt  }
0x5c: {  	_ =	shalt  }
0x5d: {  	_ =	shalt  }
0x5e: {  	_ =	shalt  }
0x5f: {  	_ =	shalt  }
0x60: {  	_ =	shalt  }
0x61: {  	_ =	shalt  }
0x62: {  	_ =	shalt  }
0x63: {  	_ =	shalt  }
0x64: {  	_ =	shalt  }
0x65: {  	_ =	shalt  }
0x66: {  	_ =	shalt  }
0x67: {  	_ =	shalt  }
0x68: {  	_ =	shalt  }
0x69: {  	_ =	shalt  }
0x6a: {  	_ =	shalt  }
0x6b: {  	_ =	shalt  }
0x6c: {  	_ =	shalt  }
0x6d: {  	_ =	shalt  }
0x6e: {  	_ =	shalt  }
0x6f: {  	_ =	shalt  }
0x70: {  	_ =	shalt  }
0x71: {  	_ =	shalt  }
0x72: {  	_ =	shalt  }
0x73: {  	_ =	shalt  }
0x74: {  	_ =	shalt  }
0x75: {  	_ =	shalt  }
0x76: {  	_ =	shalt  }
0x77: {  	_ =	shalt  }
0x78: {  	_ =	shalt  }
0x79: {  	_ =	shalt  }
0x7a: {  	_ =	shalt  }
0x7b: {  	_ =	shalt  }
0x7c: {  	_ =	shalt  }
0x7d: {  	_ =	shalt  }
0x7e: {  	_ =	shalt  }
0x7f: {  	_ =	shalt  }
0x80: {  	_ =	shalt  }
0x81: {  	_ =	shalt  }
0x82: {  	_ =	shalt  }
0x83: {  	_ =	shalt  }
0x84: {  	_ =	shalt  }
0x85: {  	_ =	shalt  }
0x86: {  	_ =	shalt  }
0x87: {  	_ =	shalt  }
.Lfunc_end0:
.L_simem_size_0:
called_computation.2_lowered:
.L_overlay_start_0:
0x88: {  	s2 =	sld [smem:$0x3FD9]  }
0x89: {  	s3 =	sld [smem:$0x3FFE];
	_ =	sdelay $0x1  }
0x8a: {  	s1 =	srdreg.scid  }
0x8b: {  	s0 =	sand.u32 $0x1, s1  }
0x8c: {  	s16 =	sshll.u32 s0, $0xA;
	s2 =	sadd.s32 s3, s2  }
0x8d: {  	s2 =	sadd.s32 s2, s16  }
0x8e: {  	[smem:$0x3FA8] =	sst s2  }
0x8f: {  	_ = 	snop  }
0x90: {  	(tm) =	ssettm $0x1  }
0x91: {  	s17 =	sld [smem:$0x3FFB];
	_ =	sdelay $0x3  }
0x92: {  	_ =	strace s17  }
0x93: {  	s2 =	sld [smem:$0x3FFC];
	_ =	sdelay $0x3  }
0x94: {  	_ =	strace s2  }
0x95: {  	s2 =	sld [smem:$0x3FFD];
	_ =	sdelay $0x3  }
0x96: {  	_ =	strace s2  }
0x97: {  	_ =	strace $0x8FFFFFFF  }
0x98: {  	s18 =	sld [smem:$0x3FDB];
	_ =	sdelay $0x1  }
0x99: {  	s19 =	simm.s32 $_scs_section_size  }
0x9a: {  	s4 =	simm.s32 $_size__tile_overlayer_lowered;
	s5 =	simm.s32 $_tile_overlayer_lowered  }
0x9b: {  	s22 =	simm.s32 $0x1BFF;
	s21 =	sshll.u32 s5, $0x1;
	s2 =	sadd.s32 s19, s18  }
0x9c: {  	s6 =	simm.s32 $0x0;
	s20 =	sshll.u32 s4, $0x1;
	s4 =	sadd.s32 s21, s2  }
0x9d: {  	[timem:s6], [sflag:s22] =	dma.local [hbm:s4], s20  }
0x9e: {  	_ =	swait.ge [sflag:s22], s20  }
0x9f: {  	s3 =	ssub.s32 $0x0, s20;
	[sflag:s22] =	ssyncset.done $0x0  }
0xa0: {  	[sflag:s22] =	ssyncadd.s32 s3;
	_ =	sdelay $0x1  }
0xa1: {  	s23 =	simm.s32 $0x1B8B  }
0xa2: {  	_ =	swait.ge [sflag:s23], $0x1  }
0xa3: {  	[sflag:s23] =	ssyncset.done $0x0  }
0xa4: {  	s25 =	simm.s32 $0x1B8E;
	s24 =	sld [smem:$0x3FFE];
	[sflag:s23] =	ssyncadd.s32 $0xFFFFFFFF  }
0xa5: {  	s26 =	simm.s32 $execute0_lowered;
	[smem:$0x3FD2] =	sst s25  }
0xa6: {  	s4 =	sshll.u32 s26, $0x1;
	_ =	strace $0x8000004C;
	[dreg:$0x1] =	wrdreg $0xFFFFFFFF  }
0xa7: {  	s28 =	simm.s32 $_size_execute0_lowered;
	s2 =	sadd.s32 s2, s4;
	[dreg:$0x0] =	wrdreg $0x0  }
0xa8: {  	s4 =	sshll.u32 s28, $0x1;
	[dreg:$0x2] =	wrdreg s2  }
0xa9: {  	[dreg:$0x3] =	wrdreg s4  }
0xaa: {  	[dreg:$0x4] =	wrdreg $0xC0  }
0xab: {  	_ =	task [dreg:s6], $0x5FFFF  }
0xac: {  	[dreg:$0x1] =	wrdreg $0xFFFFFFFF  }
0xad: {  	[dreg:$0x0] =	wrdreg $0x60  }
0xae: {  	[dreg:$0x2] =	wrdreg s24  }
0xaf: {  	[dreg:$0x3] =	wrdreg $0xDC800  }
0xb0: {  	[dreg:$0x4] =	wrdreg $0x9  }
0xb1: {  	_ =	task.clear_ibuf [dreg:s6], $0x5FFFF;
	_ =	strace $0x9000004C  }
0xb2: {  	s29 =	simm.s32 $0x9;
	_ =	strace $0x8000004E  }
0xb3: {  	_ =	swait.ge [sflag:s29], $0x1  }
0xb4: {  	[sflag:s29] =	ssyncadd.s32 $0xFFFFFFFF  }
0xb5: {  	_ =	strace $0x9000004E  }
0xb6: {  	_ =	sfence  }
0xb7: {  	s30 =	sld [smem:$0x0];
	_ =	sdelay $0x2  }
0xb8: {  	s31 =	sshll.u32 s1, $0xD;
	s1 =	sshrl.u32 s1, $0x2  }
0xb9: {  	s3 =	sand.u32 $0x4000, s31;
	s1 =	sadd.s32 s1, s30  }
0xba: {  	s0 =	sor.u32 s3, s0;
	s1 =	sshll.u32 s1, $0x11  }
0xbb: {  	s0 =	sor.u32 s1, s0  }
0xbc: {  	s0 =	sadd.s32 $0x8F2B, s0  }
0xbd: {  	[sflag:s0] =	ssyncadd.remote.s32 $0x1  }
0xbe: {  	_ =	sfence.sel $0xFFFF  }
0xbf: {  	[dreg:$0x0] =	wrdreg $0xFFFFFFFF;
	(pc) =	sbr.abs _section_cstart, $3  }
0xc0: {  	[dreg:$0x1] =	wrdreg $0xFFFFFFFF  }
0xc1: {  	_ =	task.clear_ibuf [dreg:s6], $0x2FFFF;
	_ =	strace $0x9FFFFFFF  }
0xc2: {  	(tm) =	ssettm $0x7FFFFFFF  }
0xc3: {  	_ =	shalt  }
tec
execute0_lowered:
.L_overlay_start_1:
0x0: {  	(tag) =	ssettag $0x1  }
0x1: {  	s1 =	srdreg.scid;
	s0 =	stileid.u32  }
0x2: {  	s23 =	sand.u32 $0x1, s1;
	s28 =	sshll.u32 s0, $0x1  }
0x3: {  	s20 =	rddreg [dreg:$0x0];
	s4 =	sor.u32 s23, s28  }
0x4: {  	s2 =	rddreg [dreg:$0x1];
	s5 =	smul.u32 $0x19000, s4  }
0x5: {  	s3 =	simm.s32 $0x0;
	s1 =	rddreg [dreg:$0x2];
	s4 =	smul.u32 $0x190, s4  }
0x6: {  	[smem:$0x7FF] =	sst s3;
	s6 =	smul.u32 $0xD000, s0  }
0x7: {  	s29 =	sshll.u32 s0, $0x6;
	_ =	strace $0x8000004D;
	s4 =	sadd.s32 s4, s20  }
0x8: {  	s9 =	sshrl.u32 s5, $0x3;
	s5 =	simm.s32 $0x4;
	s4 =	sadd.s32 $0x9E00, s4  }
0x9: {  	[tilespmem:s3], [sflag:$0x4] =	stream.linear.gather [hbm4b:s4+s3], $0xC80, $0x38;
	[tilespmem:$0x1AC80] =	vst v63  }
0xa: {  	s7 =	sshrl.u32 s6, $0x3;
	s8 =	sadd.s32 s6, s2;
	_ =	swait.ge [sflag:s5], $0xC80  }
0xb: {  	s7 =	sadd.s32 s7, s20;
	s8 =	sshrl.u32 s8, $0x3;
	[sflag:s5] =	ssyncset.done $0x0  }
0xc: {  	s6 =	sadd.s32 $0x2B1400, s7;
	s7 =	sor.u32 $0x1C04, s29;
	[sflag:s5] =	ssyncadd.s32 $0xFFFFF380  }
0xd: {  	[spmem:s8], [sflag:s7] =	dma.local [hbm:s6], $0x1A00  }
0xe: {  	_ =	swait.ge [sflag:s5], $0x1A00  }
0xf: {  	s10 =	simm.s32 $0x10;
	s11 =	simm.s32 $0x20;
	[sflag:s5] =	ssyncset.done $0x0  }
0x10: {  	s12 =	simm.s32 $0xC80;
	s22 =	sadd.s32 s9, s20;
	[sflag:s5] =	ssyncadd.s32 $0xFFFFE600  }
0x11: {  	s13 =	simm.s32 $0x2;
	s9 =	sadd.s32 $0x24D400, s22;
	[bflag:$0x0] =	sbarrier.arrive $0xFFFF  }
0x12: {  	[tilespmem:s12], [sflag:$0x2] =	stream.strided.gather [hbm4b:s9+s10], $0x6800, s11, s10, $0x38;
	[tilespmem:$0x1AC80] =	vst v63  }
0x13: {  	_ =	swait.ge [sflag:s13], $0x6800  }
0x14: {  	[sflag:s13] =	ssyncset.done $0x0  }
0x15: {  	s15 =	simm.s32 $0x7480;
	s14 =	sadd.s32 $0x24EE00, s22;
	[sflag:s13] =	ssyncadd.s32 $0xFFFF9800  }
0x16: {  	[tilespmem:s15], [sflag:$0x3] =	stream.strided.gather [hbm4b:s14+s10], $0x6000, s11, s10, $0x38;
	[tilespmem:$0x1AC80] =	vst v63  }
0x17: {  	s16 =	simm.s32 $0x680;
	s17 =	simm.s32 $0x1  }
0x18: {  	[spmem:s2] =	stream.indirect.scatter.add.f32 [tilespmem:s12], [sflag:$0x1], $0x10, s3, s16, $0xb8;
	[tilespmem:$0x1AC80] =	vst v63  }
0x19: {  	_ =	swait.ge [sflag:s17], $0x6800  }
0x1a: {  	[sflag:s17] =	ssyncset.done $0x0  }
0x1b: {  	s18 =	simm.s32 $0x3;
	[sflag:s17] =	ssyncadd.s32 $0xFFFF9800  }
0x1c: {  	_ =	swait.ge [sflag:s18], $0x6000  }
0x1d: {  	s24 =	smul.u32 $0x1A000, s0;
	[sflag:s18] =	ssyncset.done $0x0  }
0x1e: {  	s19 =	simm.s32 $0x600;
	s21 =	smul.u32 $0x1A0000, s23;
	[sflag:s18] =	ssyncadd.s32 $0xFFFFA000  }
0x1f: {  	[spmem:s2] =	stream.indirect.scatter.add.f32 [tilespmem:s15], [sflag:$0x1], $0x10, s16, s19, $0xb8;
	[tilespmem:$0x1AC80] =	vst v63  }
0x20: {  	s21 =	sadd.s32 s24, s21;
	_ =	swait.ge [sflag:s17], $0x6000  }
0x21: {  	s21 =	sshrl.u32 s21, $0x3;
	[sflag:s17] =	ssyncset.done $0x0  }
0x22: {  	s30 =	sadd.s32 s21, s20;
	[sflag:s17] =	ssyncadd.s32 $0xFFFFA000  }
0x23: {  	s20 =	sadd.s32 $0xBD400, s30;
	[bflag:$0x0] =	sbarrier.arrive $0xFFFF  }
0x24: {  	[hbm:s20@s5], [sflag:s7] =	dma.strided [spmem:s8@s13], $0x1A00, s17, $0x2   }
0x25: {  	_ =	swait.ge [sflag:s5], $0x1A00  }
0x26: {  	[sflag:s5] =	ssyncset.done $0x0  }
0x27: {  	[sflag:s5] =	ssyncadd.s32 $0xFFFFE600  }
0x28: {  	[bflag:$0x0] =	sbarrier.arrive $0xFFFF  }
0x29: {  	[spmem:s8], [sflag:s7] =	dma.local [hbm:s6], $0x1A00  }
0x2a: {  	_ =	swait.ge [sflag:s5], $0x1A00  }
0x2b: {  	[sflag:s5] =	ssyncset.done $0x0  }
0x2c: {  	[sflag:s5] =	ssyncadd.s32 $0xFFFFE600  }
0x2d: {  	s21 =	sadd.s32 $0x24D402, s22;
	[bflag:$0x0] =	sbarrier.arrive $0xFFFF  }
0x2e: {  	[tilespmem:s12], [sflag:$0x2] =	stream.strided.gather [hbm4b:s21+s10], $0x6800, s11, s10, $0x38;
	[tilespmem:$0x1AC80] =	vst v63  }
0x2f: {  	_ =	swait.ge [sflag:s13], $0x6800  }
0x30: {  	[sflag:s13] =	ssyncset.done $0x0  }
0x31: {  	s22 =	sadd.s32 $0x24EE02, s22;
	[sflag:s13] =	ssyncadd.s32 $0xFFFF9800  }
0x32: {  	[tilespmem:s15], [sflag:$0x3] =	stream.strided.gather [hbm4b:s22+s10], $0x6000, s11, s10, $0x38;
	[tilespmem:$0x1AC80] =	vst v63  }
0x33: {  	_ = 	snop  }
0x34: {  	[spmem:s2] =	stream.indirect.scatter.add.f32 [tilespmem:s12], [sflag:$0x1], $0x10, s3, s16, $0xb8;
	[tilespmem:$0x1AC80] =	vst v63  }
0x35: {  	_ =	swait.ge [sflag:s17], $0x6800  }
0x36: {  	[sflag:s17] =	ssyncset.done $0x0  }
0x37: {  	[sflag:s17] =	ssyncadd.s32 $0xFFFF9800  }
0x38: {  	_ =	swait.ge [sflag:s18], $0x6000  }
0x39: {  	s23 =	ssub.s32 $0x2, s23;
	[sflag:s18] =	ssyncset.done $0x0  }
0x3a: {  	s25 =	sshrl.u32 s23, $0x1;
	[sflag:s18] =	ssyncadd.s32 $0xFFFFA000  }
0x3b: {  	[spmem:s2] =	stream.indirect.scatter.add.f32 [tilespmem:s15], [sflag:$0x1], $0x10, s16, s19, $0xb8;
	[tilespmem:$0x1AC80] =	vst v63  }
0x3c: {  	s25 =	ssub.s32 s23, s25;
	_ =	swait.ge [sflag:s17], $0x6000  }
0x3d: {  	s31 =	smax.u32 s25, $0x1;
	[sflag:s17] =	ssyncset.done $0x0  }
0x3e: {  	p0 =	sne.s32 s31, $0x1;
	[sflag:s17] =	ssyncadd.s32 $0xFFFFA000  }
.Ltmp0:
0x3f: {  	s23 =	sadd.s32 $0xBD402, s30;
	[bflag:$0x0] =	sbarrier.arrive $0xFFFF;
	(pc) =	sbr.rel @!p0 .LBB2_2-.Ltmp0, $4  }
0x40: {  	[hbm:s23@s5], [sflag:s7] =	dma.strided [spmem:s8@s13], $0x1A00, s17, $0x2   }
0x41: {  	_ =	swait.ge [sflag:s5], $0x1A00  }
0x42: {  	[sflag:s5] =	ssyncset.done $0x0  }
0x43: {  	s24 =	sadd.s32 $0xFFFFFFFF, s31;
	[sflag:s5] =	ssyncadd.s32 $0xFFFFE600  }
.LBB2_1:
0x44: {  	p0 =	sne.s32 s24, $0x1;
	s24 =	sadd.s32 $0xFFFFFFFF, s24;
	[bflag:$0x0] =	sbarrier.arrive $0xFFFF  }
0x45: {  	[tilespmem:s3], [sflag:$0x4] =	stream.linear.gather [hbm4b:s4+s3], $0xC80, $0x38;
	[tilespmem:$0x1AC80] =	vst v63  }
0x46: {  	_ =	swait.ge [sflag:s5], $0xC80  }
0x47: {  	[sflag:s5] =	ssyncset.done $0x0  }
0x48: {  	[sflag:s5] =	ssyncadd.s32 $0xFFFFF380  }
0x49: {  	[spmem:s8], [sflag:s7] =	dma.local [hbm:s6], $0x1A00  }
0x4a: {  	_ =	swait.ge [sflag:s5], $0x1A00  }
0x4b: {  	[sflag:s5] =	ssyncset.done $0x0  }
0x4c: {  	[sflag:s5] =	ssyncadd.s32 $0xFFFFE600  }
0x4d: {  	[bflag:$0x0] =	sbarrier.arrive $0xFFFF  }
0x4e: {  	[tilespmem:s12], [sflag:$0x2] =	stream.strided.gather [hbm4b:s9+s10], $0x6800, s11, s10, $0x38;
	[tilespmem:$0x1AC80] =	vst v63  }
0x4f: {  	_ =	swait.ge [sflag:s13], $0x6800  }
0x50: {  	[sflag:s13] =	ssyncset.done $0x0  }
0x51: {  	[sflag:s13] =	ssyncadd.s32 $0xFFFF9800  }
0x52: {  	[tilespmem:s15], [sflag:$0x3] =	stream.strided.gather [hbm4b:s14+s10], $0x6000, s11, s10, $0x38;
	[tilespmem:$0x1AC80] =	vst v63  }
0x53: {  	_ = 	snop  }
0x54: {  	[spmem:s2] =	stream.indirect.scatter.add.f32 [tilespmem:s12], [sflag:$0x1], $0x10, s3, s16, $0xb8;
	[tilespmem:$0x1AC80] =	vst v63  }
0x55: {  	_ =	swait.ge [sflag:s17], $0x6800  }
0x56: {  	[sflag:s17] =	ssyncset.done $0x0  }
0x57: {  	[sflag:s17] =	ssyncadd.s32 $0xFFFF9800  }
0x58: {  	_ =	swait.ge [sflag:s18], $0x6000  }
0x59: {  	[sflag:s18] =	ssyncset.done $0x0  }
0x5a: {  	[sflag:s18] =	ssyncadd.s32 $0xFFFFA000  }
0x5b: {  	[spmem:s2] =	stream.indirect.scatter.add.f32 [tilespmem:s15], [sflag:$0x1], $0x10, s16, s19, $0xb8;
	[tilespmem:$0x1AC80] =	vst v63  }
0x5c: {  	_ =	swait.ge [sflag:s17], $0x6000  }
0x5d: {  	[sflag:s17] =	ssyncset.done $0x0  }
0x5e: {  	[sflag:s17] =	ssyncadd.s32 $0xFFFFA000  }
0x5f: {  	[bflag:$0x0] =	sbarrier.arrive $0xFFFF  }
0x60: {  	[hbm:s20@s5], [sflag:s7] =	dma.strided [spmem:s8@s13], $0x1A00, s17, $0x2   }
0x61: {  	_ =	swait.ge [sflag:s5], $0x1A00  }
0x62: {  	[sflag:s5] =	ssyncset.done $0x0  }
0x63: {  	[sflag:s5] =	ssyncadd.s32 $0xFFFFE600  }
0x64: {  	[bflag:$0x0] =	sbarrier.arrive $0xFFFF  }
0x65: {  	[spmem:s8], [sflag:s7] =	dma.local [hbm:s6], $0x1A00  }
0x66: {  	_ =	swait.ge [sflag:s5], $0x1A00  }
0x67: {  	[sflag:s5] =	ssyncset.done $0x0  }
0x68: {  	[sflag:s5] =	ssyncadd.s32 $0xFFFFE600  }
0x69: {  	[bflag:$0x0] =	sbarrier.arrive $0xFFFF  }
0x6a: {  	[tilespmem:s12], [sflag:$0x2] =	stream.strided.gather [hbm4b:s21+s10], $0x6800, s11, s10, $0x38;
	[tilespmem:$0x1AC80] =	vst v63  }
0x6b: {  	_ =	swait.ge [sflag:s13], $0x6800  }
0x6c: {  	[sflag:s13] =	ssyncset.done $0x0  }
0x6d: {  	[sflag:s13] =	ssyncadd.s32 $0xFFFF9800  }
0x6e: {  	[tilespmem:s15], [sflag:$0x3] =	stream.strided.gather [hbm4b:s22+s10], $0x6000, s11, s10, $0x38;
	[tilespmem:$0x1AC80] =	vst v63  }
0x6f: {  	_ = 	snop  }
0x70: {  	[spmem:s2] =	stream.indirect.scatter.add.f32 [tilespmem:s12], [sflag:$0x1], $0x10, s3, s16, $0xb8;
	[tilespmem:$0x1AC80] =	vst v63  }
0x71: {  	_ =	swait.ge [sflag:s17], $0x6800  }
0x72: {  	[sflag:s17] =	ssyncset.done $0x0  }
0x73: {  	[sflag:s17] =	ssyncadd.s32 $0xFFFF9800  }
0x74: {  	_ =	swait.ge [sflag:s18], $0x6000  }
0x75: {  	[sflag:s18] =	ssyncset.done $0x0  }
0x76: {  	[sflag:s18] =	ssyncadd.s32 $0xFFFFA000  }
0x77: {  	[spmem:s2] =	stream.indirect.scatter.add.f32 [tilespmem:s15], [sflag:$0x1], $0x10, s16, s19, $0xb8;
	[tilespmem:$0x1AC80] =	vst v63  }
0x78: {  	_ =	swait.ge [sflag:s17], $0x6000  }
0x79: {  	[sflag:s17] =	ssyncset.done $0x0  }
0x7a: {  	[sflag:s17] =	ssyncadd.s32 $0xFFFFA000  }
.Ltmp1:
0x7b: {  	[bflag:$0x0] =	sbarrier.arrive $0xFFFF;
	(pc) =	sbr.rel @p0 .LBB2_1-.Ltmp1, $4  }
0x7c: {  	[hbm:s23@s5], [sflag:s7] =	dma.strided [spmem:s8@s13], $0x1A00, s17, $0x2   }
0x7d: {  	_ =	swait.ge [sflag:s5], $0x1A00  }
0x7e: {  	[sflag:s5] =	ssyncset.done $0x0  }
0x7f: {  	[sflag:s5] =	ssyncadd.s32 $0xFFFFE600  }
.LBB2_2:
0x80: {  	[bflag:$0x0] =	sbarrier.arrive $0xFFFF  }
0x81: {  	_ =	sfence.sel $0x180000  }
0x82: {  	[bflag:$0x0] =	sbarrier.arrive $0xFFFF  }
0x83: {  	p0 =	sne.s32 s0, $0x0;
	_ =	strace $0x9000004D  }
0x84: {  	s0 =	sadd.s32 @!p0 $0x100000, s1;
	[bflag:$0x2] =	sbarrier.arrive $0xFFFF  }
0x85: {  	[sflag:s0] =	ssyncadd.tile.s32 @!p0 $0x1;
	_ =	shalt  }
.Lfunc_end2:
_tile_overlayer_lowered:
.L_overlay_start_2:
0x86: {  	(tag) =	ssettag $0x2  }
0x87: {  	s0 =	rddreg [dreg:$0x0];
	s2 =	stileid.u32  }
0x88: {  	s1 =	rddreg [dreg:$0x1];
	p0 =	sne.s32 s2, $0x0  }
0x89: {  	s3 =	rddreg [dreg:$0x2];
	[bflag:$0x3] =	sbarrier.arrive $0xFFFF;
	s2 =	simm.s32 @!p0 $0x1C04  }
0x8a: {  	[timem:s3], [sflag:s2] =	dma.local @!p0 [hbm:s0], s1  }
0x8b: {  	s0 =	simm.s32 @!p0 $0x4  }
0x8c: {  	_ =	swait.ge @!p0 [sflag:s0], s1  }
0x8d: {  	s1 =	ssub.s32 @!p0 $0x0, s1;
	[sflag:s0] =	ssyncset.done @!p0 $0x0  }
0x8e: {  	[sflag:s0] =	ssyncadd.s32 @!p0 s1  }
0x8f: {  	[bflag:$0x3] =	sbarrier.arrive $0xFFFF  }
0x90: {  	_ =	shalt  }

// kernel: kernel.26.cloned.1.call-start
scs
__scs_entry_jumppad:
0x0: {  	(pc) =	sbr.rel $0x88, $3  }
0x1: {  	(tag) =	ssettag $0x0;
	lr =	simm.s32 $0x1  }
0x2: {  	[smem:$0x3F81] =	sst lr;
	_ =	strace $0xD0000000  }
0x3: {  	_ = 	snop  }
0x4: {  	_ = 	snop  }
0x5: {  	_ = 	snop  }
0x6: {  	_ = 	snop  }
0x7: {  	_ = 	snop  }
__scs_overlays_trampoline_lowered:
0x8: {  	[smem:$0x3F90] =	sst s0  }
0x9: {  	[smem:$0x3F91] =	sst s1  }
0xa: {  	[smem:$0x3F92] =	sst s2  }
0xb: {  	[smem:$0x3F93] =	sst s3  }
0xc: {  	[smem:$0x3F94] =	sst s4  }
0xd: {  	[smem:$0x3F95] =	sst s5  }
0xe: {  	[smem:$0x3F96] =	sst s6  }
0xf: {  	[smem:$0x3F97] =	sst s7  }
0x10: {  	[smem:$0x3F98] =	sst s8  }
0x11: {  	[smem:$0x3F99] =	sst s9;
	s0 =	simm.s32 @!p0 $0x0  }
0x12: {  	s1 =	sld [smem:$0x3F7F];
	s0 =	simm.s32 @p0 $0x1  }
0x13: {  	[smem:$0x3F9A] =	sst s0;
	s0 =	simm.s32 @!p1 $0x0  }
0x14: {  	s2 =	sld [smem:$0x3F7E];
	s0 =	simm.s32 @p1 $0x1  }
0x15: {  	[smem:$0x3F9B] =	sst s0;
	s0 =	simm.s32 @!p2 $0x0  }
0x16: {  	s3 =	sld [smem:$0x3FDB];
	s0 =	simm.s32 @p2 $0x1  }
0x17: {  	s4 =	simm.s32 $0x1BF5;
	[smem:$0x3F9D] =	sst s0  }
0x18: {  	s0 =	sld [smem:$0x3F80];
	_ =	swait.ge [sflag:s4], $0x0  }
0x19: {  	s7 =	sld [smem:$0x3F81]  }
0x1a: {  	s8 =	sadd.s32 $0xFFFFE003, lr  }
0x1b: {  	s9 =	sadd.s32 $0xFFFFFEF7, lr;
	s5 =	simm.s32 $0xFFFFFFFF;
	p2 =	slt.u32 s8, $0xFFFFF086  }
0x1c: {  	p1 =	slt.u32 s9, $0xF7A;
	s5 =	simm.s32 @!p2 $0x0  }
0x1d: {  	s5 =	simm.s32 @p1 $0x1;
	p0 =	seq.s32 s7, s2  }
0x1e: {  	s7 =	smul.u32 @!p0 $0xF7A, s2;
	p2 =	seq.s32 @!p0 s5, $0x0  }
0x1f: {  	s9 =	smul.u32 $0xF7A, s1;
	s8 =	simm.s32 @!p0 $0x1BF5;
	p2 =	por !p2, p0  }
0x20: {  	[sflag:s8] =	ssyncset.s32 @!p0 $0xFFFFF086;
	s6 =	sadd.s32 @!p0 s3, s7;
	s7 =	simm.s32 @!p0 $0x108  }
0x21: {  	s3 =	sadd.s32 s3, s9;
	s6 =	sadd.s32 @!p0 $0x88, s6;
	s7 =	simm.s32 @p2 $0x1082  }
0x22: {  	[simem:s7], [sflag:s8] =	dma.local @!p0 [hbm:s6], $0xF7A  }
0x23: {  	s9 =	sor.u32 $0xD0000000, s2;
	s6 =	simm.s32 $0x108;
	_ =	swait.ge @!p0 [sflag:s8], $0x0  }
0x24: {  	s3 =	sadd.s32 $0x88, s3;
	s6 =	simm.s32 @!p1 $0x1082;
	[sflag:s4] =	ssyncset.s32 $0xFFFFF086  }
0x25: {  	[simem:s6], [sflag:s4] =	dma.local [hbm:s3], $0xF7A  }
0x26: {  	[smem:$0x3F81] =	sst s1;
	(tag) =	ssettag s2;
	_ =	strace s9  }
0x27: {  	s1 =	sld [smem:$0x3F91]  }
0x28: {  	s2 =	sld [smem:$0x3F92]  }
0x29: {  	s4 =	sld [smem:$0x3F94]  }
0x2a: {  	p0 =	seq.s32 s5, $0x0;
	s5 =	sld [smem:$0x3F95]  }
0x2b: {  	s6 =	sld [smem:$0x3F96]  }
0x2c: {  	s7 =	sld [smem:$0x3F97]  }
0x2d: {  	s3 =	simm.s32 $0x108;
	s8 =	sld [smem:$0x3F98]  }
0x2e: {  	s3 =	simm.s32 @!p0 $0x1082;
	s9 =	sld [smem:$0x3F99]  }
0x2f: {  	lr =	sadd.s32 s0, s3;
	s0 =	sld [smem:$0x3F90]  }
0x30: {  	s3 =	sld [smem:$0x3F93]  }
0x31: {  	[smem:$0x3F9C] =	sst s10  }
0x32: {  	s10 =	sld [smem:$0x3F9A];
	_ =	sdelay $0x3  }
0x33: {  	p0 =	seq.s32 s10, $0x1;
	s10 =	sld [smem:$0x3F9C];
	_ =	sdelay $0x3  }
0x34: {  	[smem:$0x3F9C] =	sst s10  }
0x35: {  	s10 =	sld [smem:$0x3F9B];
	_ =	sdelay $0x3  }
0x36: {  	p1 =	seq.s32 s10, $0x1;
	s10 =	sld [smem:$0x3F9C];
	_ =	sdelay $0x3  }
0x37: {  	[smem:$0x3F9C] =	sst s10  }
0x38: {  	s10 =	sld [smem:$0x3F9D]  }
0x39: {  	_ = 	snop;
	(pc) =	sbr.ind lr, $3  }
0x3a: {  	_ = 	snop  }
0x3b: {  	_ = 	snop  }
0x3c: {  	p2 =	seq.s32 s10, $0x1;
	s10 =	sld [smem:$0x3F9C]  }
0x3d: {  	_ =	shalt  }
0x3e: {  	_ =	shalt  }
0x3f: {  	_ =	shalt  }
0x40: {  	_ =	shalt  }
0x41: {  	_ =	shalt  }
0x42: {  	_ =	shalt  }
0x43: {  	_ =	shalt  }
0x44: {  	_ =	shalt  }
0x45: {  	_ =	shalt  }
0x46: {  	_ =	shalt  }
0x47: {  	_ =	shalt  }
0x48: {  	_ =	shalt  }
0x49: {  	_ =	shalt  }
0x4a: {  	_ =	shalt  }
0x4b: {  	_ =	shalt  }
0x4c: {  	_ =	shalt  }
0x4d: {  	_ =	shalt  }
0x4e: {  	_ =	shalt  }
0x4f: {  	_ =	shalt  }
0x50: {  	_ =	shalt  }
0x51: {  	_ =	shalt  }
0x52: {  	_ =	shalt  }
0x53: {  	_ =	shalt  }
0x54: {  	_ =	shalt  }
0x55: {  	_ =	shalt  }
0x56: {  	_ =	shalt  }
0x57: {  	_ =	shalt  }
0x58: {  	_ =	shalt  }
0x59: {  	_ =	shalt  }
0x5a: {  	_ =	shalt  }
0x5b: {  	_ =	shalt  }
0x5c: {  	_ =	shalt  }
0x5d: {  	_ =	shalt  }
0x5e: {  	_ =	shalt  }
0x5f: {  	_ =	shalt  }
0x60: {  	_ =	shalt  }
0x61: {  	_ =	shalt  }
0x62: {  	_ =	shalt  }
0x63: {  	_ =	shalt  }
0x64: {  	_ =	shalt  }
0x65: {  	_ =	shalt  }
0x66: {  	_ =	shalt  }
0x67: {  	_ =	shalt  }
0x68: {  	_ =	shalt  }
0x69: {  	_ =	shalt  }
0x6a: {  	_ =	shalt  }
0x6b: {  	_ =	shalt  }
0x6c: {  	_ =	shalt  }
0x6d: {  	_ =	shalt  }
0x6e: {  	_ =	shalt  }
0x6f: {  	_ =	shalt  }
0x70: {  	_ =	shalt  }
0x71: {  	_ =	shalt  }
0x72: {  	_ =	shalt  }
0x73: {  	_ =	shalt  }
0x74: {  	_ =	shalt  }
0x75: {  	_ =	shalt  }
0x76: {  	_ =	shalt  }
0x77: {  	_ =	shalt  }
0x78: {  	_ =	shalt  }
0x79: {  	_ =	shalt  }
0x7a: {  	_ =	shalt  }
0x7b: {  	_ =	shalt  }
0x7c: {  	_ =	shalt  }
0x7d: {  	_ =	shalt  }
0x7e: {  	_ =	shalt  }
0x7f: {  	_ =	shalt  }
0x80: {  	_ =	shalt  }
0x81: {  	_ =	shalt  }
0x82: {  	_ =	shalt  }
0x83: {  	_ =	shalt  }
0x84: {  	_ =	shalt  }
0x85: {  	_ =	shalt  }
0x86: {  	_ =	shalt  }
0x87: {  	_ =	shalt  }
.Lfunc_end0:
.L_simem_size_0:
called_computation.3_lowered:
.L_overlay_start_0:
0x88: {  	s2 =	sld [smem:$0x3FD9]  }
0x89: {  	s3 =	sld [smem:$0x3FFE];
	_ =	sdelay $0x1  }
0x8a: {  	s1 =	srdreg.scid  }
0x8b: {  	s0 =	sand.u32 $0x1, s1  }
0x8c: {  	s16 =	sshll.u32 s0, $0xA;
	s2 =	sadd.s32 s3, s2  }
0x8d: {  	s2 =	sadd.s32 s2, s16  }
0x8e: {  	[smem:$0x3FA8] =	sst s2  }
0x8f: {  	_ = 	snop  }
0x90: {  	(tm) =	ssettm $0x1  }
0x91: {  	s17 =	sld [smem:$0x3FFB];
	_ =	sdelay $0x3  }
0x92: {  	_ =	strace s17  }
0x93: {  	s2 =	sld [smem:$0x3FFC];
	_ =	sdelay $0x3  }
0x94: {  	_ =	strace s2  }
0x95: {  	s2 =	sld [smem:$0x3FFD];
	_ =	sdelay $0x3  }
0x96: {  	_ =	strace s2  }
0x97: {  	_ =	strace $0x8FFFFFFF  }
0x98: {  	s18 =	sld [smem:$0x3FDB];
	_ =	sdelay $0x1  }
0x99: {  	s19 =	simm.s32 $_scs_section_size  }
0x9a: {  	s4 =	simm.s32 $_size__tile_overlayer_lowered;
	s5 =	simm.s32 $_tile_overlayer_lowered  }
0x9b: {  	s22 =	simm.s32 $0x1BFF;
	s21 =	sshll.u32 s5, $0x1;
	s2 =	sadd.s32 s19, s18  }
0x9c: {  	s6 =	simm.s32 $0x0;
	s20 =	sshll.u32 s4, $0x1;
	s4 =	sadd.s32 s21, s2  }
0x9d: {  	[timem:s6], [sflag:s22] =	dma.local [hbm:s4], s20  }
0x9e: {  	_ =	swait.ge [sflag:s22], s20  }
0x9f: {  	s3 =	ssub.s32 $0x0, s20;
	[sflag:s22] =	ssyncset.done $0x0  }
0xa0: {  	[sflag:s22] =	ssyncadd.s32 s3;
	_ =	sdelay $0x1  }
0xa1: {  	s23 =	simm.s32 $0x1B8B  }
0xa2: {  	_ =	swait.ge [sflag:s23], $0x1  }
0xa3: {  	[sflag:s23] =	ssyncset.done $0x0  }
0xa4: {  	s25 =	simm.s32 $0x1B8E;
	s24 =	sld [smem:$0x3FFE];
	[sflag:s23] =	ssyncadd.s32 $0xFFFFFFFF  }
0xa5: {  	s26 =	simm.s32 $execute0_lowered;
	[smem:$0x3FD2] =	sst s25  }
0xa6: {  	s4 =	sshll.u32 s26, $0x1;
	_ =	strace $0x8000004F;
	[dreg:$0x1] =	wrdreg $0xFFFFFFFF  }
0xa7: {  	s28 =	simm.s32 $_size_execute0_lowered;
	s2 =	sadd.s32 s2, s4;
	[dreg:$0x0] =	wrdreg $0x0  }
0xa8: {  	s4 =	sshll.u32 s28, $0x1;
	[dreg:$0x2] =	wrdreg s2  }
0xa9: {  	[dreg:$0x3] =	wrdreg s4  }
0xaa: {  	[dreg:$0x4] =	wrdreg $0xC0  }
0xab: {  	_ =	task [dreg:s6], $0x5FFFF  }
0xac: {  	[dreg:$0x1] =	wrdreg $0xFFFFFFFF  }
0xad: {  	[dreg:$0x0] =	wrdreg $0x60  }
0xae: {  	[dreg:$0x2] =	wrdreg s24  }
0xaf: {  	[dreg:$0x3] =	wrdreg $0xD6800  }
0xb0: {  	[dreg:$0x4] =	wrdreg $0x9  }
0xb1: {  	_ =	task.clear_ibuf [dreg:s6], $0x5FFFF;
	_ =	strace $0x9000004F  }
0xb2: {  	s29 =	simm.s32 $0x9;
	_ =	strace $0x80000051  }
0xb3: {  	_ =	swait.ge [sflag:s29], $0x1  }
0xb4: {  	[sflag:s29] =	ssyncadd.s32 $0xFFFFFFFF  }
0xb5: {  	_ =	strace $0x90000051  }
0xb6: {  	_ =	sfence  }
0xb7: {  	s30 =	sld [smem:$0x0];
	_ =	sdelay $0x2  }
0xb8: {  	s31 =	sshll.u32 s1, $0xD;
	s1 =	sshrl.u32 s1, $0x2  }
0xb9: {  	s3 =	sand.u32 $0x4000, s31;
	s1 =	sadd.s32 s1, s30  }
0xba: {  	s0 =	sor.u32 s3, s0;
	s1 =	sshll.u32 s1, $0x11  }
0xbb: {  	s0 =	sor.u32 s1, s0  }
0xbc: {  	s0 =	sadd.s32 $0x8F2B, s0  }
0xbd: {  	[sflag:s0] =	ssyncadd.remote.s32 $0x1  }
0xbe: {  	_ =	sfence.sel $0xFFFF  }
0xbf: {  	[dreg:$0x0] =	wrdreg $0xFFFFFFFF;
	(pc) =	sbr.abs _section_cstart, $3  }
0xc0: {  	[dreg:$0x1] =	wrdreg $0xFFFFFFFF  }
0xc1: {  	_ =	task.clear_ibuf [dreg:s6], $0x2FFFF;
	_ =	strace $0x9FFFFFFF  }
0xc2: {  	(tm) =	ssettm $0x7FFFFFFF  }
0xc3: {  	_ =	shalt  }
tec
execute0_lowered:
.L_overlay_start_1:
0x0: {  	(tag) =	ssettag $0x1  }
0x1: {  	s1 =	srdreg.scid;
	s0 =	stileid.u32  }
0x2: {  	s15 =	rddreg [dreg:$0x0];
	s18 =	sand.u32 $0x1, s1;
	s26 =	sshll.u32 s0, $0x1  }
0x3: {  	s2 =	rddreg [dreg:$0x1];
	s4 =	sor.u32 s18, s26  }
0x4: {  	s3 =	simm.s32 $0x0;
	s1 =	rddreg [dreg:$0x2];
	s5 =	smul.u32 $0xD0, s4  }
0x5: {  	[smem:$0x7FF] =	sst s3;
	s6 =	smul.u32 $0x5000, s0  }
0x6: {  	s29 =	sshll.u32 s0, $0x6;
	_ =	strace $0x80000050;
	s28 =	sadd.s32 s5, s15  }
0x7: {  	s9 =	smul.u32 $0x1A00, s4;
	s5 =	simm.s32 $0x3;
	s4 =	sadd.s32 $0xAA000, s28  }
0x8: {  	[tilespmem:s3], [sflag:$0x3] =	stream.linear.gather [hbm4b:s4+s3], $0x680, $0x38;
	[tilespmem:$0x12680] =	vst v63  }
0x9: {  	s7 =	sshrl.u32 s6, $0x3;
	s8 =	sadd.s32 s6, s2;
	_ =	swait.ge [sflag:s5], $0x680  }
0xa: {  	s7 =	sadd.s32 s7, s15;
	s8 =	sshrl.u32 s8, $0x3;
	[sflag:s5] =	ssyncset.done $0x0  }
0xb: {  	s6 =	sadd.s32 $0x4CC00, s7;
	s7 =	sor.u32 $0x1C03, s29;
	[sflag:s5] =	ssyncadd.s32 $0xFFFFF980  }
0xc: {  	[spmem:s8], [sflag:s7] =	dma.local [hbm:s6], $0xA00  }
0xd: {  	_ =	swait.ge [sflag:s5], $0xA00  }
0xe: {  	s10 =	simm.s32 $0x10;
	s11 =	simm.s32 $0x20;
	[sflag:s5] =	ssyncset.done $0x0  }
0xf: {  	s12 =	simm.s32 $0x680;
	s17 =	sadd.s32 s9, s15;
	[sflag:s5] =	ssyncadd.s32 $0xFFFFF600  }
0x10: {  	s13 =	simm.s32 $0x2;
	s9 =	sadd.s32 $0x18C00, s17;
	[bflag:$0x0] =	sbarrier.arrive $0xFFFF  }
0x11: {  	[tilespmem:s12], [sflag:$0x2] =	stream.strided.gather [hbm4b:s9+s10], $0x6800, s11, s10, $0x38;
	[tilespmem:$0x12680] =	vst v63  }
0x12: {  	_ =	swait.ge [sflag:s13], $0x6800  }
0x13: {  	s19 =	smul.u32 $0xA000, s0;
	[sflag:s13] =	ssyncset.done $0x0  }
0x14: {  	s14 =	simm.s32 $0x1;
	s16 =	smul.u32 $0xA0000, s18;
	[sflag:s13] =	ssyncadd.s32 $0xFFFF9800  }
0x15: {  	[spmem:s2] =	stream.indirect.scatter.add.f32 [tilespmem:s12], [sflag:$0x1], $0x10, s3, s12, $0xb8;
	[tilespmem:$0x12680] =	vst v63  }
0x16: {  	s16 =	sadd.s32 s19, s16;
	_ =	swait.ge [sflag:s14], $0x6800  }
0x17: {  	s16 =	sshrl.u32 s16, $0x3;
	[sflag:s14] =	ssyncset.done $0x0  }
0x18: {  	s30 =	sadd.s32 s16, s15;
	[sflag:s14] =	ssyncadd.s32 $0xFFFF9800  }
0x19: {  	s16 =	simm.s32 $0x4;
	s15 =	sadd.s32 $0xB8A00, s30;
	[bflag:$0x0] =	sbarrier.arrive $0xFFFF  }
0x1a: {  	[hbm:s15@s16], [sflag:s7] =	dma.strided [spmem:s8@s13], $0xA00, s14, $0x2   }
0x1b: {  	_ =	swait.ge [sflag:s5], $0xA00  }
0x1c: {  	[sflag:s5] =	ssyncset.done $0x0  }
0x1d: {  	[sflag:s5] =	ssyncadd.s32 $0xFFFFF600  }
0x1e: {  	[bflag:$0x0] =	sbarrier.arrive $0xFFFF  }
0x1f: {  	[spmem:s8], [sflag:s7] =	dma.local [hbm:s6], $0xA00  }
0x20: {  	_ =	swait.ge [sflag:s5], $0xA00  }
0x21: {  	[sflag:s5] =	ssyncset.done $0x0  }
0x22: {  	[sflag:s5] =	ssyncadd.s32 $0xFFFFF600  }
0x23: {  	s17 =	sadd.s32 $0x18C02, s17;
	[bflag:$0x0] =	sbarrier.arrive $0xFFFF  }
0x24: {  	[tilespmem:s12], [sflag:$0x2] =	stream.strided.gather [hbm4b:s17+s10], $0x6800, s11, s10, $0x38;
	[tilespmem:$0x12680] =	vst v63  }
0x25: {  	_ =	swait.ge [sflag:s13], $0x6800  }
0x26: {  	s18 =	ssub.s32 $0x2, s18;
	[sflag:s13] =	ssyncset.done $0x0  }
0x27: {  	s20 =	sshrl.u32 s18, $0x1;
	[sflag:s13] =	ssyncadd.s32 $0xFFFF9800  }
0x28: {  	[spmem:s2] =	stream.indirect.scatter.add.f32 [tilespmem:s12], [sflag:$0x1], $0x10, s3, s12, $0xb8;
	[tilespmem:$0x12680] =	vst v63  }
0x29: {  	s20 =	ssub.s32 s18, s20;
	_ =	swait.ge [sflag:s14], $0x6800  }
0x2a: {  	s31 =	smax.u32 s20, $0x1;
	[sflag:s14] =	ssyncset.done $0x0  }
0x2b: {  	p0 =	sne.s32 s31, $0x1;
	[sflag:s14] =	ssyncadd.s32 $0xFFFF9800  }
.Ltmp0:
0x2c: {  	s18 =	sadd.s32 $0xB8A02, s30;
	[bflag:$0x0] =	sbarrier.arrive $0xFFFF;
	(pc) =	sbr.rel @!p0 .LBB2_2-.Ltmp0, $4  }
0x2d: {  	[hbm:s18@s16], [sflag:s7] =	dma.strided [spmem:s8@s13], $0xA00, s14, $0x2   }
0x2e: {  	_ =	swait.ge [sflag:s5], $0xA00  }
0x2f: {  	[sflag:s5] =	ssyncset.done $0x0  }
0x30: {  	s19 =	sadd.s32 $0xFFFFFFFF, s31;
	[sflag:s5] =	ssyncadd.s32 $0xFFFFF600  }
.LBB2_1:
0x31: {  	p0 =	sne.s32 s19, $0x1;
	s19 =	sadd.s32 $0xFFFFFFFF, s19;
	[bflag:$0x0] =	sbarrier.arrive $0xFFFF  }
0x32: {  	[tilespmem:s3], [sflag:$0x3] =	stream.linear.gather [hbm4b:s4+s3], $0x680, $0x38;
	[tilespmem:$0x12680] =	vst v63  }
0x33: {  	_ =	swait.ge [sflag:s5], $0x680  }
0x34: {  	[sflag:s5] =	ssyncset.done $0x0  }
0x35: {  	[sflag:s5] =	ssyncadd.s32 $0xFFFFF980  }
0x36: {  	[spmem:s8], [sflag:s7] =	dma.local [hbm:s6], $0xA00  }
0x37: {  	_ =	swait.ge [sflag:s5], $0xA00  }
0x38: {  	[sflag:s5] =	ssyncset.done $0x0  }
0x39: {  	[sflag:s5] =	ssyncadd.s32 $0xFFFFF600  }
0x3a: {  	[bflag:$0x0] =	sbarrier.arrive $0xFFFF  }
0x3b: {  	[tilespmem:s12], [sflag:$0x2] =	stream.strided.gather [hbm4b:s9+s10], $0x6800, s11, s10, $0x38;
	[tilespmem:$0x12680] =	vst v63  }
0x3c: {  	_ =	swait.ge [sflag:s13], $0x6800  }
0x3d: {  	[sflag:s13] =	ssyncset.done $0x0  }
0x3e: {  	[sflag:s13] =	ssyncadd.s32 $0xFFFF9800  }
0x3f: {  	[spmem:s2] =	stream.indirect.scatter.add.f32 [tilespmem:s12], [sflag:$0x1], $0x10, s3, s12, $0xb8;
	[tilespmem:$0x12680] =	vst v63  }
0x40: {  	_ =	swait.ge [sflag:s14], $0x6800  }
0x41: {  	[sflag:s14] =	ssyncset.done $0x0  }
0x42: {  	[sflag:s14] =	ssyncadd.s32 $0xFFFF9800  }
0x43: {  	[bflag:$0x0] =	sbarrier.arrive $0xFFFF  }
0x44: {  	[hbm:s15@s16], [sflag:s7] =	dma.strided [spmem:s8@s13], $0xA00, s14, $0x2   }
0x45: {  	_ =	swait.ge [sflag:s5], $0xA00  }
0x46: {  	[sflag:s5] =	ssyncset.done $0x0  }
0x47: {  	[sflag:s5] =	ssyncadd.s32 $0xFFFFF600  }
0x48: {  	[bflag:$0x0] =	sbarrier.arrive $0xFFFF  }
0x49: {  	[spmem:s8], [sflag:s7] =	dma.local [hbm:s6], $0xA00  }
0x4a: {  	_ =	swait.ge [sflag:s5], $0xA00  }
0x4b: {  	[sflag:s5] =	ssyncset.done $0x0  }
0x4c: {  	[sflag:s5] =	ssyncadd.s32 $0xFFFFF600  }
0x4d: {  	[bflag:$0x0] =	sbarrier.arrive $0xFFFF  }
0x4e: {  	[tilespmem:s12], [sflag:$0x2] =	stream.strided.gather [hbm4b:s17+s10], $0x6800, s11, s10, $0x38;
	[tilespmem:$0x12680] =	vst v63  }
0x4f: {  	_ =	swait.ge [sflag:s13], $0x6800  }
0x50: {  	[sflag:s13] =	ssyncset.done $0x0  }
0x51: {  	[sflag:s13] =	ssyncadd.s32 $0xFFFF9800  }
0x52: {  	[spmem:s2] =	stream.indirect.scatter.add.f32 [tilespmem:s12], [sflag:$0x1], $0x10, s3, s12, $0xb8;
	[tilespmem:$0x12680] =	vst v63  }
0x53: {  	_ =	swait.ge [sflag:s14], $0x6800  }
0x54: {  	[sflag:s14] =	ssyncset.done $0x0  }
0x55: {  	[sflag:s14] =	ssyncadd.s32 $0xFFFF9800  }
.Ltmp1:
0x56: {  	[bflag:$0x0] =	sbarrier.arrive $0xFFFF;
	(pc) =	sbr.rel @p0 .LBB2_1-.Ltmp1, $4  }
0x57: {  	[hbm:s18@s16], [sflag:s7] =	dma.strided [spmem:s8@s13], $0xA00, s14, $0x2   }
0x58: {  	_ =	swait.ge [sflag:s5], $0xA00  }
0x59: {  	[sflag:s5] =	ssyncset.done $0x0  }
0x5a: {  	[sflag:s5] =	ssyncadd.s32 $0xFFFFF600  }
.LBB2_2:
0x5b: {  	[bflag:$0x0] =	sbarrier.arrive $0xFFFF  }
0x5c: {  	_ =	sfence.sel $0x180000  }
0x5d: {  	[bflag:$0x0] =	sbarrier.arrive $0xFFFF  }
0x5e: {  	p0 =	sne.s32 s0, $0x0;
	_ =	strace $0x90000050  }
0x5f: {  	s0 =	sadd.s32 @!p0 $0x100000, s1;
	[bflag:$0x2] =	sbarrier.arrive $0xFFFF  }
0x60: {  	[sflag:s0] =	ssyncadd.tile.s32 @!p0 $0x1;
	_ =	shalt  }
.Lfunc_end2:
_tile_overlayer_lowered:
.L_overlay_start_2:
0x61: {  	(tag) =	ssettag $0x2  }
0x62: {  	s0 =	rddreg [dreg:$0x0];
	s2 =	stileid.u32  }
0x63: {  	s1 =	rddreg [dreg:$0x1];
	p0 =	sne.s32 s2, $0x0  }
0x64: {  	s3 =	rddreg [dreg:$0x2];
	[bflag:$0x3] =	sbarrier.arrive $0xFFFF;
	s2 =	simm.s32 @!p0 $0x1C03  }
0x65: {  	[timem:s3], [sflag:s2] =	dma.local @!p0 [hbm:s0], s1  }
0x66: {  	s0 =	simm.s32 @!p0 $0x3  }
0x67: {  	_ =	swait.ge @!p0 [sflag:s0], s1  }
0x68: {  	s1 =	ssub.s32 @!p0 $0x0, s1;
	[sflag:s0] =	ssyncset.done @!p0 $0x0  }
0x69: {  	[sflag:s0] =	ssyncadd.s32 @!p0 s1  }
0x6a: {  	[bflag:$0x3] =	sbarrier.arrive $0xFFFF  }
0x6b: {  	_ =	shalt  }

// kernel: kernel.29.cloned.1.call-start
scs
__scs_entry_jumppad:
0x0: {  	(pc) =	sbr.rel $0x88, $3  }
0x1: {  	(tag) =	ssettag $0x0;
	lr =	simm.s32 $0x1  }
0x2: {  	[smem:$0x3F81] =	sst lr;
	_ =	strace $0xD0000000  }
0x3: {  	_ = 	snop  }
0x4: {  	_ = 	snop  }
0x5: {  	_ = 	snop  }
0x6: {  	_ = 	snop  }
0x7: {  	_ = 	snop  }
__scs_overlays_trampoline_lowered:
0x8: {  	[smem:$0x3F90] =	sst s0  }
0x9: {  	[smem:$0x3F91] =	sst s1  }
0xa: {  	[smem:$0x3F92] =	sst s2  }
0xb: {  	[smem:$0x3F93] =	sst s3  }
0xc: {  	[smem:$0x3F94] =	sst s4  }
0xd: {  	[smem:$0x3F95] =	sst s5  }
0xe: {  	[smem:$0x3F96] =	sst s6  }
0xf: {  	[smem:$0x3F97] =	sst s7  }
0x10: {  	[smem:$0x3F98] =	sst s8  }
0x11: {  	[smem:$0x3F99] =	sst s9;
	s0 =	simm.s32 @!p0 $0x0  }
0x12: {  	s1 =	sld [smem:$0x3F7F];
	s0 =	simm.s32 @p0 $0x1  }
0x13: {  	[smem:$0x3F9A] =	sst s0;
	s0 =	simm.s32 @!p1 $0x0  }
0x14: {  	s2 =	sld [smem:$0x3F7E];
	s0 =	simm.s32 @p1 $0x1  }
0x15: {  	[smem:$0x3F9B] =	sst s0;
	s0 =	simm.s32 @!p2 $0x0  }
0x16: {  	s3 =	sld [smem:$0x3FDB];
	s0 =	simm.s32 @p2 $0x1  }
0x17: {  	s4 =	simm.s32 $0x1BF5;
	[smem:$0x3F9D] =	sst s0  }
0x18: {  	s0 =	sld [smem:$0x3F80];
	_ =	swait.ge [sflag:s4], $0x0  }
0x19: {  	s7 =	sld [smem:$0x3F81]  }
0x1a: {  	s8 =	sadd.s32 $0xFFFFE003, lr  }
0x1b: {  	s9 =	sadd.s32 $0xFFFFFEF7, lr;
	s5 =	simm.s32 $0xFFFFFFFF;
	p2 =	slt.u32 s8, $0xFFFFF086  }
0x1c: {  	p1 =	slt.u32 s9, $0xF7A;
	s5 =	simm.s32 @!p2 $0x0  }
0x1d: {  	s5 =	simm.s32 @p1 $0x1;
	p0 =	seq.s32 s7, s2  }
0x1e: {  	s7 =	smul.u32 @!p0 $0xF7A, s2;
	p2 =	seq.s32 @!p0 s5, $0x0  }
0x1f: {  	s9 =	smul.u32 $0xF7A, s1;
	s8 =	simm.s32 @!p0 $0x1BF5;
	p2 =	por !p2, p0  }
0x20: {  	[sflag:s8] =	ssyncset.s32 @!p0 $0xFFFFF086;
	s6 =	sadd.s32 @!p0 s3, s7;
	s7 =	simm.s32 @!p0 $0x108  }
0x21: {  	s3 =	sadd.s32 s3, s9;
	s6 =	sadd.s32 @!p0 $0x88, s6;
	s7 =	simm.s32 @p2 $0x1082  }
0x22: {  	[simem:s7], [sflag:s8] =	dma.local @!p0 [hbm:s6], $0xF7A  }
0x23: {  	s9 =	sor.u32 $0xD0000000, s2;
	s6 =	simm.s32 $0x108;
	_ =	swait.ge @!p0 [sflag:s8], $0x0  }
0x24: {  	s3 =	sadd.s32 $0x88, s3;
	s6 =	simm.s32 @!p1 $0x1082;
	[sflag:s4] =	ssyncset.s32 $0xFFFFF086  }
0x25: {  	[simem:s6], [sflag:s4] =	dma.local [hbm:s3], $0xF7A  }
0x26: {  	[smem:$0x3F81] =	sst s1;
	(tag) =	ssettag s2;
	_ =	strace s9  }
0x27: {  	s1 =	sld [smem:$0x3F91]  }
0x28: {  	s2 =	sld [smem:$0x3F92]  }
0x29: {  	s4 =	sld [smem:$0x3F94]  }
0x2a: {  	p0 =	seq.s32 s5, $0x0;
	s5 =	sld [smem:$0x3F95]  }
0x2b: {  	s6 =	sld [smem:$0x3F96]  }
0x2c: {  	s7 =	sld [smem:$0x3F97]  }
0x2d: {  	s3 =	simm.s32 $0x108;
	s8 =	sld [smem:$0x3F98]  }
0x2e: {  	s3 =	simm.s32 @!p0 $0x1082;
	s9 =	sld [smem:$0x3F99]  }
0x2f: {  	lr =	sadd.s32 s0, s3;
	s0 =	sld [smem:$0x3F90]  }
0x30: {  	s3 =	sld [smem:$0x3F93]  }
0x31: {  	[smem:$0x3F9C] =	sst s10  }
0x32: {  	s10 =	sld [smem:$0x3F9A];
	_ =	sdelay $0x3  }
0x33: {  	p0 =	seq.s32 s10, $0x1;
	s10 =	sld [smem:$0x3F9C];
	_ =	sdelay $0x3  }
0x34: {  	[smem:$0x3F9C] =	sst s10  }
0x35: {  	s10 =	sld [smem:$0x3F9B];
	_ =	sdelay $0x3  }
0x36: {  	p1 =	seq.s32 s10, $0x1;
	s10 =	sld [smem:$0x3F9C];
	_ =	sdelay $0x3  }
0x37: {  	[smem:$0x3F9C] =	sst s10  }
0x38: {  	s10 =	sld [smem:$0x3F9D]  }
0x39: {  	_ = 	snop;
	(pc) =	sbr.ind lr, $3  }
0x3a: {  	_ = 	snop  }
0x3b: {  	_ = 	snop  }
0x3c: {  	p2 =	seq.s32 s10, $0x1;
	s10 =	sld [smem:$0x3F9C]  }
0x3d: {  	_ =	shalt  }
0x3e: {  	_ =	shalt  }
0x3f: {  	_ =	shalt  }
0x40: {  	_ =	shalt  }
0x41: {  	_ =	shalt  }
0x42: {  	_ =	shalt  }
0x43: {  	_ =	shalt  }
0x44: {  	_ =	shalt  }
0x45: {  	_ =	shalt  }
0x46: {  	_ =	shalt  }
0x47: {  	_ =	shalt  }
0x48: {  	_ =	shalt  }
0x49: {  	_ =	shalt  }
0x4a: {  	_ =	shalt  }
0x4b: {  	_ =	shalt  }
0x4c: {  	_ =	shalt  }
0x4d: {  	_ =	shalt  }
0x4e: {  	_ =	shalt  }
0x4f: {  	_ =	shalt  }
0x50: {  	_ =	shalt  }
0x51: {  	_ =	shalt  }
0x52: {  	_ =	shalt  }
0x53: {  	_ =	shalt  }
0x54: {  	_ =	shalt  }
0x55: {  	_ =	shalt  }
0x56: {  	_ =	shalt  }
0x57: {  	_ =	shalt  }
0x58: {  	_ =	shalt  }
0x59: {  	_ =	shalt  }
0x5a: {  	_ =	shalt  }
0x5b: {  	_ =	shalt  }
0x5c: {  	_ =	shalt  }
0x5d: {  	_ =	shalt  }
0x5e: {  	_ =	shalt  }
0x5f: {  	_ =	shalt  }
0x60: {  	_ =	shalt  }
0x61: {  	_ =	shalt  }
0x62: {  	_ =	shalt  }
0x63: {  	_ =	shalt  }
0x64: {  	_ =	shalt  }
0x65: {  	_ =	shalt  }
0x66: {  	_ =	shalt  }
0x67: {  	_ =	shalt  }
0x68: {  	_ =	shalt  }
0x69: {  	_ =	shalt  }
0x6a: {  	_ =	shalt  }
0x6b: {  	_ =	shalt  }
0x6c: {  	_ =	shalt  }
0x6d: {  	_ =	shalt  }
0x6e: {  	_ =	shalt  }
0x6f: {  	_ =	shalt  }
0x70: {  	_ =	shalt  }
0x71: {  	_ =	shalt  }
0x72: {  	_ =	shalt  }
0x73: {  	_ =	shalt  }
0x74: {  	_ =	shalt  }
0x75: {  	_ =	shalt  }
0x76: {  	_ =	shalt  }
0x77: {  	_ =	shalt  }
0x78: {  	_ =	shalt  }
0x79: {  	_ =	shalt  }
0x7a: {  	_ =	shalt  }
0x7b: {  	_ =	shalt  }
0x7c: {  	_ =	shalt  }
0x7d: {  	_ =	shalt  }
0x7e: {  	_ =	shalt  }
0x7f: {  	_ =	shalt  }
0x80: {  	_ =	shalt  }
0x81: {  	_ =	shalt  }
0x82: {  	_ =	shalt  }
0x83: {  	_ =	shalt  }
0x84: {  	_ =	shalt  }
0x85: {  	_ =	shalt  }
0x86: {  	_ =	shalt  }
0x87: {  	_ =	shalt  }
.Lfunc_end0:
.L_simem_size_0:
called_computation.4_lowered:
.L_overlay_start_0:
0x88: {  	s2 =	sld [smem:$0x3FD9]  }
0x89: {  	s3 =	sld [smem:$0x3FFE];
	_ =	sdelay $0x1  }
0x8a: {  	s1 =	srdreg.scid  }
0x8b: {  	s0 =	sand.u32 $0x1, s1  }
0x8c: {  	s16 =	sshll.u32 s0, $0xA;
	s2 =	sadd.s32 s3, s2  }
0x8d: {  	s2 =	sadd.s32 s2, s16  }
0x8e: {  	[smem:$0x3FA8] =	sst s2  }
0x8f: {  	_ = 	snop  }
0x90: {  	(tm) =	ssettm $0x1  }
0x91: {  	s17 =	sld [smem:$0x3FFB];
	_ =	sdelay $0x3  }
0x92: {  	_ =	strace s17  }
0x93: {  	s2 =	sld [smem:$0x3FFC];
	_ =	sdelay $0x3  }
0x94: {  	_ =	strace s2  }
0x95: {  	s2 =	sld [smem:$0x3FFD];
	_ =	sdelay $0x3  }
0x96: {  	_ =	strace s2  }
0x97: {  	_ =	strace $0x8FFFFFFF  }
0x98: {  	s18 =	sld [smem:$0x3FDB];
	_ =	sdelay $0x1  }
0x99: {  	s19 =	simm.s32 $_scs_section_size  }
0x9a: {  	s4 =	simm.s32 $_size__tile_overlayer_lowered;
	s5 =	simm.s32 $_tile_overlayer_lowered  }
0x9b: {  	s22 =	simm.s32 $0x1BFF;
	s21 =	sshll.u32 s5, $0x1;
	s2 =	sadd.s32 s19, s18  }
0x9c: {  	s6 =	simm.s32 $0x0;
	s20 =	sshll.u32 s4, $0x1;
	s4 =	sadd.s32 s21, s2  }
0x9d: {  	[timem:s6], [sflag:s22] =	dma.local [hbm:s4], s20  }
0x9e: {  	_ =	swait.ge [sflag:s22], s20  }
0x9f: {  	s3 =	ssub.s32 $0x0, s20;
	[sflag:s22] =	ssyncset.done $0x0  }
0xa0: {  	[sflag:s22] =	ssyncadd.s32 s3;
	_ =	sdelay $0x1  }
0xa1: {  	s23 =	simm.s32 $0x1B8B  }
0xa2: {  	_ =	swait.ge [sflag:s23], $0x1  }
0xa3: {  	[sflag:s23] =	ssyncset.done $0x0  }
0xa4: {  	s25 =	simm.s32 $0x1B8E;
	s24 =	sld [smem:$0x3FFE];
	[sflag:s23] =	ssyncadd.s32 $0xFFFFFFFF  }
0xa5: {  	s26 =	simm.s32 $execute0_lowered;
	[smem:$0x3FD2] =	sst s25  }
0xa6: {  	s4 =	sshll.u32 s26, $0x1;
	_ =	strace $0x80000052;
	[dreg:$0x1] =	wrdreg $0xFFFFFFFF  }
0xa7: {  	s28 =	simm.s32 $_size_execute0_lowered;
	s2 =	sadd.s32 s2, s4;
	[dreg:$0x0] =	wrdreg $0x0  }
0xa8: {  	s4 =	sshll.u32 s28, $0x1;
	[dreg:$0x2] =	wrdreg s2  }
0xa9: {  	[dreg:$0x3] =	wrdreg s4  }
0xaa: {  	[dreg:$0x4] =	wrdreg $0xC0  }
0xab: {  	_ =	task [dreg:s6], $0x5FFFF  }
0xac: {  	[dreg:$0x1] =	wrdreg $0xFFFFFFFF  }
0xad: {  	[dreg:$0x0] =	wrdreg $0x60  }
0xae: {  	[dreg:$0x2] =	wrdreg s24  }
0xaf: {  	[dreg:$0x3] =	wrdreg $0x9  }
0xb0: {  	_ =	task.clear_ibuf [dreg:s6], $0x4FFFF;
	_ =	strace $0x90000052  }
0xb1: {  	s29 =	simm.s32 $0x9;
	_ =	strace $0x80000054  }
0xb2: {  	_ =	swait.ge [sflag:s29], $0x1  }
0xb3: {  	[sflag:s29] =	ssyncadd.s32 $0xFFFFFFFF  }
0xb4: {  	_ =	strace $0x90000054  }
0xb5: {  	_ =	sfence  }
0xb6: {  	s30 =	sld [smem:$0x0];
	_ =	sdelay $0x2  }
0xb7: {  	s31 =	sshll.u32 s1, $0xD;
	s1 =	sshrl.u32 s1, $0x2  }
0xb8: {  	s3 =	sand.u32 $0x4000, s31;
	s1 =	sadd.s32 s1, s30  }
0xb9: {  	s0 =	sor.u32 s3, s0;
	s1 =	sshll.u32 s1, $0x11  }
0xba: {  	s0 =	sor.u32 s1, s0  }
0xbb: {  	s0 =	sadd.s32 $0x8F2B, s0  }
0xbc: {  	[sflag:s0] =	ssyncadd.remote.s32 $0x1  }
0xbd: {  	_ =	sfence.sel $0xFFFF  }
0xbe: {  	[dreg:$0x0] =	wrdreg $0xFFFFFFFF;
	(pc) =	sbr.abs _section_cstart, $3  }
0xbf: {  	[dreg:$0x1] =	wrdreg $0xFFFFFFFF  }
0xc0: {  	_ =	task.clear_ibuf [dreg:s6], $0x2FFFF;
	_ =	strace $0x9FFFFFFF  }
0xc1: {  	(tm) =	ssettm $0x7FFFFFFF  }
tec
execute0_lowered:
.L_overlay_start_1:
0x0: {  	(tag) =	ssettag $0x1  }
0x1: {  	s1 =	srdreg.scid;
	s0 =	stileid.u32  }
0x2: {  	s15 =	sand.u32 $0x1, s1;
	s30 =	sshll.u32 s0, $0x1  }
0x3: {  	s6 =	sor.u32 s15, s30  }
0x4: {  	s3 =	smul.u32 $0x260, s6  }
0x5: {  	s9 =	rddreg [dreg:$0x0];
	s2 =	simm.s32 $0x0  }
0x6: {  	s4 =	simm.s32 $0x4;
	[smem:$0x7FF] =	sst s2;
	s3 =	sadd.s32 s3, s9  }
0x7: {  	s1 =	rddreg [dreg:$0x1];
	_ =	strace $0x80000053;
	s3 =	sadd.s32 $0xD200, s3  }
0x8: {  	[tilespmem:s2], [sflag:$0x4] =	stream.linear.gather [hbm4b:s3+s2], $0x1300, $0x38;
	[tilespmem:$0x1B300] =	vst v63  }
0x9: {  	s7 =	simm.s32 $0x1300;
	_ =	swait.ge [sflag:s4], $0x1300  }
0xa: {  	s8 =	simm.s32 $0x1;
	s5 =	sadd.s32 $0x18C00, s9;
	[sflag:s4] =	ssyncset.done $0x0  }
0xb: {  	s10 =	smul.u32 $0x26000, s6;
	s6 =	simm.s32 $0x680;
	[sflag:s4] =	ssyncadd.s32 $0xFFFFED00  }
0xc: {  	[tilespmem:s7], [sflag:$0x1] =	stream.indirect.gather [hbm4b:s5+s6], $0x20, s2, s6, $0xb8;
	[tilespmem:$0x1B300] =	vst v63  }
0xd: {  	s10 =	sshrl.u32 s10, $0x3;
	_ =	swait.ge [sflag:s8], $0xD000  }
0xe: {  	s16 =	sadd.s32 s10, s9;
	[sflag:s8] =	ssyncset.done $0x0  }
0xf: {  	s9 =	sadd.s32 $0x108A00, s16;
	[sflag:s8] =	ssyncadd.s32 $0xFFFF3000  }
0x10: {  	[hbm4b:s9+s2] =	stream.linear.scatter [tilespmem:s7], [sflag:$0x2], $0xD000, $0x38;
	[tilespmem:$0x1B300] =	vst v63  }
0x11: {  	s10 =	simm.s32 $0xE300  }
0x12: {  	[tilespmem:s10], [sflag:$0x1] =	stream.indirect.gather [hbm4b:s5+s6], $0x20, s6, s6, $0xb8;
	[tilespmem:$0x1B300] =	vst v63  }
0x13: {  	_ =	swait.ge [sflag:s8], $0xD000  }
0x14: {  	[sflag:s8] =	ssyncset.done $0x0  }
0x15: {  	s12 =	simm.s32 $0x2;
	s11 =	sadd.s32 $0x10A400, s16;
	[sflag:s8] =	ssyncadd.s32 $0xFFFF3000  }
0x16: {  	[hbm4b:s11+s2] =	stream.linear.scatter [tilespmem:s10], [sflag:$0x3], $0xD000, $0x38;
	[tilespmem:$0x1B300] =	vst v63  }
0x17: {  	_ =	swait.ge [sflag:s12], $0xD000  }
0x18: {  	s13 =	simm.s32 $0x600;
	s17 =	ssub.s32 $0x2, s15;
	[sflag:s12] =	ssyncset.done $0x0  }
0x19: {  	s14 =	simm.s32 $0xD00;
	s31 =	sshrl.u32 s17, $0x1;
	[sflag:s12] =	ssyncadd.s32 $0xFFFF3000  }
0x1a: {  	[tilespmem:s7], [sflag:$0x1] =	stream.indirect.gather [hbm4b:s5+s13], $0x20, s14, s13, $0xb8;
	[tilespmem:$0x1B300] =	vst v63  }
0x1b: {  	s15 =	sadd.s32 $0x10BE00, s16;
	s16 =	ssub.s32 s17, s31;
	_ =	swait.ge [sflag:s8], $0xC000  }
0x1c: {  	s17 =	smax.u32 s16, $0x1;
	[sflag:s8] =	ssyncset.done $0x0  }
0x1d: {  	p0 =	sne.s32 s17, $0x1;
	[sflag:s8] =	ssyncadd.s32 $0xFFFF4000  }
0x1e: {  	[hbm4b:s15+s2] =	stream.linear.scatter [tilespmem:s7], [sflag:$0x2], $0xC000, $0x38;
	[tilespmem:$0x1B300] =	vst v63  }
.Ltmp0:
0x1f: {  	_ =	swait.ge [sflag:s12], $0xC000;
	(pc) =	sbr.rel @!p0 .LBB2_2-.Ltmp0, $4  }
0x20: {  	[sflag:s12] =	ssyncset.done $0x0  }
0x21: {  	s16 =	simm.s32 $0x3;
	[sflag:s12] =	ssyncadd.s32 $0xFFFF4000  }
0x22: {  	_ =	swait.ge [sflag:s16], $0xD000  }
0x23: {  	s17 =	sadd.s32 $0xFFFFFFFF, s17;
	[sflag:s16] =	ssyncset.done $0x0  }
.LBB2_1:
0x24: {  	p0 =	sne.s32 s17, $0x1;
	s17 =	sadd.s32 $0xFFFFFFFF, s17;
	[sflag:s16] =	ssyncadd.s32 $0xFFFF3000  }
0x25: {  	[tilespmem:s2], [sflag:$0x4] =	stream.linear.gather [hbm4b:s3+s2], $0x1300, $0x38;
	[tilespmem:$0x1B300] =	vst v63  }
0x26: {  	_ =	swait.ge [sflag:s4], $0x1300  }
0x27: {  	[sflag:s4] =	ssyncset.done $0x0  }
0x28: {  	[sflag:s4] =	ssyncadd.s32 $0xFFFFED00  }
0x29: {  	[tilespmem:s7], [sflag:$0x1] =	stream.indirect.gather [hbm4b:s5+s6], $0x20, s2, s6, $0xb8;
	[tilespmem:$0x1B300] =	vst v63  }
0x2a: {  	_ =	swait.ge [sflag:s8], $0xD000  }
0x2b: {  	[sflag:s8] =	ssyncset.done $0x0  }
0x2c: {  	[sflag:s8] =	ssyncadd.s32 $0xFFFF3000  }
0x2d: {  	[hbm4b:s9+s2] =	stream.linear.scatter [tilespmem:s7], [sflag:$0x2], $0xD000, $0x38;
	[tilespmem:$0x1B300] =	vst v63  }
0x2e: {  	_ = 	snop  }
0x2f: {  	[tilespmem:s10], [sflag:$0x1] =	stream.indirect.gather [hbm4b:s5+s6], $0x20, s6, s6, $0xb8;
	[tilespmem:$0x1B300] =	vst v63  }
0x30: {  	_ =	swait.ge [sflag:s8], $0xD000  }
0x31: {  	[sflag:s8] =	ssyncset.done $0x0  }
0x32: {  	[sflag:s8] =	ssyncadd.s32 $0xFFFF3000  }
0x33: {  	[hbm4b:s11+s2] =	stream.linear.scatter [tilespmem:s10], [sflag:$0x3], $0xD000, $0x38;
	[tilespmem:$0x1B300] =	vst v63  }
0x34: {  	_ =	swait.ge [sflag:s12], $0xD000  }
0x35: {  	[sflag:s12] =	ssyncset.done $0x0  }
0x36: {  	[sflag:s12] =	ssyncadd.s32 $0xFFFF3000  }
0x37: {  	[tilespmem:s7], [sflag:$0x1] =	stream.indirect.gather [hbm4b:s5+s13], $0x20, s14, s13, $0xb8;
	[tilespmem:$0x1B300] =	vst v63  }
0x38: {  	_ =	swait.ge [sflag:s8], $0xC000  }
0x39: {  	[sflag:s8] =	ssyncset.done $0x0  }
0x3a: {  	[sflag:s8] =	ssyncadd.s32 $0xFFFF4000  }
0x3b: {  	[hbm4b:s15+s2] =	stream.linear.scatter [tilespmem:s7], [sflag:$0x2], $0xC000, $0x38;
	[tilespmem:$0x1B300] =	vst v63  }
.Ltmp1:
0x3c: {  	_ =	swait.ge [sflag:s12], $0xC000;
	(pc) =	sbr.rel @p0 .LBB2_1-.Ltmp1, $4  }
0x3d: {  	[sflag:s12] =	ssyncset.done $0x0  }
0x3e: {  	[sflag:s12] =	ssyncadd.s32 $0xFFFF4000  }
0x3f: {  	_ =	swait.ge [sflag:s16], $0xD000  }
0x40: {  	[sflag:s16] =	ssyncset.done $0x0  }
.LBB2_2:
0x41: {  	[sflag:s16] =	ssyncadd.s32 $0xFFFF3000  }
0x42: {  	_ =	sfence.sel $0x180000  }
0x43: {  	[bflag:$0x0] =	sbarrier.arrive $0xFFFF  }
0x44: {  	p0 =	sne.s32 s0, $0x0;
	_ =	strace $0x90000053  }
0x45: {  	s0 =	sadd.s32 @!p0 $0x100000, s1;
	[bflag:$0x2] =	sbarrier.arrive $0xFFFF  }
0x46: {  	[sflag:s0] =	ssyncadd.tile.s32 @!p0 $0x1;
	_ =	shalt  }
.Lfunc_end2:
_tile_overlayer_lowered:
.L_overlay_start_2:
0x47: {  	(tag) =	ssettag $0x2  }
0x48: {  	s0 =	rddreg [dreg:$0x0];
	s2 =	stileid.u32  }
0x49: {  	s1 =	rddreg [dreg:$0x1];
	p0 =	sne.s32 s2, $0x0  }
0x4a: {  	s3 =	rddreg [dreg:$0x2];
	[bflag:$0x3] =	sbarrier.arrive $0xFFFF;
	s2 =	simm.s32 @!p0 $0x1C04  }
0x4b: {  	[timem:s3], [sflag:s2] =	dma.local @!p0 [hbm:s0], s1  }
0x4c: {  	s0 =	simm.s32 @!p0 $0x4  }
0x4d: {  	_ =	swait.ge @!p0 [sflag:s0], s1  }
0x4e: {  	s1 =	ssub.s32 @!p0 $0x0, s1;
	[sflag:s0] =	ssyncset.done @!p0 $0x0  }
0x4f: {  	[sflag:s0] =	ssyncadd.s32 @!p0 s1  }
0x50: {  	[bflag:$0x3] =	sbarrier.arrive $0xFFFF  }
0x51: {  	_ =	shalt  }

// kernel: kernel.32.cloned.1.call-start
scs
__scs_entry_jumppad:
0x0: {  	(pc) =	sbr.rel $0x88, $3  }
0x1: {  	(tag) =	ssettag $0x0;
	lr =	simm.s32 $0x1  }
0x2: {  	[smem:$0x3F81] =	sst lr;
	_ =	strace $0xD0000000  }
0x3: {  	_ = 	snop  }
0x4: {  	_ = 	snop  }
0x5: {  	_ = 	snop  }
0x6: {  	_ = 	snop  }
0x7: {  	_ = 	snop  }
__scs_overlays_trampoline_lowered:
0x8: {  	[smem:$0x3F90] =	sst s0  }
0x9: {  	[smem:$0x3F91] =	sst s1  }
0xa: {  	[smem:$0x3F92] =	sst s2  }
0xb: {  	[smem:$0x3F93] =	sst s3  }
0xc: {  	[smem:$0x3F94] =	sst s4  }
0xd: {  	[smem:$0x3F95] =	sst s5  }
0xe: {  	[smem:$0x3F96] =	sst s6  }
0xf: {  	[smem:$0x3F97] =	sst s7  }
0x10: {  	[smem:$0x3F98] =	sst s8  }
0x11: {  	[smem:$0x3F99] =	sst s9;
	s0 =	simm.s32 @!p0 $0x0  }
0x12: {  	s1 =	sld [smem:$0x3F7F];
	s0 =	simm.s32 @p0 $0x1  }
0x13: {  	[smem:$0x3F9A] =	sst s0;
	s0 =	simm.s32 @!p1 $0x0  }
0x14: {  	s2 =	sld [smem:$0x3F7E];
	s0 =	simm.s32 @p1 $0x1  }
0x15: {  	[smem:$0x3F9B] =	sst s0;
	s0 =	simm.s32 @!p2 $0x0  }
0x16: {  	s3 =	sld [smem:$0x3FDB];
	s0 =	simm.s32 @p2 $0x1  }
0x17: {  	s4 =	simm.s32 $0x1BF5;
	[smem:$0x3F9D] =	sst s0  }
0x18: {  	s0 =	sld [smem:$0x3F80];
	_ =	swait.ge [sflag:s4], $0x0  }
0x19: {  	s7 =	sld [smem:$0x3F81]  }
0x1a: {  	s8 =	sadd.s32 $0xFFFFE003, lr  }
0x1b: {  	s9 =	sadd.s32 $0xFFFFFEF7, lr;
	s5 =	simm.s32 $0xFFFFFFFF;
	p2 =	slt.u32 s8, $0xFFFFF086  }
0x1c: {  	p1 =	slt.u32 s9, $0xF7A;
	s5 =	simm.s32 @!p2 $0x0  }
0x1d: {  	s5 =	simm.s32 @p1 $0x1;
	p0 =	seq.s32 s7, s2  }
0x1e: {  	s7 =	smul.u32 @!p0 $0xF7A, s2;
	p2 =	seq.s32 @!p0 s5, $0x0  }
0x1f: {  	s9 =	smul.u32 $0xF7A, s1;
	s8 =	simm.s32 @!p0 $0x1BF5;
	p2 =	por !p2, p0  }
0x20: {  	[sflag:s8] =	ssyncset.s32 @!p0 $0xFFFFF086;
	s6 =	sadd.s32 @!p0 s3, s7;
	s7 =	simm.s32 @!p0 $0x108  }
0x21: {  	s3 =	sadd.s32 s3, s9;
	s6 =	sadd.s32 @!p0 $0x88, s6;
	s7 =	simm.s32 @p2 $0x1082  }
0x22: {  	[simem:s7], [sflag:s8] =	dma.local @!p0 [hbm:s6], $0xF7A  }
0x23: {  	s9 =	sor.u32 $0xD0000000, s2;
	s6 =	simm.s32 $0x108;
	_ =	swait.ge @!p0 [sflag:s8], $0x0  }
0x24: {  	s3 =	sadd.s32 $0x88, s3;
	s6 =	simm.s32 @!p1 $0x1082;
	[sflag:s4] =	ssyncset.s32 $0xFFFFF086  }
0x25: {  	[simem:s6], [sflag:s4] =	dma.local [hbm:s3], $0xF7A  }
0x26: {  	[smem:$0x3F81] =	sst s1;
	(tag) =	ssettag s2;
	_ =	strace s9  }
0x27: {  	s1 =	sld [smem:$0x3F91]  }
0x28: {  	s2 =	sld [smem:$0x3F92]  }
0x29: {  	s4 =	sld [smem:$0x3F94]  }
0x2a: {  	p0 =	seq.s32 s5, $0x0;
	s5 =	sld [smem:$0x3F95]  }
0x2b: {  	s6 =	sld [smem:$0x3F96]  }
0x2c: {  	s7 =	sld [smem:$0x3F97]  }
0x2d: {  	s3 =	simm.s32 $0x108;
	s8 =	sld [smem:$0x3F98]  }
0x2e: {  	s3 =	simm.s32 @!p0 $0x1082;
	s9 =	sld [smem:$0x3F99]  }
0x2f: {  	lr =	sadd.s32 s0, s3;
	s0 =	sld [smem:$0x3F90]  }
0x30: {  	s3 =	sld [smem:$0x3F93]  }
0x31: {  	[smem:$0x3F9C] =	sst s10  }
0x32: {  	s10 =	sld [smem:$0x3F9A];
	_ =	sdelay $0x3  }
0x33: {  	p0 =	seq.s32 s10, $0x1;
	s10 =	sld [smem:$0x3F9C];
	_ =	sdelay $0x3  }
0x34: {  	[smem:$0x3F9C] =	sst s10  }
0x35: {  	s10 =	sld [smem:$0x3F9B];
	_ =	sdelay $0x3  }
0x36: {  	p1 =	seq.s32 s10, $0x1;
	s10 =	sld [smem:$0x3F9C];
	_ =	sdelay $0x3  }
0x37: {  	[smem:$0x3F9C] =	sst s10  }
0x38: {  	s10 =	sld [smem:$0x3F9D]  }
0x39: {  	_ = 	snop;
	(pc) =	sbr.ind lr, $3  }
0x3a: {  	_ = 	snop  }
0x3b: {  	_ = 	snop  }
0x3c: {  	p2 =	seq.s32 s10, $0x1;
	s10 =	sld [smem:$0x3F9C]  }
0x3d: {  	_ =	shalt  }
0x3e: {  	_ =	shalt  }
0x3f: {  	_ =	shalt  }
0x40: {  	_ =	shalt  }
0x41: {  	_ =	shalt  }
0x42: {  	_ =	shalt  }
0x43: {  	_ =	shalt  }
0x44: {  	_ =	shalt  }
0x45: {  	_ =	shalt  }
0x46: {  	_ =	shalt  }
0x47: {  	_ =	shalt  }
0x48: {  	_ =	shalt  }
0x49: {  	_ =	shalt  }
0x4a: {  	_ =	shalt  }
0x4b: {  	_ =	shalt  }
0x4c: {  	_ =	shalt  }
0x4d: {  	_ =	shalt  }
0x4e: {  	_ =	shalt  }
0x4f: {  	_ =	shalt  }
0x50: {  	_ =	shalt  }
0x51: {  	_ =	shalt  }
0x52: {  	_ =	shalt  }
0x53: {  	_ =	shalt  }
0x54: {  	_ =	shalt  }
0x55: {  	_ =	shalt  }
0x56: {  	_ =	shalt  }
0x57: {  	_ =	shalt  }
0x58: {  	_ =	shalt  }
0x59: {  	_ =	shalt  }
0x5a: {  	_ =	shalt  }
0x5b: {  	_ =	shalt  }
0x5c: {  	_ =	shalt  }
0x5d: {  	_ =	shalt  }
0x5e: {  	_ =	shalt  }
0x5f: {  	_ =	shalt  }
0x60: {  	_ =	shalt  }
0x61: {  	_ =	shalt  }
0x62: {  	_ =	shalt  }
0x63: {  	_ =	shalt  }
0x64: {  	_ =	shalt  }
0x65: {  	_ =	shalt  }
0x66: {  	_ =	shalt  }
0x67: {  	_ =	shalt  }
0x68: {  	_ =	shalt  }
0x69: {  	_ =	shalt  }
0x6a: {  	_ =	shalt  }
0x6b: {  	_ =	shalt  }
0x6c: {  	_ =	shalt  }
0x6d: {  	_ =	shalt  }
0x6e: {  	_ =	shalt  }
0x6f: {  	_ =	shalt  }
0x70: {  	_ =	shalt  }
0x71: {  	_ =	shalt  }
0x72: {  	_ =	shalt  }
0x73: {  	_ =	shalt  }
0x74: {  	_ =	shalt  }
0x75: {  	_ =	shalt  }
0x76: {  	_ =	shalt  }
0x77: {  	_ =	shalt  }
0x78: {  	_ =	shalt  }
0x79: {  	_ =	shalt  }
0x7a: {  	_ =	shalt  }
0x7b: {  	_ =	shalt  }
0x7c: {  	_ =	shalt  }
0x7d: {  	_ =	shalt  }
0x7e: {  	_ =	shalt  }
0x7f: {  	_ =	shalt  }
0x80: {  	_ =	shalt  }
0x81: {  	_ =	shalt  }
0x82: {  	_ =	shalt  }
0x83: {  	_ =	shalt  }
0x84: {  	_ =	shalt  }
0x85: {  	_ =	shalt  }
0x86: {  	_ =	shalt  }
0x87: {  	_ =	shalt  }
.Lfunc_end0:
.L_simem_size_0:
called_computation.5_lowered:
.L_overlay_start_0:
0x88: {  	s2 =	sld [smem:$0x3FD9]  }
0x89: {  	s3 =	sld [smem:$0x3FFE];
	_ =	sdelay $0x1  }
0x8a: {  	s1 =	srdreg.scid  }
0x8b: {  	s0 =	sand.u32 $0x1, s1  }
0x8c: {  	s16 =	sshll.u32 s0, $0xA;
	s2 =	sadd.s32 s3, s2  }
0x8d: {  	s2 =	sadd.s32 s2, s16  }
0x8e: {  	[smem:$0x3FA8] =	sst s2  }
0x8f: {  	_ = 	snop  }
0x90: {  	(tm) =	ssettm $0x1  }
0x91: {  	s17 =	sld [smem:$0x3FFB];
	_ =	sdelay $0x3  }
0x92: {  	_ =	strace s17  }
0x93: {  	s2 =	sld [smem:$0x3FFC];
	_ =	sdelay $0x3  }
0x94: {  	_ =	strace s2  }
0x95: {  	s2 =	sld [smem:$0x3FFD];
	_ =	sdelay $0x3  }
0x96: {  	_ =	strace s2  }
0x97: {  	_ =	strace $0x8FFFFFFF  }
0x98: {  	s18 =	sld [smem:$0x3FDB];
	_ =	sdelay $0x1  }
0x99: {  	s19 =	simm.s32 $_scs_section_size  }
0x9a: {  	s4 =	simm.s32 $_size__tile_overlayer_lowered;
	s5 =	simm.s32 $_tile_overlayer_lowered  }
0x9b: {  	s22 =	simm.s32 $0x1BFF;
	s21 =	sshll.u32 s5, $0x1;
	s2 =	sadd.s32 s19, s18  }
0x9c: {  	s6 =	simm.s32 $0x0;
	s20 =	sshll.u32 s4, $0x1;
	s4 =	sadd.s32 s21, s2  }
0x9d: {  	[timem:s6], [sflag:s22] =	dma.local [hbm:s4], s20  }
0x9e: {  	_ =	swait.ge [sflag:s22], s20  }
0x9f: {  	s3 =	ssub.s32 $0x0, s20;
	[sflag:s22] =	ssyncset.done $0x0  }
0xa0: {  	[sflag:s22] =	ssyncadd.s32 s3;
	_ =	sdelay $0x1  }
0xa1: {  	s23 =	simm.s32 $0x1B8B  }
0xa2: {  	_ =	swait.ge [sflag:s23], $0x1  }
0xa3: {  	[sflag:s23] =	ssyncset.done $0x0  }
0xa4: {  	s25 =	simm.s32 $0x1B8E;
	s24 =	sld [smem:$0x3FFE];
	[sflag:s23] =	ssyncadd.s32 $0xFFFFFFFF  }
0xa5: {  	s26 =	simm.s32 $execute0_lowered;
	[smem:$0x3FD2] =	sst s25  }
0xa6: {  	s4 =	sshll.u32 s26, $0x1;
	_ =	strace $0x80000055;
	[dreg:$0x1] =	wrdreg $0xFFFFFFFF  }
0xa7: {  	s28 =	simm.s32 $_size_execute0_lowered;
	s2 =	sadd.s32 s2, s4;
	[dreg:$0x0] =	wrdreg $0x0  }
0xa8: {  	s4 =	sshll.u32 s28, $0x1;
	[dreg:$0x2] =	wrdreg s2  }
0xa9: {  	[dreg:$0x3] =	wrdreg s4  }
0xaa: {  	[dreg:$0x4] =	wrdreg $0xC0  }
0xab: {  	_ =	task [dreg:s6], $0x5FFFF  }
0xac: {  	[dreg:$0x1] =	wrdreg $0xFFFFFFFF  }
0xad: {  	[dreg:$0x0] =	wrdreg $0x60  }
0xae: {  	[dreg:$0x2] =	wrdreg s24  }
0xaf: {  	[dreg:$0x3] =	wrdreg $0xDC800  }
0xb0: {  	[dreg:$0x4] =	wrdreg $0x9  }
0xb1: {  	_ =	task.clear_ibuf [dreg:s6], $0x5FFFF;
	_ =	strace $0x90000055  }
0xb2: {  	s29 =	simm.s32 $0x9;
	_ =	strace $0x80000057  }
0xb3: {  	_ =	swait.ge [sflag:s29], $0x1  }
0xb4: {  	[sflag:s29] =	ssyncadd.s32 $0xFFFFFFFF  }
0xb5: {  	_ =	strace $0x90000057  }
0xb6: {  	_ =	sfence  }
0xb7: {  	s30 =	sld [smem:$0x0];
	_ =	sdelay $0x2  }
0xb8: {  	s31 =	sshll.u32 s1, $0xD;
	s1 =	sshrl.u32 s1, $0x2  }
0xb9: {  	s3 =	sand.u32 $0x4000, s31;
	s1 =	sadd.s32 s1, s30  }
0xba: {  	s0 =	sor.u32 s3, s0;
	s1 =	sshll.u32 s1, $0x11  }
0xbb: {  	s0 =	sor.u32 s1, s0  }
0xbc: {  	s0 =	sadd.s32 $0x8F2B, s0  }
0xbd: {  	[sflag:s0] =	ssyncadd.remote.s32 $0x1  }
0xbe: {  	_ =	sfence.sel $0xFFFF  }
0xbf: {  	[dreg:$0x0] =	wrdreg $0xFFFFFFFF;
	(pc) =	sbr.abs _section_cstart, $3  }
0xc0: {  	[dreg:$0x1] =	wrdreg $0xFFFFFFFF  }
0xc1: {  	_ =	task.clear_ibuf [dreg:s6], $0x2FFFF;
	_ =	strace $0x9FFFFFFF  }
0xc2: {  	(tm) =	ssettm $0x7FFFFFFF  }
0xc3: {  	_ =	shalt  }
tec
execute0_lowered:
.L_overlay_start_1:
0x0: {  	(tag) =	ssettag $0x1  }
0x1: {  	s1 =	srdreg.scid;
	s0 =	stileid.u32  }
0x2: {  	s23 =	sand.u32 $0x1, s1;
	s28 =	sshll.u32 s0, $0x1  }
0x3: {  	s20 =	rddreg [dreg:$0x0];
	s4 =	sor.u32 s23, s28  }
0x4: {  	s2 =	rddreg [dreg:$0x1];
	s5 =	smul.u32 $0x19000, s4  }
0x5: {  	s3 =	simm.s32 $0x0;
	s1 =	rddreg [dreg:$0x2];
	s4 =	smul.u32 $0x190, s4  }
0x6: {  	[smem:$0x7FF] =	sst s3;
	s6 =	smul.u32 $0xD000, s0  }
0x7: {  	s29 =	sshll.u32 s0, $0x6;
	_ =	strace $0x80000056;
	s4 =	sadd.s32 s4, s20  }
0x8: {  	s9 =	sshrl.u32 s5, $0x3;
	s5 =	simm.s32 $0x4;
	s4 =	sadd.s32 $0x9E00, s4  }
0x9: {  	[tilespmem:s3], [sflag:$0x4] =	stream.linear.gather [hbm4b:s4+s3], $0xC80, $0x38;
	[tilespmem:$0x1AC80] =	vst v63  }
0xa: {  	s7 =	sshrl.u32 s6, $0x3;
	s8 =	sadd.s32 s6, s2;
	_ =	swait.ge [sflag:s5], $0xC80  }
0xb: {  	s7 =	sadd.s32 s7, s20;
	s8 =	sshrl.u32 s8, $0x3;
	[sflag:s5] =	ssyncset.done $0x0  }
0xc: {  	s6 =	sadd.s32 $0x2B1400, s7;
	s7 =	sor.u32 $0x1C04, s29;
	[sflag:s5] =	ssyncadd.s32 $0xFFFFF380  }
0xd: {  	[spmem:s8], [sflag:s7] =	dma.local [hbm:s6], $0x1A00  }
0xe: {  	_ =	swait.ge [sflag:s5], $0x1A00  }
0xf: {  	s10 =	simm.s32 $0x10;
	s11 =	simm.s32 $0x20;
	[sflag:s5] =	ssyncset.done $0x0  }
0x10: {  	s12 =	simm.s32 $0xC80;
	s22 =	sadd.s32 s9, s20;
	[sflag:s5] =	ssyncadd.s32 $0xFFFFE600  }
0x11: {  	s13 =	simm.s32 $0x2;
	s9 =	sadd.s32 $0x52B400, s22;
	[bflag:$0x0] =	sbarrier.arrive $0xFFFF  }
0x12: {  	[tilespmem:s12], [sflag:$0x2] =	stream.strided.gather [hbm4b:s9+s10], $0x6800, s11, s10, $0x38;
	[tilespmem:$0x1AC80] =	vst v63  }
0x13: {  	_ =	swait.ge [sflag:s13], $0x6800  }
0x14: {  	[sflag:s13] =	ssyncset.done $0x0  }
0x15: {  	s15 =	simm.s32 $0x7480;
	s14 =	sadd.s32 $0x52CE00, s22;
	[sflag:s13] =	ssyncadd.s32 $0xFFFF9800  }
0x16: {  	[tilespmem:s15], [sflag:$0x3] =	stream.strided.gather [hbm4b:s14+s10], $0x6000, s11, s10, $0x38;
	[tilespmem:$0x1AC80] =	vst v63  }
0x17: {  	s16 =	simm.s32 $0x680;
	s17 =	simm.s32 $0x1  }
0x18: {  	[spmem:s2] =	stream.indirect.scatter.add.f32 [tilespmem:s12], [sflag:$0x1], $0x10, s3, s16, $0xb8;
	[tilespmem:$0x1AC80] =	vst v63  }
0x19: {  	_ =	swait.ge [sflag:s17], $0x6800  }
0x1a: {  	[sflag:s17] =	ssyncset.done $0x0  }
0x1b: {  	s18 =	simm.s32 $0x3;
	[sflag:s17] =	ssyncadd.s32 $0xFFFF9800  }
0x1c: {  	_ =	swait.ge [sflag:s18], $0x6000  }
0x1d: {  	s24 =	smul.u32 $0x1A000, s0;
	[sflag:s18] =	ssyncset.done $0x0  }
0x1e: {  	s19 =	simm.s32 $0x600;
	s21 =	smul.u32 $0x1A0000, s23;
	[sflag:s18] =	ssyncadd.s32 $0xFFFFA000  }
0x1f: {  	[spmem:s2] =	stream.indirect.scatter.add.f32 [tilespmem:s15], [sflag:$0x1], $0x10, s16, s19, $0xb8;
	[tilespmem:$0x1AC80] =	vst v63  }
0x20: {  	s21 =	sadd.s32 s24, s21;
	_ =	swait.ge [sflag:s17], $0x6000  }
0x21: {  	s21 =	sshrl.u32 s21, $0x3;
	[sflag:s17] =	ssyncset.done $0x0  }
0x22: {  	s30 =	sadd.s32 s21, s20;
	[sflag:s17] =	ssyncadd.s32 $0xFFFFA000  }
0x23: {  	s20 =	sadd.s32 $0x108A00, s30;
	[bflag:$0x0] =	sbarrier.arrive $0xFFFF  }
0x24: {  	[hbm:s20@s5], [sflag:s7] =	dma.strided [spmem:s8@s13], $0x1A00, s17, $0x2   }
0x25: {  	_ =	swait.ge [sflag:s5], $0x1A00  }
0x26: {  	[sflag:s5] =	ssyncset.done $0x0  }
0x27: {  	[sflag:s5] =	ssyncadd.s32 $0xFFFFE600  }
0x28: {  	[bflag:$0x0] =	sbarrier.arrive $0xFFFF  }
0x29: {  	[spmem:s8], [sflag:s7] =	dma.local [hbm:s6], $0x1A00  }
0x2a: {  	_ =	swait.ge [sflag:s5], $0x1A00  }
0x2b: {  	[sflag:s5] =	ssyncset.done $0x0  }
0x2c: {  	[sflag:s5] =	ssyncadd.s32 $0xFFFFE600  }
0x2d: {  	s21 =	sadd.s32 $0x52B402, s22;
	[bflag:$0x0] =	sbarrier.arrive $0xFFFF  }
0x2e: {  	[tilespmem:s12], [sflag:$0x2] =	stream.strided.gather [hbm4b:s21+s10], $0x6800, s11, s10, $0x38;
	[tilespmem:$0x1AC80] =	vst v63  }
0x2f: {  	_ =	swait.ge [sflag:s13], $0x6800  }
0x30: {  	[sflag:s13] =	ssyncset.done $0x0  }
0x31: {  	s22 =	sadd.s32 $0x52CE02, s22;
	[sflag:s13] =	ssyncadd.s32 $0xFFFF9800  }
0x32: {  	[tilespmem:s15], [sflag:$0x3] =	stream.strided.gather [hbm4b:s22+s10], $0x6000, s11, s10, $0x38;
	[tilespmem:$0x1AC80] =	vst v63  }
0x33: {  	_ = 	snop  }
0x34: {  	[spmem:s2] =	stream.indirect.scatter.add.f32 [tilespmem:s12], [sflag:$0x1], $0x10, s3, s16, $0xb8;
	[tilespmem:$0x1AC80] =	vst v63  }
0x35: {  	_ =	swait.ge [sflag:s17], $0x6800  }
0x36: {  	[sflag:s17] =	ssyncset.done $0x0  }
0x37: {  	[sflag:s17] =	ssyncadd.s32 $0xFFFF9800  }
0x38: {  	_ =	swait.ge [sflag:s18], $0x6000  }
0x39: {  	s23 =	ssub.s32 $0x2, s23;
	[sflag:s18] =	ssyncset.done $0x0  }
0x3a: {  	s25 =	sshrl.u32 s23, $0x1;
	[sflag:s18] =	ssyncadd.s32 $0xFFFFA000  }
0x3b: {  	[spmem:s2] =	stream.indirect.scatter.add.f32 [tilespmem:s15], [sflag:$0x1], $0x10, s16, s19, $0xb8;
	[tilespmem:$0x1AC80] =	vst v63  }
0x3c: {  	s25 =	ssub.s32 s23, s25;
	_ =	swait.ge [sflag:s17], $0x6000  }
0x3d: {  	s31 =	smax.u32 s25, $0x1;
	[sflag:s17] =	ssyncset.done $0x0  }
0x3e: {  	p0 =	sne.s32 s31, $0x1;
	[sflag:s17] =	ssyncadd.s32 $0xFFFFA000  }
.Ltmp0:
0x3f: {  	s23 =	sadd.s32 $0x108A02, s30;
	[bflag:$0x0] =	sbarrier.arrive $0xFFFF;
	(pc) =	sbr.rel @!p0 .LBB2_2-.Ltmp0, $4  }
0x40: {  	[hbm:s23@s5], [sflag:s7] =	dma.strided [spmem:s8@s13], $0x1A00, s17, $0x2   }
0x41: {  	_ =	swait.ge [sflag:s5], $0x1A00  }
0x42: {  	[sflag:s5] =	ssyncset.done $0x0  }
0x43: {  	s24 =	sadd.s32 $0xFFFFFFFF, s31;
	[sflag:s5] =	ssyncadd.s32 $0xFFFFE600  }
.LBB2_1:
0x44: {  	p0 =	sne.s32 s24, $0x1;
	s24 =	sadd.s32 $0xFFFFFFFF, s24;
	[bflag:$0x0] =	sbarrier.arrive $0xFFFF  }
0x45: {  	[tilespmem:s3], [sflag:$0x4] =	stream.linear.gather [hbm4b:s4+s3], $0xC80, $0x38;
	[tilespmem:$0x1AC80] =	vst v63  }
0x46: {  	_ =	swait.ge [sflag:s5], $0xC80  }
0x47: {  	[sflag:s5] =	ssyncset.done $0x0  }
0x48: {  	[sflag:s5] =	ssyncadd.s32 $0xFFFFF380  }
0x49: {  	[spmem:s8], [sflag:s7] =	dma.local [hbm:s6], $0x1A00  }
0x4a: {  	_ =	swait.ge [sflag:s5], $0x1A00  }
0x4b: {  	[sflag:s5] =	ssyncset.done $0x0  }
0x4c: {  	[sflag:s5] =	ssyncadd.s32 $0xFFFFE600  }
0x4d: {  	[bflag:$0x0] =	sbarrier.arrive $0xFFFF  }
0x4e: {  	[tilespmem:s12], [sflag:$0x2] =	stream.strided.gather [hbm4b:s9+s10], $0x6800, s11, s10, $0x38;
	[tilespmem:$0x1AC80] =	vst v63  }
0x4f: {  	_ =	swait.ge [sflag:s13], $0x6800  }
0x50: {  	[sflag:s13] =	ssyncset.done $0x0  }
0x51: {  	[sflag:s13] =	ssyncadd.s32 $0xFFFF9800  }
0x52: {  	[tilespmem:s15], [sflag:$0x3] =	stream.strided.gather [hbm4b:s14+s10], $0x6000, s11, s10, $0x38;
	[tilespmem:$0x1AC80] =	vst v63  }
0x53: {  	_ = 	snop  }
0x54: {  	[spmem:s2] =	stream.indirect.scatter.add.f32 [tilespmem:s12], [sflag:$0x1], $0x10, s3, s16, $0xb8;
	[tilespmem:$0x1AC80] =	vst v63  }
0x55: {  	_ =	swait.ge [sflag:s17], $0x6800  }
0x56: {  	[sflag:s17] =	ssyncset.done $0x0  }
0x57: {  	[sflag:s17] =	ssyncadd.s32 $0xFFFF9800  }
0x58: {  	_ =	swait.ge [sflag:s18], $0x6000  }
0x59: {  	[sflag:s18] =	ssyncset.done $0x0  }
0x5a: {  	[sflag:s18] =	ssyncadd.s32 $0xFFFFA000  }
0x5b: {  	[spmem:s2] =	stream.indirect.scatter.add.f32 [tilespmem:s15], [sflag:$0x1], $0x10, s16, s19, $0xb8;
	[tilespmem:$0x1AC80] =	vst v63  }
0x5c: {  	_ =	swait.ge [sflag:s17], $0x6000  }
0x5d: {  	[sflag:s17] =	ssyncset.done $0x0  }
0x5e: {  	[sflag:s17] =	ssyncadd.s32 $0xFFFFA000  }
0x5f: {  	[bflag:$0x0] =	sbarrier.arrive $0xFFFF  }
0x60: {  	[hbm:s20@s5], [sflag:s7] =	dma.strided [spmem:s8@s13], $0x1A00, s17, $0x2   }
0x61: {  	_ =	swait.ge [sflag:s5], $0x1A00  }
0x62: {  	[sflag:s5] =	ssyncset.done $0x0  }
0x63: {  	[sflag:s5] =	ssyncadd.s32 $0xFFFFE600  }
0x64: {  	[bflag:$0x0] =	sbarrier.arrive $0xFFFF  }
0x65: {  	[spmem:s8], [sflag:s7] =	dma.local [hbm:s6], $0x1A00  }
0x66: {  	_ =	swait.ge [sflag:s5], $0x1A00  }
0x67: {  	[sflag:s5] =	ssyncset.done $0x0  }
0x68: {  	[sflag:s5] =	ssyncadd.s32 $0xFFFFE600  }
0x69: {  	[bflag:$0x0] =	sbarrier.arrive $0xFFFF  }
0x6a: {  	[tilespmem:s12], [sflag:$0x2] =	stream.strided.gather [hbm4b:s21+s10], $0x6800, s11, s10, $0x38;
	[tilespmem:$0x1AC80] =	vst v63  }
0x6b: {  	_ =	swait.ge [sflag:s13], $0x6800  }
0x6c: {  	[sflag:s13] =	ssyncset.done $0x0  }
0x6d: {  	[sflag:s13] =	ssyncadd.s32 $0xFFFF9800  }
0x6e: {  	[tilespmem:s15], [sflag:$0x3] =	stream.strided.gather [hbm4b:s22+s10], $0x6000, s11, s10, $0x38;
	[tilespmem:$0x1AC80] =	vst v63  }
0x6f: {  	_ = 	snop  }
0x70: {  	[spmem:s2] =	stream.indirect.scatter.add.f32 [tilespmem:s12], [sflag:$0x1], $0x10, s3, s16, $0xb8;
	[tilespmem:$0x1AC80] =	vst v63  }
0x71: {  	_ =	swait.ge [sflag:s17], $0x6800  }
0x72: {  	[sflag:s17] =	ssyncset.done $0x0  }
0x73: {  	[sflag:s17] =	ssyncadd.s32 $0xFFFF9800  }
0x74: {  	_ =	swait.ge [sflag:s18], $0x6000  }
0x75: {  	[sflag:s18] =	ssyncset.done $0x0  }
0x76: {  	[sflag:s18] =	ssyncadd.s32 $0xFFFFA000  }
0x77: {  	[spmem:s2] =	stream.indirect.scatter.add.f32 [tilespmem:s15], [sflag:$0x1], $0x10, s16, s19, $0xb8;
	[tilespmem:$0x1AC80] =	vst v63  }
0x78: {  	_ =	swait.ge [sflag:s17], $0x6000  }
0x79: {  	[sflag:s17] =	ssyncset.done $0x0  }
0x7a: {  	[sflag:s17] =	ssyncadd.s32 $0xFFFFA000  }
.Ltmp1:
0x7b: {  	[bflag:$0x0] =	sbarrier.arrive $0xFFFF;
	(pc) =	sbr.rel @p0 .LBB2_1-.Ltmp1, $4  }
0x7c: {  	[hbm:s23@s5], [sflag:s7] =	dma.strided [spmem:s8@s13], $0x1A00, s17, $0x2   }
0x7d: {  	_ =	swait.ge [sflag:s5], $0x1A00  }
0x7e: {  	[sflag:s5] =	ssyncset.done $0x0  }
0x7f: {  	[sflag:s5] =	ssyncadd.s32 $0xFFFFE600  }
.LBB2_2:
0x80: {  	[bflag:$0x0] =	sbarrier.arrive $0xFFFF  }
0x81: {  	_ =	sfence.sel $0x180000  }
0x82: {  	[bflag:$0x0] =	sbarrier.arrive $0xFFFF  }
0x83: {  	p0 =	sne.s32 s0, $0x0;
	_ =	strace $0x90000056  }
0x84: {  	s0 =	sadd.s32 @!p0 $0x100000, s1;
	[bflag:$0x2] =	sbarrier.arrive $0xFFFF  }
0x85: {  	[sflag:s0] =	ssyncadd.tile.s32 @!p0 $0x1;
	_ =	shalt  }
.Lfunc_end2:
_tile_overlayer_lowered:
.L_overlay_start_2:
0x86: {  	(tag) =	ssettag $0x2  }
0x87: {  	s0 =	rddreg [dreg:$0x0];
	s2 =	stileid.u32  }
0x88: {  	s1 =	rddreg [dreg:$0x1];
	p0 =	sne.s32 s2, $0x0  }
0x89: {  	s3 =	rddreg [dreg:$0x2];
	[bflag:$0x3] =	sbarrier.arrive $0xFFFF;
	s2 =	simm.s32 @!p0 $0x1C04  }
0x8a: {  	[timem:s3], [sflag:s2] =	dma.local @!p0 [hbm:s0], s1  }
0x8b: {  	s0 =	simm.s32 @!p0 $0x4  }
0x8c: {  	_ =	swait.ge @!p0 [sflag:s0], s1  }
0x8d: {  	s1 =	ssub.s32 @!p0 $0x0, s1;
	[sflag:s0] =	ssyncset.done @!p0 $0x0  }
0x8e: {  	[sflag:s0] =	ssyncadd.s32 @!p0 s1  }
0x8f: {  	[bflag:$0x3] =	sbarrier.arrive $0xFFFF  }
0x90: {  	_ =	shalt  }

// kernel: kernel.35.cloned.1.call-start
scs
__scs_entry_jumppad:
0x0: {  	(pc) =	sbr.rel $0x88, $3  }
0x1: {  	(tag) =	ssettag $0x0;
	lr =	simm.s32 $0x1  }
0x2: {  	[smem:$0x3F81] =	sst lr;
	_ =	strace $0xD0000000  }
0x3: {  	_ = 	snop  }
0x4: {  	_ = 	snop  }
0x5: {  	_ = 	snop  }
0x6: {  	_ = 	snop  }
0x7: {  	_ = 	snop  }
__scs_overlays_trampoline_lowered:
0x8: {  	[smem:$0x3F90] =	sst s0  }
0x9: {  	[smem:$0x3F91] =	sst s1  }
0xa: {  	[smem:$0x3F92] =	sst s2  }
0xb: {  	[smem:$0x3F93] =	sst s3  }
0xc: {  	[smem:$0x3F94] =	sst s4  }
0xd: {  	[smem:$0x3F95] =	sst s5  }
0xe: {  	[smem:$0x3F96] =	sst s6  }
0xf: {  	[smem:$0x3F97] =	sst s7  }
0x10: {  	[smem:$0x3F98] =	sst s8  }
0x11: {  	[smem:$0x3F99] =	sst s9;
	s0 =	simm.s32 @!p0 $0x0  }
0x12: {  	s1 =	sld [smem:$0x3F7F];
	s0 =	simm.s32 @p0 $0x1  }
0x13: {  	[smem:$0x3F9A] =	sst s0;
	s0 =	simm.s32 @!p1 $0x0  }
0x14: {  	s2 =	sld [smem:$0x3F7E];
	s0 =	simm.s32 @p1 $0x1  }
0x15: {  	[smem:$0x3F9B] =	sst s0;
	s0 =	simm.s32 @!p2 $0x0  }
0x16: {  	s3 =	sld [smem:$0x3FDB];
	s0 =	simm.s32 @p2 $0x1  }
0x17: {  	s4 =	simm.s32 $0x1BF5;
	[smem:$0x3F9D] =	sst s0  }
0x18: {  	s0 =	sld [smem:$0x3F80];
	_ =	swait.ge [sflag:s4], $0x0  }
0x19: {  	s7 =	sld [smem:$0x3F81]  }
0x1a: {  	s8 =	sadd.s32 $0xFFFFE003, lr  }
0x1b: {  	s9 =	sadd.s32 $0xFFFFFEF7, lr;
	s5 =	simm.s32 $0xFFFFFFFF;
	p2 =	slt.u32 s8, $0xFFFFF086  }
0x1c: {  	p1 =	slt.u32 s9, $0xF7A;
	s5 =	simm.s32 @!p2 $0x0  }
0x1d: {  	s5 =	simm.s32 @p1 $0x1;
	p0 =	seq.s32 s7, s2  }
0x1e: {  	s7 =	smul.u32 @!p0 $0xF7A, s2;
	p2 =	seq.s32 @!p0 s5, $0x0  }
0x1f: {  	s9 =	smul.u32 $0xF7A, s1;
	s8 =	simm.s32 @!p0 $0x1BF5;
	p2 =	por !p2, p0  }
0x20: {  	[sflag:s8] =	ssyncset.s32 @!p0 $0xFFFFF086;
	s6 =	sadd.s32 @!p0 s3, s7;
	s7 =	simm.s32 @!p0 $0x108  }
0x21: {  	s3 =	sadd.s32 s3, s9;
	s6 =	sadd.s32 @!p0 $0x88, s6;
	s7 =	simm.s32 @p2 $0x1082  }
0x22: {  	[simem:s7], [sflag:s8] =	dma.local @!p0 [hbm:s6], $0xF7A  }
0x23: {  	s9 =	sor.u32 $0xD0000000, s2;
	s6 =	simm.s32 $0x108;
	_ =	swait.ge @!p0 [sflag:s8], $0x0  }
0x24: {  	s3 =	sadd.s32 $0x88, s3;
	s6 =	simm.s32 @!p1 $0x1082;
	[sflag:s4] =	ssyncset.s32 $0xFFFFF086  }
0x25: {  	[simem:s6], [sflag:s4] =	dma.local [hbm:s3], $0xF7A  }
0x26: {  	[smem:$0x3F81] =	sst s1;
	(tag) =	ssettag s2;
	_ =	strace s9  }
0x27: {  	s1 =	sld [smem:$0x3F91]  }
0x28: {  	s2 =	sld [smem:$0x3F92]  }
0x29: {  	s4 =	sld [smem:$0x3F94]  }
0x2a: {  	p0 =	seq.s32 s5, $0x0;
	s5 =	sld [smem:$0x3F95]  }
0x2b: {  	s6 =	sld [smem:$0x3F96]  }
0x2c: {  	s7 =	sld [smem:$0x3F97]  }
0x2d: {  	s3 =	simm.s32 $0x108;
	s8 =	sld [smem:$0x3F98]  }
0x2e: {  	s3 =	simm.s32 @!p0 $0x1082;
	s9 =	sld [smem:$0x3F99]  }
0x2f: {  	lr =	sadd.s32 s0, s3;
	s0 =	sld [smem:$0x3F90]  }
0x30: {  	s3 =	sld [smem:$0x3F93]  }
0x31: {  	[smem:$0x3F9C] =	sst s10  }
0x32: {  	s10 =	sld [smem:$0x3F9A];
	_ =	sdelay $0x3  }
0x33: {  	p0 =	seq.s32 s10, $0x1;
	s10 =	sld [smem:$0x3F9C];
	_ =	sdelay $0x3  }
0x34: {  	[smem:$0x3F9C] =	sst s10  }
0x35: {  	s10 =	sld [smem:$0x3F9B];
	_ =	sdelay $0x3  }
0x36: {  	p1 =	seq.s32 s10, $0x1;
	s10 =	sld [smem:$0x3F9C];
	_ =	sdelay $0x3  }
0x37: {  	[smem:$0x3F9C] =	sst s10  }
0x38: {  	s10 =	sld [smem:$0x3F9D]  }
0x39: {  	_ = 	snop;
	(pc) =	sbr.ind lr, $3  }
0x3a: {  	_ = 	snop  }
0x3b: {  	_ = 	snop  }
0x3c: {  	p2 =	seq.s32 s10, $0x1;
	s10 =	sld [smem:$0x3F9C]  }
0x3d: {  	_ =	shalt  }
0x3e: {  	_ =	shalt  }
0x3f: {  	_ =	shalt  }
0x40: {  	_ =	shalt  }
0x41: {  	_ =	shalt  }
0x42: {  	_ =	shalt  }
0x43: {  	_ =	shalt  }
0x44: {  	_ =	shalt  }
0x45: {  	_ =	shalt  }
0x46: {  	_ =	shalt  }
0x47: {  	_ =	shalt  }
0x48: {  	_ =	shalt  }
0x49: {  	_ =	shalt  }
0x4a: {  	_ =	shalt  }
0x4b: {  	_ =	shalt  }
0x4c: {  	_ =	shalt  }
0x4d: {  	_ =	shalt  }
0x4e: {  	_ =	shalt  }
0x4f: {  	_ =	shalt  }
0x50: {  	_ =	shalt  }
0x51: {  	_ =	shalt  }
0x52: {  	_ =	shalt  }
0x53: {  	_ =	shalt  }
0x54: {  	_ =	shalt  }
0x55: {  	_ =	shalt  }
0x56: {  	_ =	shalt  }
0x57: {  	_ =	shalt  }
0x58: {  	_ =	shalt  }
0x59: {  	_ =	shalt  }
0x5a: {  	_ =	shalt  }
0x5b: {  	_ =	shalt  }
0x5c: {  	_ =	shalt  }
0x5d: {  	_ =	shalt  }
0x5e: {  	_ =	shalt  }
0x5f: {  	_ =	shalt  }
0x60: {  	_ =	shalt  }
0x61: {  	_ =	shalt  }
0x62: {  	_ =	shalt  }
0x63: {  	_ =	shalt  }
0x64: {  	_ =	shalt  }
0x65: {  	_ =	shalt  }
0x66: {  	_ =	shalt  }
0x67: {  	_ =	shalt  }
0x68: {  	_ =	shalt  }
0x69: {  	_ =	shalt  }
0x6a: {  	_ =	shalt  }
0x6b: {  	_ =	shalt  }
0x6c: {  	_ =	shalt  }
0x6d: {  	_ =	shalt  }
0x6e: {  	_ =	shalt  }
0x6f: {  	_ =	shalt  }
0x70: {  	_ =	shalt  }
0x71: {  	_ =	shalt  }
0x72: {  	_ =	shalt  }
0x73: {  	_ =	shalt  }
0x74: {  	_ =	shalt  }
0x75: {  	_ =	shalt  }
0x76: {  	_ =	shalt  }
0x77: {  	_ =	shalt  }
0x78: {  	_ =	shalt  }
0x79: {  	_ =	shalt  }
0x7a: {  	_ =	shalt  }
0x7b: {  	_ =	shalt  }
0x7c: {  	_ =	shalt  }
0x7d: {  	_ =	shalt  }
0x7e: {  	_ =	shalt  }
0x7f: {  	_ =	shalt  }
0x80: {  	_ =	shalt  }
0x81: {  	_ =	shalt  }
0x82: {  	_ =	shalt  }
0x83: {  	_ =	shalt  }
0x84: {  	_ =	shalt  }
0x85: {  	_ =	shalt  }
0x86: {  	_ =	shalt  }
0x87: {  	_ =	shalt  }
.Lfunc_end0:
.L_simem_size_0:
called_computation.6_lowered:
.L_overlay_start_0:
0x88: {  	s2 =	sld [smem:$0x3FD9]  }
0x89: {  	s3 =	sld [smem:$0x3FFE];
	_ =	sdelay $0x1  }
0x8a: {  	s1 =	srdreg.scid  }
0x8b: {  	s0 =	sand.u32 $0x1, s1  }
0x8c: {  	s16 =	sshll.u32 s0, $0xA;
	s2 =	sadd.s32 s3, s2  }
0x8d: {  	s2 =	sadd.s32 s2, s16  }
0x8e: {  	[smem:$0x3FA8] =	sst s2  }
0x8f: {  	_ = 	snop  }
0x90: {  	(tm) =	ssettm $0x1  }
0x91: {  	s17 =	sld [smem:$0x3FFB];
	_ =	sdelay $0x3  }
0x92: {  	_ =	strace s17  }
0x93: {  	s2 =	sld [smem:$0x3FFC];
	_ =	sdelay $0x3  }
0x94: {  	_ =	strace s2  }
0x95: {  	s2 =	sld [smem:$0x3FFD];
	_ =	sdelay $0x3  }
0x96: {  	_ =	strace s2  }
0x97: {  	_ =	strace $0x8FFFFFFF  }
0x98: {  	s18 =	sld [smem:$0x3FDB];
	_ =	sdelay $0x1  }
0x99: {  	s19 =	simm.s32 $_scs_section_size  }
0x9a: {  	s4 =	simm.s32 $_size__tile_overlayer_lowered;
	s5 =	simm.s32 $_tile_overlayer_lowered  }
0x9b: {  	s22 =	simm.s32 $0x1BFF;
	s21 =	sshll.u32 s5, $0x1;
	s2 =	sadd.s32 s19, s18  }
0x9c: {  	s6 =	simm.s32 $0x0;
	s20 =	sshll.u32 s4, $0x1;
	s4 =	sadd.s32 s21, s2  }
0x9d: {  	[timem:s6], [sflag:s22] =	dma.local [hbm:s4], s20  }
0x9e: {  	_ =	swait.ge [sflag:s22], s20  }
0x9f: {  	s3 =	ssub.s32 $0x0, s20;
	[sflag:s22] =	ssyncset.done $0x0  }
0xa0: {  	[sflag:s22] =	ssyncadd.s32 s3;
	_ =	sdelay $0x1  }
0xa1: {  	s23 =	simm.s32 $0x1B8B  }
0xa2: {  	_ =	swait.ge [sflag:s23], $0x1  }
0xa3: {  	[sflag:s23] =	ssyncset.done $0x0  }
0xa4: {  	s25 =	simm.s32 $0x1B8E;
	s24 =	sld [smem:$0x3FFE];
	[sflag:s23] =	ssyncadd.s32 $0xFFFFFFFF  }
0xa5: {  	s26 =	simm.s32 $execute0_lowered;
	[smem:$0x3FD2] =	sst s25  }
0xa6: {  	s4 =	sshll.u32 s26, $0x1;
	_ =	strace $0x80000058;
	[dreg:$0x1] =	wrdreg $0xFFFFFFFF  }
0xa7: {  	s28 =	simm.s32 $_size_execute0_lowered;
	s2 =	sadd.s32 s2, s4;
	[dreg:$0x0] =	wrdreg $0x0  }
0xa8: {  	s4 =	sshll.u32 s28, $0x1;
	[dreg:$0x2] =	wrdreg s2  }
0xa9: {  	[dreg:$0x3] =	wrdreg s4  }
0xaa: {  	[dreg:$0x4] =	wrdreg $0xC0  }
0xab: {  	_ =	task [dreg:s6], $0x5FFFF  }
0xac: {  	[dreg:$0x1] =	wrdreg $0xFFFFFFFF  }
0xad: {  	[dreg:$0x0] =	wrdreg $0x60  }
0xae: {  	[dreg:$0x2] =	wrdreg s24  }
0xaf: {  	[dreg:$0x3] =	wrdreg $0xD6800  }
0xb0: {  	[dreg:$0x4] =	wrdreg $0x9  }
0xb1: {  	_ =	task.clear_ibuf [dreg:s6], $0x5FFFF;
	_ =	strace $0x90000058  }
0xb2: {  	s29 =	simm.s32 $0x9;
	_ =	strace $0x8000005A  }
0xb3: {  	_ =	swait.ge [sflag:s29], $0x1  }
0xb4: {  	[sflag:s29] =	ssyncadd.s32 $0xFFFFFFFF  }
0xb5: {  	_ =	strace $0x9000005A  }
0xb6: {  	_ =	sfence  }
0xb7: {  	s30 =	sld [smem:$0x0];
	_ =	sdelay $0x2  }
0xb8: {  	s31 =	sshll.u32 s1, $0xD;
	s1 =	sshrl.u32 s1, $0x2  }
0xb9: {  	s3 =	sand.u32 $0x4000, s31;
	s1 =	sadd.s32 s1, s30  }
0xba: {  	s0 =	sor.u32 s3, s0;
	s1 =	sshll.u32 s1, $0x11  }
0xbb: {  	s0 =	sor.u32 s1, s0  }
0xbc: {  	s0 =	sadd.s32 $0x8F2B, s0  }
0xbd: {  	[sflag:s0] =	ssyncadd.remote.s32 $0x1  }
0xbe: {  	_ =	sfence.sel $0xFFFF  }
0xbf: {  	[dreg:$0x0] =	wrdreg $0xFFFFFFFF;
	(pc) =	sbr.abs _section_cstart, $3  }
0xc0: {  	[dreg:$0x1] =	wrdreg $0xFFFFFFFF  }
0xc1: {  	_ =	task.clear_ibuf [dreg:s6], $0x2FFFF;
	_ =	strace $0x9FFFFFFF  }
0xc2: {  	(tm) =	ssettm $0x7FFFFFFF  }
0xc3: {  	_ =	shalt  }
tec
execute0_lowered:
.L_overlay_start_1:
0x0: {  	(tag) =	ssettag $0x1  }
0x1: {  	s1 =	srdreg.scid;
	s0 =	stileid.u32  }
0x2: {  	s15 =	rddreg [dreg:$0x0];
	s18 =	sand.u32 $0x1, s1;
	s26 =	sshll.u32 s0, $0x1  }
0x3: {  	s2 =	rddreg [dreg:$0x1];
	s4 =	sor.u32 s18, s26  }
0x4: {  	s3 =	simm.s32 $0x0;
	s1 =	rddreg [dreg:$0x2];
	s5 =	smul.u32 $0xD0, s4  }
0x5: {  	[smem:$0x7FF] =	sst s3;
	s6 =	smul.u32 $0x5000, s0  }
0x6: {  	s29 =	sshll.u32 s0, $0x6;
	_ =	strace $0x80000059;
	s28 =	sadd.s32 s5, s15  }
0x7: {  	s9 =	smul.u32 $0x1A00, s4;
	s5 =	simm.s32 $0x3;
	s4 =	sadd.s32 $0xAA000, s28  }
0x8: {  	[tilespmem:s3], [sflag:$0x3] =	stream.linear.gather [hbm4b:s4+s3], $0x680, $0x38;
	[tilespmem:$0x12680] =	vst v63  }
0x9: {  	s7 =	sshrl.u32 s6, $0x3;
	s8 =	sadd.s32 s6, s2;
	_ =	swait.ge [sflag:s5], $0x680  }
0xa: {  	s7 =	sadd.s32 s7, s15;
	s8 =	sshrl.u32 s8, $0x3;
	[sflag:s5] =	ssyncset.done $0x0  }
0xb: {  	s6 =	sadd.s32 $0x4CC00, s7;
	s7 =	sor.u32 $0x1C03, s29;
	[sflag:s5] =	ssyncadd.s32 $0xFFFFF980  }
0xc: {  	[spmem:s8], [sflag:s7] =	dma.local [hbm:s6], $0xA00  }
0xd: {  	_ =	swait.ge [sflag:s5], $0xA00  }
0xe: {  	s10 =	simm.s32 $0x10;
	s11 =	simm.s32 $0x20;
	[sflag:s5] =	ssyncset.done $0x0  }
0xf: {  	s12 =	simm.s32 $0x680;
	s17 =	sadd.s32 s9, s15;
	[sflag:s5] =	ssyncadd.s32 $0xFFFFF600  }
0x10: {  	s13 =	simm.s32 $0x2;
	s9 =	sadd.s32 $0x9E00, s17;
	[bflag:$0x0] =	sbarrier.arrive $0xFFFF  }
0x11: {  	[tilespmem:s12], [sflag:$0x2] =	stream.strided.gather [hbm4b:s9+s10], $0x6800, s11, s10, $0x38;
	[tilespmem:$0x12680] =	vst v63  }
0x12: {  	_ =	swait.ge [sflag:s13], $0x6800  }
0x13: {  	s19 =	smul.u32 $0xA000, s0;
	[sflag:s13] =	ssyncset.done $0x0  }
0x14: {  	s14 =	simm.s32 $0x1;
	s16 =	smul.u32 $0xA0000, s18;
	[sflag:s13] =	ssyncadd.s32 $0xFFFF9800  }
0x15: {  	[spmem:s2] =	stream.indirect.scatter.add.f32 [tilespmem:s12], [sflag:$0x1], $0x10, s3, s12, $0xb8;
	[tilespmem:$0x12680] =	vst v63  }
0x16: {  	s16 =	sadd.s32 s19, s16;
	_ =	swait.ge [sflag:s14], $0x6800  }
0x17: {  	s16 =	sshrl.u32 s16, $0x3;
	[sflag:s14] =	ssyncset.done $0x0  }
0x18: {  	s30 =	sadd.s32 s16, s15;
	[sflag:s14] =	ssyncadd.s32 $0xFFFF9800  }
0x19: {  	s16 =	simm.s32 $0x4;
	s15 =	sadd.s32 $0x108A00, s30;
	[bflag:$0x0] =	sbarrier.arrive $0xFFFF  }
0x1a: {  	[hbm:s15@s16], [sflag:s7] =	dma.strided [spmem:s8@s13], $0xA00, s14, $0x2   }
0x1b: {  	_ =	swait.ge [sflag:s5], $0xA00  }
0x1c: {  	[sflag:s5] =	ssyncset.done $0x0  }
0x1d: {  	[sflag:s5] =	ssyncadd.s32 $0xFFFFF600  }
0x1e: {  	[bflag:$0x0] =	sbarrier.arrive $0xFFFF  }
0x1f: {  	[spmem:s8], [sflag:s7] =	dma.local [hbm:s6], $0xA00  }
0x20: {  	_ =	swait.ge [sflag:s5], $0xA00  }
0x21: {  	[sflag:s5] =	ssyncset.done $0x0  }
0x22: {  	[sflag:s5] =	ssyncadd.s32 $0xFFFFF600  }
0x23: {  	s17 =	sadd.s32 $0x9E02, s17;
	[bflag:$0x0] =	sbarrier.arrive $0xFFFF  }
0x24: {  	[tilespmem:s12], [sflag:$0x2] =	stream.strided.gather [hbm4b:s17+s10], $0x6800, s11, s10, $0x38;
	[tilespmem:$0x12680] =	vst v63  }
0x25: {  	_ =	swait.ge [sflag:s13], $0x6800  }
0x26: {  	s18 =	ssub.s32 $0x2, s18;
	[sflag:s13] =	ssyncset.done $0x0  }
0x27: {  	s20 =	sshrl.u32 s18, $0x1;
	[sflag:s13] =	ssyncadd.s32 $0xFFFF9800  }
0x28: {  	[spmem:s2] =	stream.indirect.scatter.add.f32 [tilespmem:s12], [sflag:$0x1], $0x10, s3, s12, $0xb8;
	[tilespmem:$0x12680] =	vst v63  }
0x29: {  	s20 =	ssub.s32 s18, s20;
	_ =	swait.ge [sflag:s14], $0x6800  }
0x2a: {  	s31 =	smax.u32 s20, $0x1;
	[sflag:s14] =	ssyncset.done $0x0  }
0x2b: {  	p0 =	sne.s32 s31, $0x1;
	[sflag:s14] =	ssyncadd.s32 $0xFFFF9800  }
.Ltmp0:
0x2c: {  	s18 =	sadd.s32 $0x108A02, s30;
	[bflag:$0x0] =	sbarrier.arrive $0xFFFF;
	(pc) =	sbr.rel @!p0 .LBB2_2-.Ltmp0, $4  }
0x2d: {  	[hbm:s18@s16], [sflag:s7] =	dma.strided [spmem:s8@s13], $0xA00, s14, $0x2   }
0x2e: {  	_ =	swait.ge [sflag:s5], $0xA00  }
0x2f: {  	[sflag:s5] =	ssyncset.done $0x0  }
0x30: {  	s19 =	sadd.s32 $0xFFFFFFFF, s31;
	[sflag:s5] =	ssyncadd.s32 $0xFFFFF600  }
.LBB2_1:
0x31: {  	p0 =	sne.s32 s19, $0x1;
	s19 =	sadd.s32 $0xFFFFFFFF, s19;
	[bflag:$0x0] =	sbarrier.arrive $0xFFFF  }
0x32: {  	[tilespmem:s3], [sflag:$0x3] =	stream.linear.gather [hbm4b:s4+s3], $0x680, $0x38;
	[tilespmem:$0x12680] =	vst v63  }
0x33: {  	_ =	swait.ge [sflag:s5], $0x680  }
0x34: {  	[sflag:s5] =	ssyncset.done $0x0  }
0x35: {  	[sflag:s5] =	ssyncadd.s32 $0xFFFFF980  }
0x36: {  	[spmem:s8], [sflag:s7] =	dma.local [hbm:s6], $0xA00  }
0x37: {  	_ =	swait.ge [sflag:s5], $0xA00  }
0x38: {  	[sflag:s5] =	ssyncset.done $0x0  }
0x39: {  	[sflag:s5] =	ssyncadd.s32 $0xFFFFF600  }
0x3a: {  	[bflag:$0x0] =	sbarrier.arrive $0xFFFF  }
0x3b: {  	[tilespmem:s12], [sflag:$0x2] =	stream.strided.gather [hbm4b:s9+s10], $0x6800, s11, s10, $0x38;
	[tilespmem:$0x12680] =	vst v63  }
0x3c: {  	_ =	swait.ge [sflag:s13], $0x6800  }
0x3d: {  	[sflag:s13] =	ssyncset.done $0x0  }
0x3e: {  	[sflag:s13] =	ssyncadd.s32 $0xFFFF9800  }
0x3f: {  	[spmem:s2] =	stream.indirect.scatter.add.f32 [tilespmem:s12], [sflag:$0x1], $0x10, s3, s12, $0xb8;
	[tilespmem:$0x12680] =	vst v63  }
0x40: {  	_ =	swait.ge [sflag:s14], $0x6800  }
0x41: {  	[sflag:s14] =	ssyncset.done $0x0  }
0x42: {  	[sflag:s14] =	ssyncadd.s32 $0xFFFF9800  }
0x43: {  	[bflag:$0x0] =	sbarrier.arrive $0xFFFF  }
0x44: {  	[hbm:s15@s16], [sflag:s7] =	dma.strided [spmem:s8@s13], $0xA00, s14, $0x2   }
0x45: {  	_ =	swait.ge [sflag:s5], $0xA00  }
0x46: {  	[sflag:s5] =	ssyncset.done $0x0  }
0x47: {  	[sflag:s5] =	ssyncadd.s32 $0xFFFFF600  }
0x48: {  	[bflag:$0x0] =	sbarrier.arrive $0xFFFF  }
0x49: {  	[spmem:s8], [sflag:s7] =	dma.local [hbm:s6], $0xA00  }
0x4a: {  	_ =	swait.ge [sflag:s5], $0xA00  }
0x4b: {  	[sflag:s5] =	ssyncset.done $0x0  }
0x4c: {  	[sflag:s5] =	ssyncadd.s32 $0xFFFFF600  }
0x4d: {  	[bflag:$0x0] =	sbarrier.arrive $0xFFFF  }
0x4e: {  	[tilespmem:s12], [sflag:$0x2] =	stream.strided.gather [hbm4b:s17+s10], $0x6800, s11, s10, $0x38;
	[tilespmem:$0x12680] =	vst v63  }
0x4f: {  	_ =	swait.ge [sflag:s13], $0x6800  }
0x50: {  	[sflag:s13] =	ssyncset.done $0x0  }
0x51: {  	[sflag:s13] =	ssyncadd.s32 $0xFFFF9800  }
0x52: {  	[spmem:s2] =	stream.indirect.scatter.add.f32 [tilespmem:s12], [sflag:$0x1], $0x10, s3, s12, $0xb8;
	[tilespmem:$0x12680] =	vst v63  }
0x53: {  	_ =	swait.ge [sflag:s14], $0x6800  }
0x54: {  	[sflag:s14] =	ssyncset.done $0x0  }
0x55: {  	[sflag:s14] =	ssyncadd.s32 $0xFFFF9800  }
.Ltmp1:
0x56: {  	[bflag:$0x0] =	sbarrier.arrive $0xFFFF;
	(pc) =	sbr.rel @p0 .LBB2_1-.Ltmp1, $4  }
0x57: {  	[hbm:s18@s16], [sflag:s7] =	dma.strided [spmem:s8@s13], $0xA00, s14, $0x2   }
0x58: {  	_ =	swait.ge [sflag:s5], $0xA00  }
0x59: {  	[sflag:s5] =	ssyncset.done $0x0  }
0x5a: {  	[sflag:s5] =	ssyncadd.s32 $0xFFFFF600  }
.LBB2_2:
0x5b: {  	[bflag:$0x0] =	sbarrier.arrive $0xFFFF  }
0x5c: {  	_ =	sfence.sel $0x180000  }
0x5d: {  	[bflag:$0x0] =	sbarrier.arrive $0xFFFF  }
0x5e: {  	p0 =	sne.s32 s0, $0x0;
	_ =	strace $0x90000059  }
0x5f: {  	s0 =	sadd.s32 @!p0 $0x100000, s1;
	[bflag:$0x2] =	sbarrier.arrive $0xFFFF  }
0x60: {  	[sflag:s0] =	ssyncadd.tile.s32 @!p0 $0x1;
	_ =	shalt  }
.Lfunc_end2:
_tile_overlayer_lowered:
.L_overlay_start_2:
0x61: {  	(tag) =	ssettag $0x2  }
0x62: {  	s0 =	rddreg [dreg:$0x0];
	s2 =	stileid.u32  }
0x63: {  	s1 =	rddreg [dreg:$0x1];
	p0 =	sne.s32 s2, $0x0  }
0x64: {  	s3 =	rddreg [dreg:$0x2];
	[bflag:$0x3] =	sbarrier.arrive $0xFFFF;
	s2 =	simm.s32 @!p0 $0x1C03  }
0x65: {  	[timem:s3], [sflag:s2] =	dma.local @!p0 [hbm:s0], s1  }
0x66: {  	s0 =	simm.s32 @!p0 $0x3  }
0x67: {  	_ =	swait.ge @!p0 [sflag:s0], s1  }
0x68: {  	s1 =	ssub.s32 @!p0 $0x0, s1;
	[sflag:s0] =	ssyncset.done @!p0 $0x0  }
0x69: {  	[sflag:s0] =	ssyncadd.s32 @!p0 s1  }
0x6a: {  	[bflag:$0x3] =	sbarrier.arrive $0xFFFF  }
0x6b: {  	_ =	shalt  }

</sc_bundles>
